<compile_context>
chip_gen: v7x
topology: tpu7x:2x2x1
jax: 0.10.2.dev20260603
libtpu: 0.0.44.dev20260713+nightly
codegen_flags: <defaults>
</compile_context>

<pallas_src>
import functools

import jax
import jax.numpy as jnp
from jax import lax
from jax.experimental import pallas as pl
from jax.experimental.pallas import tpu as pltpu
from jax.experimental.pallas import tpu_sc as plsc

NC = 2
NS = 16
CH = 80
ZR = 40
DW = 128
_R = 2048


def _sc_agg(h, src, dst):
  N, D = h.shape
  E = src.shape[0]
  assert E % (NC * NS) == 0
  epw = E // (NC * NS)
  assert epw % CH == 0 and epw % 8 == 0
  n_chunks = epw // CH
  assert N % NS == 0
  stripe = N // NS
  assert stripe % ZR == 0 and stripe % 8 == 0

  nq, tail = divmod(n_chunks, 4)
  mesh = plsc.VectorSubcoreMesh(core_axis_name="c", subcore_axis_name="s")

  @functools.partial(
      pl.kernel, mesh=mesh,
      out_type=jax.ShapeDtypeStruct((NC, N, D), jnp.float32),
      scratch_types=[
          pltpu.VMEM_SHARED((N, D), jnp.float32),
          pltpu.VMEM((ZR, D), jnp.float32),
      ] + [pltpu.VMEM((CH,), jnp.int32)] * 8
        + [pltpu.VMEM((CH, D), jnp.float32)] * 2
        + [pltpu.SemaphoreType.DMA] * 8)
  def agg_kernel(h_hbm, src_hbm, dst_hbm, p_hbm, acc, zb,
                 sb0, sb1, sb2, sb3, db0, db1, db2, db3, r0, r1,
                 sl0, sl1, sl2, sl3, sg0, sg1, ss0, ss1):
    sbs = (sb0, sb1, sb2, sb3)
    dbs = (db0, db1, db2, db3)
    rows = (r0, r1)
    sls = (sl0, sl1, sl2, sl3)
    sgs = (sg0, sg1)
    sss = (ss0, ss1)
    c = lax.axis_index("c")
    s = lax.axis_index("s")
    wid = s * NC + c

    @pl.loop(0, ZR)
    def _(i):
      @pl.loop(0, D, step=16)
      def _(j):
        zb.at[i, pl.ds(j, 16)][...] = jnp.zeros((16,), jnp.float32)

    @pl.loop(0, stripe // ZR)
    def _(t):
      pltpu.sync_copy(zb, acc.at[pl.ds(s * stripe + t * ZR, ZR)])

    plsc.subcore_barrier()

    base = wid * epw

    def start_idx_load(k, j):
      off = base + k * CH
      pltpu.async_copy(src_hbm.at[pl.ds(off, CH)], sbs[j], sls[j])
      pltpu.async_copy(dst_hbm.at[pl.ds(off, CH)], dbs[j], sls[j])

    def wait_idx(j):
      pltpu.make_async_copy(src_hbm.at[pl.ds(0, CH)], sbs[j], sls[j]).wait()
      pltpu.make_async_copy(dst_hbm.at[pl.ds(0, CH)], dbs[j], sls[j]).wait()

    def wait_scatter(b2, jprev):
      pltpu.make_async_copy(rows[b2], acc.at[dbs[jprev]], sss[b2]).wait()

    def chunk(k, j, kstat):
      b2 = j % 2
      jn = (j + 2) % 4
      if kstat is None:
        @pl.when(k >= 2)
        def _():
          wait_scatter(b2, jn)

        @pl.when(k + 2 < n_chunks)
        def _():
          start_idx_load(k + 2, jn)
      else:
        if kstat >= 2:
          wait_scatter(b2, jn)
        if kstat + 2 < n_chunks:
          start_idx_load(k + 2, jn)
      wait_idx(j)
      pltpu.async_copy(h_hbm.at[sbs[j]], rows[b2], sgs[b2])
      pltpu.make_async_copy(h_hbm.at[sbs[j]], rows[b2], sgs[b2]).wait()
      pltpu.async_copy(rows[b2], acc.at[dbs[j]], sss[b2], add=True)

    start_idx_load(0, 0)
    start_idx_load(1, 1)

    @pl.loop(0, nq)
    def _(q):
      k0 = q * 4
      for j in range(4):
        chunk(k0 + j, j, None)

    for t in range(tail):
      k = nq * 4 + t
      chunk(k, k % 4, k)

    if n_chunks >= 2:
      wait_scatter((n_chunks - 2) % 2, (n_chunks - 2) % 4)
    wait_scatter((n_chunks - 1) % 2, (n_chunks - 1) % 4)

    plsc.subcore_barrier()

    sl = pl.ds(s * stripe, stripe)
    pltpu.sync_copy(acc.at[sl], p_hbm.at[c, sl])

  return agg_kernel(h, src, dst)


def _sc_deg(dst, N):
  E = dst.shape[0]
  epw = E // (NC * NS)
  n_chunks = epw // CH
  stripe = N // NS

  mesh = plsc.VectorSubcoreMesh(core_axis_name="c", subcore_axis_name="s")

  nq, tail = divmod(n_chunks, 4)

  @functools.partial(
      pl.kernel, mesh=mesh,
      out_type=jax.ShapeDtypeStruct((NC, N, DW), jnp.float32),
      scratch_types=[
          pltpu.VMEM_SHARED((N, DW), jnp.float32),
          pltpu.VMEM((CH, DW), jnp.float32),
          pltpu.VMEM((ZR, DW), jnp.float32),
      ] + [pltpu.VMEM((CH,), jnp.int32)] * 4
        + [pltpu.SemaphoreType.DMA] * 6)
  def deg_kernel(dst_hbm, d_hbm, dacc, ones, zb,
                 db0, db1, db2, db3, sl0, sl1, sl2, sl3, ss0, ss1):
    dbs = (db0, db1, db2, db3)
    sls = (sl0, sl1, sl2, sl3)
    sss = (ss0, ss1)
    c = lax.axis_index("c")
    s = lax.axis_index("s")
    wid = s * NC + c

    @pl.loop(0, ZR)
    def _(i):
      @pl.loop(0, DW, step=16)
      def _(j):
        zb.at[i, pl.ds(j, 16)][...] = jnp.zeros((16,), jnp.float32)

    @pl.loop(0, CH)
    def _(i):
      @pl.loop(0, DW, step=16)
      def _(j):
        ones.at[i, pl.ds(j, 16)][...] = jnp.full((16,), 1.0, jnp.float32)

    @pl.loop(0, stripe // ZR)
    def _(t):
      pltpu.sync_copy(zb, dacc.at[pl.ds(s * stripe + t * ZR, ZR)])

    plsc.subcore_barrier()

    base = wid * epw

    def start_idx_load(k, j):
      pltpu.async_copy(dst_hbm.at[pl.ds(base + k * CH, CH)], dbs[j], sls[j])

    def wait_idx(j):
      pltpu.make_async_copy(dst_hbm.at[pl.ds(0, CH)], dbs[j], sls[j]).wait()

    def wait_scatter(b2, jprev):
      pltpu.make_async_copy(ones, dacc.at[dbs[jprev]], sss[b2]).wait()

    def chunk(k, j, kstat):
      b2 = j % 2
      jn = (j + 2) % 4
      if kstat is None:
        @pl.when(k >= 2)
        def _():
          wait_scatter(b2, jn)

        @pl.when(k + 2 < n_chunks)
        def _():
          start_idx_load(k + 2, jn)
      else:
        if kstat >= 2:
          wait_scatter(b2, jn)
        if kstat + 2 < n_chunks:
          start_idx_load(k + 2, jn)
      wait_idx(j)
      pltpu.async_copy(ones, dacc.at[dbs[j]], sss[b2], add=True)

    start_idx_load(0, 0)
    start_idx_load(1, 1)

    @pl.loop(0, nq)
    def _(q):
      k0 = q * 4
      for j in range(4):
        chunk(k0 + j, j, None)

    for t in range(tail):
      k = nq * 4 + t
      chunk(k, k % 4, k)

    if n_chunks >= 2:
      wait_scatter((n_chunks - 2) % 2, (n_chunks - 2) % 4)
    wait_scatter((n_chunks - 1) % 2, (n_chunks - 1) % 4)

    plsc.subcore_barrier()

    sl = pl.ds(s * stripe, stripe)
    pltpu.sync_copy(dacc.at[sl], d_hbm.at[c, sl])

  return deg_kernel(dst)


def _tc_layer(p0, p1, dscale0, dscale1, h, Wl, Wr, b, first):
  N, D = h.shape
  H = Wl.shape[1]
  grid = (N // _R,)

  def body(p0_r, p1_r, d0_r, d1_r, h_r, wl_r, wr_r, b_r, *outs):
    if first:
      o_r, dinv_r = outs
      deg = (d0_r[0] + d1_r[0])[:, 0:1]
      dinv = 1.0 / jnp.maximum(deg, 1.0)
      dinv_r[...] = dinv
    else:
      o_r, = outs
      dinv = d0_r[...]
    mean = (p0_r[0] + p1_r[0]) * dinv
    z = (jnp.dot(mean, wl_r[...], preferred_element_type=jnp.float32)
         + jnp.dot(h_r[...], wr_r[...], preferred_element_type=jnp.float32)
         + b_r[...])
    o_r[...] = jnp.maximum(z, 0.0)

  row = lambda i: (i, 0)
  fix = lambda i: (0, 0)
  lo3 = lambda i: (0, i, 0)
  hi3 = lambda i: (1, i, 0)
  if first:
    d_specs = [pl.BlockSpec((1, _R, DW), lo3), pl.BlockSpec((1, _R, DW), hi3)]
  else:
    d_specs = [pl.BlockSpec((_R, 1), row), pl.BlockSpec((_R, 1), row)]
  out_specs = [pl.BlockSpec((_R, H), row)]
  out_shape = [jax.ShapeDtypeStruct((N, H), jnp.float32)]
  if first:
    out_specs.append(pl.BlockSpec((_R, 1), row))
    out_shape.append(jax.ShapeDtypeStruct((N, 1), jnp.float32))
  res = pl.pallas_call(
      body,
      grid=grid,
      in_specs=[
          pl.BlockSpec((1, _R, D), lo3),
          pl.BlockSpec((1, _R, D), hi3),
          d_specs[0],
          d_specs[1],
          pl.BlockSpec((_R, D), row),
          pl.BlockSpec((D, H), fix),
          pl.BlockSpec((D, H), fix),
          pl.BlockSpec((1, H), fix),
      ],
      out_specs=out_specs,
      out_shape=out_shape,
  )(p0, p1, dscale0, dscale1, h, Wl, Wr, b)
  return res


def _tc_final(h, batch3d, root2d, Wc1, Wc2, bc):
  N, H = h.shape
  G = root2d.shape[0]
  OUT = Wc1.shape[1]
  nblk = N // _R

  def body(h_r, b_r, r_r, wc1_r, wc2_r, bc_r, o_r, racc, sacc, cacc):
    i = pl.program_id(0)

    @pl.when(i == 0)
    def _():
      racc[...] = jnp.zeros_like(racc)
      sacc[...] = jnp.zeros_like(sacc)
      cacc[...] = jnp.zeros_like(cacc)

    rows = lax.broadcasted_iota(jnp.int32, (G, _R), 1) + i * _R
    rmask = (r_r[...] == rows).astype(jnp.float32)
    g_iota = lax.broadcasted_iota(jnp.int32, (G, _R), 0)
    bmask = (b_r[0] == g_iota).astype(jnp.float32)

    hb = h_r[...]
    racc[...] += jnp.dot(rmask, hb, preferred_element_type=jnp.float32)
    sacc[...] += jnp.dot(bmask, hb, preferred_element_type=jnp.float32)
    cacc[...] = cacc[...] + jnp.sum(bmask, axis=1, keepdims=True)

    @pl.when(i == nblk - 1)
    def _():
      ge = sacc[...] / jnp.maximum(cacc[...], 1.0)
      o_r[...] = (jnp.dot(racc[...], wc1_r[...],
                          preferred_element_type=jnp.float32)
                  + jnp.dot(ge, wc2_r[...],
                            preferred_element_type=jnp.float32)
                  + bc_r[...])

  return pl.pallas_call(
      body,
      grid=(nblk,),
      in_specs=[
          pl.BlockSpec((_R, H), lambda i: (i, 0)),
          pl.BlockSpec((1, 1, _R), lambda i: (i, 0, 0)),
          pl.BlockSpec((G, 1), lambda i: (0, 0)),
          pl.BlockSpec((H, OUT), lambda i: (0, 0)),
          pl.BlockSpec((H, OUT), lambda i: (0, 0)),
          pl.BlockSpec((1, OUT), lambda i: (0, 0)),
      ],
      out_specs=pl.BlockSpec((G, OUT), lambda i: (0, 0)),
      out_shape=jax.ShapeDtypeStruct((G, OUT), jnp.float32),
      scratch_shapes=[
          pltpu.VMEM((G, H), jnp.float32),
          pltpu.VMEM((G, H), jnp.float32),
          pltpu.VMEM((G, 128), jnp.float32),
      ],
  )(h, batch3d, root2d, Wc1, Wc2, bc)


def kernel(x, edge_index, root_node_idx, batch,
           W1l, b1, W1r, W2l, b2, W2r, W3l, b3, W3r, W4l, b4, W4r, Wc, bc):
  N, D = x.shape
  H = W1l.shape[1]
  G = root_node_idx.shape[0]
  src = edge_index[0]
  dst = edge_index[1]

  PN = ((N + NS * ZR - 1) // (NS * ZR)) * (NS * ZR)
  PN = ((PN + _R - 1) // _R) * _R
  x = jnp.pad(x, ((0, PN - N), (0, 0)))
  batch = jnp.pad(batch, (0, PN - N), constant_values=G)

  d = _sc_deg(dst, PN)
  p = _sc_agg(x, src, dst)
  h, dinv = _tc_layer(p, p, d, d, x, W1l, W1r, b1.reshape(1, H),
                      first=True)
  for Wl, b, Wr in ((W2l, b2, W2r), (W3l, b3, W3r), (W4l, b4, W4r)):
    p = _sc_agg(h, src, dst)
    h, = _tc_layer(p, p, dinv, dinv, h, Wl, Wr, b.reshape(1, H),
                   first=False)
  batch3d = batch.reshape(PN // _R, 1, _R)
  root2d = root_node_idx.reshape(G, 1)
  return _tc_final(h, batch3d, root2d, Wc[:H], Wc[H:], bc.reshape(1, -1))

# --- scband reference (transcript-rebuilt; emitter-appended) ---
"""Pipeline reference for scband-graph-sage-4-layer-33328946217667 (READ-ONLY COPY).

The authoritative reference and input builder live on the scoring server;
editing this copy changes nothing except your own understanding.
"""

import jax, jax.numpy as jnp
import numpy as np

N = 10000
E = 320000
D = 128
H = 128
OUT = 16
G = 64


def setup_inputs(seed: int = 0) -> dict:
    key = jax.random.key(seed)
    ks = jax.random.split(key, 24)
    inp = {}
    inp["x"] = jax.random.normal(ks[0], (N, D), dtype=jnp.float32)
    inp["edge_index"] = jax.random.randint(ks[1], (2, E), 0, N, dtype=jnp.int32)
    inp["root_node_idx"] = jax.random.randint(ks[2], (G,), 0, N, dtype=jnp.int32)
    inp["batch"] = jnp.sort(jax.random.randint(ks[3], (N,), 0, G, dtype=jnp.int32))
    dims = [(D, H), (H, H), (H, H), (H, H)]
    for i, (di, do) in enumerate(dims, start=1):
        inp[f"W{i}l"] = jax.random.normal(ks[4 + 3 * (i - 1)], (di, do), dtype=jnp.float32) * 0.05
        inp[f"b{i}"] = jnp.zeros((do,), dtype=jnp.float32)
        inp[f"W{i}r"] = jax.random.normal(ks[5 + 3 * (i - 1)], (di, do), dtype=jnp.float32) * 0.05
    inp["Wc"] = jax.random.normal(ks[20], (2 * H, OUT), dtype=jnp.float32) * 0.05
    inp["bc"] = jnp.zeros((OUT,), dtype=jnp.float32)
    return inp


def _sage_conv(x, edge_index, Wl, b, Wr):
    # PyG SAGEConv with mean aggregation:
    # out = lin_l(mean_{j in N(i)} x_j) + lin_r(x_i)
    src = edge_index[0]
    dst = edge_index[1]
    msg = x[src]  # gather
    agg = jax.ops.segment_sum(msg, dst, num_segments=x.shape[0])  # scatter-add
    deg = jax.ops.segment_sum(jnp.ones((edge_index.shape[1],), jnp.float32), dst, num_segments=x.shape[0])
    mean = agg / jnp.clip(deg, 1.0)[:, None]
    return mean @ Wl + b + x @ Wr


def reference(x, edge_index, root_node_idx, batch,
              W1l, b1, W1r, W2l, b2, W2r, W3l, b3, W3r, W4l, b4, W4r, Wc, bc):
    # dropout is identity in eval mode
    h = jax.nn.relu(_sage_conv(x, edge_index, W1l, b1, W1r))
    h = jax.nn.relu(_sage_conv(h, edge_index, W2l, b2, W2r))
    h = jax.nn.relu(_sage_conv(h, edge_index, W3l, b3, W3r))
    h = jax.nn.relu(_sage_conv(h, edge_index, W4l, b4, W4r))
    root_embedding = h[root_node_idx]  # gather
    n_graphs = root_node_idx.shape[0]
    sums = jax.ops.segment_sum(h, batch, num_segments=n_graphs)
    cnts = jax.ops.segment_sum(jnp.ones((h.shape[0],), jnp.float32), batch, num_segments=n_graphs)
    graph_embedding = sums / jnp.clip(cnts, 1.0)[:, None]
    combined = jnp.concatenate([root_embedding, graph_embedding], axis=1)
    return combined @ Wc + bc

if __name__ == "__main__":
    import jax
    _d = setup_inputs()
    print(jax.jit(kernel)(*tuple(_d.values())))

</pallas_src>

<mosaic_0001>
#map = affine_map<(d0, d1) -> (0)>
#map1 = affine_map<(d0, d1) -> (0, 0, 0)>
module attributes {stable_mosaic.version = 14 : i64} {
  func.func @deg_kernel(%arg0: i32, %arg1: i32, %arg2: memref<320000xi32, #tpu.memory_space<hbm>>, %arg3: memref<2x10240x128xf32, #tpu.memory_space<hbm>>, %arg4: memref<10240x128xf32, #tpu.memory_space<vmem_shared>>, %arg5: memref<80x128xf32, #tpu.memory_space<vmem>>, %arg6: memref<40x128xf32, #tpu.memory_space<vmem>>, %arg7: memref<80xi32, #tpu.memory_space<vmem>>, %arg8: memref<80xi32, #tpu.memory_space<vmem>>, %arg9: memref<80xi32, #tpu.memory_space<vmem>>, %arg10: memref<80xi32, #tpu.memory_space<vmem>>, %arg11: memref<!tpu.dma_semaphore, #tpu.memory_space<semaphore_mem>>, %arg12: memref<!tpu.dma_semaphore, #tpu.memory_space<semaphore_mem>>, %arg13: memref<!tpu.dma_semaphore, #tpu.memory_space<semaphore_mem>>, %arg14: memref<!tpu.dma_semaphore, #tpu.memory_space<semaphore_mem>>, %arg15: memref<!tpu.dma_semaphore, #tpu.memory_space<semaphore_mem>>, %arg16: memref<!tpu.dma_semaphore, #tpu.memory_space<semaphore_mem>>) attributes {dimension_semantics = [#tpu.dimension_semantics<core_parallel>, #tpu.dimension_semantics<subcore_parallel>], iteration_bounds = array<i64: 2, 16>, scalar_prefetch = 0 : i64, scratch_operands = 13 : i64, tpu.core_type = #tpu.core_type<sc_vector_subcore>, window_params = [{transform_indices = #map}, {transform_indices = #map1}]} {
    %mul3A = arith.constant 2 : i32
    %mul3A_0 = arith.muli %arg1, %mul3A : i32
    %add3A = arith.addi %mul3A_0, %arg0 : i32
    %scan3A = arith.constant 0 : i32
    %scan3A_1 = arith.constant 40 : i32
    %scan3A_2 = arith.addi %scan3A, %scan3A_1 : i32
    %scan3A_3 = arith.constant 1 : i32
    scf.for %scan3A_47 = %scan3A to %scan3A_2 step %scan3A_3  : i32 {
      %mul3A_48 = arith.constant 1 : i32
      %mul3A_49 = arith.muli %scan3A_47, %mul3A_48 : i32
      %add3A_50 = arith.constant 0 : i32
      %add3A_51 = arith.addi %add3A_50, %mul3A_49 : i32
      %scan3A_52 = arith.constant 0 : i32
      %scan3A_53 = arith.constant 8 : i32
      %scan3A_54 = arith.addi %scan3A_52, %scan3A_53 : i32
      %scan3A_55 = arith.constant 1 : i32
      scf.for %scan3A_57 = %scan3A_52 to %scan3A_54 step %scan3A_55  : i32 {
        %mul3A_58 = arith.constant 16 : i32
        %mul3A_59 = arith.muli %scan3A_57, %mul3A_58 : i32
        %add3A_60 = arith.constant 0 : i32
        %add3A_61 = arith.addi %add3A_60, %mul3A_59 : i32
        %broadcast_in_dim3A = arith.constant 0.000000e+00 : f32
        %broadcast_in_dim3A_62 = vector.broadcast %broadcast_in_dim3A : f32 to vector<16xf32>
        %swap3A = arith.index_cast %add3A_51 : i32 to index
        %swap3A_63 = arith.index_cast %add3A_61 : i32 to index
        %swap3A_64 = tpu.vector_load %arg6[%swap3A, %swap3A_63] {strides = array<i32>} : memref<40x128xf32, #tpu.memory_space<vmem>>, vector<1x16xf32>,
        %swap3A_65 = vector.shape_cast %swap3A_64 : vector<1x16xf32> to vector<16xf32>
        %swap3A_66 = vector.shape_cast %broadcast_in_dim3A_62 : vector<16xf32> to vector<1x16xf32>
        tpu.vector_store %arg6[%swap3A, %swap3A_63], %swap3A_66 {strides = array<i32>} : memref<40x128xf32, #tpu.memory_space<vmem>>, vector<1x16xf32>,
      }
      %scan3A_56 = arith.constant 8 : i32
    }
    %scan3A_4 = arith.constant 40 : i32
    %scan3A_5 = arith.constant 0 : i32
    %scan3A_6 = arith.constant 80 : i32
    %scan3A_7 = arith.addi %scan3A_5, %scan3A_6 : i32
    %scan3A_8 = arith.constant 1 : i32
    scf.for %scan3A_47 = %scan3A_5 to %scan3A_7 step %scan3A_8  : i32 {
      %mul3A_48 = arith.constant 1 : i32
      %mul3A_49 = arith.muli %scan3A_47, %mul3A_48 : i32
      %add3A_50 = arith.constant 0 : i32
      %add3A_51 = arith.addi %add3A_50, %mul3A_49 : i32
      %scan3A_52 = arith.constant 0 : i32
      %scan3A_53 = arith.constant 8 : i32
      %scan3A_54 = arith.addi %scan3A_52, %scan3A_53 : i32
      %scan3A_55 = arith.constant 1 : i32
      scf.for %scan3A_57 = %scan3A_52 to %scan3A_54 step %scan3A_55  : i32 {
        %mul3A_58 = arith.constant 16 : i32
        %mul3A_59 = arith.muli %scan3A_57, %mul3A_58 : i32
        %add3A_60 = arith.constant 0 : i32
        %add3A_61 = arith.addi %add3A_60, %mul3A_59 : i32
        %broadcast_in_dim3A = arith.constant 1.000000e+00 : f32
        %broadcast_in_dim3A_62 = vector.broadcast %broadcast_in_dim3A : f32 to vector<16xf32>
        %swap3A = arith.index_cast %add3A_51 : i32 to index
        %swap3A_63 = arith.index_cast %add3A_61 : i32 to index
        %swap3A_64 = tpu.vector_load %arg5[%swap3A, %swap3A_63] {strides = array<i32>} : memref<80x128xf32, #tpu.memory_space<vmem>>, vector<1x16xf32>,
        %swap3A_65 = vector.shape_cast %swap3A_64 : vector<1x16xf32> to vector<16xf32>
        %swap3A_66 = vector.shape_cast %broadcast_in_dim3A_62 : vector<16xf32> to vector<1x16xf32>
        tpu.vector_store %arg5[%swap3A, %swap3A_63], %swap3A_66 {strides = array<i32>} : memref<80x128xf32, #tpu.memory_space<vmem>>, vector<1x16xf32>,
      }
      %scan3A_56 = arith.constant 8 : i32
    }
    %scan3A_9 = arith.constant 80 : i32
    %scan3A_10 = arith.constant 0 : i32
    %scan3A_11 = arith.constant 16 : i32
    %scan3A_12 = arith.addi %scan3A_10, %scan3A_11 : i32
    %scan3A_13 = arith.constant 1 : i32
    scf.for %scan3A_47 = %scan3A_10 to %scan3A_12 step %scan3A_13  : i32 {
      %mul3A_48 = arith.constant 1 : i32
      %mul3A_49 = arith.muli %scan3A_47, %mul3A_48 : i32
      %add3A_50 = arith.constant 0 : i32
      %add3A_51 = arith.addi %add3A_50, %mul3A_49 : i32
      %mul3A_52 = arith.constant 640 : i32
      %mul3A_53 = arith.muli %arg1, %mul3A_52 : i32
      %mul3A_54 = arith.constant 40 : i32
      %mul3A_55 = arith.muli %add3A_51, %mul3A_54 : i32
      %add3A_56 = arith.addi %mul3A_53, %mul3A_55 : i32
      "tpu.region"() ({
        %run_scoped3A = tpu.sem_alloc : memref<!tpu.dma_semaphore, #tpu.memory_space<semaphore_mem>>
        %dma_start3A_57 = arith.constant 0 : i32
        %dma_start3A_58 = tpu.memref_slice %arg4[%add3A_56, %dma_start3A_57] : memref<10240x128xf32, #tpu.memory_space<vmem_shared>> -> memref<40x128xf32, #tpu.memory_space<vmem_shared>>
        %dma_start3A_59 = arith.constant 0 : i32
        %dma_start3A_60 = tpu.memref_slice %arg4[%add3A_56, %dma_start3A_59] : memref<10240x128xf32, #tpu.memory_space<vmem_shared>> -> memref<40x128xf32, #tpu.memory_space<vmem_shared>>
        tpu.enqueue_dma source(%arg6 : memref<40x128xf32, #tpu.memory_space<vmem>>) target(%dma_start3A_60 : memref<40x128xf32, #tpu.memory_space<vmem_shared>>) target_semaphore(%run_scoped3A : memref<!tpu.dma_semaphore, #tpu.memory_space<semaphore_mem>>)
        %dma_wait3A_61 = arith.constant 0 : i32
        %dma_wait3A_62 = tpu.memref_slice %arg4[%add3A_56, %dma_wait3A_61] : memref<10240x128xf32, #tpu.memory_space<vmem_shared>> -> memref<40x128xf32, #tpu.memory_space<vmem_shared>>
        %dma_wait3A_63 = arith.constant 0 : i32
        %dma_wait3A_64 = tpu.memref_slice %arg4[%add3A_56, %dma_wait3A_63] : memref<10240x128xf32, #tpu.memory_space<vmem_shared>> -> memref<40x128xf32, #tpu.memory_space<vmem_shared>>
        tpu.wait_dma2 semaphore(%run_scoped3A : memref<!tpu.dma_semaphore, #tpu.memory_space<semaphore_mem>>) src(%arg6 : memref<40x128xf32, #tpu.memory_space<vmem>>) dst(%dma_wait3A_64 : memref<40x128xf32, #tpu.memory_space<vmem_shared>>)
        tpu.yield
      }) : () -> ()
    }
    %scan3A_14 = arith.constant 16 : i32
    %barrier3A = arith.constant 0 : index
    tpu.barrier barrier_id(%barrier3A)
    %mul3A_15 = arith.constant 10000 : i32
    %mul3A_16 = arith.muli %add3A, %mul3A_15 : i32
    %add3A_17 = arith.constant 0 : i32
    %add3A_18 = arith.addi %mul3A_16, %add3A_17 : i32
    %dma_start3A = tpu.memref_slice %arg2[%add3A_18] : memref<320000xi32, #tpu.memory_space<hbm>> -> memref<80xi32, #tpu.memory_space<hbm>>
    %dma_start3A_19 = tpu.memref_slice %arg2[%add3A_18] : memref<320000xi32, #tpu.memory_space<hbm>> -> memref<80xi32, #tpu.memory_space<hbm>>
    tpu.enqueue_dma source(%dma_start3A_19 : memref<80xi32, #tpu.memory_space<hbm>>) target(%arg7 : memref<80xi32, #tpu.memory_space<vmem>>) target_semaphore(%arg11 : memref<!tpu.dma_semaphore, #tpu.memory_space<semaphore_mem>>)
    %add3A_20 = arith.constant 80 : i32
    %add3A_21 = arith.addi %mul3A_16, %add3A_20 : i32
    %dma_start3A_22 = tpu.memref_slice %arg2[%add3A_21] : memref<320000xi32, #tpu.memory_space<hbm>> -> memref<80xi32, #tpu.memory_space<hbm>>
    %dma_start3A_23 = tpu.memref_slice %arg2[%add3A_21] : memref<320000xi32, #tpu.memory_space<hbm>> -> memref<80xi32, #tpu.memory_space<hbm>>
    tpu.enqueue_dma source(%dma_start3A_23 : memref<80xi32, #tpu.memory_space<hbm>>) target(%arg8 : memref<80xi32, #tpu.memory_space<vmem>>) target_semaphore(%arg12 : memref<!tpu.dma_semaphore, #tpu.memory_space<semaphore_mem>>)
    %scan3A_24 = arith.constant 0 : i32
    %scan3A_25 = arith.constant 31 : i32
    %scan3A_26 = arith.addi %scan3A_24, %scan3A_25 : i32
    %scan3A_27 = arith.constant 1 : i32
    scf.for %scan3A_47 = %scan3A_24 to %scan3A_26 step %scan3A_27  : i32 {
      %mul3A_48 = arith.constant 1 : i32
      %mul3A_49 = arith.muli %scan3A_47, %mul3A_48 : i32
      %add3A_50 = arith.constant 0 : i32
      %add3A_51 = arith.addi %add3A_50, %mul3A_49 : i32
      %mul3A_52 = arith.constant 4 : i32
      %mul3A_53 = arith.muli %add3A_51, %mul3A_52 : i32
      %add3A_54 = arith.constant 0 : i32
      %add3A_55 = arith.addi %mul3A_53, %add3A_54 : i32
      %ge3A = arith.constant 2 : i32
      %ge3A_56 = arith.cmpi sge, %add3A_55, %ge3A : i32
      %convert_element_type3A = arith.extui %ge3A_56 : i1 to i32
      %cond3A = arith.constant 0 : i32
      %cond3A_57 = arith.cmpi ne, %convert_element_type3A, %cond3A : i32
      scf.if %cond3A_57 {
        %dma_wait3A_134 = arith.constant 0 : i32
        %dma_wait3A_135 = arith.constant 0 : i32
        %dma_wait3A_136 = tpu.memref_slice %arg4[%dma_wait3A_134, %dma_wait3A_135] : memref<10240x128xf32, #tpu.memory_space<vmem_shared>> -> memref<10240x128xf32, #tpu.memory_space<vmem_shared>>
        tpu.wait_indirect_dma semaphore(%arg15 : memref<!tpu.dma_semaphore, #tpu.memory_space<semaphore_mem>>) src(%arg5 : memref<80x128xf32, #tpu.memory_space<vmem>>) dst(%dma_wait3A_136 : memref<10240x128xf32, #tpu.memory_space<vmem_shared>>)
      } else {
      }
      %add3A_58 = arith.constant 2 : i32
      %add3A_59 = arith.addi %add3A_55, %add3A_58 : i32
      %lt3A = arith.constant 125 : i32
      %lt3A_60 = arith.cmpi slt, %add3A_59, %lt3A : i32
      %convert_element_type3A_61 = arith.extui %lt3A_60 : i1 to i32
      %cond3A_62 = arith.constant 0 : i32
      %cond3A_63 = arith.cmpi ne, %convert_element_type3A_61, %cond3A_62 : i32
      scf.if %cond3A_63 {
        %add3A_134 = arith.constant 2 : i32
        %add3A_135 = arith.addi %add3A_55, %add3A_134 : i32
        %mul3A_136 = arith.constant 80 : i32
        %mul3A_137 = arith.muli %add3A_135, %mul3A_136 : i32
        %add3A_138 = arith.addi %mul3A_16, %mul3A_137 : i32
        %dma_start3A_139 = tpu.memref_slice %arg2[%add3A_138] : memref<320000xi32, #tpu.memory_space<hbm>> -> memref<80xi32, #tpu.memory_space<hbm>>
        %dma_start3A_140 = tpu.memref_slice %arg2[%add3A_138] : memref<320000xi32, #tpu.memory_space<hbm>> -> memref<80xi32, #tpu.memory_space<hbm>>
        tpu.enqueue_dma source(%dma_start3A_140 : memref<80xi32, #tpu.memory_space<hbm>>) target(%arg9 : memref<80xi32, #tpu.memory_space<vmem>>) target_semaphore(%arg13 : memref<!tpu.dma_semaphore, #tpu.memory_space<semaphore_mem>>)
      } else {
      }
      %dma_wait3A_64 = arith.constant 0 : i32
      %dma_wait3A_65 = tpu.memref_slice %arg2[%dma_wait3A_64] : memref<320000xi32, #tpu.memory_space<hbm>> -> memref<80xi32, #tpu.memory_space<hbm>>
      %dma_wait3A_66 = arith.constant 0 : i32
      %dma_wait3A_67 = tpu.memref_slice %arg2[%dma_wait3A_66] : memref<320000xi32, #tpu.memory_space<hbm>> -> memref<80xi32, #tpu.memory_space<hbm>>
      tpu.wait_dma2 semaphore(%arg11 : memref<!tpu.dma_semaphore, #tpu.memory_space<semaphore_mem>>) src(%dma_wait3A_67 : memref<80xi32, #tpu.memory_space<hbm>>) dst(%arg7 : memref<80xi32, #tpu.memory_space<vmem>>)
      %dma_start3A_68 = arith.constant 0 : i32
      %dma_start3A_69 = arith.constant 0 : i32
      %dma_start3A_70 = tpu.memref_slice %arg4[%dma_start3A_68, %dma_start3A_69] : memref<10240x128xf32, #tpu.memory_space<vmem_shared>> -> memref<10240x128xf32, #tpu.memory_space<vmem_shared>>
      tpu.enqueue_indirect_dma source(%arg5 : memref<80x128xf32, #tpu.memory_space<vmem>>) target(%dma_start3A_70 : memref<10240x128xf32, #tpu.memory_space<vmem_shared>>) offsets(%arg7 : memref<80xi32, #tpu.memory_space<vmem>>) semaphore(%arg15 : memref<!tpu.dma_semaphore, #tpu.memory_space<semaphore_mem>>) {add = true}
      %add3A_71 = arith.constant 1 : i32
      %add3A_72 = arith.addi %mul3A_53, %add3A_71 : i32
      %ge3A_73 = arith.constant 2 : i32
      %ge3A_74 = arith.cmpi sge, %add3A_72, %ge3A_73 : i32
      %convert_element_type3A_75 = arith.extui %ge3A_74 : i1 to i32
      %cond3A_76 = arith.constant 0 : i32
      %cond3A_77 = arith.cmpi ne, %convert_element_type3A_75, %cond3A_76 : i32
      scf.if %cond3A_77 {
        %dma_wait3A_134 = arith.constant 0 : i32
        %dma_wait3A_135 = arith.constant 0 : i32
        %dma_wait3A_136 = tpu.memref_slice %arg4[%dma_wait3A_134, %dma_wait3A_135] : memref<10240x128xf32, #tpu.memory_space<vmem_shared>> -> memref<10240x128xf32, #tpu.memory_space<vmem_shared>>
        tpu.wait_indirect_dma semaphore(%arg16 : memref<!tpu.dma_semaphore, #tpu.memory_space<semaphore_mem>>) src(%arg5 : memref<80x128xf32, #tpu.memory_space<vmem>>) dst(%dma_wait3A_136 : memref<10240x128xf32, #tpu.memory_space<vmem_shared>>)
      } else {
      }
      %add3A_78 = arith.constant 2 : i32
      %add3A_79 = arith.addi %add3A_72, %add3A_78 : i32
      %lt3A_80 = arith.constant 125 : i32
      %lt3A_81 = arith.cmpi slt, %add3A_79, %lt3A_80 : i32
      %convert_element_type3A_82 = arith.extui %lt3A_81 : i1 to i32
      %cond3A_83 = arith.constant 0 : i32
      %cond3A_84 = arith.cmpi ne, %convert_element_type3A_82, %cond3A_83 : i32
      scf.if %cond3A_84 {
        %add3A_134 = arith.constant 2 : i32
        %add3A_135 = arith.addi %add3A_72, %add3A_134 : i32
        %mul3A_136 = arith.constant 80 : i32
        %mul3A_137 = arith.muli %add3A_135, %mul3A_136 : i32
        %add3A_138 = arith.addi %mul3A_16, %mul3A_137 : i32
        %dma_start3A_139 = tpu.memref_slice %arg2[%add3A_138] : memref<320000xi32, #tpu.memory_space<hbm>> -> memref<80xi32, #tpu.memory_space<hbm>>
        %dma_start3A_140 = tpu.memref_slice %arg2[%add3A_138] : memref<320000xi32, #tpu.memory_space<hbm>> -> memref<80xi32, #tpu.memory_space<hbm>>
        tpu.enqueue_dma source(%dma_start3A_140 : memref<80xi32, #tpu.memory_space<hbm>>) target(%arg10 : memref<80xi32, #tpu.memory_space<vmem>>) target_semaphore(%arg14 : memref<!tpu.dma_semaphore, #tpu.memory_space<semaphore_mem>>)
      } else {
      }
      %dma_wait3A_85 = arith.constant 0 : i32
      %dma_wait3A_86 = tpu.memref_slice %arg2[%dma_wait3A_85] : memref<320000xi32, #tpu.memory_space<hbm>> -> memref<80xi32, #tpu.memory_space<hbm>>
      %dma_wait3A_87 = arith.constant 0 : i32
      %dma_wait3A_88 = tpu.memref_slice %arg2[%dma_wait3A_87] : memref<320000xi32, #tpu.memory_space<hbm>> -> memref<80xi32, #tpu.memory_space<hbm>>
      tpu.wait_dma2 semaphore(%arg12 : memref<!tpu.dma_semaphore, #tpu.memory_space<semaphore_mem>>) src(%dma_wait3A_88 : memref<80xi32, #tpu.memory_space<hbm>>) dst(%arg8 : memref<80xi32, #tpu.memory_space<vmem>>)
      %dma_start3A_89 = arith.constant 0 : i32
      %dma_start3A_90 = arith.constant 0 : i32
      %dma_start3A_91 = tpu.memref_slice %arg4[%dma_start3A_89, %dma_start3A_90] : memref<10240x128xf32, #tpu.memory_space<vmem_shared>> -> memref<10240x128xf32, #tpu.memory_space<vmem_shared>>
      tpu.enqueue_indirect_dma source(%arg5 : memref<80x128xf32, #tpu.memory_space<vmem>>) target(%dma_start3A_91 : memref<10240x128xf32, #tpu.memory_space<vmem_shared>>) offsets(%arg8 : memref<80xi32, #tpu.memory_space<vmem>>) semaphore(%arg16 : memref<!tpu.dma_semaphore, #tpu.memory_space<semaphore_mem>>) {add = true}
      %add3A_92 = arith.constant 2 : i32
      %add3A_93 = arith.addi %mul3A_53, %add3A_92 : i32
      %ge3A_94 = arith.constant 2 : i32
      %ge3A_95 = arith.cmpi sge, %add3A_93, %ge3A_94 : i32
      %convert_element_type3A_96 = arith.extui %ge3A_95 : i1 to i32
      %cond3A_97 = arith.constant 0 : i32
      %cond3A_98 = arith.cmpi ne, %convert_element_type3A_96, %cond3A_97 : i32
      scf.if %cond3A_98 {
        %dma_wait3A_134 = arith.constant 0 : i32
        %dma_wait3A_135 = arith.constant 0 : i32
        %dma_wait3A_136 = tpu.memref_slice %arg4[%dma_wait3A_134, %dma_wait3A_135] : memref<10240x128xf32, #tpu.memory_space<vmem_shared>> -> memref<10240x128xf32, #tpu.memory_space<vmem_shared>>
        tpu.wait_indirect_dma semaphore(%arg15 : memref<!tpu.dma_semaphore, #tpu.memory_space<semaphore_mem>>) src(%arg5 : memref<80x128xf32, #tpu.memory_space<vmem>>) dst(%dma_wait3A_136 : memref<10240x128xf32, #tpu.memory_space<vmem_shared>>)
      } else {
      }
      %add3A_99 = arith.constant 2 : i32
      %add3A_100 = arith.addi %add3A_93, %add3A_99 : i32
      %lt3A_101 = arith.constant 125 : i32
      %lt3A_102 = arith.cmpi slt, %add3A_100, %lt3A_101 : i32
      %convert_element_type3A_103 = arith.extui %lt3A_102 : i1 to i32
      %cond3A_104 = arith.constant 0 : i32
      %cond3A_105 = arith.cmpi ne, %convert_element_type3A_103, %cond3A_104 : i32
      scf.if %cond3A_105 {
        %add3A_134 = arith.constant 2 : i32
        %add3A_135 = arith.addi %add3A_93, %add3A_134 : i32
        %mul3A_136 = arith.constant 80 : i32
        %mul3A_137 = arith.muli %add3A_135, %mul3A_136 : i32
        %add3A_138 = arith.addi %mul3A_16, %mul3A_137 : i32
        %dma_start3A_139 = tpu.memref_slice %arg2[%add3A_138] : memref<320000xi32, #tpu.memory_space<hbm>> -> memref<80xi32, #tpu.memory_space<hbm>>
        %dma_start3A_140 = tpu.memref_slice %arg2[%add3A_138] : memref<320000xi32, #tpu.memory_space<hbm>> -> memref<80xi32, #tpu.memory_space<hbm>>
        tpu.enqueue_dma source(%dma_start3A_140 : memref<80xi32, #tpu.memory_space<hbm>>) target(%arg7 : memref<80xi32, #tpu.memory_space<vmem>>) target_semaphore(%arg11 : memref<!tpu.dma_semaphore, #tpu.memory_space<semaphore_mem>>)
      } else {
      }
      %dma_wait3A_106 = arith.constant 0 : i32
      %dma_wait3A_107 = tpu.memref_slice %arg2[%dma_wait3A_106] : memref<320000xi32, #tpu.memory_space<hbm>> -> memref<80xi32, #tpu.memory_space<hbm>>
      %dma_wait3A_108 = arith.constant 0 : i32
      %dma_wait3A_109 = tpu.memref_slice %arg2[%dma_wait3A_108] : memref<320000xi32, #tpu.memory_space<hbm>> -> memref<80xi32, #tpu.memory_space<hbm>>
      tpu.wait_dma2 semaphore(%arg13 : memref<!tpu.dma_semaphore, #tpu.memory_space<semaphore_mem>>) src(%dma_wait3A_109 : memref<80xi32, #tpu.memory_space<hbm>>) dst(%arg9 : memref<80xi32, #tpu.memory_space<vmem>>)
      %dma_start3A_110 = arith.constant 0 : i32
      %dma_start3A_111 = arith.constant 0 : i32
      %dma_start3A_112 = tpu.memref_slice %arg4[%dma_start3A_110, %dma_start3A_111] : memref<10240x128xf32, #tpu.memory_space<vmem_shared>> -> memref<10240x128xf32, #tpu.memory_space<vmem_shared>>
      tpu.enqueue_indirect_dma source(%arg5 : memref<80x128xf32, #tpu.memory_space<vmem>>) target(%dma_start3A_112 : memref<10240x128xf32, #tpu.memory_space<vmem_shared>>) offsets(%arg9 : memref<80xi32, #tpu.memory_space<vmem>>) semaphore(%arg15 : memref<!tpu.dma_semaphore, #tpu.memory_space<semaphore_mem>>) {add = true}
      %add3A_113 = arith.constant 3 : i32
      %add3A_114 = arith.addi %mul3A_53, %add3A_113 : i32
      %ge3A_115 = arith.constant 2 : i32
      %ge3A_116 = arith.cmpi sge, %add3A_114, %ge3A_115 : i32
      %convert_element_type3A_117 = arith.extui %ge3A_116 : i1 to i32
      %cond3A_118 = arith.constant 0 : i32
      %cond3A_119 = arith.cmpi ne, %convert_element_type3A_117, %cond3A_118 : i32
      scf.if %cond3A_119 {
        %dma_wait3A_134 = arith.constant 0 : i32
        %dma_wait3A_135 = arith.constant 0 : i32
        %dma_wait3A_136 = tpu.memref_slice %arg4[%dma_wait3A_134, %dma_wait3A_135] : memref<10240x128xf32, #tpu.memory_space<vmem_shared>> -> memref<10240x128xf32, #tpu.memory_space<vmem_shared>>
        tpu.wait_indirect_dma semaphore(%arg16 : memref<!tpu.dma_semaphore, #tpu.memory_space<semaphore_mem>>) src(%arg5 : memref<80x128xf32, #tpu.memory_space<vmem>>) dst(%dma_wait3A_136 : memref<10240x128xf32, #tpu.memory_space<vmem_shared>>)
      } else {
      }
      %add3A_120 = arith.constant 2 : i32
      %add3A_121 = arith.addi %add3A_114, %add3A_120 : i32
      %lt3A_122 = arith.constant 125 : i32
      %lt3A_123 = arith.cmpi slt, %add3A_121, %lt3A_122 : i32
      %convert_element_type3A_124 = arith.extui %lt3A_123 : i1 to i32
      %cond3A_125 = arith.constant 0 : i32
      %cond3A_126 = arith.cmpi ne, %convert_element_type3A_124, %cond3A_125 : i32
      scf.if %cond3A_126 {
        %add3A_134 = arith.constant 2 : i32
        %add3A_135 = arith.addi %add3A_114, %add3A_134 : i32
        %mul3A_136 = arith.constant 80 : i32
        %mul3A_137 = arith.muli %add3A_135, %mul3A_136 : i32
        %add3A_138 = arith.addi %mul3A_16, %mul3A_137 : i32
        %dma_start3A_139 = tpu.memref_slice %arg2[%add3A_138] : memref<320000xi32, #tpu.memory_space<hbm>> -> memref<80xi32, #tpu.memory_space<hbm>>
        %dma_start3A_140 = tpu.memref_slice %arg2[%add3A_138] : memref<320000xi32, #tpu.memory_space<hbm>> -> memref<80xi32, #tpu.memory_space<hbm>>
        tpu.enqueue_dma source(%dma_start3A_140 : memref<80xi32, #tpu.memory_space<hbm>>) target(%arg8 : memref<80xi32, #tpu.memory_space<vmem>>) target_semaphore(%arg12 : memref<!tpu.dma_semaphore, #tpu.memory_space<semaphore_mem>>)
      } else {
      }
      %dma_wait3A_127 = arith.constant 0 : i32
      %dma_wait3A_128 = tpu.memref_slice %arg2[%dma_wait3A_127] : memref<320000xi32, #tpu.memory_space<hbm>> -> memref<80xi32, #tpu.memory_space<hbm>>
      %dma_wait3A_129 = arith.constant 0 : i32
      %dma_wait3A_130 = tpu.memref_slice %arg2[%dma_wait3A_129] : memref<320000xi32, #tpu.memory_space<hbm>> -> memref<80xi32, #tpu.memory_space<hbm>>
      tpu.wait_dma2 semaphore(%arg14 : memref<!tpu.dma_semaphore, #tpu.memory_space<semaphore_mem>>) src(%dma_wait3A_130 : memref<80xi32, #tpu.memory_space<hbm>>) dst(%arg10 : memref<80xi32, #tpu.memory_space<vmem>>)
      %dma_start3A_131 = arith.constant 0 : i32
      %dma_start3A_132 = arith.constant 0 : i32
      %dma_start3A_133 = tpu.memref_slice %arg4[%dma_start3A_131, %dma_start3A_132] : memref<10240x128xf32, #tpu.memory_space<vmem_shared>> -> memref<10240x128xf32, #tpu.memory_space<vmem_shared>>
      tpu.enqueue_indirect_dma source(%arg5 : memref<80x128xf32, #tpu.memory_space<vmem>>) target(%dma_start3A_133 : memref<10240x128xf32, #tpu.memory_space<vmem_shared>>) offsets(%arg10 : memref<80xi32, #tpu.memory_space<vmem>>) semaphore(%arg16 : memref<!tpu.dma_semaphore, #tpu.memory_space<semaphore_mem>>) {add = true}
    }
    %scan3A_28 = arith.constant 31 : i32
    %dma_wait3A = arith.constant 0 : i32
    %dma_wait3A_29 = arith.constant 0 : i32
    %dma_wait3A_30 = tpu.memref_slice %arg4[%dma_wait3A, %dma_wait3A_29] : memref<10240x128xf32, #tpu.memory_space<vmem_shared>> -> memref<10240x128xf32, #tpu.memory_space<vmem_shared>>
    tpu.wait_indirect_dma semaphore(%arg15 : memref<!tpu.dma_semaphore, #tpu.memory_space<semaphore_mem>>) src(%arg5 : memref<80x128xf32, #tpu.memory_space<vmem>>) dst(%dma_wait3A_30 : memref<10240x128xf32, #tpu.memory_space<vmem_shared>>)
    %dma_wait3A_31 = arith.constant 0 : i32
    %dma_wait3A_32 = tpu.memref_slice %arg2[%dma_wait3A_31] : memref<320000xi32, #tpu.memory_space<hbm>> -> memref<80xi32, #tpu.memory_space<hbm>>
    %dma_wait3A_33 = arith.constant 0 : i32
    %dma_wait3A_34 = tpu.memref_slice %arg2[%dma_wait3A_33] : memref<320000xi32, #tpu.memory_space<hbm>> -> memref<80xi32, #tpu.memory_space<hbm>>
    tpu.wait_dma2 semaphore(%arg11 : memref<!tpu.dma_semaphore, #tpu.memory_space<semaphore_mem>>) src(%dma_wait3A_34 : memref<80xi32, #tpu.memory_space<hbm>>) dst(%arg7 : memref<80xi32, #tpu.memory_space<vmem>>)
    %dma_start3A_35 = arith.constant 0 : i32
    %dma_start3A_36 = arith.constant 0 : i32
    %dma_start3A_37 = tpu.memref_slice %arg4[%dma_start3A_35, %dma_start3A_36] : memref<10240x128xf32, #tpu.memory_space<vmem_shared>> -> memref<10240x128xf32, #tpu.memory_space<vmem_shared>>
    tpu.enqueue_indirect_dma source(%arg5 : memref<80x128xf32, #tpu.memory_space<vmem>>) target(%dma_start3A_37 : memref<10240x128xf32, #tpu.memory_space<vmem_shared>>) offsets(%arg7 : memref<80xi32, #tpu.memory_space<vmem>>) semaphore(%arg15 : memref<!tpu.dma_semaphore, #tpu.memory_space<semaphore_mem>>) {add = true}
    %dma_wait3A_38 = arith.constant 0 : i32
    %dma_wait3A_39 = arith.constant 0 : i32
    %dma_wait3A_40 = tpu.memref_slice %arg4[%dma_wait3A_38, %dma_wait3A_39] : memref<10240x128xf32, #tpu.memory_space<vmem_shared>> -> memref<10240x128xf32, #tpu.memory_space<vmem_shared>>
    tpu.wait_indirect_dma semaphore(%arg16 : memref<!tpu.dma_semaphore, #tpu.memory_space<semaphore_mem>>) src(%arg5 : memref<80x128xf32, #tpu.memory_space<vmem>>) dst(%dma_wait3A_40 : memref<10240x128xf32, #tpu.memory_space<vmem_shared>>)
    %dma_wait3A_41 = arith.constant 0 : i32
    %dma_wait3A_42 = arith.constant 0 : i32
    %dma_wait3A_43 = tpu.memref_slice %arg4[%dma_wait3A_41, %dma_wait3A_42] : memref<10240x128xf32, #tpu.memory_space<vmem_shared>> -> memref<10240x128xf32, #tpu.memory_space<vmem_shared>>
    tpu.wait_indirect_dma semaphore(%arg15 : memref<!tpu.dma_semaphore, #tpu.memory_space<semaphore_mem>>) src(%arg5 : memref<80x128xf32, #tpu.memory_space<vmem>>) dst(%dma_wait3A_43 : memref<10240x128xf32, #tpu.memory_space<vmem_shared>>)
    %barrier3A_44 = arith.constant 0 : index
    tpu.barrier barrier_id(%barrier3A_44)
    %mul3A_45 = arith.constant 640 : i32
    %mul3A_46 = arith.muli %arg1, %mul3A_45 : i32
    "tpu.region"() ({
      %run_scoped3A = tpu.sem_alloc : memref<!tpu.dma_semaphore, #tpu.memory_space<semaphore_mem>>
      %dma_start3A_47 = arith.constant 0 : i32
      %dma_start3A_48 = tpu.memref_slice %arg3[%arg0, %mul3A_46, %dma_start3A_47] : memref<2x10240x128xf32, #tpu.memory_space<hbm>> -> memref<1x640x128xf32, #tpu.memory_space<hbm>>
      %dma_start3A_49 = tpu.memref_squeeze %dma_start3A_48 : memref<1x640x128xf32, #tpu.memory_space<hbm>> -> memref<640x128xf32, #tpu.memory_space<hbm>>
      %dma_start3A_50 = arith.constant 0 : i32
      %dma_start3A_51 = tpu.memref_slice %arg4[%mul3A_46, %dma_start3A_50] : memref<10240x128xf32, #tpu.memory_space<vmem_shared>> -> memref<640x128xf32, #tpu.memory_space<vmem_shared>>
      tpu.enqueue_dma source(%dma_start3A_51 : memref<640x128xf32, #tpu.memory_space<vmem_shared>>) target(%dma_start3A_49 : memref<640x128xf32, #tpu.memory_space<hbm>>) target_semaphore(%run_scoped3A : memref<!tpu.dma_semaphore, #tpu.memory_space<semaphore_mem>>)
      %dma_wait3A_52 = arith.constant 0 : i32
      %dma_wait3A_53 = tpu.memref_slice %arg3[%arg0, %mul3A_46, %dma_wait3A_52] : memref<2x10240x128xf32, #tpu.memory_space<hbm>> -> memref<1x640x128xf32, #tpu.memory_space<hbm>>
      %dma_wait3A_54 = tpu.memref_squeeze %dma_wait3A_53 : memref<1x640x128xf32, #tpu.memory_space<hbm>> -> memref<640x128xf32, #tpu.memory_space<hbm>>
      %dma_wait3A_55 = arith.constant 0 : i32
      %dma_wait3A_56 = tpu.memref_slice %arg4[%mul3A_46, %dma_wait3A_55] : memref<10240x128xf32, #tpu.memory_space<vmem_shared>> -> memref<640x128xf32, #tpu.memory_space<vmem_shared>>
      tpu.wait_dma2 semaphore(%run_scoped3A : memref<!tpu.dma_semaphore, #tpu.memory_space<semaphore_mem>>) src(%dma_wait3A_56 : memref<640x128xf32, #tpu.memory_space<vmem_shared>>) dst(%dma_wait3A_54 : memref<640x128xf32, #tpu.memory_space<hbm>>)
      tpu.yield
    }) : () -> ()
    return
  }
}

#map = affine_map<(d0, d1) -> (0, 0)>
#map1 = affine_map<(d0, d1) -> (0)>
#map2 = affine_map<(d0, d1) -> (0, 0, 0)>
module attributes {stable_mosaic.version = 14 : i64} {
  func.func @agg_kernel(%arg0: i32, %arg1: i32, %arg2: memref<10240x128xf32, #tpu.memory_space<hbm>>, %arg3: memref<320000xi32, #tpu.memory_space<hbm>>, %arg4: memref<320000xi32, #tpu.memory_space<hbm>>, %arg5: memref<2x10240x128xf32, #tpu.memory_space<hbm>>, %arg6: memref<10240x128xf32, #tpu.memory_space<vmem_shared>>, %arg7: memref<40x128xf32, #tpu.memory_space<vmem>>, %arg8: memref<80xi32, #tpu.memory_space<vmem>>, %arg9: memref<80xi32, #tpu.memory_space<vmem>>, %arg10: memref<80xi32, #tpu.memory_space<vmem>>, %arg11: memref<80xi32, #tpu.memory_space<vmem>>, %arg12: memref<80xi32, #tpu.memory_space<vmem>>, %arg13: memref<80xi32, #tpu.memory_space<vmem>>, %arg14: memref<80xi32, #tpu.memory_space<vmem>>, %arg15: memref<80xi32, #tpu.memory_space<vmem>>, %arg16: memref<80x128xf32, #tpu.memory_space<vmem>>, %arg17: memref<80x128xf32, #tpu.memory_space<vmem>>, %arg18: memref<!tpu.dma_semaphore, #tpu.memory_space<semaphore_mem>>, %arg19: memref<!tpu.dma_semaphore, #tpu.memory_space<semaphore_mem>>, %arg20: memref<!tpu.dma_semaphore, #tpu.memory_space<semaphore_mem>>, %arg21: memref<!tpu.dma_semaphore, #tpu.memory_space<semaphore_mem>>, %arg22: memref<!tpu.dma_semaphore, #tpu.memory_space<semaphore_mem>>, %arg23: memref<!tpu.dma_semaphore, #tpu.memory_space<semaphore_mem>>, %arg24: memref<!tpu.dma_semaphore, #tpu.memory_space<semaphore_mem>>, %arg25: memref<!tpu.dma_semaphore, #tpu.memory_space<semaphore_mem>>) attributes {dimension_semantics = [#tpu.dimension_semantics<core_parallel>, #tpu.dimension_semantics<subcore_parallel>], iteration_bounds = array<i64: 2, 16>, scalar_prefetch = 0 : i64, scratch_operands = 20 : i64, tpu.core_type = #tpu.core_type<sc_vector_subcore>, window_params = [{transform_indices = #map}, {transform_indices = #map1}, {transform_indices = #map1}, {transform_indices = #map2}]} {
    %mul3A = arith.constant 2 : i32
    %mul3A_0 = arith.muli %arg1, %mul3A : i32
    %add3A = arith.addi %mul3A_0, %arg0 : i32
    %scan3A = arith.constant 0 : i32
    %scan3A_1 = arith.constant 40 : i32
    %scan3A_2 = arith.addi %scan3A, %scan3A_1 : i32
    %scan3A_3 = arith.constant 1 : i32
    scf.for %scan3A_56 = %scan3A to %scan3A_2 step %scan3A_3  : i32 {
      %mul3A_57 = arith.constant 1 : i32
      %mul3A_58 = arith.muli %scan3A_56, %mul3A_57 : i32
      %add3A_59 = arith.constant 0 : i32
      %add3A_60 = arith.addi %add3A_59, %mul3A_58 : i32
      %scan3A_61 = arith.constant 0 : i32
      %scan3A_62 = arith.constant 8 : i32
      %scan3A_63 = arith.addi %scan3A_61, %scan3A_62 : i32
      %scan3A_64 = arith.constant 1 : i32
      scf.for %scan3A_66 = %scan3A_61 to %scan3A_63 step %scan3A_64  : i32 {
        %mul3A_67 = arith.constant 16 : i32
        %mul3A_68 = arith.muli %scan3A_66, %mul3A_67 : i32
        %add3A_69 = arith.constant 0 : i32
        %add3A_70 = arith.addi %add3A_69, %mul3A_68 : i32
        %broadcast_in_dim3A = arith.constant 0.000000e+00 : f32
        %broadcast_in_dim3A_71 = vector.broadcast %broadcast_in_dim3A : f32 to vector<16xf32>
        %swap3A = arith.index_cast %add3A_60 : i32 to index
        %swap3A_72 = arith.index_cast %add3A_70 : i32 to index
        %swap3A_73 = tpu.vector_load %arg7[%swap3A, %swap3A_72] {strides = array<i32>} : memref<40x128xf32, #tpu.memory_space<vmem>>, vector<1x16xf32>,
        %swap3A_74 = vector.shape_cast %swap3A_73 : vector<1x16xf32> to vector<16xf32>
        %swap3A_75 = vector.shape_cast %broadcast_in_dim3A_71 : vector<16xf32> to vector<1x16xf32>
        tpu.vector_store %arg7[%swap3A, %swap3A_72], %swap3A_75 {strides = array<i32>} : memref<40x128xf32, #tpu.memory_space<vmem>>, vector<1x16xf32>,
      }
      %scan3A_65 = arith.constant 8 : i32
    }
    %scan3A_4 = arith.constant 40 : i32
    %scan3A_5 = arith.constant 0 : i32
    %scan3A_6 = arith.constant 16 : i32
    %scan3A_7 = arith.addi %scan3A_5, %scan3A_6 : i32
    %scan3A_8 = arith.constant 1 : i32
    scf.for %scan3A_56 = %scan3A_5 to %scan3A_7 step %scan3A_8  : i32 {
      %mul3A_57 = arith.constant 1 : i32
      %mul3A_58 = arith.muli %scan3A_56, %mul3A_57 : i32
      %add3A_59 = arith.constant 0 : i32
      %add3A_60 = arith.addi %add3A_59, %mul3A_58 : i32
      %mul3A_61 = arith.constant 640 : i32
      %mul3A_62 = arith.muli %arg1, %mul3A_61 : i32
      %mul3A_63 = arith.constant 40 : i32
      %mul3A_64 = arith.muli %add3A_60, %mul3A_63 : i32
      %add3A_65 = arith.addi %mul3A_62, %mul3A_64 : i32
      "tpu.region"() ({
        %run_scoped3A = tpu.sem_alloc : memref<!tpu.dma_semaphore, #tpu.memory_space<semaphore_mem>>
        %dma_start3A_66 = arith.constant 0 : i32
        %dma_start3A_67 = tpu.memref_slice %arg6[%add3A_65, %dma_start3A_66] : memref<10240x128xf32, #tpu.memory_space<vmem_shared>> -> memref<40x128xf32, #tpu.memory_space<vmem_shared>>
        %dma_start3A_68 = arith.constant 0 : i32
        %dma_start3A_69 = tpu.memref_slice %arg6[%add3A_65, %dma_start3A_68] : memref<10240x128xf32, #tpu.memory_space<vmem_shared>> -> memref<40x128xf32, #tpu.memory_space<vmem_shared>>
        tpu.enqueue_dma source(%arg7 : memref<40x128xf32, #tpu.memory_space<vmem>>) target(%dma_start3A_69 : memref<40x128xf32, #tpu.memory_space<vmem_shared>>) target_semaphore(%run_scoped3A : memref<!tpu.dma_semaphore, #tpu.memory_space<semaphore_mem>>)
        %dma_wait3A_70 = arith.constant 0 : i32
        %dma_wait3A_71 = tpu.memref_slice %arg6[%add3A_65, %dma_wait3A_70] : memref<10240x128xf32, #tpu.memory_space<vmem_shared>> -> memref<40x128xf32, #tpu.memory_space<vmem_shared>>
        %dma_wait3A_72 = arith.constant 0 : i32
        %dma_wait3A_73 = tpu.memref_slice %arg6[%add3A_65, %dma_wait3A_72] : memref<10240x128xf32, #tpu.memory_space<vmem_shared>> -> memref<40x128xf32, #tpu.memory_space<vmem_shared>>
        tpu.wait_dma2 semaphore(%run_scoped3A : memref<!tpu.dma_semaphore, #tpu.memory_space<semaphore_mem>>) src(%arg7 : memref<40x128xf32, #tpu.memory_space<vmem>>) dst(%dma_wait3A_73 : memref<40x128xf32, #tpu.memory_space<vmem_shared>>)
        tpu.yield
      }) : () -> ()
    }
    %scan3A_9 = arith.constant 16 : i32
    %barrier3A = arith.constant 0 : index
    tpu.barrier barrier_id(%barrier3A)
    %mul3A_10 = arith.constant 10000 : i32
    %mul3A_11 = arith.muli %add3A, %mul3A_10 : i32
    %add3A_12 = arith.constant 0 : i32
    %add3A_13 = arith.addi %mul3A_11, %add3A_12 : i32
    %dma_start3A = tpu.memref_slice %arg3[%add3A_13] : memref<320000xi32, #tpu.memory_space<hbm>> -> memref<80xi32, #tpu.memory_space<hbm>>
    %dma_start3A_14 = tpu.memref_slice %arg3[%add3A_13] : memref<320000xi32, #tpu.memory_space<hbm>> -> memref<80xi32, #tpu.memory_space<hbm>>
    tpu.enqueue_dma source(%dma_start3A_14 : memref<80xi32, #tpu.memory_space<hbm>>) target(%arg8 : memref<80xi32, #tpu.memory_space<vmem>>) target_semaphore(%arg18 : memref<!tpu.dma_semaphore, #tpu.memory_space<semaphore_mem>>)
    %dma_start3A_15 = tpu.memref_slice %arg4[%add3A_13] : memref<320000xi32, #tpu.memory_space<hbm>> -> memref<80xi32, #tpu.memory_space<hbm>>
    %dma_start3A_16 = tpu.memref_slice %arg4[%add3A_13] : memref<320000xi32, #tpu.memory_space<hbm>> -> memref<80xi32, #tpu.memory_space<hbm>>
    tpu.enqueue_dma source(%dma_start3A_16 : memref<80xi32, #tpu.memory_space<hbm>>) target(%arg12 : memref<80xi32, #tpu.memory_space<vmem>>) target_semaphore(%arg18 : memref<!tpu.dma_semaphore, #tpu.memory_space<semaphore_mem>>)
    %add3A_17 = arith.constant 80 : i32
    %add3A_18 = arith.addi %mul3A_11, %add3A_17 : i32
    %dma_start3A_19 = tpu.memref_slice %arg3[%add3A_18] : memref<320000xi32, #tpu.memory_space<hbm>> -> memref<80xi32, #tpu.memory_space<hbm>>
    %dma_start3A_20 = tpu.memref_slice %arg3[%add3A_18] : memref<320000xi32, #tpu.memory_space<hbm>> -> memref<80xi32, #tpu.memory_space<hbm>>
    tpu.enqueue_dma source(%dma_start3A_20 : memref<80xi32, #tpu.memory_space<hbm>>) target(%arg9 : memref<80xi32, #tpu.memory_space<vmem>>) target_semaphore(%arg19 : memref<!tpu.dma_semaphore, #tpu.memory_space<semaphore_mem>>)
    %dma_start3A_21 = tpu.memref_slice %arg4[%add3A_18] : memref<320000xi32, #tpu.memory_space<hbm>> -> memref<80xi32, #tpu.memory_space<hbm>>
    %dma_start3A_22 = tpu.memref_slice %arg4[%add3A_18] : memref<320000xi32, #tpu.memory_space<hbm>> -> memref<80xi32, #tpu.memory_space<hbm>>
    tpu.enqueue_dma source(%dma_start3A_22 : memref<80xi32, #tpu.memory_space<hbm>>) target(%arg13 : memref<80xi32, #tpu.memory_space<vmem>>) target_semaphore(%arg19 : memref<!tpu.dma_semaphore, #tpu.memory_space<semaphore_mem>>)
    %scan3A_23 = arith.constant 0 : i32
    %scan3A_24 = arith.constant 31 : i32
    %scan3A_25 = arith.addi %scan3A_23, %scan3A_24 : i32
    %scan3A_26 = arith.constant 1 : i32
    scf.for %scan3A_56 = %scan3A_23 to %scan3A_25 step %scan3A_26  : i32 {
      %mul3A_57 = arith.constant 1 : i32
      %mul3A_58 = arith.muli %scan3A_56, %mul3A_57 : i32
      %add3A_59 = arith.constant 0 : i32
      %add3A_60 = arith.addi %add3A_59, %mul3A_58 : i32
      %mul3A_61 = arith.constant 4 : i32
      %mul3A_62 = arith.muli %add3A_60, %mul3A_61 : i32
      %add3A_63 = arith.constant 0 : i32
      %add3A_64 = arith.addi %mul3A_62, %add3A_63 : i32
      %ge3A = arith.constant 2 : i32
      %ge3A_65 = arith.cmpi sge, %add3A_64, %ge3A : i32
      %convert_element_type3A = arith.extui %ge3A_65 : i1 to i32
      %cond3A = arith.constant 0 : i32
      %cond3A_66 = arith.cmpi ne, %convert_element_type3A, %cond3A : i32
      scf.if %cond3A_66 {
        %dma_wait3A_183 = arith.constant 0 : i32
        %dma_wait3A_184 = arith.constant 0 : i32
        %dma_wait3A_185 = tpu.memref_slice %arg6[%dma_wait3A_183, %dma_wait3A_184] : memref<10240x128xf32, #tpu.memory_space<vmem_shared>> -> memref<10240x128xf32, #tpu.memory_space<vmem_shared>>
        tpu.wait_indirect_dma semaphore(%arg24 : memref<!tpu.dma_semaphore, #tpu.memory_space<semaphore_mem>>) src(%arg16 : memref<80x128xf32, #tpu.memory_space<vmem>>) dst(%dma_wait3A_185 : memref<10240x128xf32, #tpu.memory_space<vmem_shared>>)
      } else {
      }
      %add3A_67 = arith.constant 2 : i32
      %add3A_68 = arith.addi %add3A_64, %add3A_67 : i32
      %lt3A = arith.constant 125 : i32
      %lt3A_69 = arith.cmpi slt, %add3A_68, %lt3A : i32
      %convert_element_type3A_70 = arith.extui %lt3A_69 : i1 to i32
      %cond3A_71 = arith.constant 0 : i32
      %cond3A_72 = arith.cmpi ne, %convert_element_type3A_70, %cond3A_71 : i32
      scf.if %cond3A_72 {
        %add3A_183 = arith.constant 2 : i32
        %add3A_184 = arith.addi %add3A_64, %add3A_183 : i32
        %mul3A_185 = arith.constant 80 : i32
        %mul3A_186 = arith.muli %add3A_184, %mul3A_185 : i32
        %add3A_187 = arith.addi %mul3A_11, %mul3A_186 : i32
        %dma_start3A_188 = tpu.memref_slice %arg3[%add3A_187] : memref<320000xi32, #tpu.memory_space<hbm>> -> memref<80xi32, #tpu.memory_space<hbm>>
        %dma_start3A_189 = tpu.memref_slice %arg3[%add3A_187] : memref<320000xi32, #tpu.memory_space<hbm>> -> memref<80xi32, #tpu.memory_space<hbm>>
        tpu.enqueue_dma source(%dma_start3A_189 : memref<80xi32, #tpu.memory_space<hbm>>) target(%arg10 : memref<80xi32, #tpu.memory_space<vmem>>) target_semaphore(%arg20 : memref<!tpu.dma_semaphore, #tpu.memory_space<semaphore_mem>>)
        %dma_start3A_190 = tpu.memref_slice %arg4[%add3A_187] : memref<320000xi32, #tpu.memory_space<hbm>> -> memref<80xi32, #tpu.memory_space<hbm>>
        %dma_start3A_191 = tpu.memref_slice %arg4[%add3A_187] : memref<320000xi32, #tpu.memory_space<hbm>> -> memref<80xi32, #tpu.memory_space<hbm>>
        tpu.enqueue_dma source(%dma_start3A_191 : memref<80xi32, #tpu.memory_space<hbm>>) target(%arg14 : memref<80xi32, #tpu.memory_space<vmem>>) target_semaphore(%arg20 : memref<!tpu.dma_semaphore, #tpu.memory_space<semaphore_mem>>)
      } else {
      }
      %dma_wait3A_73 = arith.constant 0 : i32
      %dma_wait3A_74 = tpu.memref_slice %arg3[%dma_wait3A_73] : memref<320000xi32, #tpu.memory_space<hbm>> -> memref<80xi32, #tpu.memory_space<hbm>>
      %dma_wait3A_75 = arith.constant 0 : i32
      %dma_wait3A_76 = tpu.memref_slice %arg3[%dma_wait3A_75] : memref<320000xi32, #tpu.memory_space<hbm>> -> memref<80xi32, #tpu.memory_space<hbm>>
      tpu.wait_dma2 semaphore(%arg18 : memref<!tpu.dma_semaphore, #tpu.memory_space<semaphore_mem>>) src(%dma_wait3A_76 : memref<80xi32, #tpu.memory_space<hbm>>) dst(%arg8 : memref<80xi32, #tpu.memory_space<vmem>>)
      %dma_wait3A_77 = arith.constant 0 : i32
      %dma_wait3A_78 = tpu.memref_slice %arg4[%dma_wait3A_77] : memref<320000xi32, #tpu.memory_space<hbm>> -> memref<80xi32, #tpu.memory_space<hbm>>
      %dma_wait3A_79 = arith.constant 0 : i32
      %dma_wait3A_80 = tpu.memref_slice %arg4[%dma_wait3A_79] : memref<320000xi32, #tpu.memory_space<hbm>> -> memref<80xi32, #tpu.memory_space<hbm>>
      tpu.wait_dma2 semaphore(%arg18 : memref<!tpu.dma_semaphore, #tpu.memory_space<semaphore_mem>>) src(%dma_wait3A_80 : memref<80xi32, #tpu.memory_space<hbm>>) dst(%arg12 : memref<80xi32, #tpu.memory_space<vmem>>)
      %dma_start3A_81 = arith.constant 0 : i32
      %dma_start3A_82 = arith.constant 0 : i32
      %dma_start3A_83 = tpu.memref_slice %arg2[%dma_start3A_81, %dma_start3A_82] : memref<10240x128xf32, #tpu.memory_space<hbm>> -> memref<10240x128xf32, #tpu.memory_space<hbm>>
      tpu.enqueue_indirect_dma source(%dma_start3A_83 : memref<10240x128xf32, #tpu.memory_space<hbm>>) target(%arg16 : memref<80x128xf32, #tpu.memory_space<vmem>>) offsets(%arg8 : memref<80xi32, #tpu.memory_space<vmem>>) semaphore(%arg22 : memref<!tpu.dma_semaphore, #tpu.memory_space<semaphore_mem>>)
      %dma_wait3A_84 = arith.constant 0 : i32
      %dma_wait3A_85 = arith.constant 0 : i32
      %dma_wait3A_86 = tpu.memref_slice %arg2[%dma_wait3A_84, %dma_wait3A_85] : memref<10240x128xf32, #tpu.memory_space<hbm>> -> memref<10240x128xf32, #tpu.memory_space<hbm>>
      tpu.wait_indirect_dma semaphore(%arg22 : memref<!tpu.dma_semaphore, #tpu.memory_space<semaphore_mem>>) src(%dma_wait3A_86 : memref<10240x128xf32, #tpu.memory_space<hbm>>) dst(%arg16 : memref<80x128xf32, #tpu.memory_space<vmem>>)
      %dma_start3A_87 = arith.constant 0 : i32
      %dma_start3A_88 = arith.constant 0 : i32
      %dma_start3A_89 = tpu.memref_slice %arg6[%dma_start3A_87, %dma_start3A_88] : memref<10240x128xf32, #tpu.memory_space<vmem_shared>> -> memref<10240x128xf32, #tpu.memory_space<vmem_shared>>
      tpu.enqueue_indirect_dma source(%arg16 : memref<80x128xf32, #tpu.memory_space<vmem>>) target(%dma_start3A_89 : memref<10240x128xf32, #tpu.memory_space<vmem_shared>>) offsets(%arg12 : memref<80xi32, #tpu.memory_space<vmem>>) semaphore(%arg24 : memref<!tpu.dma_semaphore, #tpu.memory_space<semaphore_mem>>) {add = true}
      %add3A_90 = arith.constant 1 : i32
      %add3A_91 = arith.addi %mul3A_62, %add3A_90 : i32
      %ge3A_92 = arith.constant 2 : i32
      %ge3A_93 = arith.cmpi sge, %add3A_91, %ge3A_92 : i32
      %convert_element_type3A_94 = arith.extui %ge3A_93 : i1 to i32
      %cond3A_95 = arith.constant 0 : i32
      %cond3A_96 = arith.cmpi ne, %convert_element_type3A_94, %cond3A_95 : i32
      scf.if %cond3A_96 {
        %dma_wait3A_183 = arith.constant 0 : i32
        %dma_wait3A_184 = arith.constant 0 : i32
        %dma_wait3A_185 = tpu.memref_slice %arg6[%dma_wait3A_183, %dma_wait3A_184] : memref<10240x128xf32, #tpu.memory_space<vmem_shared>> -> memref<10240x128xf32, #tpu.memory_space<vmem_shared>>
        tpu.wait_indirect_dma semaphore(%arg25 : memref<!tpu.dma_semaphore, #tpu.memory_space<semaphore_mem>>) src(%arg17 : memref<80x128xf32, #tpu.memory_space<vmem>>) dst(%dma_wait3A_185 : memref<10240x128xf32, #tpu.memory_space<vmem_shared>>)
      } else {
      }
      %add3A_97 = arith.constant 2 : i32
      %add3A_98 = arith.addi %add3A_91, %add3A_97 : i32
      %lt3A_99 = arith.constant 125 : i32
      %lt3A_100 = arith.cmpi slt, %add3A_98, %lt3A_99 : i32
      %convert_element_type3A_101 = arith.extui %lt3A_100 : i1 to i32
      %cond3A_102 = arith.constant 0 : i32
      %cond3A_103 = arith.cmpi ne, %convert_element_type3A_101, %cond3A_102 : i32
      scf.if %cond3A_103 {
        %add3A_183 = arith.constant 2 : i32
        %add3A_184 = arith.addi %add3A_91, %add3A_183 : i32
        %mul3A_185 = arith.constant 80 : i32
        %mul3A_186 = arith.muli %add3A_184, %mul3A_185 : i32
        %add3A_187 = arith.addi %mul3A_11, %mul3A_186 : i32
        %dma_start3A_188 = tpu.memref_slice %arg3[%add3A_187] : memref<320000xi32, #tpu.memory_space<hbm>> -> memref<80xi32, #tpu.memory_space<hbm>>
        %dma_start3A_189 = tpu.memref_slice %arg3[%add3A_187] : memref<320000xi32, #tpu.memory_space<hbm>> -> memref<80xi32, #tpu.memory_space<hbm>>
        tpu.enqueue_dma source(%dma_start3A_189 : memref<80xi32, #tpu.memory_space<hbm>>) target(%arg11 : memref<80xi32, #tpu.memory_space<vmem>>) target_semaphore(%arg21 : memref<!tpu.dma_semaphore, #tpu.memory_space<semaphore_mem>>)
        %dma_start3A_190 = tpu.memref_slice %arg4[%add3A_187] : memref<320000xi32, #tpu.memory_space<hbm>> -> memref<80xi32, #tpu.memory_space<hbm>>
        %dma_start3A_191 = tpu.memref_slice %arg4[%add3A_187] : memref<320000xi32, #tpu.memory_space<hbm>> -> memref<80xi32, #tpu.memory_space<hbm>>
        tpu.enqueue_dma source(%dma_start3A_191 : memref<80xi32, #tpu.memory_space<hbm>>) target(%arg15 : memref<80xi32, #tpu.memory_space<vmem>>) target_semaphore(%arg21 : memref<!tpu.dma_semaphore, #tpu.memory_space<semaphore_mem>>)
      } else {
      }
      %dma_wait3A_104 = arith.constant 0 : i32
      %dma_wait3A_105 = tpu.memref_slice %arg3[%dma_wait3A_104] : memref<320000xi32, #tpu.memory_space<hbm>> -> memref<80xi32, #tpu.memory_space<hbm>>
      %dma_wait3A_106 = arith.constant 0 : i32
      %dma_wait3A_107 = tpu.memref_slice %arg3[%dma_wait3A_106] : memref<320000xi32, #tpu.memory_space<hbm>> -> memref<80xi32, #tpu.memory_space<hbm>>
      tpu.wait_dma2 semaphore(%arg19 : memref<!tpu.dma_semaphore, #tpu.memory_space<semaphore_mem>>) src(%dma_wait3A_107 : memref<80xi32, #tpu.memory_space<hbm>>) dst(%arg9 : memref<80xi32, #tpu.memory_space<vmem>>)
      %dma_wait3A_108 = arith.constant 0 : i32
      %dma_wait3A_109 = tpu.memref_slice %arg4[%dma_wait3A_108] : memref<320000xi32, #tpu.memory_space<hbm>> -> memref<80xi32, #tpu.memory_space<hbm>>
      %dma_wait3A_110 = arith.constant 0 : i32
      %dma_wait3A_111 = tpu.memref_slice %arg4[%dma_wait3A_110] : memref<320000xi32, #tpu.memory_space<hbm>> -> memref<80xi32, #tpu.memory_space<hbm>>
      tpu.wait_dma2 semaphore(%arg19 : memref<!tpu.dma_semaphore, #tpu.memory_space<semaphore_mem>>) src(%dma_wait3A_111 : memref<80xi32, #tpu.memory_space<hbm>>) dst(%arg13 : memref<80xi32, #tpu.memory_space<vmem>>)
      %dma_start3A_112 = arith.constant 0 : i32
      %dma_start3A_113 = arith.constant 0 : i32
      %dma_start3A_114 = tpu.memref_slice %arg2[%dma_start3A_112, %dma_start3A_113] : memref<10240x128xf32, #tpu.memory_space<hbm>> -> memref<10240x128xf32, #tpu.memory_space<hbm>>
      tpu.enqueue_indirect_dma source(%dma_start3A_114 : memref<10240x128xf32, #tpu.memory_space<hbm>>) target(%arg17 : memref<80x128xf32, #tpu.memory_space<vmem>>) offsets(%arg9 : memref<80xi32, #tpu.memory_space<vmem>>) semaphore(%arg23 : memref<!tpu.dma_semaphore, #tpu.memory_space<semaphore_mem>>)
      %dma_wait3A_115 = arith.constant 0 : i32
      %dma_wait3A_116 = arith.constant 0 : i32
      %dma_wait3A_117 = tpu.memref_slice %arg2[%dma_wait3A_115, %dma_wait3A_116] : memref<10240x128xf32, #tpu.memory_space<hbm>> -> memref<10240x128xf32, #tpu.memory_space<hbm>>
      tpu.wait_indirect_dma semaphore(%arg23 : memref<!tpu.dma_semaphore, #tpu.memory_space<semaphore_mem>>) src(%dma_wait3A_117 : memref<10240x128xf32, #tpu.memory_space<hbm>>) dst(%arg17 : memref<80x128xf32, #tpu.memory_space<vmem>>)
      %dma_start3A_118 = arith.constant 0 : i32
      %dma_start3A_119 = arith.constant 0 : i32
      %dma_start3A_120 = tpu.memref_slice %arg6[%dma_start3A_118, %dma_start3A_119] : memref<10240x128xf32, #tpu.memory_space<vmem_shared>> -> memref<10240x128xf32, #tpu.memory_space<vmem_shared>>
      tpu.enqueue_indirect_dma source(%arg17 : memref<80x128xf32, #tpu.memory_space<vmem>>) target(%dma_start3A_120 : memref<10240x128xf32, #tpu.memory_space<vmem_shared>>) offsets(%arg13 : memref<80xi32, #tpu.memory_space<vmem>>) semaphore(%arg25 : memref<!tpu.dma_semaphore, #tpu.memory_space<semaphore_mem>>) {add = true}
      %add3A_121 = arith.constant 2 : i32
      %add3A_122 = arith.addi %mul3A_62, %add3A_121 : i32
      %ge3A_123 = arith.constant 2 : i32
      %ge3A_124 = arith.cmpi sge, %add3A_122, %ge3A_123 : i32
      %convert_element_type3A_125 = arith.extui %ge3A_124 : i1 to i32
      %cond3A_126 = arith.constant 0 : i32
      %cond3A_127 = arith.cmpi ne, %convert_element_type3A_125, %cond3A_126 : i32
      scf.if %cond3A_127 {
        %dma_wait3A_183 = arith.constant 0 : i32
        %dma_wait3A_184 = arith.constant 0 : i32
        %dma_wait3A_185 = tpu.memref_slice %arg6[%dma_wait3A_183, %dma_wait3A_184] : memref<10240x128xf32, #tpu.memory_space<vmem_shared>> -> memref<10240x128xf32, #tpu.memory_space<vmem_shared>>
        tpu.wait_indirect_dma semaphore(%arg24 : memref<!tpu.dma_semaphore, #tpu.memory_space<semaphore_mem>>) src(%arg16 : memref<80x128xf32, #tpu.memory_space<vmem>>) dst(%dma_wait3A_185 : memref<10240x128xf32, #tpu.memory_space<vmem_shared>>)
      } else {
      }
      %add3A_128 = arith.constant 2 : i32
      %add3A_129 = arith.addi %add3A_122, %add3A_128 : i32
      %lt3A_130 = arith.constant 125 : i32
      %lt3A_131 = arith.cmpi slt, %add3A_129, %lt3A_130 : i32
      %convert_element_type3A_132 = arith.extui %lt3A_131 : i1 to i32
      %cond3A_133 = arith.constant 0 : i32
      %cond3A_134 = arith.cmpi ne, %convert_element_type3A_132, %cond3A_133 : i32
      scf.if %cond3A_134 {
        %add3A_183 = arith.constant 2 : i32
        %add3A_184 = arith.addi %add3A_122, %add3A_183 : i32
        %mul3A_185 = arith.constant 80 : i32
        %mul3A_186 = arith.muli %add3A_184, %mul3A_185 : i32
        %add3A_187 = arith.addi %mul3A_11, %mul3A_186 : i32
        %dma_start3A_188 = tpu.memref_slice %arg3[%add3A_187] : memref<320000xi32, #tpu.memory_space<hbm>> -> memref<80xi32, #tpu.memory_space<hbm>>
        %dma_start3A_189 = tpu.memref_slice %arg3[%add3A_187] : memref<320000xi32, #tpu.memory_space<hbm>> -> memref<80xi32, #tpu.memory_space<hbm>>
        tpu.enqueue_dma source(%dma_start3A_189 : memref<80xi32, #tpu.memory_space<hbm>>) target(%arg8 : memref<80xi32, #tpu.memory_space<vmem>>) target_semaphore(%arg18 : memref<!tpu.dma_semaphore, #tpu.memory_space<semaphore_mem>>)
        %dma_start3A_190 = tpu.memref_slice %arg4[%add3A_187] : memref<320000xi32, #tpu.memory_space<hbm>> -> memref<80xi32, #tpu.memory_space<hbm>>
        %dma_start3A_191 = tpu.memref_slice %arg4[%add3A_187] : memref<320000xi32, #tpu.memory_space<hbm>> -> memref<80xi32, #tpu.memory_space<hbm>>
        tpu.enqueue_dma source(%dma_start3A_191 : memref<80xi32, #tpu.memory_space<hbm>>) target(%arg12 : memref<80xi32, #tpu.memory_space<vmem>>) target_semaphore(%arg18 : memref<!tpu.dma_semaphore, #tpu.memory_space<semaphore_mem>>)
      } else {
      }
      %dma_wait3A_135 = arith.constant 0 : i32
      %dma_wait3A_136 = tpu.memref_slice %arg3[%dma_wait3A_135] : memref<320000xi32, #tpu.memory_space<hbm>> -> memref<80xi32, #tpu.memory_space<hbm>>
      %dma_wait3A_137 = arith.constant 0 : i32
      %dma_wait3A_138 = tpu.memref_slice %arg3[%dma_wait3A_137] : memref<320000xi32, #tpu.memory_space<hbm>> -> memref<80xi32, #tpu.memory_space<hbm>>
      tpu.wait_dma2 semaphore(%arg20 : memref<!tpu.dma_semaphore, #tpu.memory_space<semaphore_mem>>) src(%dma_wait3A_138 : memref<80xi32, #tpu.memory_space<hbm>>) dst(%arg10 : memref<80xi32, #tpu.memory_space<vmem>>)
      %dma_wait3A_139 = arith.constant 0 : i32
      %dma_wait3A_140 = tpu.memref_slice %arg4[%dma_wait3A_139] : memref<320000xi32, #tpu.memory_space<hbm>> -> memref<80xi32, #tpu.memory_space<hbm>>
      %dma_wait3A_141 = arith.constant 0 : i32
      %dma_wait3A_142 = tpu.memref_slice %arg4[%dma_wait3A_141] : memref<320000xi32, #tpu.memory_space<hbm>> -> memref<80xi32, #tpu.memory_space<hbm>>
      tpu.wait_dma2 semaphore(%arg20 : memref<!tpu.dma_semaphore, #tpu.memory_space<semaphore_mem>>) src(%dma_wait3A_142 : memref<80xi32, #tpu.memory_space<hbm>>) dst(%arg14 : memref<80xi32, #tpu.memory_space<vmem>>)
      %dma_start3A_143 = arith.constant 0 : i32
      %dma_start3A_144 = arith.constant 0 : i32
      %dma_start3A_145 = tpu.memref_slice %arg2[%dma_start3A_143, %dma_start3A_144] : memref<10240x128xf32, #tpu.memory_space<hbm>> -> memref<10240x128xf32, #tpu.memory_space<hbm>>
      tpu.enqueue_indirect_dma source(%dma_start3A_145 : memref<10240x128xf32, #tpu.memory_space<hbm>>) target(%arg16 : memref<80x128xf32, #tpu.memory_space<vmem>>) offsets(%arg10 : memref<80xi32, #tpu.memory_space<vmem>>) semaphore(%arg22 : memref<!tpu.dma_semaphore, #tpu.memory_space<semaphore_mem>>)
      %dma_wait3A_146 = arith.constant 0 : i32
      %dma_wait3A_147 = arith.constant 0 : i32
      %dma_wait3A_148 = tpu.memref_slice %arg2[%dma_wait3A_146, %dma_wait3A_147] : memref<10240x128xf32, #tpu.memory_space<hbm>> -> memref<10240x128xf32, #tpu.memory_space<hbm>>
      tpu.wait_indirect_dma semaphore(%arg22 : memref<!tpu.dma_semaphore, #tpu.memory_space<semaphore_mem>>) src(%dma_wait3A_148 : memref<10240x128xf32, #tpu.memory_space<hbm>>) dst(%arg16 : memref<80x128xf32, #tpu.memory_space<vmem>>)
      %dma_start3A_149 = arith.constant 0 : i32
      %dma_start3A_150 = arith.constant 0 : i32
      %dma_start3A_151 = tpu.memref_slice %arg6[%dma_start3A_149, %dma_start3A_150] : memref<10240x128xf32, #tpu.memory_space<vmem_shared>> -> memref<10240x128xf32, #tpu.memory_space<vmem_shared>>
      tpu.enqueue_indirect_dma source(%arg16 : memref<80x128xf32, #tpu.memory_space<vmem>>) target(%dma_start3A_151 : memref<10240x128xf32, #tpu.memory_space<vmem_shared>>) offsets(%arg14 : memref<80xi32, #tpu.memory_space<vmem>>) semaphore(%arg24 : memref<!tpu.dma_semaphore, #tpu.memory_space<semaphore_mem>>) {add = true}
      %add3A_152 = arith.constant 3 : i32
      %add3A_153 = arith.addi %mul3A_62, %add3A_152 : i32
      %ge3A_154 = arith.constant 2 : i32
      %ge3A_155 = arith.cmpi sge, %add3A_153, %ge3A_154 : i32
      %convert_element_type3A_156 = arith.extui %ge3A_155 : i1 to i32
      %cond3A_157 = arith.constant 0 : i32
      %cond3A_158 = arith.cmpi ne, %convert_element_type3A_156, %cond3A_157 : i32
      scf.if %cond3A_158 {
        %dma_wait3A_183 = arith.constant 0 : i32
        %dma_wait3A_184 = arith.constant 0 : i32
        %dma_wait3A_185 = tpu.memref_slice %arg6[%dma_wait3A_183, %dma_wait3A_184] : memref<10240x128xf32, #tpu.memory_space<vmem_shared>> -> memref<10240x128xf32, #tpu.memory_space<vmem_shared>>
        tpu.wait_indirect_dma semaphore(%arg25 : memref<!tpu.dma_semaphore, #tpu.memory_space<semaphore_mem>>) src(%arg17 : memref<80x128xf32, #tpu.memory_space<vmem>>) dst(%dma_wait3A_185 : memref<10240x128xf32, #tpu.memory_space<vmem_shared>>)
      } else {
      }
      %add3A_159 = arith.constant 2 : i32
      %add3A_160 = arith.addi %add3A_153, %add3A_159 : i32
      %lt3A_161 = arith.constant 125 : i32
      %lt3A_162 = arith.cmpi slt, %add3A_160, %lt3A_161 : i32
      %convert_element_type3A_163 = arith.extui %lt3A_162 : i1 to i32
      %cond3A_164 = arith.constant 0 : i32
      %cond3A_165 = arith.cmpi ne, %convert_element_type3A_163, %cond3A_164 : i32
      scf.if %cond3A_165 {
        %add3A_183 = arith.constant 2 : i32
        %add3A_184 = arith.addi %add3A_153, %add3A_183 : i32
        %mul3A_185 = arith.constant 80 : i32
        %mul3A_186 = arith.muli %add3A_184, %mul3A_185 : i32
        %add3A_187 = arith.addi %mul3A_11, %mul3A_186 : i32
        %dma_start3A_188 = tpu.memref_slice %arg3[%add3A_187] : memref<320000xi32, #tpu.memory_space<hbm>> -> memref<80xi32, #tpu.memory_space<hbm>>
        %dma_start3A_189 = tpu.memref_slice %arg3[%add3A_187] : memref<320000xi32, #tpu.memory_space<hbm>> -> memref<80xi32, #tpu.memory_space<hbm>>
        tpu.enqueue_dma source(%dma_start3A_189 : memref<80xi32, #tpu.memory_space<hbm>>) target(%arg9 : memref<80xi32, #tpu.memory_space<vmem>>) target_semaphore(%arg19 : memref<!tpu.dma_semaphore, #tpu.memory_space<semaphore_mem>>)
        %dma_start3A_190 = tpu.memref_slice %arg4[%add3A_187] : memref<320000xi32, #tpu.memory_space<hbm>> -> memref<80xi32, #tpu.memory_space<hbm>>
        %dma_start3A_191 = tpu.memref_slice %arg4[%add3A_187] : memref<320000xi32, #tpu.memory_space<hbm>> -> memref<80xi32, #tpu.memory_space<hbm>>
        tpu.enqueue_dma source(%dma_start3A_191 : memref<80xi32, #tpu.memory_space<hbm>>) target(%arg13 : memref<80xi32, #tpu.memory_space<vmem>>) target_semaphore(%arg19 : memref<!tpu.dma_semaphore, #tpu.memory_space<semaphore_mem>>)
      } else {
      }
      %dma_wait3A_166 = arith.constant 0 : i32
      %dma_wait3A_167 = tpu.memref_slice %arg3[%dma_wait3A_166] : memref<320000xi32, #tpu.memory_space<hbm>> -> memref<80xi32, #tpu.memory_space<hbm>>
      %dma_wait3A_168 = arith.constant 0 : i32
      %dma_wait3A_169 = tpu.memref_slice %arg3[%dma_wait3A_168] : memref<320000xi32, #tpu.memory_space<hbm>> -> memref<80xi32, #tpu.memory_space<hbm>>
      tpu.wait_dma2 semaphore(%arg21 : memref<!tpu.dma_semaphore, #tpu.memory_space<semaphore_mem>>) src(%dma_wait3A_169 : memref<80xi32, #tpu.memory_space<hbm>>) dst(%arg11 : memref<80xi32, #tpu.memory_space<vmem>>)
      %dma_wait3A_170 = arith.constant 0 : i32
      %dma_wait3A_171 = tpu.memref_slice %arg4[%dma_wait3A_170] : memref<320000xi32, #tpu.memory_space<hbm>> -> memref<80xi32, #tpu.memory_space<hbm>>
      %dma_wait3A_172 = arith.constant 0 : i32
      %dma_wait3A_173 = tpu.memref_slice %arg4[%dma_wait3A_172] : memref<320000xi32, #tpu.memory_space<hbm>> -> memref<80xi32, #tpu.memory_space<hbm>>
      tpu.wait_dma2 semaphore(%arg21 : memref<!tpu.dma_semaphore, #tpu.memory_space<semaphore_mem>>) src(%dma_wait3A_173 : memref<80xi32, #tpu.memory_space<hbm>>) dst(%arg15 : memref<80xi32, #tpu.memory_space<vmem>>)
      %dma_start3A_174 = arith.constant 0 : i32
      %dma_start3A_175 = arith.constant 0 : i32
      %dma_start3A_176 = tpu.memref_slice %arg2[%dma_start3A_174, %dma_start3A_175] : memref<10240x128xf32, #tpu.memory_space<hbm>> -> memref<10240x128xf32, #tpu.memory_space<hbm>>
      tpu.enqueue_indirect_dma source(%dma_start3A_176 : memref<10240x128xf32, #tpu.memory_space<hbm>>) target(%arg17 : memref<80x128xf32, #tpu.memory_space<vmem>>) offsets(%arg11 : memref<80xi32, #tpu.memory_space<vmem>>) semaphore(%arg23 : memref<!tpu.dma_semaphore, #tpu.memory_space<semaphore_mem>>)
      %dma_wait3A_177 = arith.constant 0 : i32
      %dma_wait3A_178 = arith.constant 0 : i32
      %dma_wait3A_179 = tpu.memref_slice %arg2[%dma_wait3A_177, %dma_wait3A_178] : memref<10240x128xf32, #tpu.memory_space<hbm>> -> memref<10240x128xf32, #tpu.memory_space<hbm>>
      tpu.wait_indirect_dma semaphore(%arg23 : memref<!tpu.dma_semaphore, #tpu.memory_space<semaphore_mem>>) src(%dma_wait3A_179 : memref<10240x128xf32, #tpu.memory_space<hbm>>) dst(%arg17 : memref<80x128xf32, #tpu.memory_space<vmem>>)
      %dma_start3A_180 = arith.constant 0 : i32
      %dma_start3A_181 = arith.constant 0 : i32
      %dma_start3A_182 = tpu.memref_slice %arg6[%dma_start3A_180, %dma_start3A_181] : memref<10240x128xf32, #tpu.memory_space<vmem_shared>> -> memref<10240x128xf32, #tpu.memory_space<vmem_shared>>
      tpu.enqueue_indirect_dma source(%arg17 : memref<80x128xf32, #tpu.memory_space<vmem>>) target(%dma_start3A_182 : memref<10240x128xf32, #tpu.memory_space<vmem_shared>>) offsets(%arg15 : memref<80xi32, #tpu.memory_space<vmem>>) semaphore(%arg25 : memref<!tpu.dma_semaphore, #tpu.memory_space<semaphore_mem>>) {add = true}
    }
    %scan3A_27 = arith.constant 31 : i32
    %dma_wait3A = arith.constant 0 : i32
    %dma_wait3A_28 = arith.constant 0 : i32
    %dma_wait3A_29 = tpu.memref_slice %arg6[%dma_wait3A, %dma_wait3A_28] : memref<10240x128xf32, #tpu.memory_space<vmem_shared>> -> memref<10240x128xf32, #tpu.memory_space<vmem_shared>>
    tpu.wait_indirect_dma semaphore(%arg24 : memref<!tpu.dma_semaphore, #tpu.memory_space<semaphore_mem>>) src(%arg16 : memref<80x128xf32, #tpu.memory_space<vmem>>) dst(%dma_wait3A_29 : memref<10240x128xf32, #tpu.memory_space<vmem_shared>>)
    %dma_wait3A_30 = arith.constant 0 : i32
    %dma_wait3A_31 = tpu.memref_slice %arg3[%dma_wait3A_30] : memref<320000xi32, #tpu.memory_space<hbm>> -> memref<80xi32, #tpu.memory_space<hbm>>
    %dma_wait3A_32 = arith.constant 0 : i32
    %dma_wait3A_33 = tpu.memref_slice %arg3[%dma_wait3A_32] : memref<320000xi32, #tpu.memory_space<hbm>> -> memref<80xi32, #tpu.memory_space<hbm>>
    tpu.wait_dma2 semaphore(%arg18 : memref<!tpu.dma_semaphore, #tpu.memory_space<semaphore_mem>>) src(%dma_wait3A_33 : memref<80xi32, #tpu.memory_space<hbm>>) dst(%arg8 : memref<80xi32, #tpu.memory_space<vmem>>)
    %dma_wait3A_34 = arith.constant 0 : i32
    %dma_wait3A_35 = tpu.memref_slice %arg4[%dma_wait3A_34] : memref<320000xi32, #tpu.memory_space<hbm>> -> memref<80xi32, #tpu.memory_space<hbm>>
    %dma_wait3A_36 = arith.constant 0 : i32
    %dma_wait3A_37 = tpu.memref_slice %arg4[%dma_wait3A_36] : memref<320000xi32, #tpu.memory_space<hbm>> -> memref<80xi32, #tpu.memory_space<hbm>>
    tpu.wait_dma2 semaphore(%arg18 : memref<!tpu.dma_semaphore, #tpu.memory_space<semaphore_mem>>) src(%dma_wait3A_37 : memref<80xi32, #tpu.memory_space<hbm>>) dst(%arg12 : memref<80xi32, #tpu.memory_space<vmem>>)
    %dma_start3A_38 = arith.constant 0 : i32
    %dma_start3A_39 = arith.constant 0 : i32
    %dma_start3A_40 = tpu.memref_slice %arg2[%dma_start3A_38, %dma_start3A_39] : memref<10240x128xf32, #tpu.memory_space<hbm>> -> memref<10240x128xf32, #tpu.memory_space<hbm>>
    tpu.enqueue_indirect_dma source(%dma_start3A_40 : memref<10240x128xf32, #tpu.memory_space<hbm>>) target(%arg16 : memref<80x128xf32, #tpu.memory_space<vmem>>) offsets(%arg8 : memref<80xi32, #tpu.memory_space<vmem>>) semaphore(%arg22 : memref<!tpu.dma_semaphore, #tpu.memory_space<semaphore_mem>>)
    %dma_wait3A_41 = arith.constant 0 : i32
    %dma_wait3A_42 = arith.constant 0 : i32
    %dma_wait3A_43 = tpu.memref_slice %arg2[%dma_wait3A_41, %dma_wait3A_42] : memref<10240x128xf32, #tpu.memory_space<hbm>> -> memref<10240x128xf32, #tpu.memory_space<hbm>>
    tpu.wait_indirect_dma semaphore(%arg22 : memref<!tpu.dma_semaphore, #tpu.memory_space<semaphore_mem>>) src(%dma_wait3A_43 : memref<10240x128xf32, #tpu.memory_space<hbm>>) dst(%arg16 : memref<80x128xf32, #tpu.memory_space<vmem>>)
    %dma_start3A_44 = arith.constant 0 : i32
    %dma_start3A_45 = arith.constant 0 : i32
    %dma_start3A_46 = tpu.memref_slice %arg6[%dma_start3A_44, %dma_start3A_45] : memref<10240x128xf32, #tpu.memory_space<vmem_shared>> -> memref<10240x128xf32, #tpu.memory_space<vmem_shared>>
    tpu.enqueue_indirect_dma source(%arg16 : memref<80x128xf32, #tpu.memory_space<vmem>>) target(%dma_start3A_46 : memref<10240x128xf32, #tpu.memory_space<vmem_shared>>) offsets(%arg12 : memref<80xi32, #tpu.memory_space<vmem>>) semaphore(%arg24 : memref<!tpu.dma_semaphore, #tpu.memory_space<semaphore_mem>>) {add = true}
    %dma_wait3A_47 = arith.constant 0 : i32
    %dma_wait3A_48 = arith.constant 0 : i32
    %dma_wait3A_49 = tpu.memref_slice %arg6[%dma_wait3A_47, %dma_wait3A_48] : memref<10240x128xf32, #tpu.memory_space<vmem_shared>> -> memref<10240x128xf32, #tpu.memory_space<vmem_shared>>
    tpu.wait_indirect_dma semaphore(%arg25 : memref<!tpu.dma_semaphore, #tpu.memory_space<semaphore_mem>>) src(%arg17 : memref<80x128xf32, #tpu.memory_space<vmem>>) dst(%dma_wait3A_49 : memref<10240x128xf32, #tpu.memory_space<vmem_shared>>)
    %dma_wait3A_50 = arith.constant 0 : i32
    %dma_wait3A_51 = arith.constant 0 : i32
    %dma_wait3A_52 = tpu.memref_slice %arg6[%dma_wait3A_50, %dma_wait3A_51] : memref<10240x128xf32, #tpu.memory_space<vmem_shared>> -> memref<10240x128xf32, #tpu.memory_space<vmem_shared>>
    tpu.wait_indirect_dma semaphore(%arg24 : memref<!tpu.dma_semaphore, #tpu.memory_space<semaphore_mem>>) src(%arg16 : memref<80x128xf32, #tpu.memory_space<vmem>>) dst(%dma_wait3A_52 : memref<10240x128xf32, #tpu.memory_space<vmem_shared>>)
    %barrier3A_53 = arith.constant 0 : index
    tpu.barrier barrier_id(%barrier3A_53)
    %mul3A_54 = arith.constant 640 : i32
    %mul3A_55 = arith.muli %arg1, %mul3A_54 : i32
    "tpu.region"() ({
      %run_scoped3A = tpu.sem_alloc : memref<!tpu.dma_semaphore, #tpu.memory_space<semaphore_mem>>
      %dma_start3A_56 = arith.constant 0 : i32
      %dma_start3A_57 = tpu.memref_slice %arg5[%arg0, %mul3A_55, %dma_start3A_56] : memref<2x10240x128xf32, #tpu.memory_space<hbm>> -> memref<1x640x128xf32, #tpu.memory_space<hbm>>
      %dma_start3A_58 = tpu.memref_squeeze %dma_start3A_57 : memref<1x640x128xf32, #tpu.memory_space<hbm>> -> memref<640x128xf32, #tpu.memory_space<hbm>>
      %dma_start3A_59 = arith.constant 0 : i32
      %dma_start3A_60 = tpu.memref_slice %arg6[%mul3A_55, %dma_start3A_59] : memref<10240x128xf32, #tpu.memory_space<vmem_shared>> -> memref<640x128xf32, #tpu.memory_space<vmem_shared>>
      tpu.enqueue_dma source(%dma_start3A_60 : memref<640x128xf32, #tpu.memory_space<vmem_shared>>) target(%dma_start3A_58 : memref<640x128xf32, #tpu.memory_space<hbm>>) target_semaphore(%run_scoped3A : memref<!tpu.dma_semaphore, #tpu.memory_space<semaphore_mem>>)
      %dma_wait3A_61 = arith.constant 0 : i32
      %dma_wait3A_62 = tpu.memref_slice %arg5[%arg0, %mul3A_55, %dma_wait3A_61] : memref<2x10240x128xf32, #tpu.memory_space<hbm>> -> memref<1x640x128xf32, #tpu.memory_space<hbm>>
      %dma_wait3A_63 = tpu.memref_squeeze %dma_wait3A_62 : memref<1x640x128xf32, #tpu.memory_space<hbm>> -> memref<640x128xf32, #tpu.memory_space<hbm>>
      %dma_wait3A_64 = arith.constant 0 : i32
      %dma_wait3A_65 = tpu.memref_slice %arg6[%mul3A_55, %dma_wait3A_64] : memref<10240x128xf32, #tpu.memory_space<vmem_shared>> -> memref<640x128xf32, #tpu.memory_space<vmem_shared>>
      tpu.wait_dma2 semaphore(%run_scoped3A : memref<!tpu.dma_semaphore, #tpu.memory_space<semaphore_mem>>) src(%dma_wait3A_65 : memref<640x128xf32, #tpu.memory_space<vmem_shared>>) dst(%dma_wait3A_63 : memref<640x128xf32, #tpu.memory_space<hbm>>)
      tpu.yield
    }) : () -> ()
    return
  }
}

#map = affine_map<(d0, d1) -> (0, 0)>
#map1 = affine_map<(d0, d1) -> (0)>
#map2 = affine_map<(d0, d1) -> (0, 0, 0)>
module attributes {stable_mosaic.version = 14 : i64} {
  func.func @agg_kernel(%arg0: i32, %arg1: i32, %arg2: memref<10240x128xf32, #tpu.memory_space<hbm>>, %arg3: memref<320000xi32, #tpu.memory_space<hbm>>, %arg4: memref<320000xi32, #tpu.memory_space<hbm>>, %arg5: memref<2x10240x128xf32, #tpu.memory_space<hbm>>, %arg6: memref<10240x128xf32, #tpu.memory_space<vmem_shared>>, %arg7: memref<40x128xf32, #tpu.memory_space<vmem>>, %arg8: memref<80xi32, #tpu.memory_space<vmem>>, %arg9: memref<80xi32, #tpu.memory_space<vmem>>, %arg10: memref<80xi32, #tpu.memory_space<vmem>>, %arg11: memref<80xi32, #tpu.memory_space<vmem>>, %arg12: memref<80xi32, #tpu.memory_space<vmem>>, %arg13: memref<80xi32, #tpu.memory_space<vmem>>, %arg14: memref<80xi32, #tpu.memory_space<vmem>>, %arg15: memref<80xi32, #tpu.memory_space<vmem>>, %arg16: memref<80x128xf32, #tpu.memory_space<vmem>>, %arg17: memref<80x128xf32, #tpu.memory_space<vmem>>, %arg18: memref<!tpu.dma_semaphore, #tpu.memory_space<semaphore_mem>>, %arg19: memref<!tpu.dma_semaphore, #tpu.memory_space<semaphore_mem>>, %arg20: memref<!tpu.dma_semaphore, #tpu.memory_space<semaphore_mem>>, %arg21: memref<!tpu.dma_semaphore, #tpu.memory_space<semaphore_mem>>, %arg22: memref<!tpu.dma_semaphore, #tpu.memory_space<semaphore_mem>>, %arg23: memref<!tpu.dma_semaphore, #tpu.memory_space<semaphore_mem>>, %arg24: memref<!tpu.dma_semaphore, #tpu.memory_space<semaphore_mem>>, %arg25: memref<!tpu.dma_semaphore, #tpu.memory_space<semaphore_mem>>) attributes {dimension_semantics = [#tpu.dimension_semantics<core_parallel>, #tpu.dimension_semantics<subcore_parallel>], iteration_bounds = array<i64: 2, 16>, scalar_prefetch = 0 : i64, scratch_operands = 20 : i64, tpu.core_type = #tpu.core_type<sc_vector_subcore>, window_params = [{transform_indices = #map}, {transform_indices = #map1}, {transform_indices = #map1}, {transform_indices = #map2}]} {
    %mul3A = arith.constant 2 : i32
    %mul3A_0 = arith.muli %arg1, %mul3A : i32
    %add3A = arith.addi %mul3A_0, %arg0 : i32
    %scan3A = arith.constant 0 : i32
    %scan3A_1 = arith.constant 40 : i32
    %scan3A_2 = arith.addi %scan3A, %scan3A_1 : i32
    %scan3A_3 = arith.constant 1 : i32
    scf.for %scan3A_56 = %scan3A to %scan3A_2 step %scan3A_3  : i32 {
      %mul3A_57 = arith.constant 1 : i32
      %mul3A_58 = arith.muli %scan3A_56, %mul3A_57 : i32
      %add3A_59 = arith.constant 0 : i32
      %add3A_60 = arith.addi %add3A_59, %mul3A_58 : i32
      %scan3A_61 = arith.constant 0 : i32
      %scan3A_62 = arith.constant 8 : i32
      %scan3A_63 = arith.addi %scan3A_61, %scan3A_62 : i32
      %scan3A_64 = arith.constant 1 : i32
      scf.for %scan3A_66 = %scan3A_61 to %scan3A_63 step %scan3A_64  : i32 {
        %mul3A_67 = arith.constant 16 : i32
        %mul3A_68 = arith.muli %scan3A_66, %mul3A_67 : i32
        %add3A_69 = arith.constant 0 : i32
        %add3A_70 = arith.addi %add3A_69, %mul3A_68 : i32
        %broadcast_in_dim3A = arith.constant 0.000000e+00 : f32
        %broadcast_in_dim3A_71 = vector.broadcast %broadcast_in_dim3A : f32 to vector<16xf32>
        %swap3A = arith.index_cast %add3A_60 : i32 to index
        %swap3A_72 = arith.index_cast %add3A_70 : i32 to index
        %swap3A_73 = tpu.vector_load %arg7[%swap3A, %swap3A_72] {strides = array<i32>} : memref<40x128xf32, #tpu.memory_space<vmem>>, vector<1x16xf32>,
        %swap3A_74 = vector.shape_cast %swap3A_73 : vector<1x16xf32> to vector<16xf32>
        %swap3A_75 = vector.shape_cast %broadcast_in_dim3A_71 : vector<16xf32> to vector<1x16xf32>
        tpu.vector_store %arg7[%swap3A, %swap3A_72], %swap3A_75 {strides = array<i32>} : memref<40x128xf32, #tpu.memory_space<vmem>>, vector<1x16xf32>,
      }
      %scan3A_65 = arith.constant 8 : i32
    }
    %scan3A_4 = arith.constant 40 : i32
    %scan3A_5 = arith.constant 0 : i32
    %scan3A_6 = arith.constant 16 : i32
    %scan3A_7 = arith.addi %scan3A_5, %scan3A_6 : i32
    %scan3A_8 = arith.constant 1 : i32
    scf.for %scan3A_56 = %scan3A_5 to %scan3A_7 step %scan3A_8  : i32 {
      %mul3A_57 = arith.constant 1 : i32
      %mul3A_58 = arith.muli %scan3A_56, %mul3A_57 : i32
      %add3A_59 = arith.constant 0 : i32
      %add3A_60 = arith.addi %add3A_59, %mul3A_58 : i32
      %mul3A_61 = arith.constant 640 : i32
      %mul3A_62 = arith.muli %arg1, %mul3A_61 : i32
      %mul3A_63 = arith.constant 40 : i32
      %mul3A_64 = arith.muli %add3A_60, %mul3A_63 : i32
      %add3A_65 = arith.addi %mul3A_62, %mul3A_64 : i32
      "tpu.region"() ({
        %run_scoped3A = tpu.sem_alloc : memref<!tpu.dma_semaphore, #tpu.memory_space<semaphore_mem>>
        %dma_start3A_66 = arith.constant 0 : i32
        %dma_start3A_67 = tpu.memref_slice %arg6[%add3A_65, %dma_start3A_66] : memref<10240x128xf32, #tpu.memory_space<vmem_shared>> -> memref<40x128xf32, #tpu.memory_space<vmem_shared>>
        %dma_start3A_68 = arith.constant 0 : i32
        %dma_start3A_69 = tpu.memref_slice %arg6[%add3A_65, %dma_start3A_68] : memref<10240x128xf32, #tpu.memory_space<vmem_shared>> -> memref<40x128xf32, #tpu.memory_space<vmem_shared>>
        tpu.enqueue_dma source(%arg7 : memref<40x128xf32, #tpu.memory_space<vmem>>) target(%dma_start3A_69 : memref<40x128xf32, #tpu.memory_space<vmem_shared>>) target_semaphore(%run_scoped3A : memref<!tpu.dma_semaphore, #tpu.memory_space<semaphore_mem>>)
        %dma_wait3A_70 = arith.constant 0 : i32
        %dma_wait3A_71 = tpu.memref_slice %arg6[%add3A_65, %dma_wait3A_70] : memref<10240x128xf32, #tpu.memory_space<vmem_shared>> -> memref<40x128xf32, #tpu.memory_space<vmem_shared>>
        %dma_wait3A_72 = arith.constant 0 : i32
        %dma_wait3A_73 = tpu.memref_slice %arg6[%add3A_65, %dma_wait3A_72] : memref<10240x128xf32, #tpu.memory_space<vmem_shared>> -> memref<40x128xf32, #tpu.memory_space<vmem_shared>>
        tpu.wait_dma2 semaphore(%run_scoped3A : memref<!tpu.dma_semaphore, #tpu.memory_space<semaphore_mem>>) src(%arg7 : memref<40x128xf32, #tpu.memory_space<vmem>>) dst(%dma_wait3A_73 : memref<40x128xf32, #tpu.memory_space<vmem_shared>>)
        tpu.yield
      }) : () -> ()
    }
    %scan3A_9 = arith.constant 16 : i32
    %barrier3A = arith.constant 0 : index
    tpu.barrier barrier_id(%barrier3A)
    %mul3A_10 = arith.constant 10000 : i32
    %mul3A_11 = arith.muli %add3A, %mul3A_10 : i32
    %add3A_12 = arith.constant 0 : i32
    %add3A_13 = arith.addi %mul3A_11, %add3A_12 : i32
    %dma_start3A = tpu.memref_slice %arg3[%add3A_13] : memref<320000xi32, #tpu.memory_space<hbm>> -> memref<80xi32, #tpu.memory_space<hbm>>
    %dma_start3A_14 = tpu.memref_slice %arg3[%add3A_13] : memref<320000xi32, #tpu.memory_space<hbm>> -> memref<80xi32, #tpu.memory_space<hbm>>
    tpu.enqueue_dma source(%dma_start3A_14 : memref<80xi32, #tpu.memory_space<hbm>>) target(%arg8 : memref<80xi32, #tpu.memory_space<vmem>>) target_semaphore(%arg18 : memref<!tpu.dma_semaphore, #tpu.memory_space<semaphore_mem>>)
    %dma_start3A_15 = tpu.memref_slice %arg4[%add3A_13] : memref<320000xi32, #tpu.memory_space<hbm>> -> memref<80xi32, #tpu.memory_space<hbm>>
    %dma_start3A_16 = tpu.memref_slice %arg4[%add3A_13] : memref<320000xi32, #tpu.memory_space<hbm>> -> memref<80xi32, #tpu.memory_space<hbm>>
    tpu.enqueue_dma source(%dma_start3A_16 : memref<80xi32, #tpu.memory_space<hbm>>) target(%arg12 : memref<80xi32, #tpu.memory_space<vmem>>) target_semaphore(%arg18 : memref<!tpu.dma_semaphore, #tpu.memory_space<semaphore_mem>>)
    %add3A_17 = arith.constant 80 : i32
    %add3A_18 = arith.addi %mul3A_11, %add3A_17 : i32
    %dma_start3A_19 = tpu.memref_slice %arg3[%add3A_18] : memref<320000xi32, #tpu.memory_space<hbm>> -> memref<80xi32, #tpu.memory_space<hbm>>
    %dma_start3A_20 = tpu.memref_slice %arg3[%add3A_18] : memref<320000xi32, #tpu.memory_space<hbm>> -> memref<80xi32, #tpu.memory_space<hbm>>
    tpu.enqueue_dma source(%dma_start3A_20 : memref<80xi32, #tpu.memory_space<hbm>>) target(%arg9 : memref<80xi32, #tpu.memory_space<vmem>>) target_semaphore(%arg19 : memref<!tpu.dma_semaphore, #tpu.memory_space<semaphore_mem>>)
    %dma_start3A_21 = tpu.memref_slice %arg4[%add3A_18] : memref<320000xi32, #tpu.memory_space<hbm>> -> memref<80xi32, #tpu.memory_space<hbm>>
    %dma_start3A_22 = tpu.memref_slice %arg4[%add3A_18] : memref<320000xi32, #tpu.memory_space<hbm>> -> memref<80xi32, #tpu.memory_space<hbm>>
    tpu.enqueue_dma source(%dma_start3A_22 : memref<80xi32, #tpu.memory_space<hbm>>) target(%arg13 : memref<80xi32, #tpu.memory_space<vmem>>) target_semaphore(%arg19 : memref<!tpu.dma_semaphore, #tpu.memory_space<semaphore_mem>>)
    %scan3A_23 = arith.constant 0 : i32
    %scan3A_24 = arith.constant 31 : i32
    %scan3A_25 = arith.addi %scan3A_23, %scan3A_24 : i32
    %scan3A_26 = arith.constant 1 : i32
    scf.for %scan3A_56 = %scan3A_23 to %scan3A_25 step %scan3A_26  : i32 {
      %mul3A_57 = arith.constant 1 : i32
      %mul3A_58 = arith.muli %scan3A_56, %mul3A_57 : i32
      %add3A_59 = arith.constant 0 : i32
      %add3A_60 = arith.addi %add3A_59, %mul3A_58 : i32
      %mul3A_61 = arith.constant 4 : i32
      %mul3A_62 = arith.muli %add3A_60, %mul3A_61 : i32
      %add3A_63 = arith.constant 0 : i32
      %add3A_64 = arith.addi %mul3A_62, %add3A_63 : i32
      %ge3A = arith.constant 2 : i32
      %ge3A_65 = arith.cmpi sge, %add3A_64, %ge3A : i32
      %convert_element_type3A = arith.extui %ge3A_65 : i1 to i32
      %cond3A = arith.constant 0 : i32
      %cond3A_66 = arith.cmpi ne, %convert_element_type3A, %cond3A : i32
      scf.if %cond3A_66 {
        %dma_wait3A_183 = arith.constant 0 : i32
        %dma_wait3A_184 = arith.constant 0 : i32
        %dma_wait3A_185 = tpu.memref_slice %arg6[%dma_wait3A_183, %dma_wait3A_184] : memref<10240x128xf32, #tpu.memory_space<vmem_shared>> -> memref<10240x128xf32, #tpu.memory_space<vmem_shared>>
        tpu.wait_indirect_dma semaphore(%arg24 : memref<!tpu.dma_semaphore, #tpu.memory_space<semaphore_mem>>) src(%arg16 : memref<80x128xf32, #tpu.memory_space<vmem>>) dst(%dma_wait3A_185 : memref<10240x128xf32, #tpu.memory_space<vmem_shared>>)
      } else {
      }
      %add3A_67 = arith.constant 2 : i32
      %add3A_68 = arith.addi %add3A_64, %add3A_67 : i32
      %lt3A = arith.constant 125 : i32
      %lt3A_69 = arith.cmpi slt, %add3A_68, %lt3A : i32
      %convert_element_type3A_70 = arith.extui %lt3A_69 : i1 to i32
      %cond3A_71 = arith.constant 0 : i32
      %cond3A_72 = arith.cmpi ne, %convert_element_type3A_70, %cond3A_71 : i32
      scf.if %cond3A_72 {
        %add3A_183 = arith.constant 2 : i32
        %add3A_184 = arith.addi %add3A_64, %add3A_183 : i32
        %mul3A_185 = arith.constant 80 : i32
        %mul3A_186 = arith.muli %add3A_184, %mul3A_185 : i32
        %add3A_187 = arith.addi %mul3A_11, %mul3A_186 : i32
        %dma_start3A_188 = tpu.memref_slice %arg3[%add3A_187] : memref<320000xi32, #tpu.memory_space<hbm>> -> memref<80xi32, #tpu.memory_space<hbm>>
        %dma_start3A_189 = tpu.memref_slice %arg3[%add3A_187] : memref<320000xi32, #tpu.memory_space<hbm>> -> memref<80xi32, #tpu.memory_space<hbm>>
        tpu.enqueue_dma source(%dma_start3A_189 : memref<80xi32, #tpu.memory_space<hbm>>) target(%arg10 : memref<80xi32, #tpu.memory_space<vmem>>) target_semaphore(%arg20 : memref<!tpu.dma_semaphore, #tpu.memory_space<semaphore_mem>>)
        %dma_start3A_190 = tpu.memref_slice %arg4[%add3A_187] : memref<320000xi32, #tpu.memory_space<hbm>> -> memref<80xi32, #tpu.memory_space<hbm>>
        %dma_start3A_191 = tpu.memref_slice %arg4[%add3A_187] : memref<320000xi32, #tpu.memory_space<hbm>> -> memref<80xi32, #tpu.memory_space<hbm>>
        tpu.enqueue_dma source(%dma_start3A_191 : memref<80xi32, #tpu.memory_space<hbm>>) target(%arg14 : memref<80xi32, #tpu.memory_space<vmem>>) target_semaphore(%arg20 : memref<!tpu.dma_semaphore, #tpu.memory_space<semaphore_mem>>)
      } else {
      }
      %dma_wait3A_73 = arith.constant 0 : i32
      %dma_wait3A_74 = tpu.memref_slice %arg3[%dma_wait3A_73] : memref<320000xi32, #tpu.memory_space<hbm>> -> memref<80xi32, #tpu.memory_space<hbm>>
      %dma_wait3A_75 = arith.constant 0 : i32
      %dma_wait3A_76 = tpu.memref_slice %arg3[%dma_wait3A_75] : memref<320000xi32, #tpu.memory_space<hbm>> -> memref<80xi32, #tpu.memory_space<hbm>>
      tpu.wait_dma2 semaphore(%arg18 : memref<!tpu.dma_semaphore, #tpu.memory_space<semaphore_mem>>) src(%dma_wait3A_76 : memref<80xi32, #tpu.memory_space<hbm>>) dst(%arg8 : memref<80xi32, #tpu.memory_space<vmem>>)
      %dma_wait3A_77 = arith.constant 0 : i32
      %dma_wait3A_78 = tpu.memref_slice %arg4[%dma_wait3A_77] : memref<320000xi32, #tpu.memory_space<hbm>> -> memref<80xi32, #tpu.memory_space<hbm>>
      %dma_wait3A_79 = arith.constant 0 : i32
      %dma_wait3A_80 = tpu.memref_slice %arg4[%dma_wait3A_79] : memref<320000xi32, #tpu.memory_space<hbm>> -> memref<80xi32, #tpu.memory_space<hbm>>
      tpu.wait_dma2 semaphore(%arg18 : memref<!tpu.dma_semaphore, #tpu.memory_space<semaphore_mem>>) src(%dma_wait3A_80 : memref<80xi32, #tpu.memory_space<hbm>>) dst(%arg12 : memref<80xi32, #tpu.memory_space<vmem>>)
      %dma_start3A_81 = arith.constant 0 : i32
      %dma_start3A_82 = arith.constant 0 : i32
      %dma_start3A_83 = tpu.memref_slice %arg2[%dma_start3A_81, %dma_start3A_82] : memref<10240x128xf32, #tpu.memory_space<hbm>> -> memref<10240x128xf32, #tpu.memory_space<hbm>>
      tpu.enqueue_indirect_dma source(%dma_start3A_83 : memref<10240x128xf32, #tpu.memory_space<hbm>>) target(%arg16 : memref<80x128xf32, #tpu.memory_space<vmem>>) offsets(%arg8 : memref<80xi32, #tpu.memory_space<vmem>>) semaphore(%arg22 : memref<!tpu.dma_semaphore, #tpu.memory_space<semaphore_mem>>)
      %dma_wait3A_84 = arith.constant 0 : i32
      %dma_wait3A_85 = arith.constant 0 : i32
      %dma_wait3A_86 = tpu.memref_slice %arg2[%dma_wait3A_84, %dma_wait3A_85] : memref<10240x128xf32, #tpu.memory_space<hbm>> -> memref<10240x128xf32, #tpu.memory_space<hbm>>
      tpu.wait_indirect_dma semaphore(%arg22 : memref<!tpu.dma_semaphore, #tpu.memory_space<semaphore_mem>>) src(%dma_wait3A_86 : memref<10240x128xf32, #tpu.memory_space<hbm>>) dst(%arg16 : memref<80x128xf32, #tpu.memory_space<vmem>>)
      %dma_start3A_87 = arith.constant 0 : i32
      %dma_start3A_88 = arith.constant 0 : i32
      %dma_start3A_89 = tpu.memref_slice %arg6[%dma_start3A_87, %dma_start3A_88] : memref<10240x128xf32, #tpu.memory_space<vmem_shared>> -> memref<10240x128xf32, #tpu.memory_space<vmem_shared>>
      tpu.enqueue_indirect_dma source(%arg16 : memref<80x128xf32, #tpu.memory_space<vmem>>) target(%dma_start3A_89 : memref<10240x128xf32, #tpu.memory_space<vmem_shared>>) offsets(%arg12 : memref<80xi32, #tpu.memory_space<vmem>>) semaphore(%arg24 : memref<!tpu.dma_semaphore, #tpu.memory_space<semaphore_mem>>) {add = true}
      %add3A_90 = arith.constant 1 : i32
      %add3A_91 = arith.addi %mul3A_62, %add3A_90 : i32
      %ge3A_92 = arith.constant 2 : i32
      %ge3A_93 = arith.cmpi sge, %add3A_91, %ge3A_92 : i32
      %convert_element_type3A_94 = arith.extui %ge3A_93 : i1 to i32
      %cond3A_95 = arith.constant 0 : i32
      %cond3A_96 = arith.cmpi ne, %convert_element_type3A_94, %cond3A_95 : i32
      scf.if %cond3A_96 {
        %dma_wait3A_183 = arith.constant 0 : i32
        %dma_wait3A_184 = arith.constant 0 : i32
        %dma_wait3A_185 = tpu.memref_slice %arg6[%dma_wait3A_183, %dma_wait3A_184] : memref<10240x128xf32, #tpu.memory_space<vmem_shared>> -> memref<10240x128xf32, #tpu.memory_space<vmem_shared>>
        tpu.wait_indirect_dma semaphore(%arg25 : memref<!tpu.dma_semaphore, #tpu.memory_space<semaphore_mem>>) src(%arg17 : memref<80x128xf32, #tpu.memory_space<vmem>>) dst(%dma_wait3A_185 : memref<10240x128xf32, #tpu.memory_space<vmem_shared>>)
      } else {
      }
      %add3A_97 = arith.constant 2 : i32
      %add3A_98 = arith.addi %add3A_91, %add3A_97 : i32
      %lt3A_99 = arith.constant 125 : i32
      %lt3A_100 = arith.cmpi slt, %add3A_98, %lt3A_99 : i32
      %convert_element_type3A_101 = arith.extui %lt3A_100 : i1 to i32
      %cond3A_102 = arith.constant 0 : i32
      %cond3A_103 = arith.cmpi ne, %convert_element_type3A_101, %cond3A_102 : i32
      scf.if %cond3A_103 {
        %add3A_183 = arith.constant 2 : i32
        %add3A_184 = arith.addi %add3A_91, %add3A_183 : i32
        %mul3A_185 = arith.constant 80 : i32
        %mul3A_186 = arith.muli %add3A_184, %mul3A_185 : i32
        %add3A_187 = arith.addi %mul3A_11, %mul3A_186 : i32
        %dma_start3A_188 = tpu.memref_slice %arg3[%add3A_187] : memref<320000xi32, #tpu.memory_space<hbm>> -> memref<80xi32, #tpu.memory_space<hbm>>
        %dma_start3A_189 = tpu.memref_slice %arg3[%add3A_187] : memref<320000xi32, #tpu.memory_space<hbm>> -> memref<80xi32, #tpu.memory_space<hbm>>
        tpu.enqueue_dma source(%dma_start3A_189 : memref<80xi32, #tpu.memory_space<hbm>>) target(%arg11 : memref<80xi32, #tpu.memory_space<vmem>>) target_semaphore(%arg21 : memref<!tpu.dma_semaphore, #tpu.memory_space<semaphore_mem>>)
        %dma_start3A_190 = tpu.memref_slice %arg4[%add3A_187] : memref<320000xi32, #tpu.memory_space<hbm>> -> memref<80xi32, #tpu.memory_space<hbm>>
        %dma_start3A_191 = tpu.memref_slice %arg4[%add3A_187] : memref<320000xi32, #tpu.memory_space<hbm>> -> memref<80xi32, #tpu.memory_space<hbm>>
        tpu.enqueue_dma source(%dma_start3A_191 : memref<80xi32, #tpu.memory_space<hbm>>) target(%arg15 : memref<80xi32, #tpu.memory_space<vmem>>) target_semaphore(%arg21 : memref<!tpu.dma_semaphore, #tpu.memory_space<semaphore_mem>>)
      } else {
      }
      %dma_wait3A_104 = arith.constant 0 : i32
      %dma_wait3A_105 = tpu.memref_slice %arg3[%dma_wait3A_104] : memref<320000xi32, #tpu.memory_space<hbm>> -> memref<80xi32, #tpu.memory_space<hbm>>
      %dma_wait3A_106 = arith.constant 0 : i32
      %dma_wait3A_107 = tpu.memref_slice %arg3[%dma_wait3A_106] : memref<320000xi32, #tpu.memory_space<hbm>> -> memref<80xi32, #tpu.memory_space<hbm>>
      tpu.wait_dma2 semaphore(%arg19 : memref<!tpu.dma_semaphore, #tpu.memory_space<semaphore_mem>>) src(%dma_wait3A_107 : memref<80xi32, #tpu.memory_space<hbm>>) dst(%arg9 : memref<80xi32, #tpu.memory_space<vmem>>)
      %dma_wait3A_108 = arith.constant 0 : i32
      %dma_wait3A_109 = tpu.memref_slice %arg4[%dma_wait3A_108] : memref<320000xi32, #tpu.memory_space<hbm>> -> memref<80xi32, #tpu.memory_space<hbm>>
      %dma_wait3A_110 = arith.constant 0 : i32
      %dma_wait3A_111 = tpu.memref_slice %arg4[%dma_wait3A_110] : memref<320000xi32, #tpu.memory_space<hbm>> -> memref<80xi32, #tpu.memory_space<hbm>>
      tpu.wait_dma2 semaphore(%arg19 : memref<!tpu.dma_semaphore, #tpu.memory_space<semaphore_mem>>) src(%dma_wait3A_111 : memref<80xi32, #tpu.memory_space<hbm>>) dst(%arg13 : memref<80xi32, #tpu.memory_space<vmem>>)
      %dma_start3A_112 = arith.constant 0 : i32
      %dma_start3A_113 = arith.constant 0 : i32
      %dma_start3A_114 = tpu.memref_slice %arg2[%dma_start3A_112, %dma_start3A_113] : memref<10240x128xf32, #tpu.memory_space<hbm>> -> memref<10240x128xf32, #tpu.memory_space<hbm>>
      tpu.enqueue_indirect_dma source(%dma_start3A_114 : memref<10240x128xf32, #tpu.memory_space<hbm>>) target(%arg17 : memref<80x128xf32, #tpu.memory_space<vmem>>) offsets(%arg9 : memref<80xi32, #tpu.memory_space<vmem>>) semaphore(%arg23 : memref<!tpu.dma_semaphore, #tpu.memory_space<semaphore_mem>>)
      %dma_wait3A_115 = arith.constant 0 : i32
      %dma_wait3A_116 = arith.constant 0 : i32
      %dma_wait3A_117 = tpu.memref_slice %arg2[%dma_wait3A_115, %dma_wait3A_116] : memref<10240x128xf32, #tpu.memory_space<hbm>> -> memref<10240x128xf32, #tpu.memory_space<hbm>>
      tpu.wait_indirect_dma semaphore(%arg23 : memref<!tpu.dma_semaphore, #tpu.memory_space<semaphore_mem>>) src(%dma_wait3A_117 : memref<10240x128xf32, #tpu.memory_space<hbm>>) dst(%arg17 : memref<80x128xf32, #tpu.memory_space<vmem>>)
      %dma_start3A_118 = arith.constant 0 : i32
      %dma_start3A_119 = arith.constant 0 : i32
      %dma_start3A_120 = tpu.memref_slice %arg6[%dma_start3A_118, %dma_start3A_119] : memref<10240x128xf32, #tpu.memory_space<vmem_shared>> -> memref<10240x128xf32, #tpu.memory_space<vmem_shared>>
      tpu.enqueue_indirect_dma source(%arg17 : memref<80x128xf32, #tpu.memory_space<vmem>>) target(%dma_start3A_120 : memref<10240x128xf32, #tpu.memory_space<vmem_shared>>) offsets(%arg13 : memref<80xi32, #tpu.memory_space<vmem>>) semaphore(%arg25 : memref<!tpu.dma_semaphore, #tpu.memory_space<semaphore_mem>>) {add = true}
      %add3A_121 = arith.constant 2 : i32
      %add3A_122 = arith.addi %mul3A_62, %add3A_121 : i32
      %ge3A_123 = arith.constant 2 : i32
      %ge3A_124 = arith.cmpi sge, %add3A_122, %ge3A_123 : i32
      %convert_element_type3A_125 = arith.extui %ge3A_124 : i1 to i32
      %cond3A_126 = arith.constant 0 : i32
      %cond3A_127 = arith.cmpi ne, %convert_element_type3A_125, %cond3A_126 : i32
      scf.if %cond3A_127 {
        %dma_wait3A_183 = arith.constant 0 : i32
        %dma_wait3A_184 = arith.constant 0 : i32
        %dma_wait3A_185 = tpu.memref_slice %arg6[%dma_wait3A_183, %dma_wait3A_184] : memref<10240x128xf32, #tpu.memory_space<vmem_shared>> -> memref<10240x128xf32, #tpu.memory_space<vmem_shared>>
        tpu.wait_indirect_dma semaphore(%arg24 : memref<!tpu.dma_semaphore, #tpu.memory_space<semaphore_mem>>) src(%arg16 : memref<80x128xf32, #tpu.memory_space<vmem>>) dst(%dma_wait3A_185 : memref<10240x128xf32, #tpu.memory_space<vmem_shared>>)
      } else {
      }
      %add3A_128 = arith.constant 2 : i32
      %add3A_129 = arith.addi %add3A_122, %add3A_128 : i32
      %lt3A_130 = arith.constant 125 : i32
      %lt3A_131 = arith.cmpi slt, %add3A_129, %lt3A_130 : i32
      %convert_element_type3A_132 = arith.extui %lt3A_131 : i1 to i32
      %cond3A_133 = arith.constant 0 : i32
      %cond3A_134 = arith.cmpi ne, %convert_element_type3A_132, %cond3A_133 : i32
      scf.if %cond3A_134 {
        %add3A_183 = arith.constant 2 : i32
        %add3A_184 = arith.addi %add3A_122, %add3A_183 : i32
        %mul3A_185 = arith.constant 80 : i32
        %mul3A_186 = arith.muli %add3A_184, %mul3A_185 : i32
        %add3A_187 = arith.addi %mul3A_11, %mul3A_186 : i32
        %dma_start3A_188 = tpu.memref_slice %arg3[%add3A_187] : memref<320000xi32, #tpu.memory_space<hbm>> -> memref<80xi32, #tpu.memory_space<hbm>>
        %dma_start3A_189 = tpu.memref_slice %arg3[%add3A_187] : memref<320000xi32, #tpu.memory_space<hbm>> -> memref<80xi32, #tpu.memory_space<hbm>>
        tpu.enqueue_dma source(%dma_start3A_189 : memref<80xi32, #tpu.memory_space<hbm>>) target(%arg8 : memref<80xi32, #tpu.memory_space<vmem>>) target_semaphore(%arg18 : memref<!tpu.dma_semaphore, #tpu.memory_space<semaphore_mem>>)
        %dma_start3A_190 = tpu.memref_slice %arg4[%add3A_187] : memref<320000xi32, #tpu.memory_space<hbm>> -> memref<80xi32, #tpu.memory_space<hbm>>
        %dma_start3A_191 = tpu.memref_slice %arg4[%add3A_187] : memref<320000xi32, #tpu.memory_space<hbm>> -> memref<80xi32, #tpu.memory_space<hbm>>
        tpu.enqueue_dma source(%dma_start3A_191 : memref<80xi32, #tpu.memory_space<hbm>>) target(%arg12 : memref<80xi32, #tpu.memory_space<vmem>>) target_semaphore(%arg18 : memref<!tpu.dma_semaphore, #tpu.memory_space<semaphore_mem>>)
      } else {
      }
      %dma_wait3A_135 = arith.constant 0 : i32
      %dma_wait3A_136 = tpu.memref_slice %arg3[%dma_wait3A_135] : memref<320000xi32, #tpu.memory_space<hbm>> -> memref<80xi32, #tpu.memory_space<hbm>>
      %dma_wait3A_137 = arith.constant 0 : i32
      %dma_wait3A_138 = tpu.memref_slice %arg3[%dma_wait3A_137] : memref<320000xi32, #tpu.memory_space<hbm>> -> memref<80xi32, #tpu.memory_space<hbm>>
      tpu.wait_dma2 semaphore(%arg20 : memref<!tpu.dma_semaphore, #tpu.memory_space<semaphore_mem>>) src(%dma_wait3A_138 : memref<80xi32, #tpu.memory_space<hbm>>) dst(%arg10 : memref<80xi32, #tpu.memory_space<vmem>>)
      %dma_wait3A_139 = arith.constant 0 : i32
      %dma_wait3A_140 = tpu.memref_slice %arg4[%dma_wait3A_139] : memref<320000xi32, #tpu.memory_space<hbm>> -> memref<80xi32, #tpu.memory_space<hbm>>
      %dma_wait3A_141 = arith.constant 0 : i32
      %dma_wait3A_142 = tpu.memref_slice %arg4[%dma_wait3A_141] : memref<320000xi32, #tpu.memory_space<hbm>> -> memref<80xi32, #tpu.memory_space<hbm>>
      tpu.wait_dma2 semaphore(%arg20 : memref<!tpu.dma_semaphore, #tpu.memory_space<semaphore_mem>>) src(%dma_wait3A_142 : memref<80xi32, #tpu.memory_space<hbm>>) dst(%arg14 : memref<80xi32, #tpu.memory_space<vmem>>)
      %dma_start3A_143 = arith.constant 0 : i32
      %dma_start3A_144 = arith.constant 0 : i32
      %dma_start3A_145 = tpu.memref_slice %arg2[%dma_start3A_143, %dma_start3A_144] : memref<10240x128xf32, #tpu.memory_space<hbm>> -> memref<10240x128xf32, #tpu.memory_space<hbm>>
      tpu.enqueue_indirect_dma source(%dma_start3A_145 : memref<10240x128xf32, #tpu.memory_space<hbm>>) target(%arg16 : memref<80x128xf32, #tpu.memory_space<vmem>>) offsets(%arg10 : memref<80xi32, #tpu.memory_space<vmem>>) semaphore(%arg22 : memref<!tpu.dma_semaphore, #tpu.memory_space<semaphore_mem>>)
      %dma_wait3A_146 = arith.constant 0 : i32
      %dma_wait3A_147 = arith.constant 0 : i32
      %dma_wait3A_148 = tpu.memref_slice %arg2[%dma_wait3A_146, %dma_wait3A_147] : memref<10240x128xf32, #tpu.memory_space<hbm>> -> memref<10240x128xf32, #tpu.memory_space<hbm>>
      tpu.wait_indirect_dma semaphore(%arg22 : memref<!tpu.dma_semaphore, #tpu.memory_space<semaphore_mem>>) src(%dma_wait3A_148 : memref<10240x128xf32, #tpu.memory_space<hbm>>) dst(%arg16 : memref<80x128xf32, #tpu.memory_space<vmem>>)
      %dma_start3A_149 = arith.constant 0 : i32
      %dma_start3A_150 = arith.constant 0 : i32
      %dma_start3A_151 = tpu.memref_slice %arg6[%dma_start3A_149, %dma_start3A_150] : memref<10240x128xf32, #tpu.memory_space<vmem_shared>> -> memref<10240x128xf32, #tpu.memory_space<vmem_shared>>
      tpu.enqueue_indirect_dma source(%arg16 : memref<80x128xf32, #tpu.memory_space<vmem>>) target(%dma_start3A_151 : memref<10240x128xf32, #tpu.memory_space<vmem_shared>>) offsets(%arg14 : memref<80xi32, #tpu.memory_space<vmem>>) semaphore(%arg24 : memref<!tpu.dma_semaphore, #tpu.memory_space<semaphore_mem>>) {add = true}
      %add3A_152 = arith.constant 3 : i32
      %add3A_153 = arith.addi %mul3A_62, %add3A_152 : i32
      %ge3A_154 = arith.constant 2 : i32
      %ge3A_155 = arith.cmpi sge, %add3A_153, %ge3A_154 : i32
      %convert_element_type3A_156 = arith.extui %ge3A_155 : i1 to i32
      %cond3A_157 = arith.constant 0 : i32
      %cond3A_158 = arith.cmpi ne, %convert_element_type3A_156, %cond3A_157 : i32
      scf.if %cond3A_158 {
        %dma_wait3A_183 = arith.constant 0 : i32
        %dma_wait3A_184 = arith.constant 0 : i32
        %dma_wait3A_185 = tpu.memref_slice %arg6[%dma_wait3A_183, %dma_wait3A_184] : memref<10240x128xf32, #tpu.memory_space<vmem_shared>> -> memref<10240x128xf32, #tpu.memory_space<vmem_shared>>
        tpu.wait_indirect_dma semaphore(%arg25 : memref<!tpu.dma_semaphore, #tpu.memory_space<semaphore_mem>>) src(%arg17 : memref<80x128xf32, #tpu.memory_space<vmem>>) dst(%dma_wait3A_185 : memref<10240x128xf32, #tpu.memory_space<vmem_shared>>)
      } else {
      }
      %add3A_159 = arith.constant 2 : i32
      %add3A_160 = arith.addi %add3A_153, %add3A_159 : i32
      %lt3A_161 = arith.constant 125 : i32
      %lt3A_162 = arith.cmpi slt, %add3A_160, %lt3A_161 : i32
      %convert_element_type3A_163 = arith.extui %lt3A_162 : i1 to i32
      %cond3A_164 = arith.constant 0 : i32
      %cond3A_165 = arith.cmpi ne, %convert_element_type3A_163, %cond3A_164 : i32
      scf.if %cond3A_165 {
        %add3A_183 = arith.constant 2 : i32
        %add3A_184 = arith.addi %add3A_153, %add3A_183 : i32
        %mul3A_185 = arith.constant 80 : i32
        %mul3A_186 = arith.muli %add3A_184, %mul3A_185 : i32
        %add3A_187 = arith.addi %mul3A_11, %mul3A_186 : i32
        %dma_start3A_188 = tpu.memref_slice %arg3[%add3A_187] : memref<320000xi32, #tpu.memory_space<hbm>> -> memref<80xi32, #tpu.memory_space<hbm>>
        %dma_start3A_189 = tpu.memref_slice %arg3[%add3A_187] : memref<320000xi32, #tpu.memory_space<hbm>> -> memref<80xi32, #tpu.memory_space<hbm>>
        tpu.enqueue_dma source(%dma_start3A_189 : memref<80xi32, #tpu.memory_space<hbm>>) target(%arg9 : memref<80xi32, #tpu.memory_space<vmem>>) target_semaphore(%arg19 : memref<!tpu.dma_semaphore, #tpu.memory_space<semaphore_mem>>)
        %dma_start3A_190 = tpu.memref_slice %arg4[%add3A_187] : memref<320000xi32, #tpu.memory_space<hbm>> -> memref<80xi32, #tpu.memory_space<hbm>>
        %dma_start3A_191 = tpu.memref_slice %arg4[%add3A_187] : memref<320000xi32, #tpu.memory_space<hbm>> -> memref<80xi32, #tpu.memory_space<hbm>>
        tpu.enqueue_dma source(%dma_start3A_191 : memref<80xi32, #tpu.memory_space<hbm>>) target(%arg13 : memref<80xi32, #tpu.memory_space<vmem>>) target_semaphore(%arg19 : memref<!tpu.dma_semaphore, #tpu.memory_space<semaphore_mem>>)
      } else {
      }
      %dma_wait3A_166 = arith.constant 0 : i32
      %dma_wait3A_167 = tpu.memref_slice %arg3[%dma_wait3A_166] : memref<320000xi32, #tpu.memory_space<hbm>> -> memref<80xi32, #tpu.memory_space<hbm>>
      %dma_wait3A_168 = arith.constant 0 : i32
      %dma_wait3A_169 = tpu.memref_slice %arg3[%dma_wait3A_168] : memref<320000xi32, #tpu.memory_space<hbm>> -> memref<80xi32, #tpu.memory_space<hbm>>
      tpu.wait_dma2 semaphore(%arg21 : memref<!tpu.dma_semaphore, #tpu.memory_space<semaphore_mem>>) src(%dma_wait3A_169 : memref<80xi32, #tpu.memory_space<hbm>>) dst(%arg11 : memref<80xi32, #tpu.memory_space<vmem>>)
      %dma_wait3A_170 = arith.constant 0 : i32
      %dma_wait3A_171 = tpu.memref_slice %arg4[%dma_wait3A_170] : memref<320000xi32, #tpu.memory_space<hbm>> -> memref<80xi32, #tpu.memory_space<hbm>>
      %dma_wait3A_172 = arith.constant 0 : i32
      %dma_wait3A_173 = tpu.memref_slice %arg4[%dma_wait3A_172] : memref<320000xi32, #tpu.memory_space<hbm>> -> memref<80xi32, #tpu.memory_space<hbm>>
      tpu.wait_dma2 semaphore(%arg21 : memref<!tpu.dma_semaphore, #tpu.memory_space<semaphore_mem>>) src(%dma_wait3A_173 : memref<80xi32, #tpu.memory_space<hbm>>) dst(%arg15 : memref<80xi32, #tpu.memory_space<vmem>>)
      %dma_start3A_174 = arith.constant 0 : i32
      %dma_start3A_175 = arith.constant 0 : i32
      %dma_start3A_176 = tpu.memref_slice %arg2[%dma_start3A_174, %dma_start3A_175] : memref<10240x128xf32, #tpu.memory_space<hbm>> -> memref<10240x128xf32, #tpu.memory_space<hbm>>
      tpu.enqueue_indirect_dma source(%dma_start3A_176 : memref<10240x128xf32, #tpu.memory_space<hbm>>) target(%arg17 : memref<80x128xf32, #tpu.memory_space<vmem>>) offsets(%arg11 : memref<80xi32, #tpu.memory_space<vmem>>) semaphore(%arg23 : memref<!tpu.dma_semaphore, #tpu.memory_space<semaphore_mem>>)
      %dma_wait3A_177 = arith.constant 0 : i32
      %dma_wait3A_178 = arith.constant 0 : i32
      %dma_wait3A_179 = tpu.memref_slice %arg2[%dma_wait3A_177, %dma_wait3A_178] : memref<10240x128xf32, #tpu.memory_space<hbm>> -> memref<10240x128xf32, #tpu.memory_space<hbm>>
      tpu.wait_indirect_dma semaphore(%arg23 : memref<!tpu.dma_semaphore, #tpu.memory_space<semaphore_mem>>) src(%dma_wait3A_179 : memref<10240x128xf32, #tpu.memory_space<hbm>>) dst(%arg17 : memref<80x128xf32, #tpu.memory_space<vmem>>)
      %dma_start3A_180 = arith.constant 0 : i32
      %dma_start3A_181 = arith.constant 0 : i32
      %dma_start3A_182 = tpu.memref_slice %arg6[%dma_start3A_180, %dma_start3A_181] : memref<10240x128xf32, #tpu.memory_space<vmem_shared>> -> memref<10240x128xf32, #tpu.memory_space<vmem_shared>>
      tpu.enqueue_indirect_dma source(%arg17 : memref<80x128xf32, #tpu.memory_space<vmem>>) target(%dma_start3A_182 : memref<10240x128xf32, #tpu.memory_space<vmem_shared>>) offsets(%arg15 : memref<80xi32, #tpu.memory_space<vmem>>) semaphore(%arg25 : memref<!tpu.dma_semaphore, #tpu.memory_space<semaphore_mem>>) {add = true}
    }
    %scan3A_27 = arith.constant 31 : i32
    %dma_wait3A = arith.constant 0 : i32
    %dma_wait3A_28 = arith.constant 0 : i32
    %dma_wait3A_29 = tpu.memref_slice %arg6[%dma_wait3A, %dma_wait3A_28] : memref<10240x128xf32, #tpu.memory_space<vmem_shared>> -> memref<10240x128xf32, #tpu.memory_space<vmem_shared>>
    tpu.wait_indirect_dma semaphore(%arg24 : memref<!tpu.dma_semaphore, #tpu.memory_space<semaphore_mem>>) src(%arg16 : memref<80x128xf32, #tpu.memory_space<vmem>>) dst(%dma_wait3A_29 : memref<10240x128xf32, #tpu.memory_space<vmem_shared>>)
    %dma_wait3A_30 = arith.constant 0 : i32
    %dma_wait3A_31 = tpu.memref_slice %arg3[%dma_wait3A_30] : memref<320000xi32, #tpu.memory_space<hbm>> -> memref<80xi32, #tpu.memory_space<hbm>>
    %dma_wait3A_32 = arith.constant 0 : i32
    %dma_wait3A_33 = tpu.memref_slice %arg3[%dma_wait3A_32] : memref<320000xi32, #tpu.memory_space<hbm>> -> memref<80xi32, #tpu.memory_space<hbm>>
    tpu.wait_dma2 semaphore(%arg18 : memref<!tpu.dma_semaphore, #tpu.memory_space<semaphore_mem>>) src(%dma_wait3A_33 : memref<80xi32, #tpu.memory_space<hbm>>) dst(%arg8 : memref<80xi32, #tpu.memory_space<vmem>>)
    %dma_wait3A_34 = arith.constant 0 : i32
    %dma_wait3A_35 = tpu.memref_slice %arg4[%dma_wait3A_34] : memref<320000xi32, #tpu.memory_space<hbm>> -> memref<80xi32, #tpu.memory_space<hbm>>
    %dma_wait3A_36 = arith.constant 0 : i32
    %dma_wait3A_37 = tpu.memref_slice %arg4[%dma_wait3A_36] : memref<320000xi32, #tpu.memory_space<hbm>> -> memref<80xi32, #tpu.memory_space<hbm>>
    tpu.wait_dma2 semaphore(%arg18 : memref<!tpu.dma_semaphore, #tpu.memory_space<semaphore_mem>>) src(%dma_wait3A_37 : memref<80xi32, #tpu.memory_space<hbm>>) dst(%arg12 : memref<80xi32, #tpu.memory_space<vmem>>)
    %dma_start3A_38 = arith.constant 0 : i32
    %dma_start3A_39 = arith.constant 0 : i32
    %dma_start3A_40 = tpu.memref_slice %arg2[%dma_start3A_38, %dma_start3A_39] : memref<10240x128xf32, #tpu.memory_space<hbm>> -> memref<10240x128xf32, #tpu.memory_space<hbm>>
    tpu.enqueue_indirect_dma source(%dma_start3A_40 : memref<10240x128xf32, #tpu.memory_space<hbm>>) target(%arg16 : memref<80x128xf32, #tpu.memory_space<vmem>>) offsets(%arg8 : memref<80xi32, #tpu.memory_space<vmem>>) semaphore(%arg22 : memref<!tpu.dma_semaphore, #tpu.memory_space<semaphore_mem>>)
    %dma_wait3A_41 = arith.constant 0 : i32
    %dma_wait3A_42 = arith.constant 0 : i32
    %dma_wait3A_43 = tpu.memref_slice %arg2[%dma_wait3A_41, %dma_wait3A_42] : memref<10240x128xf32, #tpu.memory_space<hbm>> -> memref<10240x128xf32, #tpu.memory_space<hbm>>
    tpu.wait_indirect_dma semaphore(%arg22 : memref<!tpu.dma_semaphore, #tpu.memory_space<semaphore_mem>>) src(%dma_wait3A_43 : memref<10240x128xf32, #tpu.memory_space<hbm>>) dst(%arg16 : memref<80x128xf32, #tpu.memory_space<vmem>>)
    %dma_start3A_44 = arith.constant 0 : i32
    %dma_start3A_45 = arith.constant 0 : i32
    %dma_start3A_46 = tpu.memref_slice %arg6[%dma_start3A_44, %dma_start3A_45] : memref<10240x128xf32, #tpu.memory_space<vmem_shared>> -> memref<10240x128xf32, #tpu.memory_space<vmem_shared>>
    tpu.enqueue_indirect_dma source(%arg16 : memref<80x128xf32, #tpu.memory_space<vmem>>) target(%dma_start3A_46 : memref<10240x128xf32, #tpu.memory_space<vmem_shared>>) offsets(%arg12 : memref<80xi32, #tpu.memory_space<vmem>>) semaphore(%arg24 : memref<!tpu.dma_semaphore, #tpu.memory_space<semaphore_mem>>) {add = true}
    %dma_wait3A_47 = arith.constant 0 : i32
    %dma_wait3A_48 = arith.constant 0 : i32
    %dma_wait3A_49 = tpu.memref_slice %arg6[%dma_wait3A_47, %dma_wait3A_48] : memref<10240x128xf32, #tpu.memory_space<vmem_shared>> -> memref<10240x128xf32, #tpu.memory_space<vmem_shared>>
    tpu.wait_indirect_dma semaphore(%arg25 : memref<!tpu.dma_semaphore, #tpu.memory_space<semaphore_mem>>) src(%arg17 : memref<80x128xf32, #tpu.memory_space<vmem>>) dst(%dma_wait3A_49 : memref<10240x128xf32, #tpu.memory_space<vmem_shared>>)
    %dma_wait3A_50 = arith.constant 0 : i32
    %dma_wait3A_51 = arith.constant 0 : i32
    %dma_wait3A_52 = tpu.memref_slice %arg6[%dma_wait3A_50, %dma_wait3A_51] : memref<10240x128xf32, #tpu.memory_space<vmem_shared>> -> memref<10240x128xf32, #tpu.memory_space<vmem_shared>>
    tpu.wait_indirect_dma semaphore(%arg24 : memref<!tpu.dma_semaphore, #tpu.memory_space<semaphore_mem>>) src(%arg16 : memref<80x128xf32, #tpu.memory_space<vmem>>) dst(%dma_wait3A_52 : memref<10240x128xf32, #tpu.memory_space<vmem_shared>>)
    %barrier3A_53 = arith.constant 0 : index
    tpu.barrier barrier_id(%barrier3A_53)
    %mul3A_54 = arith.constant 640 : i32
    %mul3A_55 = arith.muli %arg1, %mul3A_54 : i32
    "tpu.region"() ({
      %run_scoped3A = tpu.sem_alloc : memref<!tpu.dma_semaphore, #tpu.memory_space<semaphore_mem>>
      %dma_start3A_56 = arith.constant 0 : i32
      %dma_start3A_57 = tpu.memref_slice %arg5[%arg0, %mul3A_55, %dma_start3A_56] : memref<2x10240x128xf32, #tpu.memory_space<hbm>> -> memref<1x640x128xf32, #tpu.memory_space<hbm>>
      %dma_start3A_58 = tpu.memref_squeeze %dma_start3A_57 : memref<1x640x128xf32, #tpu.memory_space<hbm>> -> memref<640x128xf32, #tpu.memory_space<hbm>>
      %dma_start3A_59 = arith.constant 0 : i32
      %dma_start3A_60 = tpu.memref_slice %arg6[%mul3A_55, %dma_start3A_59] : memref<10240x128xf32, #tpu.memory_space<vmem_shared>> -> memref<640x128xf32, #tpu.memory_space<vmem_shared>>
      tpu.enqueue_dma source(%dma_start3A_60 : memref<640x128xf32, #tpu.memory_space<vmem_shared>>) target(%dma_start3A_58 : memref<640x128xf32, #tpu.memory_space<hbm>>) target_semaphore(%run_scoped3A : memref<!tpu.dma_semaphore, #tpu.memory_space<semaphore_mem>>)
      %dma_wait3A_61 = arith.constant 0 : i32
      %dma_wait3A_62 = tpu.memref_slice %arg5[%arg0, %mul3A_55, %dma_wait3A_61] : memref<2x10240x128xf32, #tpu.memory_space<hbm>> -> memref<1x640x128xf32, #tpu.memory_space<hbm>>
      %dma_wait3A_63 = tpu.memref_squeeze %dma_wait3A_62 : memref<1x640x128xf32, #tpu.memory_space<hbm>> -> memref<640x128xf32, #tpu.memory_space<hbm>>
      %dma_wait3A_64 = arith.constant 0 : i32
      %dma_wait3A_65 = tpu.memref_slice %arg6[%mul3A_55, %dma_wait3A_64] : memref<10240x128xf32, #tpu.memory_space<vmem_shared>> -> memref<640x128xf32, #tpu.memory_space<vmem_shared>>
      tpu.wait_dma2 semaphore(%run_scoped3A : memref<!tpu.dma_semaphore, #tpu.memory_space<semaphore_mem>>) src(%dma_wait3A_65 : memref<640x128xf32, #tpu.memory_space<vmem_shared>>) dst(%dma_wait3A_63 : memref<640x128xf32, #tpu.memory_space<hbm>>)
      tpu.yield
    }) : () -> ()
    return
  }
}

#map = affine_map<(d0, d1) -> (0, 0)>
#map1 = affine_map<(d0, d1) -> (0)>
#map2 = affine_map<(d0, d1) -> (0, 0, 0)>
module attributes {stable_mosaic.version = 14 : i64} {
  func.func @agg_kernel(%arg0: i32, %arg1: i32, %arg2: memref<10240x128xf32, #tpu.memory_space<hbm>>, %arg3: memref<320000xi32, #tpu.memory_space<hbm>>, %arg4: memref<320000xi32, #tpu.memory_space<hbm>>, %arg5: memref<2x10240x128xf32, #tpu.memory_space<hbm>>, %arg6: memref<10240x128xf32, #tpu.memory_space<vmem_shared>>, %arg7: memref<40x128xf32, #tpu.memory_space<vmem>>, %arg8: memref<80xi32, #tpu.memory_space<vmem>>, %arg9: memref<80xi32, #tpu.memory_space<vmem>>, %arg10: memref<80xi32, #tpu.memory_space<vmem>>, %arg11: memref<80xi32, #tpu.memory_space<vmem>>, %arg12: memref<80xi32, #tpu.memory_space<vmem>>, %arg13: memref<80xi32, #tpu.memory_space<vmem>>, %arg14: memref<80xi32, #tpu.memory_space<vmem>>, %arg15: memref<80xi32, #tpu.memory_space<vmem>>, %arg16: memref<80x128xf32, #tpu.memory_space<vmem>>, %arg17: memref<80x128xf32, #tpu.memory_space<vmem>>, %arg18: memref<!tpu.dma_semaphore, #tpu.memory_space<semaphore_mem>>, %arg19: memref<!tpu.dma_semaphore, #tpu.memory_space<semaphore_mem>>, %arg20: memref<!tpu.dma_semaphore, #tpu.memory_space<semaphore_mem>>, %arg21: memref<!tpu.dma_semaphore, #tpu.memory_space<semaphore_mem>>, %arg22: memref<!tpu.dma_semaphore, #tpu.memory_space<semaphore_mem>>, %arg23: memref<!tpu.dma_semaphore, #tpu.memory_space<semaphore_mem>>, %arg24: memref<!tpu.dma_semaphore, #tpu.memory_space<semaphore_mem>>, %arg25: memref<!tpu.dma_semaphore, #tpu.memory_space<semaphore_mem>>) attributes {dimension_semantics = [#tpu.dimension_semantics<core_parallel>, #tpu.dimension_semantics<subcore_parallel>], iteration_bounds = array<i64: 2, 16>, scalar_prefetch = 0 : i64, scratch_operands = 20 : i64, tpu.core_type = #tpu.core_type<sc_vector_subcore>, window_params = [{transform_indices = #map}, {transform_indices = #map1}, {transform_indices = #map1}, {transform_indices = #map2}]} {
    %mul3A = arith.constant 2 : i32
    %mul3A_0 = arith.muli %arg1, %mul3A : i32
    %add3A = arith.addi %mul3A_0, %arg0 : i32
    %scan3A = arith.constant 0 : i32
    %scan3A_1 = arith.constant 40 : i32
    %scan3A_2 = arith.addi %scan3A, %scan3A_1 : i32
    %scan3A_3 = arith.constant 1 : i32
    scf.for %scan3A_56 = %scan3A to %scan3A_2 step %scan3A_3  : i32 {
      %mul3A_57 = arith.constant 1 : i32
      %mul3A_58 = arith.muli %scan3A_56, %mul3A_57 : i32
      %add3A_59 = arith.constant 0 : i32
      %add3A_60 = arith.addi %add3A_59, %mul3A_58 : i32
      %scan3A_61 = arith.constant 0 : i32
      %scan3A_62 = arith.constant 8 : i32
      %scan3A_63 = arith.addi %scan3A_61, %scan3A_62 : i32
      %scan3A_64 = arith.constant 1 : i32
      scf.for %scan3A_66 = %scan3A_61 to %scan3A_63 step %scan3A_64  : i32 {
        %mul3A_67 = arith.constant 16 : i32
        %mul3A_68 = arith.muli %scan3A_66, %mul3A_67 : i32
        %add3A_69 = arith.constant 0 : i32
        %add3A_70 = arith.addi %add3A_69, %mul3A_68 : i32
        %broadcast_in_dim3A = arith.constant 0.000000e+00 : f32
        %broadcast_in_dim3A_71 = vector.broadcast %broadcast_in_dim3A : f32 to vector<16xf32>
        %swap3A = arith.index_cast %add3A_60 : i32 to index
        %swap3A_72 = arith.index_cast %add3A_70 : i32 to index
        %swap3A_73 = tpu.vector_load %arg7[%swap3A, %swap3A_72] {strides = array<i32>} : memref<40x128xf32, #tpu.memory_space<vmem>>, vector<1x16xf32>,
        %swap3A_74 = vector.shape_cast %swap3A_73 : vector<1x16xf32> to vector<16xf32>
        %swap3A_75 = vector.shape_cast %broadcast_in_dim3A_71 : vector<16xf32> to vector<1x16xf32>
        tpu.vector_store %arg7[%swap3A, %swap3A_72], %swap3A_75 {strides = array<i32>} : memref<40x128xf32, #tpu.memory_space<vmem>>, vector<1x16xf32>,
      }
      %scan3A_65 = arith.constant 8 : i32
    }
    %scan3A_4 = arith.constant 40 : i32
    %scan3A_5 = arith.constant 0 : i32
    %scan3A_6 = arith.constant 16 : i32
    %scan3A_7 = arith.addi %scan3A_5, %scan3A_6 : i32
    %scan3A_8 = arith.constant 1 : i32
    scf.for %scan3A_56 = %scan3A_5 to %scan3A_7 step %scan3A_8  : i32 {
      %mul3A_57 = arith.constant 1 : i32
      %mul3A_58 = arith.muli %scan3A_56, %mul3A_57 : i32
      %add3A_59 = arith.constant 0 : i32
      %add3A_60 = arith.addi %add3A_59, %mul3A_58 : i32
      %mul3A_61 = arith.constant 640 : i32
      %mul3A_62 = arith.muli %arg1, %mul3A_61 : i32
      %mul3A_63 = arith.constant 40 : i32
      %mul3A_64 = arith.muli %add3A_60, %mul3A_63 : i32
      %add3A_65 = arith.addi %mul3A_62, %mul3A_64 : i32
      "tpu.region"() ({
        %run_scoped3A = tpu.sem_alloc : memref<!tpu.dma_semaphore, #tpu.memory_space<semaphore_mem>>
        %dma_start3A_66 = arith.constant 0 : i32
        %dma_start3A_67 = tpu.memref_slice %arg6[%add3A_65, %dma_start3A_66] : memref<10240x128xf32, #tpu.memory_space<vmem_shared>> -> memref<40x128xf32, #tpu.memory_space<vmem_shared>>
        %dma_start3A_68 = arith.constant 0 : i32
        %dma_start3A_69 = tpu.memref_slice %arg6[%add3A_65, %dma_start3A_68] : memref<10240x128xf32, #tpu.memory_space<vmem_shared>> -> memref<40x128xf32, #tpu.memory_space<vmem_shared>>
        tpu.enqueue_dma source(%arg7 : memref<40x128xf32, #tpu.memory_space<vmem>>) target(%dma_start3A_69 : memref<40x128xf32, #tpu.memory_space<vmem_shared>>) target_semaphore(%run_scoped3A : memref<!tpu.dma_semaphore, #tpu.memory_space<semaphore_mem>>)
        %dma_wait3A_70 = arith.constant 0 : i32
        %dma_wait3A_71 = tpu.memref_slice %arg6[%add3A_65, %dma_wait3A_70] : memref<10240x128xf32, #tpu.memory_space<vmem_shared>> -> memref<40x128xf32, #tpu.memory_space<vmem_shared>>
        %dma_wait3A_72 = arith.constant 0 : i32
        %dma_wait3A_73 = tpu.memref_slice %arg6[%add3A_65, %dma_wait3A_72] : memref<10240x128xf32, #tpu.memory_space<vmem_shared>> -> memref<40x128xf32, #tpu.memory_space<vmem_shared>>
        tpu.wait_dma2 semaphore(%run_scoped3A : memref<!tpu.dma_semaphore, #tpu.memory_space<semaphore_mem>>) src(%arg7 : memref<40x128xf32, #tpu.memory_space<vmem>>) dst(%dma_wait3A_73 : memref<40x128xf32, #tpu.memory_space<vmem_shared>>)
        tpu.yield
      }) : () -> ()
    }
    %scan3A_9 = arith.constant 16 : i32
    %barrier3A = arith.constant 0 : index
    tpu.barrier barrier_id(%barrier3A)
    %mul3A_10 = arith.constant 10000 : i32
    %mul3A_11 = arith.muli %add3A, %mul3A_10 : i32
    %add3A_12 = arith.constant 0 : i32
    %add3A_13 = arith.addi %mul3A_11, %add3A_12 : i32
    %dma_start3A = tpu.memref_slice %arg3[%add3A_13] : memref<320000xi32, #tpu.memory_space<hbm>> -> memref<80xi32, #tpu.memory_space<hbm>>
    %dma_start3A_14 = tpu.memref_slice %arg3[%add3A_13] : memref<320000xi32, #tpu.memory_space<hbm>> -> memref<80xi32, #tpu.memory_space<hbm>>
    tpu.enqueue_dma source(%dma_start3A_14 : memref<80xi32, #tpu.memory_space<hbm>>) target(%arg8 : memref<80xi32, #tpu.memory_space<vmem>>) target_semaphore(%arg18 : memref<!tpu.dma_semaphore, #tpu.memory_space<semaphore_mem>>)
    %dma_start3A_15 = tpu.memref_slice %arg4[%add3A_13] : memref<320000xi32, #tpu.memory_space<hbm>> -> memref<80xi32, #tpu.memory_space<hbm>>
    %dma_start3A_16 = tpu.memref_slice %arg4[%add3A_13] : memref<320000xi32, #tpu.memory_space<hbm>> -> memref<80xi32, #tpu.memory_space<hbm>>
    tpu.enqueue_dma source(%dma_start3A_16 : memref<80xi32, #tpu.memory_space<hbm>>) target(%arg12 : memref<80xi32, #tpu.memory_space<vmem>>) target_semaphore(%arg18 : memref<!tpu.dma_semaphore, #tpu.memory_space<semaphore_mem>>)
    %add3A_17 = arith.constant 80 : i32
    %add3A_18 = arith.addi %mul3A_11, %add3A_17 : i32
    %dma_start3A_19 = tpu.memref_slice %arg3[%add3A_18] : memref<320000xi32, #tpu.memory_space<hbm>> -> memref<80xi32, #tpu.memory_space<hbm>>
    %dma_start3A_20 = tpu.memref_slice %arg3[%add3A_18] : memref<320000xi32, #tpu.memory_space<hbm>> -> memref<80xi32, #tpu.memory_space<hbm>>
    tpu.enqueue_dma source(%dma_start3A_20 : memref<80xi32, #tpu.memory_space<hbm>>) target(%arg9 : memref<80xi32, #tpu.memory_space<vmem>>) target_semaphore(%arg19 : memref<!tpu.dma_semaphore, #tpu.memory_space<semaphore_mem>>)
    %dma_start3A_21 = tpu.memref_slice %arg4[%add3A_18] : memref<320000xi32, #tpu.memory_space<hbm>> -> memref<80xi32, #tpu.memory_space<hbm>>
    %dma_start3A_22 = tpu.memref_slice %arg4[%add3A_18] : memref<320000xi32, #tpu.memory_space<hbm>> -> memref<80xi32, #tpu.memory_space<hbm>>
    tpu.enqueue_dma source(%dma_start3A_22 : memref<80xi32, #tpu.memory_space<hbm>>) target(%arg13 : memref<80xi32, #tpu.memory_space<vmem>>) target_semaphore(%arg19 : memref<!tpu.dma_semaphore, #tpu.memory_space<semaphore_mem>>)
    %scan3A_23 = arith.constant 0 : i32
    %scan3A_24 = arith.constant 31 : i32
    %scan3A_25 = arith.addi %scan3A_23, %scan3A_24 : i32
    %scan3A_26 = arith.constant 1 : i32
    scf.for %scan3A_56 = %scan3A_23 to %scan3A_25 step %scan3A_26  : i32 {
      %mul3A_57 = arith.constant 1 : i32
      %mul3A_58 = arith.muli %scan3A_56, %mul3A_57 : i32
      %add3A_59 = arith.constant 0 : i32
      %add3A_60 = arith.addi %add3A_59, %mul3A_58 : i32
      %mul3A_61 = arith.constant 4 : i32
      %mul3A_62 = arith.muli %add3A_60, %mul3A_61 : i32
      %add3A_63 = arith.constant 0 : i32
      %add3A_64 = arith.addi %mul3A_62, %add3A_63 : i32
      %ge3A = arith.constant 2 : i32
      %ge3A_65 = arith.cmpi sge, %add3A_64, %ge3A : i32
      %convert_element_type3A = arith.extui %ge3A_65 : i1 to i32
      %cond3A = arith.constant 0 : i32
      %cond3A_66 = arith.cmpi ne, %convert_element_type3A, %cond3A : i32
      scf.if %cond3A_66 {
        %dma_wait3A_183 = arith.constant 0 : i32
        %dma_wait3A_184 = arith.constant 0 : i32
        %dma_wait3A_185 = tpu.memref_slice %arg6[%dma_wait3A_183, %dma_wait3A_184] : memref<10240x128xf32, #tpu.memory_space<vmem_shared>> -> memref<10240x128xf32, #tpu.memory_space<vmem_shared>>
        tpu.wait_indirect_dma semaphore(%arg24 : memref<!tpu.dma_semaphore, #tpu.memory_space<semaphore_mem>>) src(%arg16 : memref<80x128xf32, #tpu.memory_space<vmem>>) dst(%dma_wait3A_185 : memref<10240x128xf32, #tpu.memory_space<vmem_shared>>)
      } else {
      }
      %add3A_67 = arith.constant 2 : i32
      %add3A_68 = arith.addi %add3A_64, %add3A_67 : i32
      %lt3A = arith.constant 125 : i32
      %lt3A_69 = arith.cmpi slt, %add3A_68, %lt3A : i32
      %convert_element_type3A_70 = arith.extui %lt3A_69 : i1 to i32
      %cond3A_71 = arith.constant 0 : i32
      %cond3A_72 = arith.cmpi ne, %convert_element_type3A_70, %cond3A_71 : i32
      scf.if %cond3A_72 {
        %add3A_183 = arith.constant 2 : i32
        %add3A_184 = arith.addi %add3A_64, %add3A_183 : i32
        %mul3A_185 = arith.constant 80 : i32
        %mul3A_186 = arith.muli %add3A_184, %mul3A_185 : i32
        %add3A_187 = arith.addi %mul3A_11, %mul3A_186 : i32
        %dma_start3A_188 = tpu.memref_slice %arg3[%add3A_187] : memref<320000xi32, #tpu.memory_space<hbm>> -> memref<80xi32, #tpu.memory_space<hbm>>
        %dma_start3A_189 = tpu.memref_slice %arg3[%add3A_187] : memref<320000xi32, #tpu.memory_space<hbm>> -> memref<80xi32, #tpu.memory_space<hbm>>
        tpu.enqueue_dma source(%dma_start3A_189 : memref<80xi32, #tpu.memory_space<hbm>>) target(%arg10 : memref<80xi32, #tpu.memory_space<vmem>>) target_semaphore(%arg20 : memref<!tpu.dma_semaphore, #tpu.memory_space<semaphore_mem>>)
        %dma_start3A_190 = tpu.memref_slice %arg4[%add3A_187] : memref<320000xi32, #tpu.memory_space<hbm>> -> memref<80xi32, #tpu.memory_space<hbm>>
        %dma_start3A_191 = tpu.memref_slice %arg4[%add3A_187] : memref<320000xi32, #tpu.memory_space<hbm>> -> memref<80xi32, #tpu.memory_space<hbm>>
        tpu.enqueue_dma source(%dma_start3A_191 : memref<80xi32, #tpu.memory_space<hbm>>) target(%arg14 : memref<80xi32, #tpu.memory_space<vmem>>) target_semaphore(%arg20 : memref<!tpu.dma_semaphore, #tpu.memory_space<semaphore_mem>>)
      } else {
      }
      %dma_wait3A_73 = arith.constant 0 : i32
      %dma_wait3A_74 = tpu.memref_slice %arg3[%dma_wait3A_73] : memref<320000xi32, #tpu.memory_space<hbm>> -> memref<80xi32, #tpu.memory_space<hbm>>
      %dma_wait3A_75 = arith.constant 0 : i32
      %dma_wait3A_76 = tpu.memref_slice %arg3[%dma_wait3A_75] : memref<320000xi32, #tpu.memory_space<hbm>> -> memref<80xi32, #tpu.memory_space<hbm>>
      tpu.wait_dma2 semaphore(%arg18 : memref<!tpu.dma_semaphore, #tpu.memory_space<semaphore_mem>>) src(%dma_wait3A_76 : memref<80xi32, #tpu.memory_space<hbm>>) dst(%arg8 : memref<80xi32, #tpu.memory_space<vmem>>)
      %dma_wait3A_77 = arith.constant 0 : i32
      %dma_wait3A_78 = tpu.memref_slice %arg4[%dma_wait3A_77] : memref<320000xi32, #tpu.memory_space<hbm>> -> memref<80xi32, #tpu.memory_space<hbm>>
      %dma_wait3A_79 = arith.constant 0 : i32
      %dma_wait3A_80 = tpu.memref_slice %arg4[%dma_wait3A_79] : memref<320000xi32, #tpu.memory_space<hbm>> -> memref<80xi32, #tpu.memory_space<hbm>>
      tpu.wait_dma2 semaphore(%arg18 : memref<!tpu.dma_semaphore, #tpu.memory_space<semaphore_mem>>) src(%dma_wait3A_80 : memref<80xi32, #tpu.memory_space<hbm>>) dst(%arg12 : memref<80xi32, #tpu.memory_space<vmem>>)
      %dma_start3A_81 = arith.constant 0 : i32
      %dma_start3A_82 = arith.constant 0 : i32
      %dma_start3A_83 = tpu.memref_slice %arg2[%dma_start3A_81, %dma_start3A_82] : memref<10240x128xf32, #tpu.memory_space<hbm>> -> memref<10240x128xf32, #tpu.memory_space<hbm>>
      tpu.enqueue_indirect_dma source(%dma_start3A_83 : memref<10240x128xf32, #tpu.memory_space<hbm>>) target(%arg16 : memref<80x128xf32, #tpu.memory_space<vmem>>) offsets(%arg8 : memref<80xi32, #tpu.memory_space<vmem>>) semaphore(%arg22 : memref<!tpu.dma_semaphore, #tpu.memory_space<semaphore_mem>>)
      %dma_wait3A_84 = arith.constant 0 : i32
      %dma_wait3A_85 = arith.constant 0 : i32
      %dma_wait3A_86 = tpu.memref_slice %arg2[%dma_wait3A_84, %dma_wait3A_85] : memref<10240x128xf32, #tpu.memory_space<hbm>> -> memref<10240x128xf32, #tpu.memory_space<hbm>>
      tpu.wait_indirect_dma semaphore(%arg22 : memref<!tpu.dma_semaphore, #tpu.memory_space<semaphore_mem>>) src(%dma_wait3A_86 : memref<10240x128xf32, #tpu.memory_space<hbm>>) dst(%arg16 : memref<80x128xf32, #tpu.memory_space<vmem>>)
      %dma_start3A_87 = arith.constant 0 : i32
      %dma_start3A_88 = arith.constant 0 : i32
      %dma_start3A_89 = tpu.memref_slice %arg6[%dma_start3A_87, %dma_start3A_88] : memref<10240x128xf32, #tpu.memory_space<vmem_shared>> -> memref<10240x128xf32, #tpu.memory_space<vmem_shared>>
      tpu.enqueue_indirect_dma source(%arg16 : memref<80x128xf32, #tpu.memory_space<vmem>>) target(%dma_start3A_89 : memref<10240x128xf32, #tpu.memory_space<vmem_shared>>) offsets(%arg12 : memref<80xi32, #tpu.memory_space<vmem>>) semaphore(%arg24 : memref<!tpu.dma_semaphore, #tpu.memory_space<semaphore_mem>>) {add = true}
      %add3A_90 = arith.constant 1 : i32
      %add3A_91 = arith.addi %mul3A_62, %add3A_90 : i32
      %ge3A_92 = arith.constant 2 : i32
      %ge3A_93 = arith.cmpi sge, %add3A_91, %ge3A_92 : i32
      %convert_element_type3A_94 = arith.extui %ge3A_93 : i1 to i32
      %cond3A_95 = arith.constant 0 : i32
      %cond3A_96 = arith.cmpi ne, %convert_element_type3A_94, %cond3A_95 : i32
      scf.if %cond3A_96 {
        %dma_wait3A_183 = arith.constant 0 : i32
        %dma_wait3A_184 = arith.constant 0 : i32
        %dma_wait3A_185 = tpu.memref_slice %arg6[%dma_wait3A_183, %dma_wait3A_184] : memref<10240x128xf32, #tpu.memory_space<vmem_shared>> -> memref<10240x128xf32, #tpu.memory_space<vmem_shared>>
        tpu.wait_indirect_dma semaphore(%arg25 : memref<!tpu.dma_semaphore, #tpu.memory_space<semaphore_mem>>) src(%arg17 : memref<80x128xf32, #tpu.memory_space<vmem>>) dst(%dma_wait3A_185 : memref<10240x128xf32, #tpu.memory_space<vmem_shared>>)
      } else {
      }
      %add3A_97 = arith.constant 2 : i32
      %add3A_98 = arith.addi %add3A_91, %add3A_97 : i32
      %lt3A_99 = arith.constant 125 : i32
      %lt3A_100 = arith.cmpi slt, %add3A_98, %lt3A_99 : i32
      %convert_element_type3A_101 = arith.extui %lt3A_100 : i1 to i32
      %cond3A_102 = arith.constant 0 : i32
      %cond3A_103 = arith.cmpi ne, %convert_element_type3A_101, %cond3A_102 : i32
      scf.if %cond3A_103 {
        %add3A_183 = arith.constant 2 : i32
        %add3A_184 = arith.addi %add3A_91, %add3A_183 : i32
        %mul3A_185 = arith.constant 80 : i32
        %mul3A_186 = arith.muli %add3A_184, %mul3A_185 : i32
        %add3A_187 = arith.addi %mul3A_11, %mul3A_186 : i32
        %dma_start3A_188 = tpu.memref_slice %arg3[%add3A_187] : memref<320000xi32, #tpu.memory_space<hbm>> -> memref<80xi32, #tpu.memory_space<hbm>>
        %dma_start3A_189 = tpu.memref_slice %arg3[%add3A_187] : memref<320000xi32, #tpu.memory_space<hbm>> -> memref<80xi32, #tpu.memory_space<hbm>>
        tpu.enqueue_dma source(%dma_start3A_189 : memref<80xi32, #tpu.memory_space<hbm>>) target(%arg11 : memref<80xi32, #tpu.memory_space<vmem>>) target_semaphore(%arg21 : memref<!tpu.dma_semaphore, #tpu.memory_space<semaphore_mem>>)
        %dma_start3A_190 = tpu.memref_slice %arg4[%add3A_187] : memref<320000xi32, #tpu.memory_space<hbm>> -> memref<80xi32, #tpu.memory_space<hbm>>
        %dma_start3A_191 = tpu.memref_slice %arg4[%add3A_187] : memref<320000xi32, #tpu.memory_space<hbm>> -> memref<80xi32, #tpu.memory_space<hbm>>
        tpu.enqueue_dma source(%dma_start3A_191 : memref<80xi32, #tpu.memory_space<hbm>>) target(%arg15 : memref<80xi32, #tpu.memory_space<vmem>>) target_semaphore(%arg21 : memref<!tpu.dma_semaphore, #tpu.memory_space<semaphore_mem>>)
      } else {
      }
      %dma_wait3A_104 = arith.constant 0 : i32
      %dma_wait3A_105 = tpu.memref_slice %arg3[%dma_wait3A_104] : memref<320000xi32, #tpu.memory_space<hbm>> -> memref<80xi32, #tpu.memory_space<hbm>>
      %dma_wait3A_106 = arith.constant 0 : i32
      %dma_wait3A_107 = tpu.memref_slice %arg3[%dma_wait3A_106] : memref<320000xi32, #tpu.memory_space<hbm>> -> memref<80xi32, #tpu.memory_space<hbm>>
      tpu.wait_dma2 semaphore(%arg19 : memref<!tpu.dma_semaphore, #tpu.memory_space<semaphore_mem>>) src(%dma_wait3A_107 : memref<80xi32, #tpu.memory_space<hbm>>) dst(%arg9 : memref<80xi32, #tpu.memory_space<vmem>>)
      %dma_wait3A_108 = arith.constant 0 : i32
      %dma_wait3A_109 = tpu.memref_slice %arg4[%dma_wait3A_108] : memref<320000xi32, #tpu.memory_space<hbm>> -> memref<80xi32, #tpu.memory_space<hbm>>
      %dma_wait3A_110 = arith.constant 0 : i32
      %dma_wait3A_111 = tpu.memref_slice %arg4[%dma_wait3A_110] : memref<320000xi32, #tpu.memory_space<hbm>> -> memref<80xi32, #tpu.memory_space<hbm>>
      tpu.wait_dma2 semaphore(%arg19 : memref<!tpu.dma_semaphore, #tpu.memory_space<semaphore_mem>>) src(%dma_wait3A_111 : memref<80xi32, #tpu.memory_space<hbm>>) dst(%arg13 : memref<80xi32, #tpu.memory_space<vmem>>)
      %dma_start3A_112 = arith.constant 0 : i32
      %dma_start3A_113 = arith.constant 0 : i32
      %dma_start3A_114 = tpu.memref_slice %arg2[%dma_start3A_112, %dma_start3A_113] : memref<10240x128xf32, #tpu.memory_space<hbm>> -> memref<10240x128xf32, #tpu.memory_space<hbm>>
      tpu.enqueue_indirect_dma source(%dma_start3A_114 : memref<10240x128xf32, #tpu.memory_space<hbm>>) target(%arg17 : memref<80x128xf32, #tpu.memory_space<vmem>>) offsets(%arg9 : memref<80xi32, #tpu.memory_space<vmem>>) semaphore(%arg23 : memref<!tpu.dma_semaphore, #tpu.memory_space<semaphore_mem>>)
      %dma_wait3A_115 = arith.constant 0 : i32
      %dma_wait3A_116 = arith.constant 0 : i32
      %dma_wait3A_117 = tpu.memref_slice %arg2[%dma_wait3A_115, %dma_wait3A_116] : memref<10240x128xf32, #tpu.memory_space<hbm>> -> memref<10240x128xf32, #tpu.memory_space<hbm>>
      tpu.wait_indirect_dma semaphore(%arg23 : memref<!tpu.dma_semaphore, #tpu.memory_space<semaphore_mem>>) src(%dma_wait3A_117 : memref<10240x128xf32, #tpu.memory_space<hbm>>) dst(%arg17 : memref<80x128xf32, #tpu.memory_space<vmem>>)
      %dma_start3A_118 = arith.constant 0 : i32
      %dma_start3A_119 = arith.constant 0 : i32
      %dma_start3A_120 = tpu.memref_slice %arg6[%dma_start3A_118, %dma_start3A_119] : memref<10240x128xf32, #tpu.memory_space<vmem_shared>> -> memref<10240x128xf32, #tpu.memory_space<vmem_shared>>
      tpu.enqueue_indirect_dma source(%arg17 : memref<80x128xf32, #tpu.memory_space<vmem>>) target(%dma_start3A_120 : memref<10240x128xf32, #tpu.memory_space<vmem_shared>>) offsets(%arg13 : memref<80xi32, #tpu.memory_space<vmem>>) semaphore(%arg25 : memref<!tpu.dma_semaphore, #tpu.memory_space<semaphore_mem>>) {add = true}
      %add3A_121 = arith.constant 2 : i32
      %add3A_122 = arith.addi %mul3A_62, %add3A_121 : i32
      %ge3A_123 = arith.constant 2 : i32
      %ge3A_124 = arith.cmpi sge, %add3A_122, %ge3A_123 : i32
      %convert_element_type3A_125 = arith.extui %ge3A_124 : i1 to i32
      %cond3A_126 = arith.constant 0 : i32
      %cond3A_127 = arith.cmpi ne, %convert_element_type3A_125, %cond3A_126 : i32
      scf.if %cond3A_127 {
        %dma_wait3A_183 = arith.constant 0 : i32
        %dma_wait3A_184 = arith.constant 0 : i32
        %dma_wait3A_185 = tpu.memref_slice %arg6[%dma_wait3A_183, %dma_wait3A_184] : memref<10240x128xf32, #tpu.memory_space<vmem_shared>> -> memref<10240x128xf32, #tpu.memory_space<vmem_shared>>
        tpu.wait_indirect_dma semaphore(%arg24 : memref<!tpu.dma_semaphore, #tpu.memory_space<semaphore_mem>>) src(%arg16 : memref<80x128xf32, #tpu.memory_space<vmem>>) dst(%dma_wait3A_185 : memref<10240x128xf32, #tpu.memory_space<vmem_shared>>)
      } else {
      }
      %add3A_128 = arith.constant 2 : i32
      %add3A_129 = arith.addi %add3A_122, %add3A_128 : i32
      %lt3A_130 = arith.constant 125 : i32
      %lt3A_131 = arith.cmpi slt, %add3A_129, %lt3A_130 : i32
      %convert_element_type3A_132 = arith.extui %lt3A_131 : i1 to i32
      %cond3A_133 = arith.constant 0 : i32
      %cond3A_134 = arith.cmpi ne, %convert_element_type3A_132, %cond3A_133 : i32
      scf.if %cond3A_134 {
        %add3A_183 = arith.constant 2 : i32
        %add3A_184 = arith.addi %add3A_122, %add3A_183 : i32
        %mul3A_185 = arith.constant 80 : i32
        %mul3A_186 = arith.muli %add3A_184, %mul3A_185 : i32
        %add3A_187 = arith.addi %mul3A_11, %mul3A_186 : i32
        %dma_start3A_188 = tpu.memref_slice %arg3[%add3A_187] : memref<320000xi32, #tpu.memory_space<hbm>> -> memref<80xi32, #tpu.memory_space<hbm>>
        %dma_start3A_189 = tpu.memref_slice %arg3[%add3A_187] : memref<320000xi32, #tpu.memory_space<hbm>> -> memref<80xi32, #tpu.memory_space<hbm>>
        tpu.enqueue_dma source(%dma_start3A_189 : memref<80xi32, #tpu.memory_space<hbm>>) target(%arg8 : memref<80xi32, #tpu.memory_space<vmem>>) target_semaphore(%arg18 : memref<!tpu.dma_semaphore, #tpu.memory_space<semaphore_mem>>)
        %dma_start3A_190 = tpu.memref_slice %arg4[%add3A_187] : memref<320000xi32, #tpu.memory_space<hbm>> -> memref<80xi32, #tpu.memory_space<hbm>>
        %dma_start3A_191 = tpu.memref_slice %arg4[%add3A_187] : memref<320000xi32, #tpu.memory_space<hbm>> -> memref<80xi32, #tpu.memory_space<hbm>>
        tpu.enqueue_dma source(%dma_start3A_191 : memref<80xi32, #tpu.memory_space<hbm>>) target(%arg12 : memref<80xi32, #tpu.memory_space<vmem>>) target_semaphore(%arg18 : memref<!tpu.dma_semaphore, #tpu.memory_space<semaphore_mem>>)
      } else {
      }
      %dma_wait3A_135 = arith.constant 0 : i32
      %dma_wait3A_136 = tpu.memref_slice %arg3[%dma_wait3A_135] : memref<320000xi32, #tpu.memory_space<hbm>> -> memref<80xi32, #tpu.memory_space<hbm>>
      %dma_wait3A_137 = arith.constant 0 : i32
      %dma_wait3A_138 = tpu.memref_slice %arg3[%dma_wait3A_137] : memref<320000xi32, #tpu.memory_space<hbm>> -> memref<80xi32, #tpu.memory_space<hbm>>
      tpu.wait_dma2 semaphore(%arg20 : memref<!tpu.dma_semaphore, #tpu.memory_space<semaphore_mem>>) src(%dma_wait3A_138 : memref<80xi32, #tpu.memory_space<hbm>>) dst(%arg10 : memref<80xi32, #tpu.memory_space<vmem>>)
      %dma_wait3A_139 = arith.constant 0 : i32
      %dma_wait3A_140 = tpu.memref_slice %arg4[%dma_wait3A_139] : memref<320000xi32, #tpu.memory_space<hbm>> -> memref<80xi32, #tpu.memory_space<hbm>>
      %dma_wait3A_141 = arith.constant 0 : i32
      %dma_wait3A_142 = tpu.memref_slice %arg4[%dma_wait3A_141] : memref<320000xi32, #tpu.memory_space<hbm>> -> memref<80xi32, #tpu.memory_space<hbm>>
      tpu.wait_dma2 semaphore(%arg20 : memref<!tpu.dma_semaphore, #tpu.memory_space<semaphore_mem>>) src(%dma_wait3A_142 : memref<80xi32, #tpu.memory_space<hbm>>) dst(%arg14 : memref<80xi32, #tpu.memory_space<vmem>>)
      %dma_start3A_143 = arith.constant 0 : i32
      %dma_start3A_144 = arith.constant 0 : i32
      %dma_start3A_145 = tpu.memref_slice %arg2[%dma_start3A_143, %dma_start3A_144] : memref<10240x128xf32, #tpu.memory_space<hbm>> -> memref<10240x128xf32, #tpu.memory_space<hbm>>
      tpu.enqueue_indirect_dma source(%dma_start3A_145 : memref<10240x128xf32, #tpu.memory_space<hbm>>) target(%arg16 : memref<80x128xf32, #tpu.memory_space<vmem>>) offsets(%arg10 : memref<80xi32, #tpu.memory_space<vmem>>) semaphore(%arg22 : memref<!tpu.dma_semaphore, #tpu.memory_space<semaphore_mem>>)
      %dma_wait3A_146 = arith.constant 0 : i32
      %dma_wait3A_147 = arith.constant 0 : i32
      %dma_wait3A_148 = tpu.memref_slice %arg2[%dma_wait3A_146, %dma_wait3A_147] : memref<10240x128xf32, #tpu.memory_space<hbm>> -> memref<10240x128xf32, #tpu.memory_space<hbm>>
      tpu.wait_indirect_dma semaphore(%arg22 : memref<!tpu.dma_semaphore, #tpu.memory_space<semaphore_mem>>) src(%dma_wait3A_148 : memref<10240x128xf32, #tpu.memory_space<hbm>>) dst(%arg16 : memref<80x128xf32, #tpu.memory_space<vmem>>)
      %dma_start3A_149 = arith.constant 0 : i32
      %dma_start3A_150 = arith.constant 0 : i32
      %dma_start3A_151 = tpu.memref_slice %arg6[%dma_start3A_149, %dma_start3A_150] : memref<10240x128xf32, #tpu.memory_space<vmem_shared>> -> memref<10240x128xf32, #tpu.memory_space<vmem_shared>>
      tpu.enqueue_indirect_dma source(%arg16 : memref<80x128xf32, #tpu.memory_space<vmem>>) target(%dma_start3A_151 : memref<10240x128xf32, #tpu.memory_space<vmem_shared>>) offsets(%arg14 : memref<80xi32, #tpu.memory_space<vmem>>) semaphore(%arg24 : memref<!tpu.dma_semaphore, #tpu.memory_space<semaphore_mem>>) {add = true}
      %add3A_152 = arith.constant 3 : i32
      %add3A_153 = arith.addi %mul3A_62, %add3A_152 : i32
      %ge3A_154 = arith.constant 2 : i32
      %ge3A_155 = arith.cmpi sge, %add3A_153, %ge3A_154 : i32
      %convert_element_type3A_156 = arith.extui %ge3A_155 : i1 to i32
      %cond3A_157 = arith.constant 0 : i32
      %cond3A_158 = arith.cmpi ne, %convert_element_type3A_156, %cond3A_157 : i32
      scf.if %cond3A_158 {
        %dma_wait3A_183 = arith.constant 0 : i32
        %dma_wait3A_184 = arith.constant 0 : i32
        %dma_wait3A_185 = tpu.memref_slice %arg6[%dma_wait3A_183, %dma_wait3A_184] : memref<10240x128xf32, #tpu.memory_space<vmem_shared>> -> memref<10240x128xf32, #tpu.memory_space<vmem_shared>>
        tpu.wait_indirect_dma semaphore(%arg25 : memref<!tpu.dma_semaphore, #tpu.memory_space<semaphore_mem>>) src(%arg17 : memref<80x128xf32, #tpu.memory_space<vmem>>) dst(%dma_wait3A_185 : memref<10240x128xf32, #tpu.memory_space<vmem_shared>>)
      } else {
      }
      %add3A_159 = arith.constant 2 : i32
      %add3A_160 = arith.addi %add3A_153, %add3A_159 : i32
      %lt3A_161 = arith.constant 125 : i32
      %lt3A_162 = arith.cmpi slt, %add3A_160, %lt3A_161 : i32
      %convert_element_type3A_163 = arith.extui %lt3A_162 : i1 to i32
      %cond3A_164 = arith.constant 0 : i32
      %cond3A_165 = arith.cmpi ne, %convert_element_type3A_163, %cond3A_164 : i32
      scf.if %cond3A_165 {
        %add3A_183 = arith.constant 2 : i32
        %add3A_184 = arith.addi %add3A_153, %add3A_183 : i32
        %mul3A_185 = arith.constant 80 : i32
        %mul3A_186 = arith.muli %add3A_184, %mul3A_185 : i32
        %add3A_187 = arith.addi %mul3A_11, %mul3A_186 : i32
        %dma_start3A_188 = tpu.memref_slice %arg3[%add3A_187] : memref<320000xi32, #tpu.memory_space<hbm>> -> memref<80xi32, #tpu.memory_space<hbm>>
        %dma_start3A_189 = tpu.memref_slice %arg3[%add3A_187] : memref<320000xi32, #tpu.memory_space<hbm>> -> memref<80xi32, #tpu.memory_space<hbm>>
        tpu.enqueue_dma source(%dma_start3A_189 : memref<80xi32, #tpu.memory_space<hbm>>) target(%arg9 : memref<80xi32, #tpu.memory_space<vmem>>) target_semaphore(%arg19 : memref<!tpu.dma_semaphore, #tpu.memory_space<semaphore_mem>>)
        %dma_start3A_190 = tpu.memref_slice %arg4[%add3A_187] : memref<320000xi32, #tpu.memory_space<hbm>> -> memref<80xi32, #tpu.memory_space<hbm>>
        %dma_start3A_191 = tpu.memref_slice %arg4[%add3A_187] : memref<320000xi32, #tpu.memory_space<hbm>> -> memref<80xi32, #tpu.memory_space<hbm>>
        tpu.enqueue_dma source(%dma_start3A_191 : memref<80xi32, #tpu.memory_space<hbm>>) target(%arg13 : memref<80xi32, #tpu.memory_space<vmem>>) target_semaphore(%arg19 : memref<!tpu.dma_semaphore, #tpu.memory_space<semaphore_mem>>)
      } else {
      }
      %dma_wait3A_166 = arith.constant 0 : i32
      %dma_wait3A_167 = tpu.memref_slice %arg3[%dma_wait3A_166] : memref<320000xi32, #tpu.memory_space<hbm>> -> memref<80xi32, #tpu.memory_space<hbm>>
      %dma_wait3A_168 = arith.constant 0 : i32
      %dma_wait3A_169 = tpu.memref_slice %arg3[%dma_wait3A_168] : memref<320000xi32, #tpu.memory_space<hbm>> -> memref<80xi32, #tpu.memory_space<hbm>>
      tpu.wait_dma2 semaphore(%arg21 : memref<!tpu.dma_semaphore, #tpu.memory_space<semaphore_mem>>) src(%dma_wait3A_169 : memref<80xi32, #tpu.memory_space<hbm>>) dst(%arg11 : memref<80xi32, #tpu.memory_space<vmem>>)
      %dma_wait3A_170 = arith.constant 0 : i32
      %dma_wait3A_171 = tpu.memref_slice %arg4[%dma_wait3A_170] : memref<320000xi32, #tpu.memory_space<hbm>> -> memref<80xi32, #tpu.memory_space<hbm>>
      %dma_wait3A_172 = arith.constant 0 : i32
      %dma_wait3A_173 = tpu.memref_slice %arg4[%dma_wait3A_172] : memref<320000xi32, #tpu.memory_space<hbm>> -> memref<80xi32, #tpu.memory_space<hbm>>
      tpu.wait_dma2 semaphore(%arg21 : memref<!tpu.dma_semaphore, #tpu.memory_space<semaphore_mem>>) src(%dma_wait3A_173 : memref<80xi32, #tpu.memory_space<hbm>>) dst(%arg15 : memref<80xi32, #tpu.memory_space<vmem>>)
      %dma_start3A_174 = arith.constant 0 : i32
      %dma_start3A_175 = arith.constant 0 : i32
      %dma_start3A_176 = tpu.memref_slice %arg2[%dma_start3A_174, %dma_start3A_175] : memref<10240x128xf32, #tpu.memory_space<hbm>> -> memref<10240x128xf32, #tpu.memory_space<hbm>>
      tpu.enqueue_indirect_dma source(%dma_start3A_176 : memref<10240x128xf32, #tpu.memory_space<hbm>>) target(%arg17 : memref<80x128xf32, #tpu.memory_space<vmem>>) offsets(%arg11 : memref<80xi32, #tpu.memory_space<vmem>>) semaphore(%arg23 : memref<!tpu.dma_semaphore, #tpu.memory_space<semaphore_mem>>)
      %dma_wait3A_177 = arith.constant 0 : i32
      %dma_wait3A_178 = arith.constant 0 : i32
      %dma_wait3A_179 = tpu.memref_slice %arg2[%dma_wait3A_177, %dma_wait3A_178] : memref<10240x128xf32, #tpu.memory_space<hbm>> -> memref<10240x128xf32, #tpu.memory_space<hbm>>
      tpu.wait_indirect_dma semaphore(%arg23 : memref<!tpu.dma_semaphore, #tpu.memory_space<semaphore_mem>>) src(%dma_wait3A_179 : memref<10240x128xf32, #tpu.memory_space<hbm>>) dst(%arg17 : memref<80x128xf32, #tpu.memory_space<vmem>>)
      %dma_start3A_180 = arith.constant 0 : i32
      %dma_start3A_181 = arith.constant 0 : i32
      %dma_start3A_182 = tpu.memref_slice %arg6[%dma_start3A_180, %dma_start3A_181] : memref<10240x128xf32, #tpu.memory_space<vmem_shared>> -> memref<10240x128xf32, #tpu.memory_space<vmem_shared>>
      tpu.enqueue_indirect_dma source(%arg17 : memref<80x128xf32, #tpu.memory_space<vmem>>) target(%dma_start3A_182 : memref<10240x128xf32, #tpu.memory_space<vmem_shared>>) offsets(%arg15 : memref<80xi32, #tpu.memory_space<vmem>>) semaphore(%arg25 : memref<!tpu.dma_semaphore, #tpu.memory_space<semaphore_mem>>) {add = true}
    }
    %scan3A_27 = arith.constant 31 : i32
    %dma_wait3A = arith.constant 0 : i32
    %dma_wait3A_28 = arith.constant 0 : i32
    %dma_wait3A_29 = tpu.memref_slice %arg6[%dma_wait3A, %dma_wait3A_28] : memref<10240x128xf32, #tpu.memory_space<vmem_shared>> -> memref<10240x128xf32, #tpu.memory_space<vmem_shared>>
    tpu.wait_indirect_dma semaphore(%arg24 : memref<!tpu.dma_semaphore, #tpu.memory_space<semaphore_mem>>) src(%arg16 : memref<80x128xf32, #tpu.memory_space<vmem>>) dst(%dma_wait3A_29 : memref<10240x128xf32, #tpu.memory_space<vmem_shared>>)
    %dma_wait3A_30 = arith.constant 0 : i32
    %dma_wait3A_31 = tpu.memref_slice %arg3[%dma_wait3A_30] : memref<320000xi32, #tpu.memory_space<hbm>> -> memref<80xi32, #tpu.memory_space<hbm>>
    %dma_wait3A_32 = arith.constant 0 : i32
    %dma_wait3A_33 = tpu.memref_slice %arg3[%dma_wait3A_32] : memref<320000xi32, #tpu.memory_space<hbm>> -> memref<80xi32, #tpu.memory_space<hbm>>
    tpu.wait_dma2 semaphore(%arg18 : memref<!tpu.dma_semaphore, #tpu.memory_space<semaphore_mem>>) src(%dma_wait3A_33 : memref<80xi32, #tpu.memory_space<hbm>>) dst(%arg8 : memref<80xi32, #tpu.memory_space<vmem>>)
    %dma_wait3A_34 = arith.constant 0 : i32
    %dma_wait3A_35 = tpu.memref_slice %arg4[%dma_wait3A_34] : memref<320000xi32, #tpu.memory_space<hbm>> -> memref<80xi32, #tpu.memory_space<hbm>>
    %dma_wait3A_36 = arith.constant 0 : i32
    %dma_wait3A_37 = tpu.memref_slice %arg4[%dma_wait3A_36] : memref<320000xi32, #tpu.memory_space<hbm>> -> memref<80xi32, #tpu.memory_space<hbm>>
    tpu.wait_dma2 semaphore(%arg18 : memref<!tpu.dma_semaphore, #tpu.memory_space<semaphore_mem>>) src(%dma_wait3A_37 : memref<80xi32, #tpu.memory_space<hbm>>) dst(%arg12 : memref<80xi32, #tpu.memory_space<vmem>>)
    %dma_start3A_38 = arith.constant 0 : i32
    %dma_start3A_39 = arith.constant 0 : i32
    %dma_start3A_40 = tpu.memref_slice %arg2[%dma_start3A_38, %dma_start3A_39] : memref<10240x128xf32, #tpu.memory_space<hbm>> -> memref<10240x128xf32, #tpu.memory_space<hbm>>
    tpu.enqueue_indirect_dma source(%dma_start3A_40 : memref<10240x128xf32, #tpu.memory_space<hbm>>) target(%arg16 : memref<80x128xf32, #tpu.memory_space<vmem>>) offsets(%arg8 : memref<80xi32, #tpu.memory_space<vmem>>) semaphore(%arg22 : memref<!tpu.dma_semaphore, #tpu.memory_space<semaphore_mem>>)
    %dma_wait3A_41 = arith.constant 0 : i32
    %dma_wait3A_42 = arith.constant 0 : i32
    %dma_wait3A_43 = tpu.memref_slice %arg2[%dma_wait3A_41, %dma_wait3A_42] : memref<10240x128xf32, #tpu.memory_space<hbm>> -> memref<10240x128xf32, #tpu.memory_space<hbm>>
    tpu.wait_indirect_dma semaphore(%arg22 : memref<!tpu.dma_semaphore, #tpu.memory_space<semaphore_mem>>) src(%dma_wait3A_43 : memref<10240x128xf32, #tpu.memory_space<hbm>>) dst(%arg16 : memref<80x128xf32, #tpu.memory_space<vmem>>)
    %dma_start3A_44 = arith.constant 0 : i32
    %dma_start3A_45 = arith.constant 0 : i32
    %dma_start3A_46 = tpu.memref_slice %arg6[%dma_start3A_44, %dma_start3A_45] : memref<10240x128xf32, #tpu.memory_space<vmem_shared>> -> memref<10240x128xf32, #tpu.memory_space<vmem_shared>>
    tpu.enqueue_indirect_dma source(%arg16 : memref<80x128xf32, #tpu.memory_space<vmem>>) target(%dma_start3A_46 : memref<10240x128xf32, #tpu.memory_space<vmem_shared>>) offsets(%arg12 : memref<80xi32, #tpu.memory_space<vmem>>) semaphore(%arg24 : memref<!tpu.dma_semaphore, #tpu.memory_space<semaphore_mem>>) {add = true}
    %dma_wait3A_47 = arith.constant 0 : i32
    %dma_wait3A_48 = arith.constant 0 : i32
    %dma_wait3A_49 = tpu.memref_slice %arg6[%dma_wait3A_47, %dma_wait3A_48] : memref<10240x128xf32, #tpu.memory_space<vmem_shared>> -> memref<10240x128xf32, #tpu.memory_space<vmem_shared>>
    tpu.wait_indirect_dma semaphore(%arg25 : memref<!tpu.dma_semaphore, #tpu.memory_space<semaphore_mem>>) src(%arg17 : memref<80x128xf32, #tpu.memory_space<vmem>>) dst(%dma_wait3A_49 : memref<10240x128xf32, #tpu.memory_space<vmem_shared>>)
    %dma_wait3A_50 = arith.constant 0 : i32
    %dma_wait3A_51 = arith.constant 0 : i32
    %dma_wait3A_52 = tpu.memref_slice %arg6[%dma_wait3A_50, %dma_wait3A_51] : memref<10240x128xf32, #tpu.memory_space<vmem_shared>> -> memref<10240x128xf32, #tpu.memory_space<vmem_shared>>
    tpu.wait_indirect_dma semaphore(%arg24 : memref<!tpu.dma_semaphore, #tpu.memory_space<semaphore_mem>>) src(%arg16 : memref<80x128xf32, #tpu.memory_space<vmem>>) dst(%dma_wait3A_52 : memref<10240x128xf32, #tpu.memory_space<vmem_shared>>)
    %barrier3A_53 = arith.constant 0 : index
    tpu.barrier barrier_id(%barrier3A_53)
    %mul3A_54 = arith.constant 640 : i32
    %mul3A_55 = arith.muli %arg1, %mul3A_54 : i32
    "tpu.region"() ({
      %run_scoped3A = tpu.sem_alloc : memref<!tpu.dma_semaphore, #tpu.memory_space<semaphore_mem>>
      %dma_start3A_56 = arith.constant 0 : i32
      %dma_start3A_57 = tpu.memref_slice %arg5[%arg0, %mul3A_55, %dma_start3A_56] : memref<2x10240x128xf32, #tpu.memory_space<hbm>> -> memref<1x640x128xf32, #tpu.memory_space<hbm>>
      %dma_start3A_58 = tpu.memref_squeeze %dma_start3A_57 : memref<1x640x128xf32, #tpu.memory_space<hbm>> -> memref<640x128xf32, #tpu.memory_space<hbm>>
      %dma_start3A_59 = arith.constant 0 : i32
      %dma_start3A_60 = tpu.memref_slice %arg6[%mul3A_55, %dma_start3A_59] : memref<10240x128xf32, #tpu.memory_space<vmem_shared>> -> memref<640x128xf32, #tpu.memory_space<vmem_shared>>
      tpu.enqueue_dma source(%dma_start3A_60 : memref<640x128xf32, #tpu.memory_space<vmem_shared>>) target(%dma_start3A_58 : memref<640x128xf32, #tpu.memory_space<hbm>>) target_semaphore(%run_scoped3A : memref<!tpu.dma_semaphore, #tpu.memory_space<semaphore_mem>>)
      %dma_wait3A_61 = arith.constant 0 : i32
      %dma_wait3A_62 = tpu.memref_slice %arg5[%arg0, %mul3A_55, %dma_wait3A_61] : memref<2x10240x128xf32, #tpu.memory_space<hbm>> -> memref<1x640x128xf32, #tpu.memory_space<hbm>>
      %dma_wait3A_63 = tpu.memref_squeeze %dma_wait3A_62 : memref<1x640x128xf32, #tpu.memory_space<hbm>> -> memref<640x128xf32, #tpu.memory_space<hbm>>
      %dma_wait3A_64 = arith.constant 0 : i32
      %dma_wait3A_65 = tpu.memref_slice %arg6[%mul3A_55, %dma_wait3A_64] : memref<10240x128xf32, #tpu.memory_space<vmem_shared>> -> memref<640x128xf32, #tpu.memory_space<vmem_shared>>
      tpu.wait_dma2 semaphore(%run_scoped3A : memref<!tpu.dma_semaphore, #tpu.memory_space<semaphore_mem>>) src(%dma_wait3A_65 : memref<640x128xf32, #tpu.memory_space<vmem_shared>>) dst(%dma_wait3A_63 : memref<640x128xf32, #tpu.memory_space<hbm>>)
      tpu.yield
    }) : () -> ()
    return
  }
}

#map = affine_map<(d0, d1) -> (0, 0)>
#map1 = affine_map<(d0, d1) -> (0)>
#map2 = affine_map<(d0, d1) -> (0, 0, 0)>
module attributes {stable_mosaic.version = 14 : i64} {
  func.func @agg_kernel(%arg0: i32, %arg1: i32, %arg2: memref<10240x128xf32, #tpu.memory_space<hbm>>, %arg3: memref<320000xi32, #tpu.memory_space<hbm>>, %arg4: memref<320000xi32, #tpu.memory_space<hbm>>, %arg5: memref<2x10240x128xf32, #tpu.memory_space<hbm>>, %arg6: memref<10240x128xf32, #tpu.memory_space<vmem_shared>>, %arg7: memref<40x128xf32, #tpu.memory_space<vmem>>, %arg8: memref<80xi32, #tpu.memory_space<vmem>>, %arg9: memref<80xi32, #tpu.memory_space<vmem>>, %arg10: memref<80xi32, #tpu.memory_space<vmem>>, %arg11: memref<80xi32, #tpu.memory_space<vmem>>, %arg12: memref<80xi32, #tpu.memory_space<vmem>>, %arg13: memref<80xi32, #tpu.memory_space<vmem>>, %arg14: memref<80xi32, #tpu.memory_space<vmem>>, %arg15: memref<80xi32, #tpu.memory_space<vmem>>, %arg16: memref<80x128xf32, #tpu.memory_space<vmem>>, %arg17: memref<80x128xf32, #tpu.memory_space<vmem>>, %arg18: memref<!tpu.dma_semaphore, #tpu.memory_space<semaphore_mem>>, %arg19: memref<!tpu.dma_semaphore, #tpu.memory_space<semaphore_mem>>, %arg20: memref<!tpu.dma_semaphore, #tpu.memory_space<semaphore_mem>>, %arg21: memref<!tpu.dma_semaphore, #tpu.memory_space<semaphore_mem>>, %arg22: memref<!tpu.dma_semaphore, #tpu.memory_space<semaphore_mem>>, %arg23: memref<!tpu.dma_semaphore, #tpu.memory_space<semaphore_mem>>, %arg24: memref<!tpu.dma_semaphore, #tpu.memory_space<semaphore_mem>>, %arg25: memref<!tpu.dma_semaphore, #tpu.memory_space<semaphore_mem>>) attributes {dimension_semantics = [#tpu.dimension_semantics<core_parallel>, #tpu.dimension_semantics<subcore_parallel>], iteration_bounds = array<i64: 2, 16>, scalar_prefetch = 0 : i64, scratch_operands = 20 : i64, tpu.core_type = #tpu.core_type<sc_vector_subcore>, window_params = [{transform_indices = #map}, {transform_indices = #map1}, {transform_indices = #map1}, {transform_indices = #map2}]} {
    %mul3A = arith.constant 2 : i32
    %mul3A_0 = arith.muli %arg1, %mul3A : i32
    %add3A = arith.addi %mul3A_0, %arg0 : i32
    %scan3A = arith.constant 0 : i32
    %scan3A_1 = arith.constant 40 : i32
    %scan3A_2 = arith.addi %scan3A, %scan3A_1 : i32
    %scan3A_3 = arith.constant 1 : i32
    scf.for %scan3A_56 = %scan3A to %scan3A_2 step %scan3A_3  : i32 {
      %mul3A_57 = arith.constant 1 : i32
      %mul3A_58 = arith.muli %scan3A_56, %mul3A_57 : i32
      %add3A_59 = arith.constant 0 : i32
      %add3A_60 = arith.addi %add3A_59, %mul3A_58 : i32
      %scan3A_61 = arith.constant 0 : i32
      %scan3A_62 = arith.constant 8 : i32
      %scan3A_63 = arith.addi %scan3A_61, %scan3A_62 : i32
      %scan3A_64 = arith.constant 1 : i32
      scf.for %scan3A_66 = %scan3A_61 to %scan3A_63 step %scan3A_64  : i32 {
        %mul3A_67 = arith.constant 16 : i32
        %mul3A_68 = arith.muli %scan3A_66, %mul3A_67 : i32
        %add3A_69 = arith.constant 0 : i32
        %add3A_70 = arith.addi %add3A_69, %mul3A_68 : i32
        %broadcast_in_dim3A = arith.constant 0.000000e+00 : f32
        %broadcast_in_dim3A_71 = vector.broadcast %broadcast_in_dim3A : f32 to vector<16xf32>
        %swap3A = arith.index_cast %add3A_60 : i32 to index
        %swap3A_72 = arith.index_cast %add3A_70 : i32 to index
        %swap3A_73 = tpu.vector_load %arg7[%swap3A, %swap3A_72] {strides = array<i32>} : memref<40x128xf32, #tpu.memory_space<vmem>>, vector<1x16xf32>,
        %swap3A_74 = vector.shape_cast %swap3A_73 : vector<1x16xf32> to vector<16xf32>
        %swap3A_75 = vector.shape_cast %broadcast_in_dim3A_71 : vector<16xf32> to vector<1x16xf32>
        tpu.vector_store %arg7[%swap3A, %swap3A_72], %swap3A_75 {strides = array<i32>} : memref<40x128xf32, #tpu.memory_space<vmem>>, vector<1x16xf32>,
      }
      %scan3A_65 = arith.constant 8 : i32
    }
    %scan3A_4 = arith.constant 40 : i32
    %scan3A_5 = arith.constant 0 : i32
    %scan3A_6 = arith.constant 16 : i32
    %scan3A_7 = arith.addi %scan3A_5, %scan3A_6 : i32
    %scan3A_8 = arith.constant 1 : i32
    scf.for %scan3A_56 = %scan3A_5 to %scan3A_7 step %scan3A_8  : i32 {
      %mul3A_57 = arith.constant 1 : i32
      %mul3A_58 = arith.muli %scan3A_56, %mul3A_57 : i32
      %add3A_59 = arith.constant 0 : i32
      %add3A_60 = arith.addi %add3A_59, %mul3A_58 : i32
      %mul3A_61 = arith.constant 640 : i32
      %mul3A_62 = arith.muli %arg1, %mul3A_61 : i32
      %mul3A_63 = arith.constant 40 : i32
      %mul3A_64 = arith.muli %add3A_60, %mul3A_63 : i32
      %add3A_65 = arith.addi %mul3A_62, %mul3A_64 : i32
      "tpu.region"() ({
        %run_scoped3A = tpu.sem_alloc : memref<!tpu.dma_semaphore, #tpu.memory_space<semaphore_mem>>
        %dma_start3A_66 = arith.constant 0 : i32
        %dma_start3A_67 = tpu.memref_slice %arg6[%add3A_65, %dma_start3A_66] : memref<10240x128xf32, #tpu.memory_space<vmem_shared>> -> memref<40x128xf32, #tpu.memory_space<vmem_shared>>
        %dma_start3A_68 = arith.constant 0 : i32
        %dma_start3A_69 = tpu.memref_slice %arg6[%add3A_65, %dma_start3A_68] : memref<10240x128xf32, #tpu.memory_space<vmem_shared>> -> memref<40x128xf32, #tpu.memory_space<vmem_shared>>
        tpu.enqueue_dma source(%arg7 : memref<40x128xf32, #tpu.memory_space<vmem>>) target(%dma_start3A_69 : memref<40x128xf32, #tpu.memory_space<vmem_shared>>) target_semaphore(%run_scoped3A : memref<!tpu.dma_semaphore, #tpu.memory_space<semaphore_mem>>)
        %dma_wait3A_70 = arith.constant 0 : i32
        %dma_wait3A_71 = tpu.memref_slice %arg6[%add3A_65, %dma_wait3A_70] : memref<10240x128xf32, #tpu.memory_space<vmem_shared>> -> memref<40x128xf32, #tpu.memory_space<vmem_shared>>
        %dma_wait3A_72 = arith.constant 0 : i32
        %dma_wait3A_73 = tpu.memref_slice %arg6[%add3A_65, %dma_wait3A_72] : memref<10240x128xf32, #tpu.memory_space<vmem_shared>> -> memref<40x128xf32, #tpu.memory_space<vmem_shared>>
        tpu.wait_dma2 semaphore(%run_scoped3A : memref<!tpu.dma_semaphore, #tpu.memory_space<semaphore_mem>>) src(%arg7 : memref<40x128xf32, #tpu.memory_space<vmem>>) dst(%dma_wait3A_73 : memref<40x128xf32, #tpu.memory_space<vmem_shared>>)
        tpu.yield
      }) : () -> ()
    }
    %scan3A_9 = arith.constant 16 : i32
    %barrier3A = arith.constant 0 : index
    tpu.barrier barrier_id(%barrier3A)
    %mul3A_10 = arith.constant 10000 : i32
    %mul3A_11 = arith.muli %add3A, %mul3A_10 : i32
    %add3A_12 = arith.constant 0 : i32
    %add3A_13 = arith.addi %mul3A_11, %add3A_12 : i32
    %dma_start3A = tpu.memref_slice %arg3[%add3A_13] : memref<320000xi32, #tpu.memory_space<hbm>> -> memref<80xi32, #tpu.memory_space<hbm>>
    %dma_start3A_14 = tpu.memref_slice %arg3[%add3A_13] : memref<320000xi32, #tpu.memory_space<hbm>> -> memref<80xi32, #tpu.memory_space<hbm>>
    tpu.enqueue_dma source(%dma_start3A_14 : memref<80xi32, #tpu.memory_space<hbm>>) target(%arg8 : memref<80xi32, #tpu.memory_space<vmem>>) target_semaphore(%arg18 : memref<!tpu.dma_semaphore, #tpu.memory_space<semaphore_mem>>)
    %dma_start3A_15 = tpu.memref_slice %arg4[%add3A_13] : memref<320000xi32, #tpu.memory_space<hbm>> -> memref<80xi32, #tpu.memory_space<hbm>>
    %dma_start3A_16 = tpu.memref_slice %arg4[%add3A_13] : memref<320000xi32, #tpu.memory_space<hbm>> -> memref<80xi32, #tpu.memory_space<hbm>>
    tpu.enqueue_dma source(%dma_start3A_16 : memref<80xi32, #tpu.memory_space<hbm>>) target(%arg12 : memref<80xi32, #tpu.memory_space<vmem>>) target_semaphore(%arg18 : memref<!tpu.dma_semaphore, #tpu.memory_space<semaphore_mem>>)
    %add3A_17 = arith.constant 80 : i32
    %add3A_18 = arith.addi %mul3A_11, %add3A_17 : i32
    %dma_start3A_19 = tpu.memref_slice %arg3[%add3A_18] : memref<320000xi32, #tpu.memory_space<hbm>> -> memref<80xi32, #tpu.memory_space<hbm>>
    %dma_start3A_20 = tpu.memref_slice %arg3[%add3A_18] : memref<320000xi32, #tpu.memory_space<hbm>> -> memref<80xi32, #tpu.memory_space<hbm>>
    tpu.enqueue_dma source(%dma_start3A_20 : memref<80xi32, #tpu.memory_space<hbm>>) target(%arg9 : memref<80xi32, #tpu.memory_space<vmem>>) target_semaphore(%arg19 : memref<!tpu.dma_semaphore, #tpu.memory_space<semaphore_mem>>)
    %dma_start3A_21 = tpu.memref_slice %arg4[%add3A_18] : memref<320000xi32, #tpu.memory_space<hbm>> -> memref<80xi32, #tpu.memory_space<hbm>>
    %dma_start3A_22 = tpu.memref_slice %arg4[%add3A_18] : memref<320000xi32, #tpu.memory_space<hbm>> -> memref<80xi32, #tpu.memory_space<hbm>>
    tpu.enqueue_dma source(%dma_start3A_22 : memref<80xi32, #tpu.memory_space<hbm>>) target(%arg13 : memref<80xi32, #tpu.memory_space<vmem>>) target_semaphore(%arg19 : memref<!tpu.dma_semaphore, #tpu.memory_space<semaphore_mem>>)
    %scan3A_23 = arith.constant 0 : i32
    %scan3A_24 = arith.constant 31 : i32
    %scan3A_25 = arith.addi %scan3A_23, %scan3A_24 : i32
    %scan3A_26 = arith.constant 1 : i32
    scf.for %scan3A_56 = %scan3A_23 to %scan3A_25 step %scan3A_26  : i32 {
      %mul3A_57 = arith.constant 1 : i32
      %mul3A_58 = arith.muli %scan3A_56, %mul3A_57 : i32
      %add3A_59 = arith.constant 0 : i32
      %add3A_60 = arith.addi %add3A_59, %mul3A_58 : i32
      %mul3A_61 = arith.constant 4 : i32
      %mul3A_62 = arith.muli %add3A_60, %mul3A_61 : i32
      %add3A_63 = arith.constant 0 : i32
      %add3A_64 = arith.addi %mul3A_62, %add3A_63 : i32
      %ge3A = arith.constant 2 : i32
      %ge3A_65 = arith.cmpi sge, %add3A_64, %ge3A : i32
      %convert_element_type3A = arith.extui %ge3A_65 : i1 to i32
      %cond3A = arith.constant 0 : i32
      %cond3A_66 = arith.cmpi ne, %convert_element_type3A, %cond3A : i32
      scf.if %cond3A_66 {
        %dma_wait3A_183 = arith.constant 0 : i32
        %dma_wait3A_184 = arith.constant 0 : i32
        %dma_wait3A_185 = tpu.memref_slice %arg6[%dma_wait3A_183, %dma_wait3A_184] : memref<10240x128xf32, #tpu.memory_space<vmem_shared>> -> memref<10240x128xf32, #tpu.memory_space<vmem_shared>>
        tpu.wait_indirect_dma semaphore(%arg24 : memref<!tpu.dma_semaphore, #tpu.memory_space<semaphore_mem>>) src(%arg16 : memref<80x128xf32, #tpu.memory_space<vmem>>) dst(%dma_wait3A_185 : memref<10240x128xf32, #tpu.memory_space<vmem_shared>>)
      } else {
      }
      %add3A_67 = arith.constant 2 : i32
      %add3A_68 = arith.addi %add3A_64, %add3A_67 : i32
      %lt3A = arith.constant 125 : i32
      %lt3A_69 = arith.cmpi slt, %add3A_68, %lt3A : i32
      %convert_element_type3A_70 = arith.extui %lt3A_69 : i1 to i32
      %cond3A_71 = arith.constant 0 : i32
      %cond3A_72 = arith.cmpi ne, %convert_element_type3A_70, %cond3A_71 : i32
      scf.if %cond3A_72 {
        %add3A_183 = arith.constant 2 : i32
        %add3A_184 = arith.addi %add3A_64, %add3A_183 : i32
        %mul3A_185 = arith.constant 80 : i32
        %mul3A_186 = arith.muli %add3A_184, %mul3A_185 : i32
        %add3A_187 = arith.addi %mul3A_11, %mul3A_186 : i32
        %dma_start3A_188 = tpu.memref_slice %arg3[%add3A_187] : memref<320000xi32, #tpu.memory_space<hbm>> -> memref<80xi32, #tpu.memory_space<hbm>>
        %dma_start3A_189 = tpu.memref_slice %arg3[%add3A_187] : memref<320000xi32, #tpu.memory_space<hbm>> -> memref<80xi32, #tpu.memory_space<hbm>>
        tpu.enqueue_dma source(%dma_start3A_189 : memref<80xi32, #tpu.memory_space<hbm>>) target(%arg10 : memref<80xi32, #tpu.memory_space<vmem>>) target_semaphore(%arg20 : memref<!tpu.dma_semaphore, #tpu.memory_space<semaphore_mem>>)
        %dma_start3A_190 = tpu.memref_slice %arg4[%add3A_187] : memref<320000xi32, #tpu.memory_space<hbm>> -> memref<80xi32, #tpu.memory_space<hbm>>
        %dma_start3A_191 = tpu.memref_slice %arg4[%add3A_187] : memref<320000xi32, #tpu.memory_space<hbm>> -> memref<80xi32, #tpu.memory_space<hbm>>
        tpu.enqueue_dma source(%dma_start3A_191 : memref<80xi32, #tpu.memory_space<hbm>>) target(%arg14 : memref<80xi32, #tpu.memory_space<vmem>>) target_semaphore(%arg20 : memref<!tpu.dma_semaphore, #tpu.memory_space<semaphore_mem>>)
      } else {
      }
      %dma_wait3A_73 = arith.constant 0 : i32
      %dma_wait3A_74 = tpu.memref_slice %arg3[%dma_wait3A_73] : memref<320000xi32, #tpu.memory_space<hbm>> -> memref<80xi32, #tpu.memory_space<hbm>>
      %dma_wait3A_75 = arith.constant 0 : i32
      %dma_wait3A_76 = tpu.memref_slice %arg3[%dma_wait3A_75] : memref<320000xi32, #tpu.memory_space<hbm>> -> memref<80xi32, #tpu.memory_space<hbm>>
      tpu.wait_dma2 semaphore(%arg18 : memref<!tpu.dma_semaphore, #tpu.memory_space<semaphore_mem>>) src(%dma_wait3A_76 : memref<80xi32, #tpu.memory_space<hbm>>) dst(%arg8 : memref<80xi32, #tpu.memory_space<vmem>>)
      %dma_wait3A_77 = arith.constant 0 : i32
      %dma_wait3A_78 = tpu.memref_slice %arg4[%dma_wait3A_77] : memref<320000xi32, #tpu.memory_space<hbm>> -> memref<80xi32, #tpu.memory_space<hbm>>
      %dma_wait3A_79 = arith.constant 0 : i32
      %dma_wait3A_80 = tpu.memref_slice %arg4[%dma_wait3A_79] : memref<320000xi32, #tpu.memory_space<hbm>> -> memref<80xi32, #tpu.memory_space<hbm>>
      tpu.wait_dma2 semaphore(%arg18 : memref<!tpu.dma_semaphore, #tpu.memory_space<semaphore_mem>>) src(%dma_wait3A_80 : memref<80xi32, #tpu.memory_space<hbm>>) dst(%arg12 : memref<80xi32, #tpu.memory_space<vmem>>)
      %dma_start3A_81 = arith.constant 0 : i32
      %dma_start3A_82 = arith.constant 0 : i32
      %dma_start3A_83 = tpu.memref_slice %arg2[%dma_start3A_81, %dma_start3A_82] : memref<10240x128xf32, #tpu.memory_space<hbm>> -> memref<10240x128xf32, #tpu.memory_space<hbm>>
      tpu.enqueue_indirect_dma source(%dma_start3A_83 : memref<10240x128xf32, #tpu.memory_space<hbm>>) target(%arg16 : memref<80x128xf32, #tpu.memory_space<vmem>>) offsets(%arg8 : memref<80xi32, #tpu.memory_space<vmem>>) semaphore(%arg22 : memref<!tpu.dma_semaphore, #tpu.memory_space<semaphore_mem>>)
      %dma_wait3A_84 = arith.constant 0 : i32
      %dma_wait3A_85 = arith.constant 0 : i32
      %dma_wait3A_86 = tpu.memref_slice %arg2[%dma_wait3A_84, %dma_wait3A_85] : memref<10240x128xf32, #tpu.memory_space<hbm>> -> memref<10240x128xf32, #tpu.memory_space<hbm>>
      tpu.wait_indirect_dma semaphore(%arg22 : memref<!tpu.dma_semaphore, #tpu.memory_space<semaphore_mem>>) src(%dma_wait3A_86 : memref<10240x128xf32, #tpu.memory_space<hbm>>) dst(%arg16 : memref<80x128xf32, #tpu.memory_space<vmem>>)
      %dma_start3A_87 = arith.constant 0 : i32
      %dma_start3A_88 = arith.constant 0 : i32
      %dma_start3A_89 = tpu.memref_slice %arg6[%dma_start3A_87, %dma_start3A_88] : memref<10240x128xf32, #tpu.memory_space<vmem_shared>> -> memref<10240x128xf32, #tpu.memory_space<vmem_shared>>
      tpu.enqueue_indirect_dma source(%arg16 : memref<80x128xf32, #tpu.memory_space<vmem>>) target(%dma_start3A_89 : memref<10240x128xf32, #tpu.memory_space<vmem_shared>>) offsets(%arg12 : memref<80xi32, #tpu.memory_space<vmem>>) semaphore(%arg24 : memref<!tpu.dma_semaphore, #tpu.memory_space<semaphore_mem>>) {add = true}
      %add3A_90 = arith.constant 1 : i32
      %add3A_91 = arith.addi %mul3A_62, %add3A_90 : i32
      %ge3A_92 = arith.constant 2 : i32
      %ge3A_93 = arith.cmpi sge, %add3A_91, %ge3A_92 : i32
      %convert_element_type3A_94 = arith.extui %ge3A_93 : i1 to i32
      %cond3A_95 = arith.constant 0 : i32
      %cond3A_96 = arith.cmpi ne, %convert_element_type3A_94, %cond3A_95 : i32
      scf.if %cond3A_96 {
        %dma_wait3A_183 = arith.constant 0 : i32
        %dma_wait3A_184 = arith.constant 0 : i32
        %dma_wait3A_185 = tpu.memref_slice %arg6[%dma_wait3A_183, %dma_wait3A_184] : memref<10240x128xf32, #tpu.memory_space<vmem_shared>> -> memref<10240x128xf32, #tpu.memory_space<vmem_shared>>
        tpu.wait_indirect_dma semaphore(%arg25 : memref<!tpu.dma_semaphore, #tpu.memory_space<semaphore_mem>>) src(%arg17 : memref<80x128xf32, #tpu.memory_space<vmem>>) dst(%dma_wait3A_185 : memref<10240x128xf32, #tpu.memory_space<vmem_shared>>)
      } else {
      }
      %add3A_97 = arith.constant 2 : i32
      %add3A_98 = arith.addi %add3A_91, %add3A_97 : i32
      %lt3A_99 = arith.constant 125 : i32
      %lt3A_100 = arith.cmpi slt, %add3A_98, %lt3A_99 : i32
      %convert_element_type3A_101 = arith.extui %lt3A_100 : i1 to i32
      %cond3A_102 = arith.constant 0 : i32
      %cond3A_103 = arith.cmpi ne, %convert_element_type3A_101, %cond3A_102 : i32
      scf.if %cond3A_103 {
        %add3A_183 = arith.constant 2 : i32
        %add3A_184 = arith.addi %add3A_91, %add3A_183 : i32
        %mul3A_185 = arith.constant 80 : i32
        %mul3A_186 = arith.muli %add3A_184, %mul3A_185 : i32
        %add3A_187 = arith.addi %mul3A_11, %mul3A_186 : i32
        %dma_start3A_188 = tpu.memref_slice %arg3[%add3A_187] : memref<320000xi32, #tpu.memory_space<hbm>> -> memref<80xi32, #tpu.memory_space<hbm>>
        %dma_start3A_189 = tpu.memref_slice %arg3[%add3A_187] : memref<320000xi32, #tpu.memory_space<hbm>> -> memref<80xi32, #tpu.memory_space<hbm>>
        tpu.enqueue_dma source(%dma_start3A_189 : memref<80xi32, #tpu.memory_space<hbm>>) target(%arg11 : memref<80xi32, #tpu.memory_space<vmem>>) target_semaphore(%arg21 : memref<!tpu.dma_semaphore, #tpu.memory_space<semaphore_mem>>)
        %dma_start3A_190 = tpu.memref_slice %arg4[%add3A_187] : memref<320000xi32, #tpu.memory_space<hbm>> -> memref<80xi32, #tpu.memory_space<hbm>>
        %dma_start3A_191 = tpu.memref_slice %arg4[%add3A_187] : memref<320000xi32, #tpu.memory_space<hbm>> -> memref<80xi32, #tpu.memory_space<hbm>>
        tpu.enqueue_dma source(%dma_start3A_191 : memref<80xi32, #tpu.memory_space<hbm>>) target(%arg15 : memref<80xi32, #tpu.memory_space<vmem>>) target_semaphore(%arg21 : memref<!tpu.dma_semaphore, #tpu.memory_space<semaphore_mem>>)
      } else {
      }
      %dma_wait3A_104 = arith.constant 0 : i32
      %dma_wait3A_105 = tpu.memref_slice %arg3[%dma_wait3A_104] : memref<320000xi32, #tpu.memory_space<hbm>> -> memref<80xi32, #tpu.memory_space<hbm>>
      %dma_wait3A_106 = arith.constant 0 : i32
      %dma_wait3A_107 = tpu.memref_slice %arg3[%dma_wait3A_106] : memref<320000xi32, #tpu.memory_space<hbm>> -> memref<80xi32, #tpu.memory_space<hbm>>
      tpu.wait_dma2 semaphore(%arg19 : memref<!tpu.dma_semaphore, #tpu.memory_space<semaphore_mem>>) src(%dma_wait3A_107 : memref<80xi32, #tpu.memory_space<hbm>>) dst(%arg9 : memref<80xi32, #tpu.memory_space<vmem>>)
      %dma_wait3A_108 = arith.constant 0 : i32
      %dma_wait3A_109 = tpu.memref_slice %arg4[%dma_wait3A_108] : memref<320000xi32, #tpu.memory_space<hbm>> -> memref<80xi32, #tpu.memory_space<hbm>>
      %dma_wait3A_110 = arith.constant 0 : i32
      %dma_wait3A_111 = tpu.memref_slice %arg4[%dma_wait3A_110] : memref<320000xi32, #tpu.memory_space<hbm>> -> memref<80xi32, #tpu.memory_space<hbm>>
      tpu.wait_dma2 semaphore(%arg19 : memref<!tpu.dma_semaphore, #tpu.memory_space<semaphore_mem>>) src(%dma_wait3A_111 : memref<80xi32, #tpu.memory_space<hbm>>) dst(%arg13 : memref<80xi32, #tpu.memory_space<vmem>>)
      %dma_start3A_112 = arith.constant 0 : i32
      %dma_start3A_113 = arith.constant 0 : i32
      %dma_start3A_114 = tpu.memref_slice %arg2[%dma_start3A_112, %dma_start3A_113] : memref<10240x128xf32, #tpu.memory_space<hbm>> -> memref<10240x128xf32, #tpu.memory_space<hbm>>
      tpu.enqueue_indirect_dma source(%dma_start3A_114 : memref<10240x128xf32, #tpu.memory_space<hbm>>) target(%arg17 : memref<80x128xf32, #tpu.memory_space<vmem>>) offsets(%arg9 : memref<80xi32, #tpu.memory_space<vmem>>) semaphore(%arg23 : memref<!tpu.dma_semaphore, #tpu.memory_space<semaphore_mem>>)
      %dma_wait3A_115 = arith.constant 0 : i32
      %dma_wait3A_116 = arith.constant 0 : i32
      %dma_wait3A_117 = tpu.memref_slice %arg2[%dma_wait3A_115, %dma_wait3A_116] : memref<10240x128xf32, #tpu.memory_space<hbm>> -> memref<10240x128xf32, #tpu.memory_space<hbm>>
      tpu.wait_indirect_dma semaphore(%arg23 : memref<!tpu.dma_semaphore, #tpu.memory_space<semaphore_mem>>) src(%dma_wait3A_117 : memref<10240x128xf32, #tpu.memory_space<hbm>>) dst(%arg17 : memref<80x128xf32, #tpu.memory_space<vmem>>)
      %dma_start3A_118 = arith.constant 0 : i32
      %dma_start3A_119 = arith.constant 0 : i32
      %dma_start3A_120 = tpu.memref_slice %arg6[%dma_start3A_118, %dma_start3A_119] : memref<10240x128xf32, #tpu.memory_space<vmem_shared>> -> memref<10240x128xf32, #tpu.memory_space<vmem_shared>>
      tpu.enqueue_indirect_dma source(%arg17 : memref<80x128xf32, #tpu.memory_space<vmem>>) target(%dma_start3A_120 : memref<10240x128xf32, #tpu.memory_space<vmem_shared>>) offsets(%arg13 : memref<80xi32, #tpu.memory_space<vmem>>) semaphore(%arg25 : memref<!tpu.dma_semaphore, #tpu.memory_space<semaphore_mem>>) {add = true}
      %add3A_121 = arith.constant 2 : i32
      %add3A_122 = arith.addi %mul3A_62, %add3A_121 : i32
      %ge3A_123 = arith.constant 2 : i32
      %ge3A_124 = arith.cmpi sge, %add3A_122, %ge3A_123 : i32
      %convert_element_type3A_125 = arith.extui %ge3A_124 : i1 to i32
      %cond3A_126 = arith.constant 0 : i32
      %cond3A_127 = arith.cmpi ne, %convert_element_type3A_125, %cond3A_126 : i32
      scf.if %cond3A_127 {
        %dma_wait3A_183 = arith.constant 0 : i32
        %dma_wait3A_184 = arith.constant 0 : i32
        %dma_wait3A_185 = tpu.memref_slice %arg6[%dma_wait3A_183, %dma_wait3A_184] : memref<10240x128xf32, #tpu.memory_space<vmem_shared>> -> memref<10240x128xf32, #tpu.memory_space<vmem_shared>>
        tpu.wait_indirect_dma semaphore(%arg24 : memref<!tpu.dma_semaphore, #tpu.memory_space<semaphore_mem>>) src(%arg16 : memref<80x128xf32, #tpu.memory_space<vmem>>) dst(%dma_wait3A_185 : memref<10240x128xf32, #tpu.memory_space<vmem_shared>>)
      } else {
      }
      %add3A_128 = arith.constant 2 : i32
      %add3A_129 = arith.addi %add3A_122, %add3A_128 : i32
      %lt3A_130 = arith.constant 125 : i32
      %lt3A_131 = arith.cmpi slt, %add3A_129, %lt3A_130 : i32
      %convert_element_type3A_132 = arith.extui %lt3A_131 : i1 to i32
      %cond3A_133 = arith.constant 0 : i32
      %cond3A_134 = arith.cmpi ne, %convert_element_type3A_132, %cond3A_133 : i32
      scf.if %cond3A_134 {
        %add3A_183 = arith.constant 2 : i32
        %add3A_184 = arith.addi %add3A_122, %add3A_183 : i32
        %mul3A_185 = arith.constant 80 : i32
        %mul3A_186 = arith.muli %add3A_184, %mul3A_185 : i32
        %add3A_187 = arith.addi %mul3A_11, %mul3A_186 : i32
        %dma_start3A_188 = tpu.memref_slice %arg3[%add3A_187] : memref<320000xi32, #tpu.memory_space<hbm>> -> memref<80xi32, #tpu.memory_space<hbm>>
        %dma_start3A_189 = tpu.memref_slice %arg3[%add3A_187] : memref<320000xi32, #tpu.memory_space<hbm>> -> memref<80xi32, #tpu.memory_space<hbm>>
        tpu.enqueue_dma source(%dma_start3A_189 : memref<80xi32, #tpu.memory_space<hbm>>) target(%arg8 : memref<80xi32, #tpu.memory_space<vmem>>) target_semaphore(%arg18 : memref<!tpu.dma_semaphore, #tpu.memory_space<semaphore_mem>>)
        %dma_start3A_190 = tpu.memref_slice %arg4[%add3A_187] : memref<320000xi32, #tpu.memory_space<hbm>> -> memref<80xi32, #tpu.memory_space<hbm>>
        %dma_start3A_191 = tpu.memref_slice %arg4[%add3A_187] : memref<320000xi32, #tpu.memory_space<hbm>> -> memref<80xi32, #tpu.memory_space<hbm>>
        tpu.enqueue_dma source(%dma_start3A_191 : memref<80xi32, #tpu.memory_space<hbm>>) target(%arg12 : memref<80xi32, #tpu.memory_space<vmem>>) target_semaphore(%arg18 : memref<!tpu.dma_semaphore, #tpu.memory_space<semaphore_mem>>)
      } else {
      }
      %dma_wait3A_135 = arith.constant 0 : i32
      %dma_wait3A_136 = tpu.memref_slice %arg3[%dma_wait3A_135] : memref<320000xi32, #tpu.memory_space<hbm>> -> memref<80xi32, #tpu.memory_space<hbm>>
      %dma_wait3A_137 = arith.constant 0 : i32
      %dma_wait3A_138 = tpu.memref_slice %arg3[%dma_wait3A_137] : memref<320000xi32, #tpu.memory_space<hbm>> -> memref<80xi32, #tpu.memory_space<hbm>>
      tpu.wait_dma2 semaphore(%arg20 : memref<!tpu.dma_semaphore, #tpu.memory_space<semaphore_mem>>) src(%dma_wait3A_138 : memref<80xi32, #tpu.memory_space<hbm>>) dst(%arg10 : memref<80xi32, #tpu.memory_space<vmem>>)
      %dma_wait3A_139 = arith.constant 0 : i32
      %dma_wait3A_140 = tpu.memref_slice %arg4[%dma_wait3A_139] : memref<320000xi32, #tpu.memory_space<hbm>> -> memref<80xi32, #tpu.memory_space<hbm>>
      %dma_wait3A_141 = arith.constant 0 : i32
      %dma_wait3A_142 = tpu.memref_slice %arg4[%dma_wait3A_141] : memref<320000xi32, #tpu.memory_space<hbm>> -> memref<80xi32, #tpu.memory_space<hbm>>
      tpu.wait_dma2 semaphore(%arg20 : memref<!tpu.dma_semaphore, #tpu.memory_space<semaphore_mem>>) src(%dma_wait3A_142 : memref<80xi32, #tpu.memory_space<hbm>>) dst(%arg14 : memref<80xi32, #tpu.memory_space<vmem>>)
      %dma_start3A_143 = arith.constant 0 : i32
      %dma_start3A_144 = arith.constant 0 : i32
      %dma_start3A_145 = tpu.memref_slice %arg2[%dma_start3A_143, %dma_start3A_144] : memref<10240x128xf32, #tpu.memory_space<hbm>> -> memref<10240x128xf32, #tpu.memory_space<hbm>>
      tpu.enqueue_indirect_dma source(%dma_start3A_145 : memref<10240x128xf32, #tpu.memory_space<hbm>>) target(%arg16 : memref<80x128xf32, #tpu.memory_space<vmem>>) offsets(%arg10 : memref<80xi32, #tpu.memory_space<vmem>>) semaphore(%arg22 : memref<!tpu.dma_semaphore, #tpu.memory_space<semaphore_mem>>)
      %dma_wait3A_146 = arith.constant 0 : i32
      %dma_wait3A_147 = arith.constant 0 : i32
      %dma_wait3A_148 = tpu.memref_slice %arg2[%dma_wait3A_146, %dma_wait3A_147] : memref<10240x128xf32, #tpu.memory_space<hbm>> -> memref<10240x128xf32, #tpu.memory_space<hbm>>
      tpu.wait_indirect_dma semaphore(%arg22 : memref<!tpu.dma_semaphore, #tpu.memory_space<semaphore_mem>>) src(%dma_wait3A_148 : memref<10240x128xf32, #tpu.memory_space<hbm>>) dst(%arg16 : memref<80x128xf32, #tpu.memory_space<vmem>>)
      %dma_start3A_149 = arith.constant 0 : i32
      %dma_start3A_150 = arith.constant 0 : i32
      %dma_start3A_151 = tpu.memref_slice %arg6[%dma_start3A_149, %dma_start3A_150] : memref<10240x128xf32, #tpu.memory_space<vmem_shared>> -> memref<10240x128xf32, #tpu.memory_space<vmem_shared>>
      tpu.enqueue_indirect_dma source(%arg16 : memref<80x128xf32, #tpu.memory_space<vmem>>) target(%dma_start3A_151 : memref<10240x128xf32, #tpu.memory_space<vmem_shared>>) offsets(%arg14 : memref<80xi32, #tpu.memory_space<vmem>>) semaphore(%arg24 : memref<!tpu.dma_semaphore, #tpu.memory_space<semaphore_mem>>) {add = true}
      %add3A_152 = arith.constant 3 : i32
      %add3A_153 = arith.addi %mul3A_62, %add3A_152 : i32
      %ge3A_154 = arith.constant 2 : i32
      %ge3A_155 = arith.cmpi sge, %add3A_153, %ge3A_154 : i32
      %convert_element_type3A_156 = arith.extui %ge3A_155 : i1 to i32
      %cond3A_157 = arith.constant 0 : i32
      %cond3A_158 = arith.cmpi ne, %convert_element_type3A_156, %cond3A_157 : i32
      scf.if %cond3A_158 {
        %dma_wait3A_183 = arith.constant 0 : i32
        %dma_wait3A_184 = arith.constant 0 : i32
        %dma_wait3A_185 = tpu.memref_slice %arg6[%dma_wait3A_183, %dma_wait3A_184] : memref<10240x128xf32, #tpu.memory_space<vmem_shared>> -> memref<10240x128xf32, #tpu.memory_space<vmem_shared>>
        tpu.wait_indirect_dma semaphore(%arg25 : memref<!tpu.dma_semaphore, #tpu.memory_space<semaphore_mem>>) src(%arg17 : memref<80x128xf32, #tpu.memory_space<vmem>>) dst(%dma_wait3A_185 : memref<10240x128xf32, #tpu.memory_space<vmem_shared>>)
      } else {
      }
      %add3A_159 = arith.constant 2 : i32
      %add3A_160 = arith.addi %add3A_153, %add3A_159 : i32
      %lt3A_161 = arith.constant 125 : i32
      %lt3A_162 = arith.cmpi slt, %add3A_160, %lt3A_161 : i32
      %convert_element_type3A_163 = arith.extui %lt3A_162 : i1 to i32
      %cond3A_164 = arith.constant 0 : i32
      %cond3A_165 = arith.cmpi ne, %convert_element_type3A_163, %cond3A_164 : i32
      scf.if %cond3A_165 {
        %add3A_183 = arith.constant 2 : i32
        %add3A_184 = arith.addi %add3A_153, %add3A_183 : i32
        %mul3A_185 = arith.constant 80 : i32
        %mul3A_186 = arith.muli %add3A_184, %mul3A_185 : i32
        %add3A_187 = arith.addi %mul3A_11, %mul3A_186 : i32
        %dma_start3A_188 = tpu.memref_slice %arg3[%add3A_187] : memref<320000xi32, #tpu.memory_space<hbm>> -> memref<80xi32, #tpu.memory_space<hbm>>
        %dma_start3A_189 = tpu.memref_slice %arg3[%add3A_187] : memref<320000xi32, #tpu.memory_space<hbm>> -> memref<80xi32, #tpu.memory_space<hbm>>
        tpu.enqueue_dma source(%dma_start3A_189 : memref<80xi32, #tpu.memory_space<hbm>>) target(%arg9 : memref<80xi32, #tpu.memory_space<vmem>>) target_semaphore(%arg19 : memref<!tpu.dma_semaphore, #tpu.memory_space<semaphore_mem>>)
        %dma_start3A_190 = tpu.memref_slice %arg4[%add3A_187] : memref<320000xi32, #tpu.memory_space<hbm>> -> memref<80xi32, #tpu.memory_space<hbm>>
        %dma_start3A_191 = tpu.memref_slice %arg4[%add3A_187] : memref<320000xi32, #tpu.memory_space<hbm>> -> memref<80xi32, #tpu.memory_space<hbm>>
        tpu.enqueue_dma source(%dma_start3A_191 : memref<80xi32, #tpu.memory_space<hbm>>) target(%arg13 : memref<80xi32, #tpu.memory_space<vmem>>) target_semaphore(%arg19 : memref<!tpu.dma_semaphore, #tpu.memory_space<semaphore_mem>>)
      } else {
      }
      %dma_wait3A_166 = arith.constant 0 : i32
      %dma_wait3A_167 = tpu.memref_slice %arg3[%dma_wait3A_166] : memref<320000xi32, #tpu.memory_space<hbm>> -> memref<80xi32, #tpu.memory_space<hbm>>
      %dma_wait3A_168 = arith.constant 0 : i32
      %dma_wait3A_169 = tpu.memref_slice %arg3[%dma_wait3A_168] : memref<320000xi32, #tpu.memory_space<hbm>> -> memref<80xi32, #tpu.memory_space<hbm>>
      tpu.wait_dma2 semaphore(%arg21 : memref<!tpu.dma_semaphore, #tpu.memory_space<semaphore_mem>>) src(%dma_wait3A_169 : memref<80xi32, #tpu.memory_space<hbm>>) dst(%arg11 : memref<80xi32, #tpu.memory_space<vmem>>)
      %dma_wait3A_170 = arith.constant 0 : i32
      %dma_wait3A_171 = tpu.memref_slice %arg4[%dma_wait3A_170] : memref<320000xi32, #tpu.memory_space<hbm>> -> memref<80xi32, #tpu.memory_space<hbm>>
      %dma_wait3A_172 = arith.constant 0 : i32
      %dma_wait3A_173 = tpu.memref_slice %arg4[%dma_wait3A_172] : memref<320000xi32, #tpu.memory_space<hbm>> -> memref<80xi32, #tpu.memory_space<hbm>>
      tpu.wait_dma2 semaphore(%arg21 : memref<!tpu.dma_semaphore, #tpu.memory_space<semaphore_mem>>) src(%dma_wait3A_173 : memref<80xi32, #tpu.memory_space<hbm>>) dst(%arg15 : memref<80xi32, #tpu.memory_space<vmem>>)
      %dma_start3A_174 = arith.constant 0 : i32
      %dma_start3A_175 = arith.constant 0 : i32
      %dma_start3A_176 = tpu.memref_slice %arg2[%dma_start3A_174, %dma_start3A_175] : memref<10240x128xf32, #tpu.memory_space<hbm>> -> memref<10240x128xf32, #tpu.memory_space<hbm>>
      tpu.enqueue_indirect_dma source(%dma_start3A_176 : memref<10240x128xf32, #tpu.memory_space<hbm>>) target(%arg17 : memref<80x128xf32, #tpu.memory_space<vmem>>) offsets(%arg11 : memref<80xi32, #tpu.memory_space<vmem>>) semaphore(%arg23 : memref<!tpu.dma_semaphore, #tpu.memory_space<semaphore_mem>>)
      %dma_wait3A_177 = arith.constant 0 : i32
      %dma_wait3A_178 = arith.constant 0 : i32
      %dma_wait3A_179 = tpu.memref_slice %arg2[%dma_wait3A_177, %dma_wait3A_178] : memref<10240x128xf32, #tpu.memory_space<hbm>> -> memref<10240x128xf32, #tpu.memory_space<hbm>>
      tpu.wait_indirect_dma semaphore(%arg23 : memref<!tpu.dma_semaphore, #tpu.memory_space<semaphore_mem>>) src(%dma_wait3A_179 : memref<10240x128xf32, #tpu.memory_space<hbm>>) dst(%arg17 : memref<80x128xf32, #tpu.memory_space<vmem>>)
      %dma_start3A_180 = arith.constant 0 : i32
      %dma_start3A_181 = arith.constant 0 : i32
      %dma_start3A_182 = tpu.memref_slice %arg6[%dma_start3A_180, %dma_start3A_181] : memref<10240x128xf32, #tpu.memory_space<vmem_shared>> -> memref<10240x128xf32, #tpu.memory_space<vmem_shared>>
      tpu.enqueue_indirect_dma source(%arg17 : memref<80x128xf32, #tpu.memory_space<vmem>>) target(%dma_start3A_182 : memref<10240x128xf32, #tpu.memory_space<vmem_shared>>) offsets(%arg15 : memref<80xi32, #tpu.memory_space<vmem>>) semaphore(%arg25 : memref<!tpu.dma_semaphore, #tpu.memory_space<semaphore_mem>>) {add = true}
    }
    %scan3A_27 = arith.constant 31 : i32
    %dma_wait3A = arith.constant 0 : i32
    %dma_wait3A_28 = arith.constant 0 : i32
    %dma_wait3A_29 = tpu.memref_slice %arg6[%dma_wait3A, %dma_wait3A_28] : memref<10240x128xf32, #tpu.memory_space<vmem_shared>> -> memref<10240x128xf32, #tpu.memory_space<vmem_shared>>
    tpu.wait_indirect_dma semaphore(%arg24 : memref<!tpu.dma_semaphore, #tpu.memory_space<semaphore_mem>>) src(%arg16 : memref<80x128xf32, #tpu.memory_space<vmem>>) dst(%dma_wait3A_29 : memref<10240x128xf32, #tpu.memory_space<vmem_shared>>)
    %dma_wait3A_30 = arith.constant 0 : i32
    %dma_wait3A_31 = tpu.memref_slice %arg3[%dma_wait3A_30] : memref<320000xi32, #tpu.memory_space<hbm>> -> memref<80xi32, #tpu.memory_space<hbm>>
    %dma_wait3A_32 = arith.constant 0 : i32
    %dma_wait3A_33 = tpu.memref_slice %arg3[%dma_wait3A_32] : memref<320000xi32, #tpu.memory_space<hbm>> -> memref<80xi32, #tpu.memory_space<hbm>>
    tpu.wait_dma2 semaphore(%arg18 : memref<!tpu.dma_semaphore, #tpu.memory_space<semaphore_mem>>) src(%dma_wait3A_33 : memref<80xi32, #tpu.memory_space<hbm>>) dst(%arg8 : memref<80xi32, #tpu.memory_space<vmem>>)
    %dma_wait3A_34 = arith.constant 0 : i32
    %dma_wait3A_35 = tpu.memref_slice %arg4[%dma_wait3A_34] : memref<320000xi32, #tpu.memory_space<hbm>> -> memref<80xi32, #tpu.memory_space<hbm>>
    %dma_wait3A_36 = arith.constant 0 : i32
    %dma_wait3A_37 = tpu.memref_slice %arg4[%dma_wait3A_36] : memref<320000xi32, #tpu.memory_space<hbm>> -> memref<80xi32, #tpu.memory_space<hbm>>
    tpu.wait_dma2 semaphore(%arg18 : memref<!tpu.dma_semaphore, #tpu.memory_space<semaphore_mem>>) src(%dma_wait3A_37 : memref<80xi32, #tpu.memory_space<hbm>>) dst(%arg12 : memref<80xi32, #tpu.memory_space<vmem>>)
    %dma_start3A_38 = arith.constant 0 : i32
    %dma_start3A_39 = arith.constant 0 : i32
    %dma_start3A_40 = tpu.memref_slice %arg2[%dma_start3A_38, %dma_start3A_39] : memref<10240x128xf32, #tpu.memory_space<hbm>> -> memref<10240x128xf32, #tpu.memory_space<hbm>>
    tpu.enqueue_indirect_dma source(%dma_start3A_40 : memref<10240x128xf32, #tpu.memory_space<hbm>>) target(%arg16 : memref<80x128xf32, #tpu.memory_space<vmem>>) offsets(%arg8 : memref<80xi32, #tpu.memory_space<vmem>>) semaphore(%arg22 : memref<!tpu.dma_semaphore, #tpu.memory_space<semaphore_mem>>)
    %dma_wait3A_41 = arith.constant 0 : i32
    %dma_wait3A_42 = arith.constant 0 : i32
    %dma_wait3A_43 = tpu.memref_slice %arg2[%dma_wait3A_41, %dma_wait3A_42] : memref<10240x128xf32, #tpu.memory_space<hbm>> -> memref<10240x128xf32, #tpu.memory_space<hbm>>
    tpu.wait_indirect_dma semaphore(%arg22 : memref<!tpu.dma_semaphore, #tpu.memory_space<semaphore_mem>>) src(%dma_wait3A_43 : memref<10240x128xf32, #tpu.memory_space<hbm>>) dst(%arg16 : memref<80x128xf32, #tpu.memory_space<vmem>>)
    %dma_start3A_44 = arith.constant 0 : i32
    %dma_start3A_45 = arith.constant 0 : i32
    %dma_start3A_46 = tpu.memref_slice %arg6[%dma_start3A_44, %dma_start3A_45] : memref<10240x128xf32, #tpu.memory_space<vmem_shared>> -> memref<10240x128xf32, #tpu.memory_space<vmem_shared>>
    tpu.enqueue_indirect_dma source(%arg16 : memref<80x128xf32, #tpu.memory_space<vmem>>) target(%dma_start3A_46 : memref<10240x128xf32, #tpu.memory_space<vmem_shared>>) offsets(%arg12 : memref<80xi32, #tpu.memory_space<vmem>>) semaphore(%arg24 : memref<!tpu.dma_semaphore, #tpu.memory_space<semaphore_mem>>) {add = true}
    %dma_wait3A_47 = arith.constant 0 : i32
    %dma_wait3A_48 = arith.constant 0 : i32
    %dma_wait3A_49 = tpu.memref_slice %arg6[%dma_wait3A_47, %dma_wait3A_48] : memref<10240x128xf32, #tpu.memory_space<vmem_shared>> -> memref<10240x128xf32, #tpu.memory_space<vmem_shared>>
    tpu.wait_indirect_dma semaphore(%arg25 : memref<!tpu.dma_semaphore, #tpu.memory_space<semaphore_mem>>) src(%arg17 : memref<80x128xf32, #tpu.memory_space<vmem>>) dst(%dma_wait3A_49 : memref<10240x128xf32, #tpu.memory_space<vmem_shared>>)
    %dma_wait3A_50 = arith.constant 0 : i32
    %dma_wait3A_51 = arith.constant 0 : i32
    %dma_wait3A_52 = tpu.memref_slice %arg6[%dma_wait3A_50, %dma_wait3A_51] : memref<10240x128xf32, #tpu.memory_space<vmem_shared>> -> memref<10240x128xf32, #tpu.memory_space<vmem_shared>>
    tpu.wait_indirect_dma semaphore(%arg24 : memref<!tpu.dma_semaphore, #tpu.memory_space<semaphore_mem>>) src(%arg16 : memref<80x128xf32, #tpu.memory_space<vmem>>) dst(%dma_wait3A_52 : memref<10240x128xf32, #tpu.memory_space<vmem_shared>>)
    %barrier3A_53 = arith.constant 0 : index
    tpu.barrier barrier_id(%barrier3A_53)
    %mul3A_54 = arith.constant 640 : i32
    %mul3A_55 = arith.muli %arg1, %mul3A_54 : i32
    "tpu.region"() ({
      %run_scoped3A = tpu.sem_alloc : memref<!tpu.dma_semaphore, #tpu.memory_space<semaphore_mem>>
      %dma_start3A_56 = arith.constant 0 : i32
      %dma_start3A_57 = tpu.memref_slice %arg5[%arg0, %mul3A_55, %dma_start3A_56] : memref<2x10240x128xf32, #tpu.memory_space<hbm>> -> memref<1x640x128xf32, #tpu.memory_space<hbm>>
      %dma_start3A_58 = tpu.memref_squeeze %dma_start3A_57 : memref<1x640x128xf32, #tpu.memory_space<hbm>> -> memref<640x128xf32, #tpu.memory_space<hbm>>
      %dma_start3A_59 = arith.constant 0 : i32
      %dma_start3A_60 = tpu.memref_slice %arg6[%mul3A_55, %dma_start3A_59] : memref<10240x128xf32, #tpu.memory_space<vmem_shared>> -> memref<640x128xf32, #tpu.memory_space<vmem_shared>>
      tpu.enqueue_dma source(%dma_start3A_60 : memref<640x128xf32, #tpu.memory_space<vmem_shared>>) target(%dma_start3A_58 : memref<640x128xf32, #tpu.memory_space<hbm>>) target_semaphore(%run_scoped3A : memref<!tpu.dma_semaphore, #tpu.memory_space<semaphore_mem>>)
      %dma_wait3A_61 = arith.constant 0 : i32
      %dma_wait3A_62 = tpu.memref_slice %arg5[%arg0, %mul3A_55, %dma_wait3A_61] : memref<2x10240x128xf32, #tpu.memory_space<hbm>> -> memref<1x640x128xf32, #tpu.memory_space<hbm>>
      %dma_wait3A_63 = tpu.memref_squeeze %dma_wait3A_62 : memref<1x640x128xf32, #tpu.memory_space<hbm>> -> memref<640x128xf32, #tpu.memory_space<hbm>>
      %dma_wait3A_64 = arith.constant 0 : i32
      %dma_wait3A_65 = tpu.memref_slice %arg6[%mul3A_55, %dma_wait3A_64] : memref<10240x128xf32, #tpu.memory_space<vmem_shared>> -> memref<640x128xf32, #tpu.memory_space<vmem_shared>>
      tpu.wait_dma2 semaphore(%run_scoped3A : memref<!tpu.dma_semaphore, #tpu.memory_space<semaphore_mem>>) src(%dma_wait3A_65 : memref<640x128xf32, #tpu.memory_space<vmem_shared>>) dst(%dma_wait3A_63 : memref<640x128xf32, #tpu.memory_space<hbm>>)
      tpu.yield
    }) : () -> ()
    return
  }
}

module attributes {stable_mosaic.version = 14 : i64} {
  func.func @body(%arg0: i32, %arg1: memref<1x2048x128xf32, #tpu.memory_space<vmem>>, %arg2: memref<1x2048x128xf32, #tpu.memory_space<vmem>>, %arg3: memref<2048x1xf32, #tpu.memory_space<vmem>>, %arg4: memref<2048x1xf32, #tpu.memory_space<vmem>>, %arg5: memref<2048x128xf32, #tpu.memory_space<vmem>>, %arg6: memref<128x128xf32, #tpu.memory_space<vmem>>, %arg7: memref<128x128xf32, #tpu.memory_space<vmem>>, %arg8: memref<1x128xf32, #tpu.memory_space<vmem>>, %arg9: memref<2048x128xf32, #tpu.memory_space<vmem>>) attributes {dimension_semantics = [#tpu.dimension_semantics<arbitrary>], iteration_bounds = array<i64: 5>, scalar_prefetch = 0 : i64, scratch_operands = 0 : i64, tpu.core_type = #tpu.core_type<tc>, window_params = [{transform_indices = @transform_0, window_bounds = array<i64: 1, 2048, 128>}, {transform_indices = @transform_1, window_bounds = array<i64: 1, 2048, 128>}, {transform_indices = @transform_2, window_bounds = array<i64: 2048, 1>}, {transform_indices = @transform_3, window_bounds = array<i64: 2048, 1>}, {transform_indices = @transform_4, window_bounds = array<i64: 2048, 128>}, {pipeline_mode = #tpu.pipeline_mode<synchronous>, transform_indices = @transform_5, window_bounds = array<i64: 128, 128>}, {pipeline_mode = #tpu.pipeline_mode<synchronous>, transform_indices = @transform_6, window_bounds = array<i64: 128, 128>}, {pipeline_mode = #tpu.pipeline_mode<synchronous>, transform_indices = @transform_7, window_bounds = array<i64: 1, 128>}, {transform_indices = @transform_8, window_bounds = array<i64: 2048, 128>}]} {
    %get3A = arith.constant 0 : index
    %get3A_0 = arith.constant 0 : index
    %get3A_1 = vector.load %arg3[%get3A, %get3A_0] : memref<2048x1xf32, #tpu.memory_space<vmem>>, vector<2048x1xf32>
    %get3A_2 = arith.constant 0 : index
    %get3A_3 = arith.constant 0 : index
    %get3A_4 = arith.constant 0 : index
    %get3A_5 = vector.load %arg1[%get3A_2, %get3A_3, %get3A_4] : memref<1x2048x128xf32, #tpu.memory_space<vmem>>, vector<1x2048x128xf32>
    %get3A_6 = vector.shape_cast %get3A_5 : vector<1x2048x128xf32> to vector<2048x128xf32>
    %get3A_7 = arith.constant 0 : index
    %get3A_8 = arith.constant 0 : index
    %get3A_9 = arith.constant 0 : index
    %get3A_10 = vector.load %arg2[%get3A_7, %get3A_8, %get3A_9] : memref<1x2048x128xf32, #tpu.memory_space<vmem>>, vector<1x2048x128xf32>
    %get3A_11 = vector.shape_cast %get3A_10 : vector<1x2048x128xf32> to vector<2048x128xf32>
    %add3A = arith.addf %get3A_6, %get3A_11 : vector<2048x128xf32>
    %mul3A = vector.broadcast %get3A_1 : vector<2048x1xf32> to vector<2048x128xf32>
    %mul3A_12 = arith.mulf %add3A, %mul3A : vector<2048x128xf32>
    %get3A_13 = arith.constant 0 : index
    %get3A_14 = arith.constant 0 : index
    %get3A_15 = vector.load %arg6[%get3A_13, %get3A_14] : memref<128x128xf32, #tpu.memory_space<vmem>>, vector<128x128xf32>
    %dot_general3A = arith.constant dense<0.000000e+00> : vector<2048x128xf32>
    %dot_general3A_16 = tpu.matmul %mul3A_12, %get3A_15, %dot_general3A {dimension_numbers = #tpu.dot_dimension_numbers<[1], [0], [0], [1], [0, 0, 1, 1], [], []>, transpose_lhs_hint = false} : vector<2048x128xf32>, vector<128x128xf32>, vector<2048x128xf32> -> vector<2048x128xf32>
    %get3A_17 = arith.constant 0 : index
    %get3A_18 = arith.constant 0 : index
    %get3A_19 = vector.load %arg5[%get3A_17, %get3A_18] : memref<2048x128xf32, #tpu.memory_space<vmem>>, vector<2048x128xf32>
    %get3A_20 = arith.constant 0 : index
    %get3A_21 = arith.constant 0 : index
    %get3A_22 = vector.load %arg7[%get3A_20, %get3A_21] : memref<128x128xf32, #tpu.memory_space<vmem>>, vector<128x128xf32>
    %dot_general3A_23 = arith.constant dense<0.000000e+00> : vector<2048x128xf32>
    %dot_general3A_24 = tpu.matmul %get3A_19, %get3A_22, %dot_general3A_23 {dimension_numbers = #tpu.dot_dimension_numbers<[1], [0], [0], [1], [0, 0, 1, 1], [], []>, transpose_lhs_hint = false} : vector<2048x128xf32>, vector<128x128xf32>, vector<2048x128xf32> -> vector<2048x128xf32>
    %add3A_25 = arith.addf %dot_general3A_16, %dot_general3A_24 : vector<2048x128xf32>
    %get3A_26 = arith.constant 0 : index
    %get3A_27 = arith.constant 0 : index
    %get3A_28 = vector.load %arg8[%get3A_26, %get3A_27] : memref<1x128xf32, #tpu.memory_space<vmem>>, vector<1x128xf32>
    %add3A_29 = vector.broadcast %get3A_28 : vector<1x128xf32> to vector<2048x128xf32>
    %add3A_30 = arith.addf %add3A_25, %add3A_29 : vector<2048x128xf32>
    %max3A = arith.constant 0.000000e+00 : f32
    %max3A_31 = vector.broadcast %max3A : f32 to vector<2048x128xf32>
    %max3A_32 = arith.maximumf %add3A_30, %max3A_31 : vector<2048x128xf32>
    %swap3A = arith.constant 0 : index
    %swap3A_33 = arith.constant 0 : index
    %swap3A_34 = vector.load %arg9[%swap3A, %swap3A_33] : memref<2048x128xf32, #tpu.memory_space<vmem>>, vector<2048x128xf32>
    tpu.vector_store %arg9[%swap3A, %swap3A_33], %max3A_32 {strides = array<i32>} : memref<2048x128xf32, #tpu.memory_space<vmem>>, vector<2048x128xf32>,
    return
  }
  func.func @transform_0(%arg0: i32) -> (i32, i32, i32) {
    %c0_i32 = arith.constant 0 : i32
    %c0_i32_0 = arith.constant 0 : i32
    %c0_i32_1 = arith.constant 0 : i32
    return %c0_i32, %arg0, %c0_i32_0 : i32, i32, i32
  }
  func.func @transform_1(%arg0: i32) -> (i32, i32, i32) {
    %c1_i32 = arith.constant 1 : i32
    %c0_i32 = arith.constant 0 : i32
    %c0_i32_0 = arith.constant 0 : i32
    return %c1_i32, %arg0, %c0_i32 : i32, i32, i32
  }
  func.func @transform_2(%arg0: i32) -> (i32, i32) {
    %c0_i32 = arith.constant 0 : i32
    %c0_i32_0 = arith.constant 0 : i32
    return %arg0, %c0_i32 : i32, i32
  }
  func.func @transform_3(%arg0: i32) -> (i32, i32) {
    %c0_i32 = arith.constant 0 : i32
    %c0_i32_0 = arith.constant 0 : i32
    return %arg0, %c0_i32 : i32, i32
  }
  func.func @transform_4(%arg0: i32) -> (i32, i32) {
    %c0_i32 = arith.constant 0 : i32
    %c0_i32_0 = arith.constant 0 : i32
    return %arg0, %c0_i32 : i32, i32
  }
  func.func @transform_5(%arg0: i32) -> (i32, i32) {
    %c0_i32 = arith.constant 0 : i32
    %c0_i32_0 = arith.constant 0 : i32
    %c0_i32_1 = arith.constant 0 : i32
    return %c0_i32, %c0_i32_0 : i32, i32
  }
  func.func @transform_6(%arg0: i32) -> (i32, i32) {
    %c0_i32 = arith.constant 0 : i32
    %c0_i32_0 = arith.constant 0 : i32
    %c0_i32_1 = arith.constant 0 : i32
    return %c0_i32, %c0_i32_0 : i32, i32
  }
  func.func @transform_7(%arg0: i32) -> (i32, i32) {
    %c0_i32 = arith.constant 0 : i32
    %c0_i32_0 = arith.constant 0 : i32
    %c0_i32_1 = arith.constant 0 : i32
    return %c0_i32, %c0_i32_0 : i32, i32
  }
  func.func @transform_8(%arg0: i32) -> (i32, i32) {
    %c0_i32 = arith.constant 0 : i32
    %c0_i32_0 = arith.constant 0 : i32
    return %arg0, %c0_i32 : i32, i32
  }
}

module attributes {stable_mosaic.version = 14 : i64} {
  func.func @body(%arg0: i32, %arg1: memref<1x2048x128xf32, #tpu.memory_space<vmem>>, %arg2: memref<1x2048x128xf32, #tpu.memory_space<vmem>>, %arg3: memref<1x2048x128xf32, #tpu.memory_space<vmem>>, %arg4: memref<1x2048x128xf32, #tpu.memory_space<vmem>>, %arg5: memref<2048x128xf32, #tpu.memory_space<vmem>>, %arg6: memref<128x128xf32, #tpu.memory_space<vmem>>, %arg7: memref<128x128xf32, #tpu.memory_space<vmem>>, %arg8: memref<1x128xf32, #tpu.memory_space<vmem>>, %arg9: memref<2048x128xf32, #tpu.memory_space<vmem>>, %arg10: memref<2048x1xf32, #tpu.memory_space<vmem>>) attributes {dimension_semantics = [#tpu.dimension_semantics<arbitrary>], iteration_bounds = array<i64: 5>, scalar_prefetch = 0 : i64, scratch_operands = 0 : i64, tpu.core_type = #tpu.core_type<tc>, window_params = [{transform_indices = @transform_0, window_bounds = array<i64: 1, 2048, 128>}, {transform_indices = @transform_1, window_bounds = array<i64: 1, 2048, 128>}, {transform_indices = @transform_2, window_bounds = array<i64: 1, 2048, 128>}, {transform_indices = @transform_3, window_bounds = array<i64: 1, 2048, 128>}, {transform_indices = @transform_4, window_bounds = array<i64: 2048, 128>}, {pipeline_mode = #tpu.pipeline_mode<synchronous>, transform_indices = @transform_5, window_bounds = array<i64: 128, 128>}, {pipeline_mode = #tpu.pipeline_mode<synchronous>, transform_indices = @transform_6, window_bounds = array<i64: 128, 128>}, {pipeline_mode = #tpu.pipeline_mode<synchronous>, transform_indices = @transform_7, window_bounds = array<i64: 1, 128>}, {transform_indices = @transform_8, window_bounds = array<i64: 2048, 128>}, {transform_indices = @transform_9, window_bounds = array<i64: 2048, 1>}]} {
    %get3A = arith.constant 0 : index
    %get3A_0 = arith.constant 0 : index
    %get3A_1 = arith.constant 0 : index
    %get3A_2 = vector.load %arg3[%get3A, %get3A_0, %get3A_1] : memref<1x2048x128xf32, #tpu.memory_space<vmem>>, vector<1x2048x128xf32>
    %get3A_3 = vector.shape_cast %get3A_2 : vector<1x2048x128xf32> to vector<2048x128xf32>
    %get3A_4 = arith.constant 0 : index
    %get3A_5 = arith.constant 0 : index
    %get3A_6 = arith.constant 0 : index
    %get3A_7 = vector.load %arg4[%get3A_4, %get3A_5, %get3A_6] : memref<1x2048x128xf32, #tpu.memory_space<vmem>>, vector<1x2048x128xf32>
    %get3A_8 = vector.shape_cast %get3A_7 : vector<1x2048x128xf32> to vector<2048x128xf32>
    %add3A = arith.addf %get3A_3, %get3A_8 : vector<2048x128xf32>
    %slice3A = vector.extract_strided_slice %add3A {offsets = [0, 0], sizes = [2048, 1], strides = [1, 1]} : vector<2048x128xf32> to vector<2048x1xf32>
    %max3A = arith.constant 1.000000e+00 : f32
    %max3A_9 = vector.broadcast %max3A : f32 to vector<2048x1xf32>
    %max3A_10 = arith.maximumf %slice3A, %max3A_9 : vector<2048x1xf32>
    %div3A = arith.constant 1.000000e+00 : f32
    %div3A_11 = vector.broadcast %div3A : f32 to vector<2048x1xf32>
    %div3A_12 = arith.divf %div3A_11, %max3A_10 : vector<2048x1xf32>
    %swap3A = arith.constant 0 : index
    %swap3A_13 = arith.constant 0 : index
    %swap3A_14 = vector.load %arg10[%swap3A, %swap3A_13] : memref<2048x1xf32, #tpu.memory_space<vmem>>, vector<2048x1xf32>
    tpu.vector_store %arg10[%swap3A, %swap3A_13], %div3A_12 {strides = array<i32>} : memref<2048x1xf32, #tpu.memory_space<vmem>>, vector<2048x1xf32>,
    %get3A_15 = arith.constant 0 : index
    %get3A_16 = arith.constant 0 : index
    %get3A_17 = arith.constant 0 : index
    %get3A_18 = vector.load %arg1[%get3A_15, %get3A_16, %get3A_17] : memref<1x2048x128xf32, #tpu.memory_space<vmem>>, vector<1x2048x128xf32>
    %get3A_19 = vector.shape_cast %get3A_18 : vector<1x2048x128xf32> to vector<2048x128xf32>
    %get3A_20 = arith.constant 0 : index
    %get3A_21 = arith.constant 0 : index
    %get3A_22 = arith.constant 0 : index
    %get3A_23 = vector.load %arg2[%get3A_20, %get3A_21, %get3A_22] : memref<1x2048x128xf32, #tpu.memory_space<vmem>>, vector<1x2048x128xf32>
    %get3A_24 = vector.shape_cast %get3A_23 : vector<1x2048x128xf32> to vector<2048x128xf32>
    %add3A_25 = arith.addf %get3A_19, %get3A_24 : vector<2048x128xf32>
    %mul3A = vector.broadcast %div3A_12 : vector<2048x1xf32> to vector<2048x128xf32>
    %mul3A_26 = arith.mulf %add3A_25, %mul3A : vector<2048x128xf32>
    %get3A_27 = arith.constant 0 : index
    %get3A_28 = arith.constant 0 : index
    %get3A_29 = vector.load %arg6[%get3A_27, %get3A_28] : memref<128x128xf32, #tpu.memory_space<vmem>>, vector<128x128xf32>
    %dot_general3A = arith.constant dense<0.000000e+00> : vector<2048x128xf32>
    %dot_general3A_30 = tpu.matmul %mul3A_26, %get3A_29, %dot_general3A {dimension_numbers = #tpu.dot_dimension_numbers<[1], [0], [0], [1], [0, 0, 1, 1], [], []>, transpose_lhs_hint = false} : vector<2048x128xf32>, vector<128x128xf32>, vector<2048x128xf32> -> vector<2048x128xf32>
    %get3A_31 = arith.constant 0 : index
    %get3A_32 = arith.constant 0 : index
    %get3A_33 = vector.load %arg5[%get3A_31, %get3A_32] : memref<2048x128xf32, #tpu.memory_space<vmem>>, vector<2048x128xf32>
    %get3A_34 = arith.constant 0 : index
    %get3A_35 = arith.constant 0 : index
    %get3A_36 = vector.load %arg7[%get3A_34, %get3A_35] : memref<128x128xf32, #tpu.memory_space<vmem>>, vector<128x128xf32>
    %dot_general3A_37 = arith.constant dense<0.000000e+00> : vector<2048x128xf32>
    %dot_general3A_38 = tpu.matmul %get3A_33, %get3A_36, %dot_general3A_37 {dimension_numbers = #tpu.dot_dimension_numbers<[1], [0], [0], [1], [0, 0, 1, 1], [], []>, transpose_lhs_hint = false} : vector<2048x128xf32>, vector<128x128xf32>, vector<2048x128xf32> -> vector<2048x128xf32>
    %add3A_39 = arith.addf %dot_general3A_30, %dot_general3A_38 : vector<2048x128xf32>
    %get3A_40 = arith.constant 0 : index
    %get3A_41 = arith.constant 0 : index
    %get3A_42 = vector.load %arg8[%get3A_40, %get3A_41] : memref<1x128xf32, #tpu.memory_space<vmem>>, vector<1x128xf32>
    %add3A_43 = vector.broadcast %get3A_42 : vector<1x128xf32> to vector<2048x128xf32>
    %add3A_44 = arith.addf %add3A_39, %add3A_43 : vector<2048x128xf32>
    %max3A_45 = arith.constant 0.000000e+00 : f32
    %max3A_46 = vector.broadcast %max3A_45 : f32 to vector<2048x128xf32>
    %max3A_47 = arith.maximumf %add3A_44, %max3A_46 : vector<2048x128xf32>
    %swap3A_48 = arith.constant 0 : index
    %swap3A_49 = arith.constant 0 : index
    %swap3A_50 = vector.load %arg9[%swap3A_48, %swap3A_49] : memref<2048x128xf32, #tpu.memory_space<vmem>>, vector<2048x128xf32>
    tpu.vector_store %arg9[%swap3A_48, %swap3A_49], %max3A_47 {strides = array<i32>} : memref<2048x128xf32, #tpu.memory_space<vmem>>, vector<2048x128xf32>,
    return
  }
  func.func @transform_0(%arg0: i32) -> (i32, i32, i32) {
    %c0_i32 = arith.constant 0 : i32
    %c0_i32_0 = arith.constant 0 : i32
    %c0_i32_1 = arith.constant 0 : i32
    return %c0_i32, %arg0, %c0_i32_0 : i32, i32, i32
  }
  func.func @transform_1(%arg0: i32) -> (i32, i32, i32) {
    %c1_i32 = arith.constant 1 : i32
    %c0_i32 = arith.constant 0 : i32
    %c0_i32_0 = arith.constant 0 : i32
    return %c1_i32, %arg0, %c0_i32 : i32, i32, i32
  }
  func.func @transform_2(%arg0: i32) -> (i32, i32, i32) {
    %c0_i32 = arith.constant 0 : i32
    %c0_i32_0 = arith.constant 0 : i32
    %c0_i32_1 = arith.constant 0 : i32
    return %c0_i32, %arg0, %c0_i32_0 : i32, i32, i32
  }
  func.func @transform_3(%arg0: i32) -> (i32, i32, i32) {
    %c1_i32 = arith.constant 1 : i32
    %c0_i32 = arith.constant 0 : i32
    %c0_i32_0 = arith.constant 0 : i32
    return %c1_i32, %arg0, %c0_i32 : i32, i32, i32
  }
  func.func @transform_4(%arg0: i32) -> (i32, i32) {
    %c0_i32 = arith.constant 0 : i32
    %c0_i32_0 = arith.constant 0 : i32
    return %arg0, %c0_i32 : i32, i32
  }
  func.func @transform_5(%arg0: i32) -> (i32, i32) {
    %c0_i32 = arith.constant 0 : i32
    %c0_i32_0 = arith.constant 0 : i32
    %c0_i32_1 = arith.constant 0 : i32
    return %c0_i32, %c0_i32_0 : i32, i32
  }
  func.func @transform_6(%arg0: i32) -> (i32, i32) {
    %c0_i32 = arith.constant 0 : i32
    %c0_i32_0 = arith.constant 0 : i32
    %c0_i32_1 = arith.constant 0 : i32
    return %c0_i32, %c0_i32_0 : i32, i32
  }
  func.func @transform_7(%arg0: i32) -> (i32, i32) {
    %c0_i32 = arith.constant 0 : i32
    %c0_i32_0 = arith.constant 0 : i32
    %c0_i32_1 = arith.constant 0 : i32
    return %c0_i32, %c0_i32_0 : i32, i32
  }
  func.func @transform_8(%arg0: i32) -> (i32, i32) {
    %c0_i32 = arith.constant 0 : i32
    %c0_i32_0 = arith.constant 0 : i32
    return %arg0, %c0_i32 : i32, i32
  }
  func.func @transform_9(%arg0: i32) -> (i32, i32) {
    %c0_i32 = arith.constant 0 : i32
    %c0_i32_0 = arith.constant 0 : i32
    return %arg0, %c0_i32 : i32, i32
  }
}

module attributes {stable_mosaic.version = 14 : i64} {
  func.func @body(%arg0: i32, %arg1: memref<2048x128xf32, #tpu.memory_space<vmem>>, %arg2: memref<1x1x2048xi32, #tpu.memory_space<vmem>>, %arg3: memref<64x1xi32, #tpu.memory_space<vmem>>, %arg4: memref<128x16xf32, #tpu.memory_space<vmem>>, %arg5: memref<128x16xf32, #tpu.memory_space<vmem>>, %arg6: memref<1x16xf32, #tpu.memory_space<vmem>>, %arg7: memref<64x16xf32, #tpu.memory_space<vmem>>, %arg8: memref<64x128xf32, #tpu.memory_space<vmem>>, %arg9: memref<64x128xf32, #tpu.memory_space<vmem>>, %arg10: memref<64x128xf32, #tpu.memory_space<vmem>>) attributes {dimension_semantics = [#tpu.dimension_semantics<arbitrary>], iteration_bounds = array<i64: 5>, scalar_prefetch = 0 : i64, scratch_operands = 3 : i64, tpu.core_type = #tpu.core_type<tc>, window_params = [{transform_indices = @transform_0, window_bounds = array<i64: 2048, 128>}, {transform_indices = @transform_1, window_bounds = array<i64: 1, 1, 2048>}, {pipeline_mode = #tpu.pipeline_mode<synchronous>, transform_indices = @transform_2, window_bounds = array<i64: 64, 1>}, {pipeline_mode = #tpu.pipeline_mode<synchronous>, transform_indices = @transform_3, window_bounds = array<i64: 128, 16>}, {pipeline_mode = #tpu.pipeline_mode<synchronous>, transform_indices = @transform_4, window_bounds = array<i64: 128, 16>}, {pipeline_mode = #tpu.pipeline_mode<synchronous>, transform_indices = @transform_5, window_bounds = array<i64: 1, 16>}, {pipeline_mode = #tpu.pipeline_mode<synchronous>, transform_indices = @transform_6, window_bounds = array<i64: 64, 16>}]} {
    %eq3A = arith.constant 0 : i32
    %eq3A_0 = arith.cmpi eq, %arg0, %eq3A : i32
    %convert_element_type3A = arith.extui %eq3A_0 : i1 to i32
    %cond3A = arith.constant 0 : i32
    %cond3A_1 = arith.cmpi ne, %convert_element_type3A, %cond3A : i32
    scf.if %cond3A_1 {
      %broadcast_in_dim3A_53 = arith.constant 0.000000e+00 : f32
      %broadcast_in_dim3A_54 = vector.broadcast %broadcast_in_dim3A_53 : f32 to vector<64x128xf32>
      %swap3A_55 = arith.constant 0 : index
      %swap3A_56 = arith.constant 0 : index
      %swap3A_57 = vector.load %arg8[%swap3A_55, %swap3A_56] : memref<64x128xf32, #tpu.memory_space<vmem>>, vector<64x128xf32>
      tpu.vector_store %arg8[%swap3A_55, %swap3A_56], %broadcast_in_dim3A_54 {strides = array<i32>} : memref<64x128xf32, #tpu.memory_space<vmem>>, vector<64x128xf32>,
      %broadcast_in_dim3A_58 = arith.constant 0.000000e+00 : f32
      %broadcast_in_dim3A_59 = vector.broadcast %broadcast_in_dim3A_58 : f32 to vector<64x128xf32>
      %swap3A_60 = arith.constant 0 : index
      %swap3A_61 = arith.constant 0 : index
      %swap3A_62 = vector.load %arg9[%swap3A_60, %swap3A_61] : memref<64x128xf32, #tpu.memory_space<vmem>>, vector<64x128xf32>
      tpu.vector_store %arg9[%swap3A_60, %swap3A_61], %broadcast_in_dim3A_59 {strides = array<i32>} : memref<64x128xf32, #tpu.memory_space<vmem>>, vector<64x128xf32>,
      %broadcast_in_dim3A_63 = arith.constant 0.000000e+00 : f32
      %broadcast_in_dim3A_64 = vector.broadcast %broadcast_in_dim3A_63 : f32 to vector<64x128xf32>
      %swap3A_65 = arith.constant 0 : index
      %swap3A_66 = arith.constant 0 : index
      %swap3A_67 = vector.load %arg10[%swap3A_65, %swap3A_66] : memref<64x128xf32, #tpu.memory_space<vmem>>, vector<64x128xf32>
      tpu.vector_store %arg10[%swap3A_65, %swap3A_66], %broadcast_in_dim3A_64 {strides = array<i32>} : memref<64x128xf32, #tpu.memory_space<vmem>>, vector<64x128xf32>,
    } else {
    }
    %iota3A = tpu.iota {dimensions = array<i32: 1>} : vector<64x2048xi32>
    %mul3A = arith.constant 2048 : i32
    %mul3A_2 = arith.muli %arg0, %mul3A : i32
    %add3A = vector.broadcast %mul3A_2 : i32 to vector<64x2048xi32>
    %add3A_3 = arith.addi %iota3A, %add3A : vector<64x2048xi32>
    %get3A = arith.constant 0 : index
    %get3A_4 = arith.constant 0 : index
    %get3A_5 = vector.load %arg3[%get3A, %get3A_4] : memref<64x1xi32, #tpu.memory_space<vmem>>, vector<64x1xi32>
    %eq3A_6 = vector.broadcast %get3A_5 : vector<64x1xi32> to vector<64x2048xi32>
    %eq3A_7 = arith.cmpi eq, %eq3A_6, %add3A_3 : vector<64x2048xi32>
    %convert_element_type3A_8 = arith.extui %eq3A_7 : vector<64x2048xi1> to vector<64x2048xi32>
    %convert_element_type3A_9 = arith.sitofp %convert_element_type3A_8 : vector<64x2048xi32> to vector<64x2048xf32>
    %iota3A_10 = tpu.iota {dimensions = array<i32: 0>} : vector<64x2048xi32>
    %get3A_11 = arith.constant 0 : index
    %get3A_12 = arith.constant 0 : index
    %get3A_13 = arith.constant 0 : index
    %get3A_14 = vector.load %arg2[%get3A_11, %get3A_12, %get3A_13] : memref<1x1x2048xi32, #tpu.memory_space<vmem>>, vector<1x1x2048xi32>
    %get3A_15 = vector.shape_cast %get3A_14 : vector<1x1x2048xi32> to vector<1x2048xi32>
    %eq3A_16 = vector.broadcast %get3A_15 : vector<1x2048xi32> to vector<64x2048xi32>
    %eq3A_17 = arith.cmpi eq, %eq3A_16, %iota3A_10 : vector<64x2048xi32>
    %convert_element_type3A_18 = arith.extui %eq3A_17 : vector<64x2048xi1> to vector<64x2048xi32>
    %convert_element_type3A_19 = arith.sitofp %convert_element_type3A_18 : vector<64x2048xi32> to vector<64x2048xf32>
    %get3A_20 = arith.constant 0 : index
    %get3A_21 = arith.constant 0 : index
    %get3A_22 = vector.load %arg1[%get3A_20, %get3A_21] : memref<2048x128xf32, #tpu.memory_space<vmem>>, vector<2048x128xf32>
    %get3A_23 = arith.constant 0 : index
    %get3A_24 = arith.constant 0 : index
    %get3A_25 = vector.load %arg8[%get3A_23, %get3A_24] : memref<64x128xf32, #tpu.memory_space<vmem>>, vector<64x128xf32>
    %dot_general3A = arith.constant dense<0.000000e+00> : vector<64x128xf32>
    %dot_general3A_26 = tpu.matmul %convert_element_type3A_9, %get3A_22, %dot_general3A {dimension_numbers = #tpu.dot_dimension_numbers<[1], [0], [0], [1], [0, 0, 1, 1], [], []>, transpose_lhs_hint = false} : vector<64x2048xf32>, vector<2048x128xf32>, vector<64x128xf32> -> vector<64x128xf32>
    %add3A_27 = arith.addf %get3A_25, %dot_general3A_26 : vector<64x128xf32>
    %swap3A = arith.constant 0 : index
    %swap3A_28 = arith.constant 0 : index
    %swap3A_29 = vector.load %arg8[%swap3A, %swap3A_28] : memref<64x128xf32, #tpu.memory_space<vmem>>, vector<64x128xf32>
    tpu.vector_store %arg8[%swap3A, %swap3A_28], %add3A_27 {strides = array<i32>} : memref<64x128xf32, #tpu.memory_space<vmem>>, vector<64x128xf32>,
    %get3A_30 = arith.constant 0 : index
    %get3A_31 = arith.constant 0 : index
    %get3A_32 = vector.load %arg9[%get3A_30, %get3A_31] : memref<64x128xf32, #tpu.memory_space<vmem>>, vector<64x128xf32>
    %dot_general3A_33 = arith.constant dense<0.000000e+00> : vector<64x128xf32>
    %dot_general3A_34 = tpu.matmul %convert_element_type3A_19, %get3A_22, %dot_general3A_33 {dimension_numbers = #tpu.dot_dimension_numbers<[1], [0], [0], [1], [0, 0, 1, 1], [], []>, transpose_lhs_hint = false} : vector<64x2048xf32>, vector<2048x128xf32>, vector<64x128xf32> -> vector<64x128xf32>
    %add3A_35 = arith.addf %get3A_32, %dot_general3A_34 : vector<64x128xf32>
    %swap3A_36 = arith.constant 0 : index
    %swap3A_37 = arith.constant 0 : index
    %swap3A_38 = vector.load %arg9[%swap3A_36, %swap3A_37] : memref<64x128xf32, #tpu.memory_space<vmem>>, vector<64x128xf32>
    tpu.vector_store %arg9[%swap3A_36, %swap3A_37], %add3A_35 {strides = array<i32>} : memref<64x128xf32, #tpu.memory_space<vmem>>, vector<64x128xf32>,
    %get3A_39 = arith.constant 0 : index
    %get3A_40 = arith.constant 0 : index
    %get3A_41 = vector.load %arg10[%get3A_39, %get3A_40] : memref<64x128xf32, #tpu.memory_space<vmem>>, vector<64x128xf32>
    %reduce_sum3A = arith.constant dense<0.000000e+00> : vector<64xf32>
    %reduce_sum3A_42 = vector.multi_reduction <add>, %convert_element_type3A_19, %reduce_sum3A [1] : vector<64x2048xf32> to vector<64xf32>
    %broadcast_in_dim3A = vector.shape_cast %reduce_sum3A_42 : vector<64xf32> to vector<64x1xf32>
    %add3A_43 = vector.broadcast %broadcast_in_dim3A : vector<64x1xf32> to vector<64x128xf32>
    %add3A_44 = arith.addf %get3A_41, %add3A_43 : vector<64x128xf32>
    %swap3A_45 = arith.constant 0 : index
    %swap3A_46 = arith.constant 0 : index
    %swap3A_47 = vector.load %arg10[%swap3A_45, %swap3A_46] : memref<64x128xf32, #tpu.memory_space<vmem>>, vector<64x128xf32>
    tpu.vector_store %arg10[%swap3A_45, %swap3A_46], %add3A_44 {strides = array<i32>} : memref<64x128xf32, #tpu.memory_space<vmem>>, vector<64x128xf32>,
    %eq3A_48 = arith.constant 4 : i32
    %eq3A_49 = arith.cmpi eq, %arg0, %eq3A_48 : i32
    %convert_element_type3A_50 = arith.extui %eq3A_49 : i1 to i32
    %cond3A_51 = arith.constant 0 : i32
    %cond3A_52 = arith.cmpi ne, %convert_element_type3A_50, %cond3A_51 : i32
    scf.if %cond3A_52 {
      %get3A_53 = arith.constant 0 : index
      %get3A_54 = arith.constant 0 : index
      %get3A_55 = vector.load %arg9[%get3A_53, %get3A_54] : memref<64x128xf32, #tpu.memory_space<vmem>>, vector<64x128xf32>
      %get3A_56 = arith.constant 0 : index
      %get3A_57 = arith.constant 0 : index
      %get3A_58 = vector.load %arg10[%get3A_56, %get3A_57] : memref<64x128xf32, #tpu.memory_space<vmem>>, vector<64x128xf32>
      %max3A = arith.constant 1.000000e+00 : f32
      %max3A_59 = vector.broadcast %max3A : f32 to vector<64x128xf32>
      %max3A_60 = arith.maximumf %get3A_58, %max3A_59 : vector<64x128xf32>
      %div3A = arith.divf %get3A_55, %max3A_60 : vector<64x128xf32>
      %get3A_61 = arith.constant 0 : index
      %get3A_62 = arith.constant 0 : index
      %get3A_63 = vector.load %arg8[%get3A_61, %get3A_62] : memref<64x128xf32, #tpu.memory_space<vmem>>, vector<64x128xf32>
      %get3A_64 = arith.constant 0 : index
      %get3A_65 = arith.constant 0 : index
      %get3A_66 = vector.load %arg4[%get3A_64, %get3A_65] : memref<128x16xf32, #tpu.memory_space<vmem>>, vector<128x16xf32>
      %dot_general3A_67 = arith.constant dense<0.000000e+00> : vector<64x16xf32>
      %dot_general3A_68 = tpu.matmul %get3A_63, %get3A_66, %dot_general3A_67 {dimension_numbers = #tpu.dot_dimension_numbers<[1], [0], [0], [1], [0, 0, 1, 1], [], []>, transpose_lhs_hint = false} : vector<64x128xf32>, vector<128x16xf32>, vector<64x16xf32> -> vector<64x16xf32>
      %get3A_69 = arith.constant 0 : index
      %get3A_70 = arith.constant 0 : index
      %get3A_71 = vector.load %arg5[%get3A_69, %get3A_70] : memref<128x16xf32, #tpu.memory_space<vmem>>, vector<128x16xf32>
      %dot_general3A_72 = arith.constant dense<0.000000e+00> : vector<64x16xf32>
      %dot_general3A_73 = tpu.matmul %div3A, %get3A_71, %dot_general3A_72 {dimension_numbers = #tpu.dot_dimension_numbers<[1], [0], [0], [1], [0, 0, 1, 1], [], []>, transpose_lhs_hint = false} : vector<64x128xf32>, vector<128x16xf32>, vector<64x16xf32> -> vector<64x16xf32>
      %add3A_74 = arith.addf %dot_general3A_68, %dot_general3A_73 : vector<64x16xf32>
      %get3A_75 = arith.constant 0 : index
      %get3A_76 = arith.constant 0 : index
      %get3A_77 = vector.load %arg6[%get3A_75, %get3A_76] : memref<1x16xf32, #tpu.memory_space<vmem>>, vector<1x16xf32>
      %add3A_78 = vector.broadcast %get3A_77 : vector<1x16xf32> to vector<64x16xf32>
      %add3A_79 = arith.addf %add3A_74, %add3A_78 : vector<64x16xf32>
      %swap3A_80 = arith.constant 0 : index
      %swap3A_81 = arith.constant 0 : index
      %swap3A_82 = vector.load %arg7[%swap3A_80, %swap3A_81] : memref<64x16xf32, #tpu.memory_space<vmem>>, vector<64x16xf32>
      tpu.vector_store %arg7[%swap3A_80, %swap3A_81], %add3A_79 {strides = array<i32>} : memref<64x16xf32, #tpu.memory_space<vmem>>, vector<64x16xf32>,
    } else {
    }
    return
  }
  func.func @transform_0(%arg0: i32) -> (i32, i32) {
    %c0_i32 = arith.constant 0 : i32
    %c0_i32_0 = arith.constant 0 : i32
    return %arg0, %c0_i32 : i32, i32
  }
  func.func @transform_1(%arg0: i32) -> (i32, i32, i32) {
    %c0_i32 = arith.constant 0 : i32
    %c0_i32_0 = arith.constant 0 : i32
    %c0_i32_1 = arith.constant 0 : i32
    return %arg0, %c0_i32, %c0_i32_0 : i32, i32, i32
  }
  func.func @transform_2(%arg0: i32) -> (i32, i32) {
    %c0_i32 = arith.constant 0 : i32
    %c0_i32_0 = arith.constant 0 : i32
    %c0_i32_1 = arith.constant 0 : i32
    return %c0_i32, %c0_i32_0 : i32, i32
  }
  func.func @transform_3(%arg0: i32) -> (i32, i32) {
    %c0_i32 = arith.constant 0 : i32
    %c0_i32_0 = arith.constant 0 : i32
    %c0_i32_1 = arith.constant 0 : i32
    return %c0_i32, %c0_i32_0 : i32, i32
  }
  func.func @transform_4(%arg0: i32) -> (i32, i32) {
    %c0_i32 = arith.constant 0 : i32
    %c0_i32_0 = arith.constant 0 : i32
    %c0_i32_1 = arith.constant 0 : i32
    return %c0_i32, %c0_i32_0 : i32, i32
  }
  func.func @transform_5(%arg0: i32) -> (i32, i32) {
    %c0_i32 = arith.constant 0 : i32
    %c0_i32_0 = arith.constant 0 : i32
    %c0_i32_1 = arith.constant 0 : i32
    return %c0_i32, %c0_i32_0 : i32, i32
  }
  func.func @transform_6(%arg0: i32) -> (i32, i32) {
    %c0_i32 = arith.constant 0 : i32
    %c0_i32_0 = arith.constant 0 : i32
    %c0_i32_1 = arith.constant 0 : i32
    return %c0_i32, %c0_i32_0 : i32, i32
  }
}

</mosaic_0001>

<sc_bundles>
// kernel: kernel.12.cloned.1.call-start
scs
__scs_entry_jumppad:
0x0: {  	(pc) =	sbr.rel $0x88, $3  }
0x1: {  	(tag) =	ssettag $0x0;
	lr =	simm.s32 $0x1  }
0x2: {  	[smem:$0x3F8F] =	sst lr;
	_ =	strace $0xD0000000  }
0x3: {  	_ = 	snop  }
0x4: {  	_ = 	snop  }
0x5: {  	_ = 	snop  }
0x6: {  	_ = 	snop  }
0x7: {  	_ = 	snop  }
__scs_overlays_trampoline_lowered:
0x8: {  	[smem:$0x3F9E] =	sst s0  }
0x9: {  	[smem:$0x3F9F] =	sst s1  }
0xa: {  	[smem:$0x3FA0] =	sst s2  }
0xb: {  	[smem:$0x3FA1] =	sst s3  }
0xc: {  	[smem:$0x3FA2] =	sst s4  }
0xd: {  	[smem:$0x3FA3] =	sst s5  }
0xe: {  	[smem:$0x3FA4] =	sst s6  }
0xf: {  	[smem:$0x3FA5] =	sst s7  }
0x10: {  	[smem:$0x3FA6] =	sst s8  }
0x11: {  	[smem:$0x3FA7] =	sst s9;
	s0 =	simm.s32 @!p0 $0x0  }
0x12: {  	s1 =	sld [smem:$0x3F8D];
	s0 =	simm.s32 @p0 $0x1  }
0x13: {  	[smem:$0x3FA8] =	sst s0;
	s0 =	simm.s32 @!p1 $0x0  }
0x14: {  	s2 =	sld [smem:$0x3F8C];
	s0 =	simm.s32 @p1 $0x1  }
0x15: {  	[smem:$0x3FA9] =	sst s0;
	s0 =	simm.s32 @!p2 $0x0  }
0x16: {  	s3 =	sld [smem:$0x3FDB];
	s0 =	simm.s32 @p2 $0x1  }
0x17: {  	s4 =	simm.s32 $0x1BF5;
	[smem:$0x3FAB] =	sst s0  }
0x18: {  	s0 =	sld [smem:$0x3F8E];
	_ =	swait.ge [sflag:s4], $0x0  }
0x19: {  	s7 =	sld [smem:$0x3F8F]  }
0x1a: {  	s8 =	sadd.s32 $0xFFFFE003, lr  }
0x1b: {  	s9 =	sadd.s32 $0xFFFFFEF7, lr;
	s5 =	simm.s32 $0xFFFFFFFF;
	p2 =	slt.u32 s8, $0xFFFFF086  }
0x1c: {  	p1 =	slt.u32 s9, $0xF7A;
	s5 =	simm.s32 @!p2 $0x0  }
0x1d: {  	s5 =	simm.s32 @p1 $0x1;
	p0 =	seq.s32 s7, s2  }
0x1e: {  	s7 =	smul.u32 @!p0 $0xF7A, s2;
	p2 =	seq.s32 @!p0 s5, $0x0  }
0x1f: {  	s9 =	smul.u32 $0xF7A, s1;
	s8 =	simm.s32 @!p0 $0x1BF5;
	p2 =	por !p2, p0  }
0x20: {  	[sflag:s8] =	ssyncset.s32 @!p0 $0xFFFFF086;
	s6 =	sadd.s32 @!p0 s3, s7;
	s7 =	simm.s32 @!p0 $0x108  }
0x21: {  	s3 =	sadd.s32 s3, s9;
	s6 =	sadd.s32 @!p0 $0x88, s6;
	s7 =	simm.s32 @p2 $0x1082  }
0x22: {  	[simem:s7], [sflag:s8] =	dma.local @!p0 [hbm:s6], $0xF7A  }
0x23: {  	s9 =	sor.u32 $0xD0000000, s2;
	s6 =	simm.s32 $0x108;
	_ =	swait.ge @!p0 [sflag:s8], $0x0  }
0x24: {  	s3 =	sadd.s32 $0x88, s3;
	s6 =	simm.s32 @!p1 $0x1082;
	[sflag:s4] =	ssyncset.s32 $0xFFFFF086  }
0x25: {  	[simem:s6], [sflag:s4] =	dma.local [hbm:s3], $0xF7A  }
0x26: {  	[smem:$0x3F8F] =	sst s1;
	(tag) =	ssettag s2;
	_ =	strace s9  }
0x27: {  	s1 =	sld [smem:$0x3F9F]  }
0x28: {  	s2 =	sld [smem:$0x3FA0]  }
0x29: {  	s4 =	sld [smem:$0x3FA2]  }
0x2a: {  	p0 =	seq.s32 s5, $0x0;
	s5 =	sld [smem:$0x3FA3]  }
0x2b: {  	s6 =	sld [smem:$0x3FA4]  }
0x2c: {  	s7 =	sld [smem:$0x3FA5]  }
0x2d: {  	s3 =	simm.s32 $0x108;
	s8 =	sld [smem:$0x3FA6]  }
0x2e: {  	s3 =	simm.s32 @!p0 $0x1082;
	s9 =	sld [smem:$0x3FA7]  }
0x2f: {  	lr =	sadd.s32 s0, s3;
	s0 =	sld [smem:$0x3F9E]  }
0x30: {  	s3 =	sld [smem:$0x3FA1]  }
0x31: {  	[smem:$0x3FAA] =	sst s10  }
0x32: {  	s10 =	sld [smem:$0x3FA8];
	_ =	sdelay $0x3  }
0x33: {  	p0 =	seq.s32 s10, $0x1;
	s10 =	sld [smem:$0x3FAA];
	_ =	sdelay $0x3  }
0x34: {  	[smem:$0x3FAA] =	sst s10  }
0x35: {  	s10 =	sld [smem:$0x3FA9];
	_ =	sdelay $0x3  }
0x36: {  	p1 =	seq.s32 s10, $0x1;
	s10 =	sld [smem:$0x3FAA];
	_ =	sdelay $0x3  }
0x37: {  	[smem:$0x3FAA] =	sst s10  }
0x38: {  	s10 =	sld [smem:$0x3FAB]  }
0x39: {  	_ = 	snop;
	(pc) =	sbr.ind lr, $3  }
0x3a: {  	_ = 	snop  }
0x3b: {  	_ = 	snop  }
0x3c: {  	p2 =	seq.s32 s10, $0x1;
	s10 =	sld [smem:$0x3FAA]  }
0x3d: {  	_ =	shalt  }
0x3e: {  	_ =	shalt  }
0x3f: {  	_ =	shalt  }
0x40: {  	_ =	shalt  }
0x41: {  	_ =	shalt  }
0x42: {  	_ =	shalt  }
0x43: {  	_ =	shalt  }
0x44: {  	_ =	shalt  }
0x45: {  	_ =	shalt  }
0x46: {  	_ =	shalt  }
0x47: {  	_ =	shalt  }
0x48: {  	_ =	shalt  }
0x49: {  	_ =	shalt  }
0x4a: {  	_ =	shalt  }
0x4b: {  	_ =	shalt  }
0x4c: {  	_ =	shalt  }
0x4d: {  	_ =	shalt  }
0x4e: {  	_ =	shalt  }
0x4f: {  	_ =	shalt  }
0x50: {  	_ =	shalt  }
0x51: {  	_ =	shalt  }
0x52: {  	_ =	shalt  }
0x53: {  	_ =	shalt  }
0x54: {  	_ =	shalt  }
0x55: {  	_ =	shalt  }
0x56: {  	_ =	shalt  }
0x57: {  	_ =	shalt  }
0x58: {  	_ =	shalt  }
0x59: {  	_ =	shalt  }
0x5a: {  	_ =	shalt  }
0x5b: {  	_ =	shalt  }
0x5c: {  	_ =	shalt  }
0x5d: {  	_ =	shalt  }
0x5e: {  	_ =	shalt  }
0x5f: {  	_ =	shalt  }
0x60: {  	_ =	shalt  }
0x61: {  	_ =	shalt  }
0x62: {  	_ =	shalt  }
0x63: {  	_ =	shalt  }
0x64: {  	_ =	shalt  }
0x65: {  	_ =	shalt  }
0x66: {  	_ =	shalt  }
0x67: {  	_ =	shalt  }
0x68: {  	_ =	shalt  }
0x69: {  	_ =	shalt  }
0x6a: {  	_ =	shalt  }
0x6b: {  	_ =	shalt  }
0x6c: {  	_ =	shalt  }
0x6d: {  	_ =	shalt  }
0x6e: {  	_ =	shalt  }
0x6f: {  	_ =	shalt  }
0x70: {  	_ =	shalt  }
0x71: {  	_ =	shalt  }
0x72: {  	_ =	shalt  }
0x73: {  	_ =	shalt  }
0x74: {  	_ =	shalt  }
0x75: {  	_ =	shalt  }
0x76: {  	_ =	shalt  }
0x77: {  	_ =	shalt  }
0x78: {  	_ =	shalt  }
0x79: {  	_ =	shalt  }
0x7a: {  	_ =	shalt  }
0x7b: {  	_ =	shalt  }
0x7c: {  	_ =	shalt  }
0x7d: {  	_ =	shalt  }
0x7e: {  	_ =	shalt  }
0x7f: {  	_ =	shalt  }
0x80: {  	_ =	shalt  }
0x81: {  	_ =	shalt  }
0x82: {  	_ =	shalt  }
0x83: {  	_ =	shalt  }
0x84: {  	_ =	shalt  }
0x85: {  	_ =	shalt  }
0x86: {  	_ =	shalt  }
0x87: {  	_ =	shalt  }
.Lfunc_end0:
.L_simem_size_0:
called_computation_lowered:
.L_overlay_start_0:
0x88: {  	s2 =	sld [smem:$0x3FD9]  }
0x89: {  	s3 =	sld [smem:$0x3FFE];
	_ =	sdelay $0x1  }
0x8a: {  	s1 =	srdreg.scid  }
0x8b: {  	s0 =	sand.u32 $0x1, s1  }
0x8c: {  	s17 =	sshll.u32 s0, $0xA;
	s2 =	sadd.s32 s3, s2  }
0x8d: {  	s2 =	sadd.s32 s2, s17  }
0x8e: {  	[smem:$0x3FB6] =	sst s2  }
0x8f: {  	_ = 	snop  }
0x90: {  	(tm) =	ssettm $0x1  }
0x91: {  	s18 =	sld [smem:$0x3FFB];
	_ =	sdelay $0x3  }
0x92: {  	_ =	strace s18  }
0x93: {  	s2 =	sld [smem:$0x3FFC];
	_ =	sdelay $0x3  }
0x94: {  	_ =	strace s2  }
0x95: {  	s2 =	sld [smem:$0x3FFD];
	_ =	sdelay $0x3  }
0x96: {  	_ =	strace s2  }
0x97: {  	_ =	strace $0x8FFFFFFF  }
0x98: {  	s19 =	sld [smem:$0x3FDB];
	_ =	sdelay $0x1  }
0x99: {  	s20 =	simm.s32 $_scs_section_size  }
0x9a: {  	s4 =	simm.s32 $_size__tile_overlayer_lowered;
	s5 =	simm.s32 $_tile_overlayer_lowered  }
0x9b: {  	s6 =	simm.s32 $0x1BFF;
	s21 =	sshll.u32 s5, $0x1;
	s3 =	sadd.s32 s20, s19  }
0x9c: {  	s22 =	simm.s32 $0x0;
	s4 =	sshll.u32 s4, $0x1;
	s5 =	sadd.s32 s21, s3  }
0x9d: {  	[timem:s22], [sflag:s6] =	dma.local [hbm:s5], s4  }
0x9e: {  	_ =	swait.ge [sflag:s6], s4  }
0x9f: {  	s4 =	ssub.s32 $0x0, s4;
	[sflag:s6] =	ssyncset.done $0x0  }
0xa0: {  	[sflag:s6] =	ssyncadd.s32 s4;
	_ =	sdelay $0x1  }
0xa1: {  	s23 =	simm.s32 $0x1B8B  }
0xa2: {  	_ =	swait.ge [sflag:s23], $0x1  }
0xa3: {  	[sflag:s23] =	ssyncset.done $0x0  }
0xa4: {  	[sflag:s23] =	ssyncadd.s32 $0xFFFFFFFF  }
0xa5: {  	s4 =	sld [smem:$0x0]  }
0xa6: {  	s5 =	sand.u32 $0xFFFFFFFE, s1  }
0xa7: {  	p0 =	sne.s32 s1, s5  }
0xa8: {  	s5 =	sshll.u32 @p0 s5, $0xE  }
0xa9: {  	s5 =	sadd.s32 @p0 $0x11B8D, s5;
	s6 =	sshll.u32 @p0 s4, $0x11  }
0xaa: {  	s5 =	sor.u32 @p0 s6, s5  }
0xab: {  	[sflag:s5] =	ssyncadd.remote.s32 @p0 $0x1;
	_ =	sdelay $0x1  }
0xac: {  	s5 =	simm.s32 @p0 $0x1B8D  }
0xad: {  	_ =	swait.eq @p0 [sflag:s5], $0x1  }
0xae: {  	[sflag:s5] =	ssyncadd.s32 @p0 $0xFFFFFFFF  }
0xaf: {  	s6 =	sshll.u32 @!p0 s1, $0xE  }
0xb0: {  	s6 =	sor.u32 @!p0 $0x4000, s6;
	s5 =	simm.s32 @!p0 $0x1B8D  }
0xb1: {  	s4 =	sshll.u32 @!p0 s4, $0x11;
	s6 =	sadd.s32 @!p0 $0x11B8D, s6;
	_ =	swait.eq @!p0 [sflag:s5], $0x1  }
0xb2: {  	s4 =	sor.u32 @!p0 s4, s6;
	[sflag:s5] =	ssyncadd.s32 @!p0 $0xFFFFFFFF  }
0xb3: {  	s25 =	simm.s32 $0x1B8E;
	s24 =	sld [smem:$0x3FFE];
	[sflag:s4] =	ssyncadd.remote.s32 @!p0 $0x1  }
0xb4: {  	s26 =	simm.s32 $execute0_lowered;
	[smem:$0x3FD2] =	sst s25  }
0xb5: {  	s5 =	sshll.u32 s26, $0x1;
	_ =	strace $0x80000049;
	[dreg:$0x1] =	wrdreg $0xFFFFFFFF  }
0xb6: {  	s28 =	simm.s32 $_size_execute0_lowered;
	s3 =	sadd.s32 s3, s5;
	[dreg:$0x0] =	wrdreg $0x0  }
0xb7: {  	s5 =	sshll.u32 s28, $0x1;
	[dreg:$0x2] =	wrdreg s3  }
0xb8: {  	[dreg:$0x3] =	wrdreg s5  }
0xb9: {  	[dreg:$0x4] =	wrdreg $0xC0  }
0xba: {  	_ =	task [dreg:s22], $0x5FFFF  }
0xbb: {  	[dreg:$0x1] =	wrdreg $0xFFFFFFFF  }
0xbc: {  	[dreg:$0x0] =	wrdreg $0x60  }
0xbd: {  	[dreg:$0x2] =	wrdreg s24  }
0xbe: {  	[dreg:$0x3] =	wrdreg $0x0  }
0xbf: {  	[dreg:$0x4] =	wrdreg $0x9  }
0xc0: {  	_ =	task.clear_ibuf [dreg:s22], $0x5FFFF;
	_ =	strace $0x90000049  }
0xc1: {  	s29 =	simm.s32 $0x9;
	_ =	strace $0x8000004B  }
0xc2: {  	_ =	swait.ge [sflag:s29], $0x1  }
0xc3: {  	[sflag:s29] =	ssyncadd.s32 $0xFFFFFFFF  }
0xc4: {  	_ =	strace $0x9000004B  }
0xc5: {  	_ =	sfence  }
0xc6: {  	s30 =	sld [smem:$0x0];
	_ =	sdelay $0x2  }
0xc7: {  	s31 =	sshll.u32 s1, $0xD;
	s1 =	sshrl.u32 s1, $0x2  }
0xc8: {  	s4 =	sand.u32 $0x4000, s31;
	s1 =	sadd.s32 s1, s30  }
0xc9: {  	s0 =	sor.u32 s4, s0;
	s1 =	sshll.u32 s1, $0x11  }
0xca: {  	s0 =	sor.u32 s1, s0  }
0xcb: {  	s0 =	sadd.s32 $0x8F2B, s0  }
0xcc: {  	[sflag:s0] =	ssyncadd.remote.s32 $0x1  }
0xcd: {  	_ =	sfence.sel $0xFFFF  }
0xce: {  	[dreg:$0x0] =	wrdreg $0xFFFFFFFF;
	(pc) =	sbr.abs _section_cstart, $3  }
0xcf: {  	[dreg:$0x1] =	wrdreg $0xFFFFFFFF  }
0xd0: {  	_ =	task.clear_ibuf [dreg:s22], $0x2FFFF;
	_ =	strace $0x9FFFFFFF  }
0xd1: {  	(tm) =	ssettm $0x7FFFFFFF  }
tec
execute0_lowered:
.L_overlay_start_1:
0x0: {  	(tag) =	ssettag $0x1  }
0x1: {  	s1 =	srdreg.scid;
	s10 =	stileid.u32  }
0x2: {  	s1 =	sand.u32 $0x1, s1;
	s9 =	smul.u32 $0x50000, s10  }
0x3: {  	s0 =	rddreg [dreg:$0x0];
	s7 =	ssub.s32 $0x2, s1  }
0x4: {  	s2 =	rddreg [dreg:$0x1];
	s8 =	sshrl.u32 s7, $0x1;
	s30 =	sshrl.u32 s9, $0x2  }
0x5: {  	s3 =	simm.s32 $0x0;
	s8 =	ssub.s32 s7, s8;
	s7 =	sadd.s32 s30, s2  }
0x6: {  	[smem:$0x7FF] =	sst s3;
	s9 =	sadd.s32 $0x1400, s7  }
0x7: {  	_ =	strace $0x8000004A;
	s11 =	sadd.s32 $0x3C00, s7;
	[dreg:$0x6] =	wrdreg s9  }
0x8: {  	s12 =	sadd.s32 $0x5000, s7;
	[dreg:$0x8] =	wrdreg s11  }
0x9: {  	s5 =	smul.u32 $0x14000, s10;
	s13 =	sadd.s32 $0x6400, s7;
	[dreg:$0x9] =	wrdreg s12  }
0xa: {  	s6 =	sshll.u32 s10, $0x1;
	s14 =	sadd.s32 $0x7800, s7;
	[dreg:$0xa] =	wrdreg s13  }
0xb: {  	s29 =	sadd.s32 $0x4000, s0;
	s15 =	sadd.s32 $0x8C00, s7;
	[dreg:$0xb] =	wrdreg s14  }
0xc: {  	s4 =	smul.u32 $0x140000, s1;
	s16 =	sadd.s32 $0xA000, s7;
	[dreg:$0xc] =	wrdreg s15  }
0xd: {  	s6 =	sor.u32 s1, s6;
	s17 =	sadd.s32 $0xB400, s7;
	[dreg:$0xd] =	wrdreg s16  }
0xe: {  	s1 =	smul.u32 $0x2710, s1;
	s19 =	sadd.s32 $0xC800, s7;
	[dreg:$0xe] =	wrdreg s17  }
0xf: {  	s28 =	smul.u32 $0x2710, s6;
	s20 =	sadd.s32 $0xDC00, s7;
	[dreg:$0xf] =	wrdreg s19  }
0x10: {  	s4 =	sadd.s32 s5, s4;
	s21 =	sadd.s32 $0xF000, s7;
	[dreg:$0x10] =	wrdreg s20  }
0x11: {  	s4 =	sshrl.u32 s4, $0x3;
	s25 =	sadd.s32 $0x10400, s7;
	[dreg:$0x11] =	wrdreg s21  }
0x12: {  	s5 =	sshrl.u32 s28, $0x3;
	s26 =	sadd.s32 $0x11800, s7;
	[dreg:$0x12] =	wrdreg s25  }
0x13: {  	s28 =	sadd.s32 $0x12C00, s7;
	s0 =	sadd.s32 s4, s0;
	[dreg:$0x13] =	wrdreg s26  }
0x14: {  	s4 =	sadd.s32 s29, s5;
	[dreg:$0x14] =	wrdreg s28;
	s9 =	simm.s32 $0x7  }
0x15: {  	s11 =	simm.s32 $0x17C80;
	s12 =	simm.s32 $0x17D00;
	s13 =	simm.s32 $0x1  }
0x16: {  	s14 =	simm.s32 $0x50;
	s15 =	simm.s32 $0x14000;
	s16 =	simm.s32 $0x17D80  }
0x17: {  	s17 =	simm.s32 $0x2;
	s19 =	simm.s32 $0x3;
	s5 =	sadd.s32 $0xA, s4  }
0x18: {  	s20 =	simm.s32 $0x6;
	s0 =	sadd.s32 $0x8FC00, s0;
	[dreg:$0x3] =	wrdreg s5  }
0x19: {  	s25 =	simm.s32 $0x4;
	s30 =	sadd.s32 $0x1E, s4;
	[dreg:$0x4] =	wrdreg s0  }
0x1a: {  	s26 =	simm.s32 $0x0;
	s5 =	smax.u32 s8, $0x1;
	[dreg:$0x16] =	wrdreg s30  }
0x1b: {  	s8 =	smul.u32 $0x4E20, s10;
	s10 =	sadd.s32 $0x2800, s7;
	[dreg:$0x5] =	wrdreg s5  }
0x1c: {  	s31 =	sadd.s32 $0x28, s4;
	s6 =	sadd.s32 $0x4D8, s4;
	[dreg:$0x7] =	wrdreg s10  }
0x1d: {  	s5 =	sadd.s32 $0x4CE, s4;
	s10 =	simm.s32 $0x17C00;
	s0 =	sadd.s32 s1, s8  }
0x1e: {  	s8 =	simm.s32 $0x16800;
	s18 =	sadd.s32 $0x280, s0;
	s22 =	sadd.s32 $0x2D0, s0  }
0x1f: {  	s23 =	sadd.s32 $0x230, s0;
	s0 =	sadd.s32 $0x1E0, s0;
	s1 =	sshrl.u32 s18, $0x3  }
0x20: {  	s24 =	sshrl.u32 s23, $0x3;
	s0 =	sshrl.u32 s0, $0x3;
	s18 =	simm.s32 $0x5  }
0x21: {  	s21 =	sadd.s32 s1, s29;
	s1 =	sshrl.u32 s22, $0x3;
	s23 =	sadd.s32 s24, s29  }
0x22: {  	s24 =	sadd.s32 s0, s29;
	s22 =	sadd.s32 s1, s29;
	s29 =	sadd.s32 $0x14, s4  }
0x23: {  	v0 =	vimm.f32 $0.0e+00;
	v1 =	vimm.f32 $1.000000000e+00;
	s0 =	sadd.s32 $0x32, s4;
	s1 =	sadd.s32 $0x4C4, s4;
	[dreg:$0x15] =	wrdreg s29  }
.LBB2_1:
0x24: {  	s28 =	simm.s32 $0x70;
	s29 =	simm.s32 $0x3C0  }
.LBB2_2:
0x25: {  	p0 =	sne.s32 s29, $0x4FC0;
	[tilespmem:s28+$0x16800] =	vst v0  }
0x26: {  	[tilespmem:s28+$0x16790] =	vst v0  }
0x27: {  	[tilespmem:s28+$0x167A0] =	vst v0  }
.Ltmp0:
0x28: {  	[tilespmem:s28+$0x167B0] =	vst v0;
	(pc) =	sbr.rel @p0 .LBB2_2-.Ltmp0, $4  }
0x29: {  	[tilespmem:s28+$0x167C0] =	vst v0  }
0x2a: {  	[tilespmem:s28+$0x167D0] =	vst v0  }
0x2b: {  	[tilespmem:s28+$0x167E0] =	vst v0  }
0x2c: {  	[tilespmem:s28+$0x167F0] =	vst v0;
	s28 =	sshra.s32 s29, $0x2;
	s29 =	sadd.s32 $0x200, s29  }
0x2d: {  	[tilespmem:s28+$0x16800] =	vst v0  }
0x2e: {  	[tilespmem:s28+$0x16790] =	vst v0  }
0x2f: {  	[tilespmem:s28+$0x167A0] =	vst v0  }
0x30: {  	[tilespmem:s28+$0x167B0] =	vst v0  }
0x31: {  	[tilespmem:s28+$0x167C0] =	vst v0  }
0x32: {  	[tilespmem:s28+$0x167D0] =	vst v0  }
0x33: {  	[tilespmem:s28+$0x167E0] =	vst v0  }
0x34: {  	[tilespmem:s28+$0x167F0] =	vst v0;
	s28 =	simm.s32 $0x70;
	s29 =	simm.s32 $0x3C0  }
.LBB2_4:
0x35: {  	p0 =	sne.s32 s29, $0x9FC0;
	[tilespmem:s28+$0x14000] =	vst v1  }
0x36: {  	[tilespmem:s28+$0x13F90] =	vst v1  }
0x37: {  	[tilespmem:s28+$0x13FA0] =	vst v1  }
.Ltmp1:
0x38: {  	[tilespmem:s28+$0x13FB0] =	vst v1;
	(pc) =	sbr.rel @p0 .LBB2_4-.Ltmp1, $4  }
0x39: {  	[tilespmem:s28+$0x13FC0] =	vst v1  }
0x3a: {  	[tilespmem:s28+$0x13FD0] =	vst v1  }
0x3b: {  	[tilespmem:s28+$0x13FE0] =	vst v1  }
0x3c: {  	[tilespmem:s28+$0x13FF0] =	vst v1;
	s28 =	sshra.s32 s29, $0x2;
	s29 =	sadd.s32 $0x200, s29  }
0x3d: {  	[tilespmem:s28+$0x14000] =	vst v1  }
0x3e: {  	[tilespmem:s28+$0x13F90] =	vst v1  }
0x3f: {  	[tilespmem:s28+$0x13FA0] =	vst v1  }
0x40: {  	[tilespmem:s28+$0x13FB0] =	vst v1  }
0x41: {  	[tilespmem:s28+$0x13FC0] =	vst v1  }
0x42: {  	[tilespmem:s28+$0x13FD0] =	vst v1  }
0x43: {  	[tilespmem:s28+$0x13FE0] =	vst v1  }
0x44: {  	[tilespmem:s28+$0x13FF0] =	vst v1  }
0x45: {  	[spmem:s7] =	stream.linear.scatter [tilespmem:s8], [sflag:$0x7], $0x1400, $0x38;
	[tilespmem:$0x17E00] =	vst v63  }
0x46: {  	_ =	swait.ge [sflag:s9], $0x1400  }
0x47: {  	[sflag:s9] =	ssyncset.done $0x0  }
0x48: {  	s28 =	rddreg [dreg:$0x6];
	[sflag:s9] =	ssyncadd.s32 $0xFFFFEC00  }
0x49: {  	[spmem:s28] =	stream.linear.scatter [tilespmem:s8], [sflag:$0x7], $0x1400, $0x38;
	[tilespmem:$0x17E00] =	vst v63  }
0x4a: {  	_ =	swait.ge [sflag:s9], $0x1400  }
0x4b: {  	[sflag:s9] =	ssyncset.done $0x0  }
0x4c: {  	s28 =	rddreg [dreg:$0x7];
	[sflag:s9] =	ssyncadd.s32 $0xFFFFEC00  }
0x4d: {  	[spmem:s28] =	stream.linear.scatter [tilespmem:s8], [sflag:$0x7], $0x1400, $0x38;
	[tilespmem:$0x17E00] =	vst v63  }
0x4e: {  	_ =	swait.ge [sflag:s9], $0x1400  }
0x4f: {  	[sflag:s9] =	ssyncset.done $0x0  }
0x50: {  	s28 =	rddreg [dreg:$0x8];
	[sflag:s9] =	ssyncadd.s32 $0xFFFFEC00  }
0x51: {  	[spmem:s28] =	stream.linear.scatter [tilespmem:s8], [sflag:$0x7], $0x1400, $0x38;
	[tilespmem:$0x17E00] =	vst v63  }
0x52: {  	_ =	swait.ge [sflag:s9], $0x1400  }
0x53: {  	[sflag:s9] =	ssyncset.done $0x0  }
0x54: {  	s28 =	rddreg [dreg:$0x9];
	[sflag:s9] =	ssyncadd.s32 $0xFFFFEC00  }
0x55: {  	[spmem:s28] =	stream.linear.scatter [tilespmem:s8], [sflag:$0x7], $0x1400, $0x38;
	[tilespmem:$0x17E00] =	vst v63  }
0x56: {  	_ =	swait.ge [sflag:s9], $0x1400  }
0x57: {  	[sflag:s9] =	ssyncset.done $0x0  }
0x58: {  	s28 =	rddreg [dreg:$0xa];
	[sflag:s9] =	ssyncadd.s32 $0xFFFFEC00  }
0x59: {  	[spmem:s28] =	stream.linear.scatter [tilespmem:s8], [sflag:$0x7], $0x1400, $0x38;
	[tilespmem:$0x17E00] =	vst v63  }
0x5a: {  	_ =	swait.ge [sflag:s9], $0x1400  }
0x5b: {  	[sflag:s9] =	ssyncset.done $0x0  }
0x5c: {  	s28 =	rddreg [dreg:$0xb];
	[sflag:s9] =	ssyncadd.s32 $0xFFFFEC00  }
0x5d: {  	[spmem:s28] =	stream.linear.scatter [tilespmem:s8], [sflag:$0x7], $0x1400, $0x38;
	[tilespmem:$0x17E00] =	vst v63  }
0x5e: {  	_ =	swait.ge [sflag:s9], $0x1400  }
0x5f: {  	[sflag:s9] =	ssyncset.done $0x0  }
0x60: {  	s28 =	rddreg [dreg:$0xc];
	[sflag:s9] =	ssyncadd.s32 $0xFFFFEC00  }
0x61: {  	[spmem:s28] =	stream.linear.scatter [tilespmem:s8], [sflag:$0x7], $0x1400, $0x38;
	[tilespmem:$0x17E00] =	vst v63  }
0x62: {  	_ =	swait.ge [sflag:s9], $0x1400  }
0x63: {  	[sflag:s9] =	ssyncset.done $0x0  }
0x64: {  	s28 =	rddreg [dreg:$0xd];
	[sflag:s9] =	ssyncadd.s32 $0xFFFFEC00  }
0x65: {  	[spmem:s28] =	stream.linear.scatter [tilespmem:s8], [sflag:$0x7], $0x1400, $0x38;
	[tilespmem:$0x17E00] =	vst v63  }
0x66: {  	_ =	swait.ge [sflag:s9], $0x1400  }
0x67: {  	[sflag:s9] =	ssyncset.done $0x0  }
0x68: {  	s28 =	rddreg [dreg:$0xe];
	[sflag:s9] =	ssyncadd.s32 $0xFFFFEC00  }
0x69: {  	[spmem:s28] =	stream.linear.scatter [tilespmem:s8], [sflag:$0x7], $0x1400, $0x38;
	[tilespmem:$0x17E00] =	vst v63  }
0x6a: {  	_ =	swait.ge [sflag:s9], $0x1400  }
0x6b: {  	[sflag:s9] =	ssyncset.done $0x0  }
0x6c: {  	s28 =	rddreg [dreg:$0xf];
	[sflag:s9] =	ssyncadd.s32 $0xFFFFEC00  }
0x6d: {  	[spmem:s28] =	stream.linear.scatter [tilespmem:s8], [sflag:$0x7], $0x1400, $0x38;
	[tilespmem:$0x17E00] =	vst v63  }
0x6e: {  	_ =	swait.ge [sflag:s9], $0x1400  }
0x6f: {  	[sflag:s9] =	ssyncset.done $0x0  }
0x70: {  	s28 =	rddreg [dreg:$0x10];
	[sflag:s9] =	ssyncadd.s32 $0xFFFFEC00  }
0x71: {  	[spmem:s28] =	stream.linear.scatter [tilespmem:s8], [sflag:$0x7], $0x1400, $0x38;
	[tilespmem:$0x17E00] =	vst v63  }
0x72: {  	_ =	swait.ge [sflag:s9], $0x1400  }
0x73: {  	[sflag:s9] =	ssyncset.done $0x0  }
0x74: {  	s28 =	rddreg [dreg:$0x11];
	[sflag:s9] =	ssyncadd.s32 $0xFFFFEC00  }
0x75: {  	[spmem:s28] =	stream.linear.scatter [tilespmem:s8], [sflag:$0x7], $0x1400, $0x38;
	[tilespmem:$0x17E00] =	vst v63  }
0x76: {  	_ =	swait.ge [sflag:s9], $0x1400  }
0x77: {  	[sflag:s9] =	ssyncset.done $0x0  }
0x78: {  	s28 =	rddreg [dreg:$0x12];
	[sflag:s9] =	ssyncadd.s32 $0xFFFFEC00  }
0x79: {  	[spmem:s28] =	stream.linear.scatter [tilespmem:s8], [sflag:$0x7], $0x1400, $0x38;
	[tilespmem:$0x17E00] =	vst v63  }
0x7a: {  	_ =	swait.ge [sflag:s9], $0x1400  }
0x7b: {  	[sflag:s9] =	ssyncset.done $0x0  }
0x7c: {  	s28 =	rddreg [dreg:$0x13];
	[sflag:s9] =	ssyncadd.s32 $0xFFFFEC00  }
0x7d: {  	[spmem:s28] =	stream.linear.scatter [tilespmem:s8], [sflag:$0x7], $0x1400, $0x38;
	[tilespmem:$0x17E00] =	vst v63  }
0x7e: {  	_ =	swait.ge [sflag:s9], $0x1400  }
0x7f: {  	[sflag:s9] =	ssyncset.done $0x0  }
0x80: {  	s28 =	rddreg [dreg:$0x14];
	[sflag:s9] =	ssyncadd.s32 $0xFFFFEC00  }
0x81: {  	[spmem:s28] =	stream.linear.scatter [tilespmem:s8], [sflag:$0x7], $0x1400, $0x38;
	[tilespmem:$0x17E00] =	vst v63  }
0x82: {  	_ =	swait.ge [sflag:s9], $0x1400  }
0x83: {  	[sflag:s9] =	ssyncset.done $0x0  }
0x84: {  	[sflag:s9] =	ssyncadd.s32 $0xFFFFEC00  }
0x85: {  	s28 =	simm.s32 $0x0;
	[bflag:$0x0] =	sbarrier.arrive $0xFFFF  }
0x86: {  	[tilespmem:s10], [sflag:$0x1] =	stream.linear.gather [hbm4b:s4+s28], $0x50, $0x38;
	[tilespmem:$0x17E00] =	vst v63  }
0x87: {  	s29 =	rddreg [dreg:$0x3]  }
0x88: {  	[tilespmem:s11], [sflag:$0x2] =	stream.linear.gather [hbm4b:s29+s28], $0x50, $0x38;
	[tilespmem:$0x17E00] =	vst v63  }
0x89: {  	s30 =	rddreg [dreg:$0x15]  }
0x8a: {  	[tilespmem:s12], [sflag:$0x3] =	stream.linear.gather [hbm4b:s30+s28], $0x50, $0x38;
	[tilespmem:$0x17E00] =	vst v63  }
0x8b: {  	_ =	swait.ge [sflag:s13], $0x50  }
0x8c: {  	[sflag:s13] =	ssyncset.done $0x0  }
0x8d: {  	[sflag:s13] =	ssyncadd.s32 $0xFFFFFFB0  }
0x8e: {  	[spmem:s2] =	stream.indirect.scatter.add.f32 [tilespmem:s15], [sflag:$0x5], $0x80, s10, s14, $0xb8;
	[tilespmem:$0x17E00] =	vst v63  }
0x8f: {  	s30 =	rddreg [dreg:$0x16]  }
0x90: {  	[tilespmem:s16], [sflag:$0x4] =	stream.linear.gather [hbm4b:s30+s28], $0x50, $0x38;
	[tilespmem:$0x17E00] =	vst v63  }
0x91: {  	_ =	swait.ge [sflag:s17], $0x50  }
0x92: {  	[sflag:s17] =	ssyncset.done $0x0  }
0x93: {  	[sflag:s17] =	ssyncadd.s32 $0xFFFFFFB0  }
0x94: {  	[spmem:s2] =	stream.indirect.scatter.add.f32 [tilespmem:s15], [sflag:$0x6], $0x80, s11, s14, $0xb8;
	[tilespmem:$0x17E00] =	vst v63  }
0x95: {  	_ =	swait.ge [sflag:s18], $0x2800  }
0x96: {  	[sflag:s18] =	ssyncset.done $0x0  }
0x97: {  	[sflag:s18] =	ssyncadd.s32 $0xFFFFD800  }
0x98: {  	[tilespmem:s10], [sflag:$0x1] =	stream.linear.gather [hbm4b:s31+s28], $0x50, $0x38;
	[tilespmem:$0x17E00] =	vst v63  }
0x99: {  	_ =	swait.ge [sflag:s19], $0x50  }
0x9a: {  	[sflag:s19] =	ssyncset.done $0x0  }
0x9b: {  	[sflag:s19] =	ssyncadd.s32 $0xFFFFFFB0  }
0x9c: {  	[spmem:s2] =	stream.indirect.scatter.add.f32 [tilespmem:s15], [sflag:$0x5], $0x80, s12, s14, $0xb8;
	[tilespmem:$0x17E00] =	vst v63  }
0x9d: {  	_ =	swait.ge [sflag:s20], $0x2800  }
0x9e: {  	[sflag:s20] =	ssyncset.done $0x0  }
0x9f: {  	[sflag:s20] =	ssyncadd.s32 $0xFFFFD800  }
0xa0: {  	[tilespmem:s11], [sflag:$0x2] =	stream.linear.gather [hbm4b:s0+s28], $0x50, $0x38;
	[tilespmem:$0x17E00] =	vst v63  }
0xa1: {  	_ =	swait.ge [sflag:s25], $0x50  }
0xa2: {  	[sflag:s25] =	ssyncset.done $0x0  }
0xa3: {  	[sflag:s25] =	ssyncadd.s32 $0xFFFFFFB0  }
0xa4: {  	[spmem:s2] =	stream.indirect.scatter.add.f32 [tilespmem:s15], [sflag:$0x6], $0x80, s16, s14, $0xb8;
	[tilespmem:$0x17E00] =	vst v63  }
0xa5: {  	_ =	swait.ge [sflag:s18], $0x2800  }
0xa6: {  	[sflag:s18] =	ssyncset.done $0x0  }
0xa7: {  	s28 =	sadd.s32 $0x0, s24;
	[sflag:s18] =	ssyncadd.s32 $0xFFFFD800  }
0xa8: {  	[tilespmem:s12], [sflag:$0x3] =	stream.linear.gather [hbm4b:s28+s3], $0x50, $0x38;
	[tilespmem:$0x17E00] =	vst v63  }
0xa9: {  	_ =	swait.ge [sflag:s13], $0x50  }
0xaa: {  	[sflag:s13] =	ssyncset.done $0x0  }
0xab: {  	[sflag:s13] =	ssyncadd.s32 $0xFFFFFFB0  }
0xac: {  	[spmem:s2] =	stream.indirect.scatter.add.f32 [tilespmem:s15], [sflag:$0x5], $0x80, s10, s14, $0xb8;
	[tilespmem:$0x17E00] =	vst v63  }
0xad: {  	_ =	swait.ge [sflag:s20], $0x2800  }
0xae: {  	[sflag:s20] =	ssyncset.done $0x0  }
0xaf: {  	s28 =	sadd.s32 $0x0, s23;
	[sflag:s20] =	ssyncadd.s32 $0xFFFFD800  }
0xb0: {  	[tilespmem:s16], [sflag:$0x4] =	stream.linear.gather [hbm4b:s28+s3], $0x50, $0x38;
	[tilespmem:$0x17E00] =	vst v63  }
0xb1: {  	_ =	swait.ge [sflag:s17], $0x50  }
0xb2: {  	[sflag:s17] =	ssyncset.done $0x0  }
0xb3: {  	[sflag:s17] =	ssyncadd.s32 $0xFFFFFFB0  }
0xb4: {  	[spmem:s2] =	stream.indirect.scatter.add.f32 [tilespmem:s15], [sflag:$0x6], $0x80, s11, s14, $0xb8;
	[tilespmem:$0x17E00] =	vst v63  }
0xb5: {  	_ =	swait.ge [sflag:s18], $0x2800  }
0xb6: {  	[sflag:s18] =	ssyncset.done $0x0  }
0xb7: {  	s28 =	sadd.s32 $0x0, s21;
	[sflag:s18] =	ssyncadd.s32 $0xFFFFD800  }
0xb8: {  	[tilespmem:s10], [sflag:$0x1] =	stream.linear.gather [hbm4b:s28+s3], $0x50, $0x38;
	[tilespmem:$0x17E00] =	vst v63  }
0xb9: {  	_ =	swait.ge [sflag:s19], $0x50  }
0xba: {  	[sflag:s19] =	ssyncset.done $0x0  }
0xbb: {  	[sflag:s19] =	ssyncadd.s32 $0xFFFFFFB0  }
0xbc: {  	[spmem:s2] =	stream.indirect.scatter.add.f32 [tilespmem:s15], [sflag:$0x5], $0x80, s12, s14, $0xb8;
	[tilespmem:$0x17E00] =	vst v63  }
0xbd: {  	_ =	swait.ge [sflag:s20], $0x2800  }
0xbe: {  	[sflag:s20] =	ssyncset.done $0x0  }
0xbf: {  	s28 =	sadd.s32 $0x0, s22;
	[sflag:s20] =	ssyncadd.s32 $0xFFFFD800  }
0xc0: {  	[tilespmem:s11], [sflag:$0x2] =	stream.linear.gather [hbm4b:s28+s3], $0x50, $0x38;
	[tilespmem:$0x17E00] =	vst v63  }
0xc1: {  	_ =	swait.ge [sflag:s25], $0x50  }
0xc2: {  	[sflag:s25] =	ssyncset.done $0x0  }
0xc3: {  	s28 =	simm.s32 $0x28;
	[sflag:s25] =	ssyncadd.s32 $0xFFFFFFB0  }
.LBB2_6:
0xc4: {  	[spmem:s2] =	stream.indirect.scatter.add.f32 [tilespmem:s15], [sflag:$0x6], $0x80, s16, s14, $0xb8;
	[tilespmem:$0x17E00] =	vst v63  }
0xc5: {  	s29 =	smov.u32 s28  }
0xc6: {  	p0 =	sne.s32 s28, $0x460;
	s28 =	sadd.s32 $0x28, s28;
	_ =	swait.ge [sflag:s18], $0x2800  }
0xc7: {  	[sflag:s18] =	ssyncset.done $0x0  }
0xc8: {  	s30 =	sadd.s32 s29, s24;
	[sflag:s18] =	ssyncadd.s32 $0xFFFFD800  }
0xc9: {  	[tilespmem:s12], [sflag:$0x3] =	stream.linear.gather [hbm4b:s30+s3], $0x50, $0x38;
	[tilespmem:$0x17E00] =	vst v63  }
0xca: {  	_ =	swait.ge [sflag:s13], $0x50  }
0xcb: {  	[sflag:s13] =	ssyncset.done $0x0  }
0xcc: {  	[sflag:s13] =	ssyncadd.s32 $0xFFFFFFB0  }
0xcd: {  	[spmem:s2] =	stream.indirect.scatter.add.f32 [tilespmem:s15], [sflag:$0x5], $0x80, s10, s14, $0xb8;
	[tilespmem:$0x17E00] =	vst v63  }
0xce: {  	_ =	swait.ge [sflag:s20], $0x2800  }
0xcf: {  	[sflag:s20] =	ssyncset.done $0x0  }
0xd0: {  	s30 =	sadd.s32 s29, s23;
	[sflag:s20] =	ssyncadd.s32 $0xFFFFD800  }
0xd1: {  	[tilespmem:s16], [sflag:$0x4] =	stream.linear.gather [hbm4b:s30+s3], $0x50, $0x38;
	[tilespmem:$0x17E00] =	vst v63  }
0xd2: {  	_ =	swait.ge [sflag:s17], $0x50  }
0xd3: {  	[sflag:s17] =	ssyncset.done $0x0  }
0xd4: {  	[sflag:s17] =	ssyncadd.s32 $0xFFFFFFB0  }
0xd5: {  	[spmem:s2] =	stream.indirect.scatter.add.f32 [tilespmem:s15], [sflag:$0x6], $0x80, s11, s14, $0xb8;
	[tilespmem:$0x17E00] =	vst v63  }
0xd6: {  	_ =	swait.ge [sflag:s18], $0x2800  }
0xd7: {  	[sflag:s18] =	ssyncset.done $0x0  }
0xd8: {  	s30 =	sadd.s32 s29, s21;
	[sflag:s18] =	ssyncadd.s32 $0xFFFFD800  }
0xd9: {  	[tilespmem:s10], [sflag:$0x1] =	stream.linear.gather [hbm4b:s30+s3], $0x50, $0x38;
	[tilespmem:$0x17E00] =	vst v63  }
0xda: {  	_ =	swait.ge [sflag:s19], $0x50  }
0xdb: {  	[sflag:s19] =	ssyncset.done $0x0  }
0xdc: {  	[sflag:s19] =	ssyncadd.s32 $0xFFFFFFB0  }
0xdd: {  	[spmem:s2] =	stream.indirect.scatter.add.f32 [tilespmem:s15], [sflag:$0x5], $0x80, s12, s14, $0xb8;
	[tilespmem:$0x17E00] =	vst v63  }
0xde: {  	_ =	swait.ge [sflag:s20], $0x2800  }
0xdf: {  	[sflag:s20] =	ssyncset.done $0x0  }
.Ltmp2:
0xe0: {  	s29 =	sadd.s32 s29, s22;
	[sflag:s20] =	ssyncadd.s32 $0xFFFFD800;
	(pc) =	sbr.rel @p0 .LBB2_6-.Ltmp2, $4  }
0xe1: {  	[tilespmem:s11], [sflag:$0x2] =	stream.linear.gather [hbm4b:s29+s3], $0x50, $0x38;
	[tilespmem:$0x17E00] =	vst v63  }
0xe2: {  	_ =	swait.ge [sflag:s25], $0x50  }
0xe3: {  	[sflag:s25] =	ssyncset.done $0x0  }
0xe4: {  	[sflag:s25] =	ssyncadd.s32 $0xFFFFFFB0  }
0xe5: {  	[spmem:s2] =	stream.indirect.scatter.add.f32 [tilespmem:s15], [sflag:$0x6], $0x80, s16, s14, $0xb8;
	[tilespmem:$0x17E00] =	vst v63  }
0xe6: {  	_ =	swait.ge [sflag:s18], $0x2800  }
0xe7: {  	[sflag:s18] =	ssyncset.done $0x0  }
0xe8: {  	[sflag:s18] =	ssyncadd.s32 $0xFFFFD800  }
0xe9: {  	[tilespmem:s12], [sflag:$0x3] =	stream.linear.gather [hbm4b:s1+s3], $0x50, $0x38;
	[tilespmem:$0x17E00] =	vst v63  }
0xea: {  	_ =	swait.ge [sflag:s13], $0x50  }
0xeb: {  	[sflag:s13] =	ssyncset.done $0x0  }
0xec: {  	[sflag:s13] =	ssyncadd.s32 $0xFFFFFFB0  }
0xed: {  	[spmem:s2] =	stream.indirect.scatter.add.f32 [tilespmem:s15], [sflag:$0x5], $0x80, s10, s14, $0xb8;
	[tilespmem:$0x17E00] =	vst v63  }
0xee: {  	_ =	swait.ge [sflag:s20], $0x2800  }
0xef: {  	[sflag:s20] =	ssyncset.done $0x0  }
0xf0: {  	[sflag:s20] =	ssyncadd.s32 $0xFFFFD800  }
0xf1: {  	[tilespmem:s16], [sflag:$0x4] =	stream.linear.gather [hbm4b:s5+s3], $0x50, $0x38;
	[tilespmem:$0x17E00] =	vst v63  }
0xf2: {  	_ =	swait.ge [sflag:s17], $0x50  }
0xf3: {  	[sflag:s17] =	ssyncset.done $0x0  }
0xf4: {  	[sflag:s17] =	ssyncadd.s32 $0xFFFFFFB0  }
0xf5: {  	[spmem:s2] =	stream.indirect.scatter.add.f32 [tilespmem:s15], [sflag:$0x6], $0x80, s11, s14, $0xb8;
	[tilespmem:$0x17E00] =	vst v63  }
0xf6: {  	_ =	swait.ge [sflag:s18], $0x2800  }
0xf7: {  	[sflag:s18] =	ssyncset.done $0x0  }
0xf8: {  	[sflag:s18] =	ssyncadd.s32 $0xFFFFD800  }
0xf9: {  	[tilespmem:s10], [sflag:$0x1] =	stream.linear.gather [hbm4b:s6+s3], $0x50, $0x38;
	[tilespmem:$0x17E00] =	vst v63  }
0xfa: {  	_ =	swait.ge [sflag:s19], $0x50  }
0xfb: {  	[sflag:s19] =	ssyncset.done $0x0  }
0xfc: {  	[sflag:s19] =	ssyncadd.s32 $0xFFFFFFB0  }
0xfd: {  	[spmem:s2] =	stream.indirect.scatter.add.f32 [tilespmem:s15], [sflag:$0x5], $0x80, s12, s14, $0xb8;
	[tilespmem:$0x17E00] =	vst v63  }
0xfe: {  	_ =	swait.ge [sflag:s20], $0x2800  }
0xff: {  	[sflag:s20] =	ssyncset.done $0x0  }
0x100: {  	[sflag:s20] =	ssyncadd.s32 $0xFFFFD800  }
0x101: {  	_ =	swait.ge [sflag:s25], $0x50  }
0x102: {  	[sflag:s25] =	ssyncset.done $0x0  }
0x103: {  	[sflag:s25] =	ssyncadd.s32 $0xFFFFFFB0  }
0x104: {  	[spmem:s2] =	stream.indirect.scatter.add.f32 [tilespmem:s15], [sflag:$0x6], $0x80, s16, s14, $0xb8;
	[tilespmem:$0x17E00] =	vst v63  }
0x105: {  	_ =	swait.ge [sflag:s18], $0x2800  }
0x106: {  	[sflag:s18] =	ssyncset.done $0x0  }
0x107: {  	[sflag:s18] =	ssyncadd.s32 $0xFFFFD800  }
0x108: {  	_ =	swait.ge [sflag:s13], $0x50  }
0x109: {  	[sflag:s13] =	ssyncset.done $0x0  }
0x10a: {  	[sflag:s13] =	ssyncadd.s32 $0xFFFFFFB0  }
0x10b: {  	[spmem:s2] =	stream.indirect.scatter.add.f32 [tilespmem:s15], [sflag:$0x5], $0x80, s10, s14, $0xb8;
	[tilespmem:$0x17E00] =	vst v63  }
0x10c: {  	_ =	swait.ge [sflag:s20], $0x2800  }
0x10d: {  	[sflag:s20] =	ssyncset.done $0x0  }
0x10e: {  	[sflag:s20] =	ssyncadd.s32 $0xFFFFD800  }
0x10f: {  	_ =	swait.ge [sflag:s18], $0x2800  }
0x110: {  	[sflag:s18] =	ssyncset.done $0x0  }
0x111: {  	s28 =	stileid.u32;
	[sflag:s18] =	ssyncadd.s32 $0xFFFFD800  }
0x112: {  	s28 =	sshll.u32 s28, $0x6;
	[bflag:$0x0] =	sbarrier.arrive $0xFFFF  }
0x113: {  	s29 =	sshrl.u32 s7, $0x3;
	s28 =	sor.u32 $0x1C07, s28;
	s30 =	rddreg [dreg:$0x4]  }
0x114: {  	[hbm:s30], [sflag:s28] =	dma.local [spmem:s29], $0x2800  }
0x115: {  	_ =	swait.ge [sflag:s9], $0x2800  }
0x116: {  	s26 =	sadd.s32 $0x1, s26;
	s30 =	rddreg [dreg:$0x5]  }
0x117: {  	p0 =	sne.s32 s26, s30  }
.Ltmp3:
0x118: {  	_ = 	snop;
	(pc) =	sbr.rel @p0 .LBB2_1-.Ltmp3, $3  }
0x119: {  	_ =	sdelay $0x1  }
0x11a: {  	[sflag:s9] =	ssyncset.done $0x0  }
0x11b: {  	[sflag:s9] =	ssyncadd.s32 $0xFFFFD800  }
0x11c: {  	_ =	sfence.sel $0x180000  }
0x11d: {  	[bflag:$0x0] =	sbarrier.arrive $0xFFFF  }
0x11e: {  	_ =	strace $0x9000004A  }
0x11f: {  	s0 =	stileid.u32;
	[bflag:$0x2] =	sbarrier.arrive $0xFFFF  }
0x120: {  	p0 =	sne.s32 s0, $0x0;
	s0 =	rddreg [dreg:$0x2]  }
0x121: {  	s0 =	sadd.s32 @!p0 $0x100000, s0  }
0x122: {  	[sflag:s0] =	ssyncadd.tile.s32 @!p0 $0x1;
	_ =	shalt  }
.Lfunc_end2:
_tile_overlayer_lowered:
.L_overlay_start_2:
0x123: {  	(tag) =	ssettag $0x2  }
0x124: {  	s0 =	rddreg [dreg:$0x0];
	s2 =	stileid.u32  }
0x125: {  	s1 =	rddreg [dreg:$0x1];
	p0 =	sne.s32 s2, $0x0  }
0x126: {  	s3 =	rddreg [dreg:$0x2];
	[bflag:$0x3] =	sbarrier.arrive $0xFFFF;
	s2 =	simm.s32 @!p0 $0x1C07  }
0x127: {  	[timem:s3], [sflag:s2] =	dma.local @!p0 [hbm:s0], s1  }
0x128: {  	s0 =	simm.s32 @!p0 $0x7  }
0x129: {  	_ =	swait.ge @!p0 [sflag:s0], s1  }
0x12a: {  	s1 =	ssub.s32 @!p0 $0x0, s1;
	[sflag:s0] =	ssyncset.done @!p0 $0x0  }
0x12b: {  	[sflag:s0] =	ssyncadd.s32 @!p0 s1  }
0x12c: {  	[bflag:$0x3] =	sbarrier.arrive $0xFFFF  }
0x12d: {  	_ =	shalt  }

// kernel: kernel.15.cloned.1.call-start
scs
__scs_entry_jumppad:
0x0: {  	(pc) =	sbr.rel $0x88, $3  }
0x1: {  	(tag) =	ssettag $0x0;
	lr =	simm.s32 $0x1  }
0x2: {  	[smem:$0x3F8F] =	sst lr;
	_ =	strace $0xD0000000  }
0x3: {  	_ = 	snop  }
0x4: {  	_ = 	snop  }
0x5: {  	_ = 	snop  }
0x6: {  	_ = 	snop  }
0x7: {  	_ = 	snop  }
__scs_overlays_trampoline_lowered:
0x8: {  	[smem:$0x3F9E] =	sst s0  }
0x9: {  	[smem:$0x3F9F] =	sst s1  }
0xa: {  	[smem:$0x3FA0] =	sst s2  }
0xb: {  	[smem:$0x3FA1] =	sst s3  }
0xc: {  	[smem:$0x3FA2] =	sst s4  }
0xd: {  	[smem:$0x3FA3] =	sst s5  }
0xe: {  	[smem:$0x3FA4] =	sst s6  }
0xf: {  	[smem:$0x3FA5] =	sst s7  }
0x10: {  	[smem:$0x3FA6] =	sst s8  }
0x11: {  	[smem:$0x3FA7] =	sst s9;
	s0 =	simm.s32 @!p0 $0x0  }
0x12: {  	s1 =	sld [smem:$0x3F8D];
	s0 =	simm.s32 @p0 $0x1  }
0x13: {  	[smem:$0x3FA8] =	sst s0;
	s0 =	simm.s32 @!p1 $0x0  }
0x14: {  	s2 =	sld [smem:$0x3F8C];
	s0 =	simm.s32 @p1 $0x1  }
0x15: {  	[smem:$0x3FA9] =	sst s0;
	s0 =	simm.s32 @!p2 $0x0  }
0x16: {  	s3 =	sld [smem:$0x3FDB];
	s0 =	simm.s32 @p2 $0x1  }
0x17: {  	s4 =	simm.s32 $0x1BF5;
	[smem:$0x3FAB] =	sst s0  }
0x18: {  	s0 =	sld [smem:$0x3F8E];
	_ =	swait.ge [sflag:s4], $0x0  }
0x19: {  	s7 =	sld [smem:$0x3F8F]  }
0x1a: {  	s8 =	sadd.s32 $0xFFFFE003, lr  }
0x1b: {  	s9 =	sadd.s32 $0xFFFFFEF7, lr;
	s5 =	simm.s32 $0xFFFFFFFF;
	p2 =	slt.u32 s8, $0xFFFFF086  }
0x1c: {  	p1 =	slt.u32 s9, $0xF7A;
	s5 =	simm.s32 @!p2 $0x0  }
0x1d: {  	s5 =	simm.s32 @p1 $0x1;
	p0 =	seq.s32 s7, s2  }
0x1e: {  	s7 =	smul.u32 @!p0 $0xF7A, s2;
	p2 =	seq.s32 @!p0 s5, $0x0  }
0x1f: {  	s9 =	smul.u32 $0xF7A, s1;
	s8 =	simm.s32 @!p0 $0x1BF5;
	p2 =	por !p2, p0  }
0x20: {  	[sflag:s8] =	ssyncset.s32 @!p0 $0xFFFFF086;
	s6 =	sadd.s32 @!p0 s3, s7;
	s7 =	simm.s32 @!p0 $0x108  }
0x21: {  	s3 =	sadd.s32 s3, s9;
	s6 =	sadd.s32 @!p0 $0x88, s6;
	s7 =	simm.s32 @p2 $0x1082  }
0x22: {  	[simem:s7], [sflag:s8] =	dma.local @!p0 [hbm:s6], $0xF7A  }
0x23: {  	s9 =	sor.u32 $0xD0000000, s2;
	s6 =	simm.s32 $0x108;
	_ =	swait.ge @!p0 [sflag:s8], $0x0  }
0x24: {  	s3 =	sadd.s32 $0x88, s3;
	s6 =	simm.s32 @!p1 $0x1082;
	[sflag:s4] =	ssyncset.s32 $0xFFFFF086  }
0x25: {  	[simem:s6], [sflag:s4] =	dma.local [hbm:s3], $0xF7A  }
0x26: {  	[smem:$0x3F8F] =	sst s1;
	(tag) =	ssettag s2;
	_ =	strace s9  }
0x27: {  	s1 =	sld [smem:$0x3F9F]  }
0x28: {  	s2 =	sld [smem:$0x3FA0]  }
0x29: {  	s4 =	sld [smem:$0x3FA2]  }
0x2a: {  	p0 =	seq.s32 s5, $0x0;
	s5 =	sld [smem:$0x3FA3]  }
0x2b: {  	s6 =	sld [smem:$0x3FA4]  }
0x2c: {  	s7 =	sld [smem:$0x3FA5]  }
0x2d: {  	s3 =	simm.s32 $0x108;
	s8 =	sld [smem:$0x3FA6]  }
0x2e: {  	s3 =	simm.s32 @!p0 $0x1082;
	s9 =	sld [smem:$0x3FA7]  }
0x2f: {  	lr =	sadd.s32 s0, s3;
	s0 =	sld [smem:$0x3F9E]  }
0x30: {  	s3 =	sld [smem:$0x3FA1]  }
0x31: {  	[smem:$0x3FAA] =	sst s10  }
0x32: {  	s10 =	sld [smem:$0x3FA8];
	_ =	sdelay $0x3  }
0x33: {  	p0 =	seq.s32 s10, $0x1;
	s10 =	sld [smem:$0x3FAA];
	_ =	sdelay $0x3  }
0x34: {  	[smem:$0x3FAA] =	sst s10  }
0x35: {  	s10 =	sld [smem:$0x3FA9];
	_ =	sdelay $0x3  }
0x36: {  	p1 =	seq.s32 s10, $0x1;
	s10 =	sld [smem:$0x3FAA];
	_ =	sdelay $0x3  }
0x37: {  	[smem:$0x3FAA] =	sst s10  }
0x38: {  	s10 =	sld [smem:$0x3FAB]  }
0x39: {  	_ = 	snop;
	(pc) =	sbr.ind lr, $3  }
0x3a: {  	_ = 	snop  }
0x3b: {  	_ = 	snop  }
0x3c: {  	p2 =	seq.s32 s10, $0x1;
	s10 =	sld [smem:$0x3FAA]  }
0x3d: {  	_ =	shalt  }
0x3e: {  	_ =	shalt  }
0x3f: {  	_ =	shalt  }
0x40: {  	_ =	shalt  }
0x41: {  	_ =	shalt  }
0x42: {  	_ =	shalt  }
0x43: {  	_ =	shalt  }
0x44: {  	_ =	shalt  }
0x45: {  	_ =	shalt  }
0x46: {  	_ =	shalt  }
0x47: {  	_ =	shalt  }
0x48: {  	_ =	shalt  }
0x49: {  	_ =	shalt  }
0x4a: {  	_ =	shalt  }
0x4b: {  	_ =	shalt  }
0x4c: {  	_ =	shalt  }
0x4d: {  	_ =	shalt  }
0x4e: {  	_ =	shalt  }
0x4f: {  	_ =	shalt  }
0x50: {  	_ =	shalt  }
0x51: {  	_ =	shalt  }
0x52: {  	_ =	shalt  }
0x53: {  	_ =	shalt  }
0x54: {  	_ =	shalt  }
0x55: {  	_ =	shalt  }
0x56: {  	_ =	shalt  }
0x57: {  	_ =	shalt  }
0x58: {  	_ =	shalt  }
0x59: {  	_ =	shalt  }
0x5a: {  	_ =	shalt  }
0x5b: {  	_ =	shalt  }
0x5c: {  	_ =	shalt  }
0x5d: {  	_ =	shalt  }
0x5e: {  	_ =	shalt  }
0x5f: {  	_ =	shalt  }
0x60: {  	_ =	shalt  }
0x61: {  	_ =	shalt  }
0x62: {  	_ =	shalt  }
0x63: {  	_ =	shalt  }
0x64: {  	_ =	shalt  }
0x65: {  	_ =	shalt  }
0x66: {  	_ =	shalt  }
0x67: {  	_ =	shalt  }
0x68: {  	_ =	shalt  }
0x69: {  	_ =	shalt  }
0x6a: {  	_ =	shalt  }
0x6b: {  	_ =	shalt  }
0x6c: {  	_ =	shalt  }
0x6d: {  	_ =	shalt  }
0x6e: {  	_ =	shalt  }
0x6f: {  	_ =	shalt  }
0x70: {  	_ =	shalt  }
0x71: {  	_ =	shalt  }
0x72: {  	_ =	shalt  }
0x73: {  	_ =	shalt  }
0x74: {  	_ =	shalt  }
0x75: {  	_ =	shalt  }
0x76: {  	_ =	shalt  }
0x77: {  	_ =	shalt  }
0x78: {  	_ =	shalt  }
0x79: {  	_ =	shalt  }
0x7a: {  	_ =	shalt  }
0x7b: {  	_ =	shalt  }
0x7c: {  	_ =	shalt  }
0x7d: {  	_ =	shalt  }
0x7e: {  	_ =	shalt  }
0x7f: {  	_ =	shalt  }
0x80: {  	_ =	shalt  }
0x81: {  	_ =	shalt  }
0x82: {  	_ =	shalt  }
0x83: {  	_ =	shalt  }
0x84: {  	_ =	shalt  }
0x85: {  	_ =	shalt  }
0x86: {  	_ =	shalt  }
0x87: {  	_ =	shalt  }
.Lfunc_end0:
.L_simem_size_0:
called_computation.1_lowered:
.L_overlay_start_0:
0x88: {  	s2 =	sld [smem:$0x3FD9]  }
0x89: {  	s3 =	sld [smem:$0x3FFE];
	_ =	sdelay $0x1  }
0x8a: {  	s1 =	srdreg.scid  }
0x8b: {  	s0 =	sand.u32 $0x1, s1  }
0x8c: {  	s16 =	sshll.u32 s0, $0xA;
	s2 =	sadd.s32 s3, s2  }
0x8d: {  	s2 =	sadd.s32 s2, s16  }
0x8e: {  	[smem:$0x3FB6] =	sst s2  }
0x8f: {  	_ = 	snop  }
0x90: {  	(tm) =	ssettm $0x1  }
0x91: {  	s17 =	sld [smem:$0x3FFB];
	_ =	sdelay $0x3  }
0x92: {  	_ =	strace s17  }
0x93: {  	s2 =	sld [smem:$0x3FFC];
	_ =	sdelay $0x3  }
0x94: {  	_ =	strace s2  }
0x95: {  	s2 =	sld [smem:$0x3FFD];
	_ =	sdelay $0x3  }
0x96: {  	_ =	strace s2  }
0x97: {  	_ =	strace $0x8FFFFFFF  }
0x98: {  	s18 =	sld [smem:$0x3FDB];
	_ =	sdelay $0x1  }
0x99: {  	s19 =	simm.s32 $_scs_section_size  }
0x9a: {  	s4 =	simm.s32 $_size__tile_overlayer_lowered;
	s5 =	simm.s32 $_tile_overlayer_lowered  }
0x9b: {  	s22 =	simm.s32 $0x1BFF;
	s21 =	sshll.u32 s5, $0x1;
	s2 =	sadd.s32 s19, s18  }
0x9c: {  	s6 =	simm.s32 $0x0;
	s20 =	sshll.u32 s4, $0x1;
	s4 =	sadd.s32 s21, s2  }
0x9d: {  	[timem:s6], [sflag:s22] =	dma.local [hbm:s4], s20  }
0x9e: {  	_ =	swait.ge [sflag:s22], s20  }
0x9f: {  	s3 =	ssub.s32 $0x0, s20;
	[sflag:s22] =	ssyncset.done $0x0  }
0xa0: {  	[sflag:s22] =	ssyncadd.s32 s3;
	_ =	sdelay $0x1  }
0xa1: {  	s23 =	simm.s32 $0x1B8B  }
0xa2: {  	_ =	swait.ge [sflag:s23], $0x1  }
0xa3: {  	[sflag:s23] =	ssyncset.done $0x0  }
0xa4: {  	s25 =	simm.s32 $0x1B8E;
	s24 =	sld [smem:$0x3FFE];
	[sflag:s23] =	ssyncadd.s32 $0xFFFFFFFF  }
0xa5: {  	s26 =	simm.s32 $execute0_lowered;
	[smem:$0x3FD2] =	sst s25  }
0xa6: {  	s4 =	sshll.u32 s26, $0x1;
	_ =	strace $0x80000046;
	[dreg:$0x1] =	wrdreg $0xFFFFFFFF  }
0xa7: {  	s28 =	simm.s32 $_size_execute0_lowered;
	s2 =	sadd.s32 s2, s4;
	[dreg:$0x0] =	wrdreg $0x0  }
0xa8: {  	s4 =	sshll.u32 s28, $0x1;
	[dreg:$0x2] =	wrdreg s2  }
0xa9: {  	[dreg:$0x3] =	wrdreg s4  }
0xaa: {  	[dreg:$0x4] =	wrdreg $0xC0  }
0xab: {  	_ =	task [dreg:s6], $0x5FFFF  }
0xac: {  	[dreg:$0x1] =	wrdreg $0xFFFFFFFF  }
0xad: {  	[dreg:$0x0] =	wrdreg $0x60  }
0xae: {  	[dreg:$0x2] =	wrdreg s24  }
0xaf: {  	[dreg:$0x3] =	wrdreg $0x0  }
0xb0: {  	[dreg:$0x4] =	wrdreg $0xA  }
0xb1: {  	_ =	task.clear_ibuf [dreg:s6], $0x5FFFF;
	_ =	strace $0x90000046  }
0xb2: {  	s29 =	simm.s32 $0xA;
	_ =	strace $0x80000048  }
0xb3: {  	_ =	swait.ge [sflag:s29], $0x1  }
0xb4: {  	[sflag:s29] =	ssyncadd.s32 $0xFFFFFFFF  }
0xb5: {  	_ =	strace $0x90000048  }
0xb6: {  	_ =	sfence  }
0xb7: {  	s30 =	sld [smem:$0x0];
	_ =	sdelay $0x2  }
0xb8: {  	s31 =	sshll.u32 s1, $0xD;
	s1 =	sshrl.u32 s1, $0x2  }
0xb9: {  	s3 =	sand.u32 $0x4000, s31;
	s1 =	sadd.s32 s1, s30  }
0xba: {  	s0 =	sor.u32 s3, s0;
	s1 =	sshll.u32 s1, $0x11  }
0xbb: {  	s0 =	sor.u32 s1, s0  }
0xbc: {  	s0 =	sadd.s32 $0x8F2B, s0  }
0xbd: {  	[sflag:s0] =	ssyncadd.remote.s32 $0x1  }
0xbe: {  	_ =	sfence.sel $0xFFFF  }
0xbf: {  	[dreg:$0x0] =	wrdreg $0xFFFFFFFF;
	(pc) =	sbr.abs _section_cstart, $3  }
0xc0: {  	[dreg:$0x1] =	wrdreg $0xFFFFFFFF  }
0xc1: {  	_ =	task.clear_ibuf [dreg:s6], $0x2FFFF;
	_ =	strace $0x9FFFFFFF  }
0xc2: {  	(tm) =	ssettm $0x7FFFFFFF  }
0xc3: {  	_ =	shalt  }
tec
execute0_lowered:
.L_overlay_start_1:
0x0: {  	(tag) =	ssettag $0x1  }
0x1: {  	s0 =	rddreg [dreg:$0x0]  }
0x2: {  	s1 =	rddreg [dreg:$0x1]  }
0x3: {  	s3 =	simm.s32 $0x0;
	s2 =	srdreg.scid;
	s10 =	stileid.u32  }
0x4: {  	s30 =	simm.s32 $0x9;
	[smem:$0x7FF] =	sst s3;
	s7 =	smul.u32 $0x14000, s10  }
0x5: {  	s2 =	sand.u32 $0x1, s2;
	s8 =	sshll.u32 s10, $0x1;
	s10 =	smul.u32 $0x50000, s10  }
0x6: {  	s6 =	smul.u32 $0x140000, s2;
	s8 =	sor.u32 s2, s8;
	s2 =	ssub.s32 $0x2, s2  }
0x7: {  	s4 =	sadd.s32 $0x17C00, s0;
	s24 =	sshrl.u32 s2, $0x1;
	s10 =	sshrl.u32 s10, $0x2  }
0x8: {  	s5 =	sadd.s32 $0xDE00, s0;
	s2 =	ssub.s32 s2, s24;
	s29 =	sadd.s32 s10, s1  }
0x9: {  	_ =	strace $0x80000047;
	s13 =	smax.u32 s2, $0x1;
	[dreg:$0x9] =	wrdreg s29  }
0xa: {  	s9 =	sadd.s32 s7, s6;
	s14 =	sadd.s32 $0x1400, s29;
	[dreg:$0xb] =	wrdreg s13  }
0xb: {  	s6 =	smul.u32 $0x2710, s8;
	s15 =	sadd.s32 $0x2800, s29;
	[dreg:$0xc] =	wrdreg s14  }
0xc: {  	s7 =	sadd.s32 $0x4000, s0;
	s16 =	sadd.s32 $0x3C00, s29;
	[dreg:$0xd] =	wrdreg s15  }
0xd: {  	s10 =	simm.s32 $0x15680;
	s17 =	sadd.s32 $0x5000, s29;
	[dreg:$0xe] =	wrdreg s16  }
0xe: {  	s23 =	sshrl.u32 s9, $0x3;
	s18 =	sadd.s32 $0x6400, s29;
	[dreg:$0xf] =	wrdreg s17  }
0xf: {  	s19 =	sadd.s32 $0x7800, s29;
	s20 =	sadd.s32 $0x8C00, s29;
	[dreg:$0x10] =	wrdreg s18  }
0x10: {  	s21 =	sadd.s32 $0xA000, s29;
	s22 =	sadd.s32 $0xB400, s29;
	[dreg:$0x11] =	wrdreg s19  }
0x11: {  	s24 =	sadd.s32 $0xDC00, s29;
	s2 =	simm.s32 $0x15400;
	[dreg:$0x12] =	wrdreg s20  }
0x12: {  	s0 =	sadd.s32 s23, s0;
	s25 =	sshrl.u32 s6, $0x3;
	[dreg:$0x13] =	wrdreg s21  }
0x13: {  	s11 =	sadd.s32 $0x140, s6;
	s12 =	sadd.s32 $0x190, s6;
	[dreg:$0x14] =	wrdreg s22  }
0x14: {  	s23 =	sadd.s32 $0xC800, s29;
	[dreg:$0x16] =	wrdreg s24;
	s13 =	simm.s32 $0x15700  }
0x15: {  	s14 =	simm.s32 $0x1;
	s15 =	simm.s32 $0x50;
	s16 =	simm.s32 $0x15800  }
0x16: {  	s17 =	simm.s32 $0x5;
	s18 =	simm.s32 $0x15580;
	[dreg:$0x3] =	wrdreg s11  }
0x17: {  	s19 =	simm.s32 $0x15780;
	s20 =	simm.s32 $0x2;
	[dreg:$0x4] =	wrdreg s12  }
0x18: {  	s21 =	simm.s32 $0x18000;
	s26 =	sadd.s32 s5, s25;
	[dreg:$0x15] =	wrdreg s23  }
0x19: {  	s22 =	simm.s32 $0x6;
	s8 =	sadd.s32 s7, s25;
	[dreg:$0x5] =	wrdreg s26  }
0x1a: {  	s24 =	simm.s32 $0x3;
	s0 =	sadd.s32 $0x3FC00, s0;
	[dreg:$0x6] =	wrdreg s8  }
0x1b: {  	s28 =	sadd.s32 $0xA, s25;
	s25 =	sadd.s32 $0xF000, s29;
	[dreg:$0xa] =	wrdreg s0  }
0x1c: {  	s11 =	simm.s32 $0x15500;
	s31 =	sadd.s32 s5, s28;
	[dreg:$0x17] =	wrdreg s25  }
0x1d: {  	s23 =	simm.s32 $0x7;
	s9 =	sadd.s32 s7, s28;
	[dreg:$0x7] =	wrdreg s31  }
0x1e: {  	s12 =	simm.s32 $0x0;
	s26 =	sadd.s32 $0x10400, s29;
	[dreg:$0x8] =	wrdreg s9  }
0x1f: {  	s28 =	sadd.s32 $0x11800, s29;
	s8 =	simm.s32 $0x15600;
	[dreg:$0x18] =	wrdreg s26  }
0x20: {  	s25 =	simm.s32 $0x8;
	[dreg:$0x19] =	wrdreg s28;
	s31 =	sadd.s32 $0x12C00, s29  }
0x21: {  	v0 =	vimm.f32 $0.0e+00;
	s9 =	simm.s32 $0x15480;
	s26 =	simm.s32 $0x4;
	[dreg:$0x1a] =	wrdreg s31  }
.LBB2_1:
0x22: {  	[dreg:$0x1b] =	wrdreg s12;
	s12 =	simm.s32 $0x70;
	s28 =	simm.s32 $0x3C0  }
.LBB2_2:
0x23: {  	p0 =	sne.s32 s28, $0x4FC0;
	[tilespmem:s12+$0x14000] =	vst v0  }
0x24: {  	[tilespmem:s12+$0x13F90] =	vst v0  }
0x25: {  	[tilespmem:s12+$0x13FA0] =	vst v0  }
.Ltmp0:
0x26: {  	[tilespmem:s12+$0x13FB0] =	vst v0;
	(pc) =	sbr.rel @p0 .LBB2_2-.Ltmp0, $4  }
0x27: {  	[tilespmem:s12+$0x13FC0] =	vst v0  }
0x28: {  	[tilespmem:s12+$0x13FD0] =	vst v0  }
0x29: {  	[tilespmem:s12+$0x13FE0] =	vst v0  }
0x2a: {  	[tilespmem:s12+$0x13FF0] =	vst v0;
	s12 =	sshra.s32 s28, $0x2;
	s28 =	sadd.s32 $0x200, s28  }
0x2b: {  	[tilespmem:s12+$0x14000] =	vst v0  }
0x2c: {  	[tilespmem:s12+$0x13F90] =	vst v0  }
0x2d: {  	[tilespmem:s12+$0x13FA0] =	vst v0  }
0x2e: {  	[tilespmem:s12+$0x13FB0] =	vst v0  }
0x2f: {  	[tilespmem:s12+$0x13FC0] =	vst v0  }
0x30: {  	[tilespmem:s12+$0x13FD0] =	vst v0  }
0x31: {  	[tilespmem:s12+$0x13FE0] =	vst v0  }
0x32: {  	[tilespmem:s12+$0x13FF0] =	vst v0;
	s12 =	simm.s32 $0x14000  }
0x33: {  	[spmem:s29] =	stream.linear.scatter [tilespmem:s12], [sflag:$0x9], $0x1400, $0x38;
	[tilespmem:$0x1A800] =	vst v63  }
0x34: {  	_ =	swait.ge [sflag:s30], $0x1400  }
0x35: {  	[sflag:s30] =	ssyncset.done $0x0  }
0x36: {  	s0 =	rddreg [dreg:$0xc];
	[sflag:s30] =	ssyncadd.s32 $0xFFFFEC00  }
0x37: {  	[spmem:s0] =	stream.linear.scatter [tilespmem:s12], [sflag:$0x9], $0x1400, $0x38;
	[tilespmem:$0x1A800] =	vst v63  }
0x38: {  	_ =	swait.ge [sflag:s30], $0x1400  }
0x39: {  	[sflag:s30] =	ssyncset.done $0x0  }
0x3a: {  	s0 =	rddreg [dreg:$0xd];
	[sflag:s30] =	ssyncadd.s32 $0xFFFFEC00  }
0x3b: {  	[spmem:s0] =	stream.linear.scatter [tilespmem:s12], [sflag:$0x9], $0x1400, $0x38;
	[tilespmem:$0x1A800] =	vst v63  }
0x3c: {  	_ =	swait.ge [sflag:s30], $0x1400  }
0x3d: {  	[sflag:s30] =	ssyncset.done $0x0  }
0x3e: {  	s0 =	rddreg [dreg:$0xe];
	[sflag:s30] =	ssyncadd.s32 $0xFFFFEC00  }
0x3f: {  	[spmem:s0] =	stream.linear.scatter [tilespmem:s12], [sflag:$0x9], $0x1400, $0x38;
	[tilespmem:$0x1A800] =	vst v63  }
0x40: {  	_ =	swait.ge [sflag:s30], $0x1400  }
0x41: {  	[sflag:s30] =	ssyncset.done $0x0  }
0x42: {  	s0 =	rddreg [dreg:$0xf];
	[sflag:s30] =	ssyncadd.s32 $0xFFFFEC00  }
0x43: {  	[spmem:s0] =	stream.linear.scatter [tilespmem:s12], [sflag:$0x9], $0x1400, $0x38;
	[tilespmem:$0x1A800] =	vst v63  }
0x44: {  	_ =	swait.ge [sflag:s30], $0x1400  }
0x45: {  	[sflag:s30] =	ssyncset.done $0x0  }
0x46: {  	s0 =	rddreg [dreg:$0x10];
	[sflag:s30] =	ssyncadd.s32 $0xFFFFEC00  }
0x47: {  	[spmem:s0] =	stream.linear.scatter [tilespmem:s12], [sflag:$0x9], $0x1400, $0x38;
	[tilespmem:$0x1A800] =	vst v63  }
0x48: {  	_ =	swait.ge [sflag:s30], $0x1400  }
0x49: {  	[sflag:s30] =	ssyncset.done $0x0  }
0x4a: {  	s0 =	rddreg [dreg:$0x11];
	[sflag:s30] =	ssyncadd.s32 $0xFFFFEC00  }
0x4b: {  	[spmem:s0] =	stream.linear.scatter [tilespmem:s12], [sflag:$0x9], $0x1400, $0x38;
	[tilespmem:$0x1A800] =	vst v63  }
0x4c: {  	_ =	swait.ge [sflag:s30], $0x1400  }
0x4d: {  	[sflag:s30] =	ssyncset.done $0x0  }
0x4e: {  	s0 =	rddreg [dreg:$0x12];
	[sflag:s30] =	ssyncadd.s32 $0xFFFFEC00  }
0x4f: {  	[spmem:s0] =	stream.linear.scatter [tilespmem:s12], [sflag:$0x9], $0x1400, $0x38;
	[tilespmem:$0x1A800] =	vst v63  }
0x50: {  	_ =	swait.ge [sflag:s30], $0x1400  }
0x51: {  	[sflag:s30] =	ssyncset.done $0x0  }
0x52: {  	s0 =	rddreg [dreg:$0x13];
	[sflag:s30] =	ssyncadd.s32 $0xFFFFEC00  }
0x53: {  	[spmem:s0] =	stream.linear.scatter [tilespmem:s12], [sflag:$0x9], $0x1400, $0x38;
	[tilespmem:$0x1A800] =	vst v63  }
0x54: {  	_ =	swait.ge [sflag:s30], $0x1400  }
0x55: {  	[sflag:s30] =	ssyncset.done $0x0  }
0x56: {  	s0 =	rddreg [dreg:$0x14];
	[sflag:s30] =	ssyncadd.s32 $0xFFFFEC00  }
0x57: {  	[spmem:s0] =	stream.linear.scatter [tilespmem:s12], [sflag:$0x9], $0x1400, $0x38;
	[tilespmem:$0x1A800] =	vst v63  }
0x58: {  	_ =	swait.ge [sflag:s30], $0x1400  }
0x59: {  	[sflag:s30] =	ssyncset.done $0x0  }
0x5a: {  	s0 =	rddreg [dreg:$0x15];
	[sflag:s30] =	ssyncadd.s32 $0xFFFFEC00  }
0x5b: {  	[spmem:s0] =	stream.linear.scatter [tilespmem:s12], [sflag:$0x9], $0x1400, $0x38;
	[tilespmem:$0x1A800] =	vst v63  }
0x5c: {  	_ =	swait.ge [sflag:s30], $0x1400  }
0x5d: {  	[sflag:s30] =	ssyncset.done $0x0  }
0x5e: {  	s0 =	rddreg [dreg:$0x16];
	[sflag:s30] =	ssyncadd.s32 $0xFFFFEC00  }
0x5f: {  	[spmem:s0] =	stream.linear.scatter [tilespmem:s12], [sflag:$0x9], $0x1400, $0x38;
	[tilespmem:$0x1A800] =	vst v63  }
0x60: {  	_ =	swait.ge [sflag:s30], $0x1400  }
0x61: {  	[sflag:s30] =	ssyncset.done $0x0  }
0x62: {  	s0 =	rddreg [dreg:$0x17];
	[sflag:s30] =	ssyncadd.s32 $0xFFFFEC00  }
0x63: {  	[spmem:s0] =	stream.linear.scatter [tilespmem:s12], [sflag:$0x9], $0x1400, $0x38;
	[tilespmem:$0x1A800] =	vst v63  }
0x64: {  	_ =	swait.ge [sflag:s30], $0x1400  }
0x65: {  	[sflag:s30] =	ssyncset.done $0x0  }
0x66: {  	s0 =	rddreg [dreg:$0x18];
	[sflag:s30] =	ssyncadd.s32 $0xFFFFEC00  }
0x67: {  	[spmem:s0] =	stream.linear.scatter [tilespmem:s12], [sflag:$0x9], $0x1400, $0x38;
	[tilespmem:$0x1A800] =	vst v63  }
0x68: {  	_ =	swait.ge [sflag:s30], $0x1400  }
0x69: {  	[sflag:s30] =	ssyncset.done $0x0  }
0x6a: {  	s0 =	rddreg [dreg:$0x19];
	[sflag:s30] =	ssyncadd.s32 $0xFFFFEC00  }
0x6b: {  	[spmem:s0] =	stream.linear.scatter [tilespmem:s12], [sflag:$0x9], $0x1400, $0x38;
	[tilespmem:$0x1A800] =	vst v63  }
0x6c: {  	_ =	swait.ge [sflag:s30], $0x1400  }
0x6d: {  	[sflag:s30] =	ssyncset.done $0x0  }
0x6e: {  	s0 =	rddreg [dreg:$0x1a];
	[sflag:s30] =	ssyncadd.s32 $0xFFFFEC00  }
0x6f: {  	[spmem:s0] =	stream.linear.scatter [tilespmem:s12], [sflag:$0x9], $0x1400, $0x38;
	[tilespmem:$0x1A800] =	vst v63  }
0x70: {  	_ =	swait.ge [sflag:s30], $0x1400  }
0x71: {  	[sflag:s30] =	ssyncset.done $0x0  }
0x72: {  	[sflag:s30] =	ssyncadd.s32 $0xFFFFEC00  }
0x73: {  	[bflag:$0x0] =	sbarrier.arrive $0xFFFF  }
0x74: {  	s12 =	simm.s32 $0x0;
	s0 =	rddreg [dreg:$0x5]  }
0x75: {  	[tilespmem:s2], [sflag:$0x1] =	stream.linear.gather [hbm4b:s0+s12], $0x50, $0x38;
	[tilespmem:$0x1A800] =	vst v63  }
0x76: {  	p0 =	por $0x1, $0x1;
	s0 =	rddreg [dreg:$0x6]  }
0x77: {  	[tilespmem:s8], [sflag:$0x1] =	stream.linear.gather [hbm4b:s0+s12], $0x50, $0x38;
	[tilespmem:$0x1A800] =	vst v63  }
0x78: {  	s28 =	simm.s32 @!p0 $0xA0;
	s0 =	rddreg [dreg:$0x7]  }
0x79: {  	[tilespmem:s9], [sflag:$0x2] =	stream.linear.gather [hbm4b:s0+s12], $0x50, $0x38;
	[tilespmem:$0x1A800] =	vst v63  }
0x7a: {  	s29 =	simm.s32 @!p0 $0x7;
	s28 =	simm.s32 @p0 $0xA0;
	s0 =	rddreg [dreg:$0x8]  }
0x7b: {  	[tilespmem:s10], [sflag:$0x2] =	stream.linear.gather [hbm4b:s0+s12], $0x50, $0x38;
	[tilespmem:$0x1A800] =	vst v63  }
0x7c: {  	s28 =	sadd.s32 s6, s28;
	_ =	swait.ge @!p0 [sflag:s29], $0x2800  }
0x7d: {  	s28 =	sshrl.u32 s28, $0x3;
	[sflag:s29] =	ssyncset.done @!p0 $0x0  }
0x7e: {  	[sflag:s29] =	ssyncadd.s32 @!p0 $0xFFFFD800;
	s29 =	sadd.s32 s5, s28  }
0x7f: {  	[tilespmem:s11], [sflag:$0x3] =	stream.linear.gather [hbm4b:s29+s3], $0x50, $0x38;
	[tilespmem:$0x1A800] =	vst v63  }
0x80: {  	s28 =	sadd.s32 s7, s28  }
0x81: {  	[tilespmem:s13], [sflag:$0x3] =	stream.linear.gather [hbm4b:s28+s3], $0x50, $0x38;
	[tilespmem:$0x1A800] =	vst v63  }
0x82: {  	_ =	swait.ge [sflag:s14], $0x50  }
0x83: {  	[sflag:s14] =	ssyncset.done $0x0  }
0x84: {  	[sflag:s14] =	ssyncadd.s32 $0xFFFFFFB0  }
0x85: {  	_ =	swait.ge [sflag:s14], $0x50  }
0x86: {  	[sflag:s14] =	ssyncset.done $0x0  }
0x87: {  	[sflag:s14] =	ssyncadd.s32 $0xFFFFFFB0  }
0x88: {  	[tilespmem:s16], [sflag:$0x5] =	stream.indirect.gather [hbm4b:s4+s15], $0x80, s2, s15, $0xb8;
	[tilespmem:$0x1A800] =	vst v63  }
0x89: {  	_ =	swait.ge [sflag:s17], $0x2800  }
0x8a: {  	s28 =	simm.s32 @!p0 $0xF0;
	[sflag:s17] =	ssyncset.done $0x0  }
0x8b: {  	s29 =	simm.s32 @!p0 $0x8;
	s28 =	simm.s32 @p0 $0xF0;
	[sflag:s17] =	ssyncadd.s32 $0xFFFFD800  }
0x8c: {  	[spmem:s1] =	stream.indirect.scatter.add.f32 [tilespmem:s16], [sflag:$0x7], $0x80, s8, s15, $0xb8;
	[tilespmem:$0x1A800] =	vst v63  }
0x8d: {  	s28 =	sadd.s32 s6, s28;
	_ =	swait.ge @!p0 [sflag:s29], $0x2800  }
0x8e: {  	s28 =	sshrl.u32 s28, $0x3;
	[sflag:s29] =	ssyncset.done @!p0 $0x0  }
0x8f: {  	[sflag:s29] =	ssyncadd.s32 @!p0 $0xFFFFD800;
	s29 =	sadd.s32 s5, s28  }
0x90: {  	[tilespmem:s18], [sflag:$0x4] =	stream.linear.gather [hbm4b:s29+s3], $0x50, $0x38;
	[tilespmem:$0x1A800] =	vst v63  }
0x91: {  	s28 =	sadd.s32 s7, s28  }
0x92: {  	[tilespmem:s19], [sflag:$0x4] =	stream.linear.gather [hbm4b:s28+s3], $0x50, $0x38;
	[tilespmem:$0x1A800] =	vst v63  }
0x93: {  	_ =	swait.ge [sflag:s20], $0x50  }
0x94: {  	[sflag:s20] =	ssyncset.done $0x0  }
0x95: {  	[sflag:s20] =	ssyncadd.s32 $0xFFFFFFB0  }
0x96: {  	_ =	swait.ge [sflag:s20], $0x50  }
0x97: {  	[sflag:s20] =	ssyncset.done $0x0  }
0x98: {  	[sflag:s20] =	ssyncadd.s32 $0xFFFFFFB0  }
0x99: {  	[tilespmem:s21], [sflag:$0x6] =	stream.indirect.gather [hbm4b:s4+s15], $0x80, s9, s15, $0xb8;
	[tilespmem:$0x1A800] =	vst v63  }
0x9a: {  	_ =	swait.ge [sflag:s22], $0x2800  }
0x9b: {  	[sflag:s22] =	ssyncset.done $0x0  }
0x9c: {  	[sflag:s22] =	ssyncadd.s32 $0xFFFFD800  }
0x9d: {  	[spmem:s1] =	stream.indirect.scatter.add.f32 [tilespmem:s21], [sflag:$0x8], $0x80, s10, s15, $0xb8;
	[tilespmem:$0x1A800] =	vst v63  }
0x9e: {  	_ =	swait.ge [sflag:s23], $0x2800  }
0x9f: {  	s12 =	simm.s32 @p0 $0x0;
	s28 =	rddreg [dreg:$0x3]  }
0xa0: {  	s28 =	sadd.s32 s12, s28  }
0xa1: {  	[sflag:s23] =	ssyncset.done $0x0;
	s28 =	sshrl.u32 s28, $0x3  }
0xa2: {  	[sflag:s23] =	ssyncadd.s32 $0xFFFFD800;
	s29 =	sadd.s32 s5, s28  }
0xa3: {  	[tilespmem:s2], [sflag:$0x1] =	stream.linear.gather [hbm4b:s29+s3], $0x50, $0x38;
	[tilespmem:$0x1A800] =	vst v63  }
0xa4: {  	s28 =	sadd.s32 s7, s28  }
0xa5: {  	[tilespmem:s8], [sflag:$0x1] =	stream.linear.gather [hbm4b:s28+s3], $0x50, $0x38;
	[tilespmem:$0x1A800] =	vst v63  }
0xa6: {  	_ =	swait.ge [sflag:s24], $0x50  }
0xa7: {  	[sflag:s24] =	ssyncset.done $0x0  }
0xa8: {  	[sflag:s24] =	ssyncadd.s32 $0xFFFFFFB0  }
0xa9: {  	_ =	swait.ge [sflag:s24], $0x50  }
0xaa: {  	[sflag:s24] =	ssyncset.done $0x0  }
0xab: {  	[sflag:s24] =	ssyncadd.s32 $0xFFFFFFB0  }
0xac: {  	[tilespmem:s16], [sflag:$0x5] =	stream.indirect.gather [hbm4b:s4+s15], $0x80, s11, s15, $0xb8;
	[tilespmem:$0x1A800] =	vst v63  }
0xad: {  	_ =	swait.ge [sflag:s17], $0x2800  }
0xae: {  	[sflag:s17] =	ssyncset.done $0x0  }
0xaf: {  	[sflag:s17] =	ssyncadd.s32 $0xFFFFD800  }
0xb0: {  	[spmem:s1] =	stream.indirect.scatter.add.f32 [tilespmem:s16], [sflag:$0x7], $0x80, s13, s15, $0xb8;
	[tilespmem:$0x1A800] =	vst v63  }
0xb1: {  	_ =	swait.ge [sflag:s25], $0x2800  }
0xb2: {  	p0 =	por $0x0, $0x0;
	s28 =	rddreg [dreg:$0x4]  }
0xb3: {  	s12 =	sadd.s32 @!p0 s12, s28  }
0xb4: {  	s30 =	simm.s32 @!p0 $0x0;
	[sflag:s25] =	ssyncset.done $0x0;
	s12 =	sshrl.u32 @!p0 s12, $0x3  }
0xb5: {  	s28 =	simm.s32 @!p0 $0x15480;
	[sflag:s25] =	ssyncadd.s32 $0xFFFFD800;
	s29 =	sadd.s32 @!p0 s5, s12  }
0xb6: {  	[tilespmem:s28], [sflag:$0x2] =	stream.linear.gather @!p0 [hbm4b:s29+s30], $0x50, $0x38;
	[tilespmem:$0x1A800] =	vst v63  }
0xb7: {  	s12 =	sadd.s32 @!p0 s7, s12;
	s28 =	simm.s32 @!p0 $0x15680  }
0xb8: {  	[tilespmem:s28], [sflag:$0x2] =	stream.linear.gather @!p0 [hbm4b:s12+s30], $0x50, $0x38;
	[tilespmem:$0x1A800] =	vst v63  }
0xb9: {  	_ =	swait.ge [sflag:s26], $0x50  }
0xba: {  	[sflag:s26] =	ssyncset.done $0x0  }
0xbb: {  	[sflag:s26] =	ssyncadd.s32 $0xFFFFFFB0  }
0xbc: {  	p1 =	por $0x0, $0x0;
	_ =	swait.ge [sflag:s26], $0x50  }
0xbd: {  	s31 =	simm.s32 @!p1 $0x1E0;
	s29 =	simm.s32 $0x140;
	[sflag:s26] =	ssyncset.done $0x0  }
0xbe: {  	s30 =	simm.s32 $0x280;
	s28 =	simm.s32 @!p1 $0x230;
	[sflag:s26] =	ssyncadd.s32 $0xFFFFFFB0  }
.LBB2_4:
0xbf: {  	[tilespmem:s21], [sflag:$0x6] =	stream.indirect.gather [hbm4b:s4+s15], $0x80, s18, s15, $0xb8;
	[tilespmem:$0x1A800] =	vst v63  }
0xc0: {  	_ =	swait.ge [sflag:s22], $0x2800  }
0xc1: {  	[sflag:s22] =	ssyncset.done $0x0  }
0xc2: {  	s31 =	simm.s32 @p1 $0xA0;
	s0 =	simm.s32 @!p1 $0x7;
	[sflag:s22] =	ssyncadd.s32 $0xFFFFD800  }
0xc3: {  	[spmem:s1] =	stream.indirect.scatter.add.f32 [tilespmem:s21], [sflag:$0x8], $0x80, s19, s15, $0xb8;
	[tilespmem:$0x1A800] =	vst v63  }
0xc4: {  	s31 =	sadd.s32 s6, s31;
	_ =	swait.ge @!p1 [sflag:s0], $0x2800  }
0xc5: {  	s31 =	sshrl.u32 s31, $0x3;
	[sflag:s0] =	ssyncset.done @!p1 $0x0  }
0xc6: {  	[sflag:s0] =	ssyncadd.s32 @!p1 $0xFFFFD800;
	s0 =	sadd.s32 s5, s31  }
0xc7: {  	[tilespmem:s11], [sflag:$0x3] =	stream.linear.gather [hbm4b:s0+s3], $0x50, $0x38;
	[tilespmem:$0x1A800] =	vst v63  }
0xc8: {  	s0 =	sadd.s32 s7, s31  }
0xc9: {  	[tilespmem:s13], [sflag:$0x3] =	stream.linear.gather [hbm4b:s0+s3], $0x50, $0x38;
	[tilespmem:$0x1A800] =	vst v63  }
0xca: {  	_ =	swait.ge [sflag:s14], $0x50  }
0xcb: {  	[sflag:s14] =	ssyncset.done $0x0  }
0xcc: {  	[sflag:s14] =	ssyncadd.s32 $0xFFFFFFB0  }
0xcd: {  	_ =	swait.ge [sflag:s14], $0x50  }
0xce: {  	[sflag:s14] =	ssyncset.done $0x0  }
0xcf: {  	[sflag:s14] =	ssyncadd.s32 $0xFFFFFFB0  }
0xd0: {  	[tilespmem:s16], [sflag:$0x5] =	stream.indirect.gather [hbm4b:s4+s15], $0x80, s2, s15, $0xb8;
	[tilespmem:$0x1A800] =	vst v63  }
0xd1: {  	_ =	swait.ge [sflag:s17], $0x2800  }
0xd2: {  	[sflag:s17] =	ssyncset.done $0x0  }
0xd3: {  	s28 =	simm.s32 @p1 $0xF0;
	s0 =	simm.s32 @!p1 $0x8;
	[sflag:s17] =	ssyncadd.s32 $0xFFFFD800  }
0xd4: {  	[spmem:s1] =	stream.indirect.scatter.add.f32 [tilespmem:s16], [sflag:$0x7], $0x80, s8, s15, $0xb8;
	[tilespmem:$0x1A800] =	vst v63  }
0xd5: {  	s28 =	sadd.s32 s6, s28;
	_ =	swait.ge @!p1 [sflag:s0], $0x2800  }
0xd6: {  	s28 =	sshrl.u32 s28, $0x3;
	[sflag:s0] =	ssyncset.done @!p1 $0x0  }
0xd7: {  	[sflag:s0] =	ssyncadd.s32 @!p1 $0xFFFFD800;
	s0 =	sadd.s32 s5, s28  }
0xd8: {  	[tilespmem:s18], [sflag:$0x4] =	stream.linear.gather [hbm4b:s0+s3], $0x50, $0x38;
	[tilespmem:$0x1A800] =	vst v63  }
0xd9: {  	s0 =	sadd.s32 s7, s28  }
0xda: {  	[tilespmem:s19], [sflag:$0x4] =	stream.linear.gather [hbm4b:s0+s3], $0x50, $0x38;
	[tilespmem:$0x1A800] =	vst v63  }
0xdb: {  	_ =	swait.ge [sflag:s20], $0x50  }
0xdc: {  	[sflag:s20] =	ssyncset.done $0x0  }
0xdd: {  	[sflag:s20] =	ssyncadd.s32 $0xFFFFFFB0  }
0xde: {  	_ =	swait.ge [sflag:s20], $0x50  }
0xdf: {  	[sflag:s20] =	ssyncset.done $0x0  }
0xe0: {  	[sflag:s20] =	ssyncadd.s32 $0xFFFFFFB0  }
0xe1: {  	[tilespmem:s21], [sflag:$0x6] =	stream.indirect.gather [hbm4b:s4+s15], $0x80, s9, s15, $0xb8;
	[tilespmem:$0x1A800] =	vst v63  }
0xe2: {  	_ =	swait.ge [sflag:s22], $0x2800  }
0xe3: {  	[sflag:s22] =	ssyncset.done $0x0  }
0xe4: {  	[sflag:s22] =	ssyncadd.s32 $0xFFFFD800  }
0xe5: {  	[spmem:s1] =	stream.indirect.scatter.add.f32 [tilespmem:s21], [sflag:$0x8], $0x80, s10, s15, $0xb8;
	[tilespmem:$0x1A800] =	vst v63  }
0xe6: {  	s28 =	smov.u32 s29;
	_ =	swait.ge [sflag:s23], $0x2800  }
0xe7: {  	s28 =	simm.s32 @p1 $0x0;
	s0 =	rddreg [dreg:$0x3]  }
0xe8: {  	s0 =	sadd.s32 s28, s0  }
0xe9: {  	[sflag:s23] =	ssyncset.done $0x0;
	s0 =	sshrl.u32 s0, $0x3  }
0xea: {  	[sflag:s23] =	ssyncadd.s32 $0xFFFFD800;
	s31 =	sadd.s32 s5, s0  }
0xeb: {  	[tilespmem:s2], [sflag:$0x1] =	stream.linear.gather [hbm4b:s31+s3], $0x50, $0x38;
	[tilespmem:$0x1A800] =	vst v63  }
0xec: {  	s0 =	sadd.s32 s7, s0  }
0xed: {  	[tilespmem:s8], [sflag:$0x1] =	stream.linear.gather [hbm4b:s0+s3], $0x50, $0x38;
	[tilespmem:$0x1A800] =	vst v63  }
0xee: {  	_ =	swait.ge [sflag:s24], $0x50  }
0xef: {  	[sflag:s24] =	ssyncset.done $0x0  }
0xf0: {  	[sflag:s24] =	ssyncadd.s32 $0xFFFFFFB0  }
0xf1: {  	_ =	swait.ge [sflag:s24], $0x50  }
0xf2: {  	[sflag:s24] =	ssyncset.done $0x0  }
0xf3: {  	[sflag:s24] =	ssyncadd.s32 $0xFFFFFFB0  }
0xf4: {  	[tilespmem:s16], [sflag:$0x5] =	stream.indirect.gather [hbm4b:s4+s15], $0x80, s11, s15, $0xb8;
	[tilespmem:$0x1A800] =	vst v63  }
0xf5: {  	_ =	swait.ge [sflag:s17], $0x2800  }
0xf6: {  	[sflag:s17] =	ssyncset.done $0x0  }
0xf7: {  	[sflag:s17] =	ssyncadd.s32 $0xFFFFD800  }
0xf8: {  	[spmem:s1] =	stream.indirect.scatter.add.f32 [tilespmem:s16], [sflag:$0x7], $0x80, s13, s15, $0xb8;
	[tilespmem:$0x1A800] =	vst v63  }
0xf9: {  	_ =	swait.ge [sflag:s25], $0x2800  }
0xfa: {  	s12 =	smov.u32 s30;
	p1 =	seq.s32 s29, $0x2580;
	s0 =	rddreg [dreg:$0x4]  }
0xfb: {  	s29 =	smov.u32 s12;
	s0 =	sadd.s32 @!p1 s28, s0  }
0xfc: {  	s12 =	simm.s32 @!p1 $0x15480;
	[sflag:s25] =	ssyncset.done $0x0;
	s0 =	sshrl.u32 @!p1 s0, $0x3  }
0xfd: {  	s31 =	simm.s32 @!p1 $0x0;
	[sflag:s25] =	ssyncadd.s32 $0xFFFFD800;
	s28 =	sadd.s32 @!p1 s5, s0  }
0xfe: {  	[tilespmem:s12], [sflag:$0x2] =	stream.linear.gather @!p1 [hbm4b:s28+s31], $0x50, $0x38;
	[tilespmem:$0x1A800] =	vst v63  }
0xff: {  	s30 =	sadd.s32 $0x140, s30;
	s0 =	sadd.s32 @!p1 s7, s0;
	s12 =	simm.s32 @!p1 $0x15680  }
0x100: {  	[tilespmem:s12], [sflag:$0x2] =	stream.linear.gather @!p1 [hbm4b:s0+s31], $0x50, $0x38;
	[tilespmem:$0x1A800] =	vst v63  }
0x101: {  	p0 =	sne.s32 s30, $0x26C0;
	_ =	swait.ge [sflag:s26], $0x50  }
.Ltmp1:
0x102: {  	[sflag:s26] =	ssyncset.done $0x0;
	(pc) =	sbr.rel @p0 .LBB2_4-.Ltmp1, $4  }
0x103: {  	[sflag:s26] =	ssyncadd.s32 $0xFFFFFFB0  }
0x104: {  	_ =	swait.ge [sflag:s26], $0x50  }
0x105: {  	p1 =	seq.s32 s29, $0x0;
	[sflag:s26] =	ssyncset.done $0x0  }
0x106: {  	s31 =	sadd.s32 @!p1 $0xA0, s29;
	s28 =	sadd.s32 @!p1 $0xF0, s29;
	[sflag:s26] =	ssyncadd.s32 $0xFFFFFFB0  }
0x107: {  	[tilespmem:s21], [sflag:$0x6] =	stream.indirect.gather [hbm4b:s4+s15], $0x80, s18, s15, $0xb8;
	[tilespmem:$0x1A800] =	vst v63  }
0x108: {  	_ =	swait.ge [sflag:s22], $0x2800  }
0x109: {  	[sflag:s22] =	ssyncset.done $0x0  }
0x10a: {  	s31 =	simm.s32 @p1 $0xA0;
	s0 =	simm.s32 @!p1 $0x7;
	[sflag:s22] =	ssyncadd.s32 $0xFFFFD800  }
0x10b: {  	[spmem:s1] =	stream.indirect.scatter.add.f32 [tilespmem:s21], [sflag:$0x8], $0x80, s19, s15, $0xb8;
	[tilespmem:$0x1A800] =	vst v63  }
0x10c: {  	s12 =	sadd.s32 s6, s31;
	_ =	swait.ge @!p1 [sflag:s0], $0x2800  }
0x10d: {  	s12 =	sshrl.u32 s12, $0x3;
	[sflag:s0] =	ssyncset.done @!p1 $0x0  }
0x10e: {  	s31 =	sadd.s32 s5, s12;
	[sflag:s0] =	ssyncadd.s32 @!p1 $0xFFFFD800  }
0x10f: {  	[tilespmem:s11], [sflag:$0x3] =	stream.linear.gather [hbm4b:s31+s3], $0x50, $0x38;
	[tilespmem:$0x1A800] =	vst v63  }
0x110: {  	s12 =	sadd.s32 s7, s12  }
0x111: {  	[tilespmem:s13], [sflag:$0x3] =	stream.linear.gather [hbm4b:s12+s3], $0x50, $0x38;
	[tilespmem:$0x1A800] =	vst v63  }
0x112: {  	_ =	swait.ge [sflag:s14], $0x50  }
0x113: {  	[sflag:s14] =	ssyncset.done $0x0  }
0x114: {  	[sflag:s14] =	ssyncadd.s32 $0xFFFFFFB0  }
0x115: {  	_ =	swait.ge [sflag:s14], $0x50  }
0x116: {  	[sflag:s14] =	ssyncset.done $0x0  }
0x117: {  	[sflag:s14] =	ssyncadd.s32 $0xFFFFFFB0  }
0x118: {  	[tilespmem:s16], [sflag:$0x5] =	stream.indirect.gather [hbm4b:s4+s15], $0x80, s2, s15, $0xb8;
	[tilespmem:$0x1A800] =	vst v63  }
0x119: {  	_ =	swait.ge [sflag:s17], $0x2800  }
0x11a: {  	[sflag:s17] =	ssyncset.done $0x0  }
0x11b: {  	s28 =	simm.s32 @p1 $0xF0;
	s0 =	simm.s32 @!p1 $0x8;
	[sflag:s17] =	ssyncadd.s32 $0xFFFFD800  }
0x11c: {  	[spmem:s1] =	stream.indirect.scatter.add.f32 [tilespmem:s16], [sflag:$0x7], $0x80, s8, s15, $0xb8;
	[tilespmem:$0x1A800] =	vst v63  }
0x11d: {  	s28 =	sadd.s32 s6, s28;
	_ =	swait.ge @!p1 [sflag:s0], $0x2800  }
0x11e: {  	s12 =	sshrl.u32 s28, $0x3;
	[sflag:s0] =	ssyncset.done @!p1 $0x0  }
0x11f: {  	s31 =	sadd.s32 s5, s12;
	[sflag:s0] =	ssyncadd.s32 @!p1 $0xFFFFD800  }
0x120: {  	[tilespmem:s18], [sflag:$0x4] =	stream.linear.gather [hbm4b:s31+s3], $0x50, $0x38;
	[tilespmem:$0x1A800] =	vst v63  }
0x121: {  	s12 =	sadd.s32 s7, s12  }
0x122: {  	[tilespmem:s19], [sflag:$0x4] =	stream.linear.gather [hbm4b:s12+s3], $0x50, $0x38;
	[tilespmem:$0x1A800] =	vst v63  }
0x123: {  	_ =	swait.ge [sflag:s20], $0x50  }
0x124: {  	[sflag:s20] =	ssyncset.done $0x0  }
0x125: {  	[sflag:s20] =	ssyncadd.s32 $0xFFFFFFB0  }
0x126: {  	_ =	swait.ge [sflag:s20], $0x50  }
0x127: {  	[sflag:s20] =	ssyncset.done $0x0  }
0x128: {  	[sflag:s20] =	ssyncadd.s32 $0xFFFFFFB0  }
0x129: {  	[tilespmem:s21], [sflag:$0x6] =	stream.indirect.gather [hbm4b:s4+s15], $0x80, s9, s15, $0xb8;
	[tilespmem:$0x1A800] =	vst v63  }
0x12a: {  	_ =	swait.ge [sflag:s22], $0x2800  }
0x12b: {  	[sflag:s22] =	ssyncset.done $0x0  }
0x12c: {  	[sflag:s22] =	ssyncadd.s32 $0xFFFFD800  }
0x12d: {  	[spmem:s1] =	stream.indirect.scatter.add.f32 [tilespmem:s21], [sflag:$0x8], $0x80, s10, s15, $0xb8;
	[tilespmem:$0x1A800] =	vst v63  }
0x12e: {  	s12 =	smov.u32 s29;
	_ =	swait.ge [sflag:s23], $0x2800  }
0x12f: {  	s12 =	simm.s32 @p1 $0x0;
	s28 =	rddreg [dreg:$0x3]  }
0x130: {  	s0 =	sadd.s32 s12, s28  }
0x131: {  	[sflag:s23] =	ssyncset.done $0x0;
	s0 =	sshrl.u32 s0, $0x3  }
0x132: {  	[sflag:s23] =	ssyncadd.s32 $0xFFFFD800;
	s31 =	sadd.s32 s5, s0  }
0x133: {  	[tilespmem:s2], [sflag:$0x1] =	stream.linear.gather [hbm4b:s31+s3], $0x50, $0x38;
	[tilespmem:$0x1A800] =	vst v63  }
0x134: {  	s0 =	sadd.s32 s7, s0  }
0x135: {  	[tilespmem:s8], [sflag:$0x1] =	stream.linear.gather [hbm4b:s0+s3], $0x50, $0x38;
	[tilespmem:$0x1A800] =	vst v63  }
0x136: {  	_ =	swait.ge [sflag:s24], $0x50  }
0x137: {  	[sflag:s24] =	ssyncset.done $0x0  }
0x138: {  	[sflag:s24] =	ssyncadd.s32 $0xFFFFFFB0  }
0x139: {  	_ =	swait.ge [sflag:s24], $0x50  }
0x13a: {  	[sflag:s24] =	ssyncset.done $0x0  }
0x13b: {  	[sflag:s24] =	ssyncadd.s32 $0xFFFFFFB0  }
0x13c: {  	[tilespmem:s16], [sflag:$0x5] =	stream.indirect.gather [hbm4b:s4+s15], $0x80, s11, s15, $0xb8;
	[tilespmem:$0x1A800] =	vst v63  }
0x13d: {  	_ =	swait.ge [sflag:s17], $0x2800  }
0x13e: {  	[sflag:s17] =	ssyncset.done $0x0  }
0x13f: {  	[sflag:s17] =	ssyncadd.s32 $0xFFFFD800  }
0x140: {  	[spmem:s1] =	stream.indirect.scatter.add.f32 [tilespmem:s16], [sflag:$0x7], $0x80, s13, s15, $0xb8;
	[tilespmem:$0x1A800] =	vst v63  }
0x141: {  	_ =	swait.ge [sflag:s25], $0x2800  }
0x142: {  	p0 =	seq.s32 s29, $0x2580;
	s0 =	rddreg [dreg:$0x4]  }
0x143: {  	s0 =	sadd.s32 @!p0 s12, s0  }
0x144: {  	s29 =	simm.s32 @!p0 $0x0;
	[sflag:s25] =	ssyncset.done $0x0;
	s0 =	sshrl.u32 @!p0 s0, $0x3  }
0x145: {  	s12 =	simm.s32 @!p0 $0x15480;
	[sflag:s25] =	ssyncadd.s32 $0xFFFFD800;
	s28 =	sadd.s32 @!p0 s5, s0  }
0x146: {  	[tilespmem:s12], [sflag:$0x2] =	stream.linear.gather @!p0 [hbm4b:s28+s29], $0x50, $0x38;
	[tilespmem:$0x1A800] =	vst v63  }
0x147: {  	s0 =	sadd.s32 @!p0 s7, s0;
	s12 =	simm.s32 @!p0 $0x15680  }
0x148: {  	[tilespmem:s12], [sflag:$0x2] =	stream.linear.gather @!p0 [hbm4b:s0+s29], $0x50, $0x38;
	[tilespmem:$0x1A800] =	vst v63  }
0x149: {  	_ =	swait.ge [sflag:s26], $0x50  }
0x14a: {  	[sflag:s26] =	ssyncset.done $0x0  }
0x14b: {  	[sflag:s26] =	ssyncadd.s32 $0xFFFFFFB0  }
0x14c: {  	_ =	swait.ge [sflag:s26], $0x50  }
0x14d: {  	[sflag:s26] =	ssyncset.done $0x0  }
0x14e: {  	[sflag:s26] =	ssyncadd.s32 $0xFFFFFFB0  }
0x14f: {  	[tilespmem:s21], [sflag:$0x6] =	stream.indirect.gather [hbm4b:s4+s15], $0x80, s18, s15, $0xb8;
	[tilespmem:$0x1A800] =	vst v63  }
0x150: {  	_ =	swait.ge [sflag:s22], $0x2800  }
0x151: {  	[sflag:s22] =	ssyncset.done $0x0  }
0x152: {  	[sflag:s22] =	ssyncadd.s32 $0xFFFFD800  }
0x153: {  	[spmem:s1] =	stream.indirect.scatter.add.f32 [tilespmem:s21], [sflag:$0x8], $0x80, s19, s15, $0xb8;
	[tilespmem:$0x1A800] =	vst v63  }
0x154: {  	_ =	swait.ge [sflag:s23], $0x2800  }
0x155: {  	[sflag:s23] =	ssyncset.done $0x0  }
0x156: {  	[sflag:s23] =	ssyncadd.s32 $0xFFFFD800  }
0x157: {  	_ =	swait.ge [sflag:s14], $0x50  }
0x158: {  	[sflag:s14] =	ssyncset.done $0x0  }
0x159: {  	[sflag:s14] =	ssyncadd.s32 $0xFFFFFFB0  }
0x15a: {  	_ =	swait.ge [sflag:s14], $0x50  }
0x15b: {  	[sflag:s14] =	ssyncset.done $0x0  }
0x15c: {  	[sflag:s14] =	ssyncadd.s32 $0xFFFFFFB0  }
0x15d: {  	[tilespmem:s16], [sflag:$0x5] =	stream.indirect.gather [hbm4b:s4+s15], $0x80, s2, s15, $0xb8;
	[tilespmem:$0x1A800] =	vst v63  }
0x15e: {  	_ =	swait.ge [sflag:s17], $0x2800  }
0x15f: {  	[sflag:s17] =	ssyncset.done $0x0  }
0x160: {  	[sflag:s17] =	ssyncadd.s32 $0xFFFFD800  }
0x161: {  	[spmem:s1] =	stream.indirect.scatter.add.f32 [tilespmem:s16], [sflag:$0x7], $0x80, s8, s15, $0xb8;
	[tilespmem:$0x1A800] =	vst v63  }
0x162: {  	_ =	swait.ge [sflag:s25], $0x2800  }
0x163: {  	[sflag:s25] =	ssyncset.done $0x0  }
0x164: {  	[sflag:s25] =	ssyncadd.s32 $0xFFFFD800  }
0x165: {  	_ =	swait.ge [sflag:s23], $0x2800  }
0x166: {  	[sflag:s23] =	ssyncset.done $0x0  }
0x167: {  	[sflag:s23] =	ssyncadd.s32 $0xFFFFD800  }
0x168: {  	s28 =	stileid.u32;
	[bflag:$0x0] =	sbarrier.arrive $0xFFFF  }
0x169: {  	s30 =	simm.s32 $0x9;
	s0 =	sshll.u32 s28, $0x6;
	s29 =	rddreg [dreg:$0x9]  }
0x16a: {  	s0 =	sor.u32 $0x1C09, s0;
	s31 =	rddreg [dreg:$0xa];
	s12 =	sshrl.u32 s29, $0x3  }
0x16b: {  	[hbm:s31], [sflag:s0] =	dma.local [spmem:s12], $0x2800  }
0x16c: {  	_ =	swait.ge [sflag:s30], $0x2800  }
0x16d: {  	s28 =	rddreg [dreg:$0x1b]  }
0x16e: {  	s31 =	rddreg [dreg:$0xb];
	s12 =	sadd.s32 $0x1, s28  }
0x16f: {  	p0 =	sne.s32 s12, s31  }
.Ltmp2:
0x170: {  	_ = 	snop;
	(pc) =	sbr.rel @p0 .LBB2_1-.Ltmp2, $3  }
0x171: {  	_ =	sdelay $0x1  }
0x172: {  	[sflag:s30] =	ssyncset.done $0x0  }
0x173: {  	[sflag:s30] =	ssyncadd.s32 $0xFFFFD800  }
0x174: {  	_ =	sfence.sel $0x180000  }
0x175: {  	[bflag:$0x0] =	sbarrier.arrive $0xFFFF  }
0x176: {  	_ =	strace $0x90000047  }
0x177: {  	s0 =	stileid.u32;
	[bflag:$0x2] =	sbarrier.arrive $0xFFFF  }
0x178: {  	p0 =	sne.s32 s0, $0x0;
	s0 =	rddreg [dreg:$0x2]  }
0x179: {  	s0 =	sadd.s32 @!p0 $0x100000, s0  }
0x17a: {  	[sflag:s0] =	ssyncadd.tile.s32 @!p0 $0x1;
	_ =	shalt  }
.Lfunc_end2:
_tile_overlayer_lowered:
.L_overlay_start_2:
0x17b: {  	(tag) =	ssettag $0x2  }
0x17c: {  	s0 =	rddreg [dreg:$0x0];
	s2 =	stileid.u32  }
0x17d: {  	s1 =	rddreg [dreg:$0x1];
	p0 =	sne.s32 s2, $0x0  }
0x17e: {  	s3 =	rddreg [dreg:$0x2];
	[bflag:$0x3] =	sbarrier.arrive $0xFFFF;
	s2 =	simm.s32 @!p0 $0x1C09  }
0x17f: {  	[timem:s3], [sflag:s2] =	dma.local @!p0 [hbm:s0], s1  }
0x180: {  	s0 =	simm.s32 @!p0 $0x9  }
0x181: {  	_ =	swait.ge @!p0 [sflag:s0], s1  }
0x182: {  	s1 =	ssub.s32 @!p0 $0x0, s1;
	[sflag:s0] =	ssyncset.done @!p0 $0x0  }
0x183: {  	[sflag:s0] =	ssyncadd.s32 @!p0 s1  }
0x184: {  	[bflag:$0x3] =	sbarrier.arrive $0xFFFF  }
0x185: {  	_ =	shalt  }

// kernel: kernel.18.cloned.1.call-start
scs
__scs_entry_jumppad:
0x0: {  	(pc) =	sbr.rel $0x88, $3  }
0x1: {  	(tag) =	ssettag $0x0;
	lr =	simm.s32 $0x1  }
0x2: {  	[smem:$0x3F8F] =	sst lr;
	_ =	strace $0xD0000000  }
0x3: {  	_ = 	snop  }
0x4: {  	_ = 	snop  }
0x5: {  	_ = 	snop  }
0x6: {  	_ = 	snop  }
0x7: {  	_ = 	snop  }
__scs_overlays_trampoline_lowered:
0x8: {  	[smem:$0x3F9E] =	sst s0  }
0x9: {  	[smem:$0x3F9F] =	sst s1  }
0xa: {  	[smem:$0x3FA0] =	sst s2  }
0xb: {  	[smem:$0x3FA1] =	sst s3  }
0xc: {  	[smem:$0x3FA2] =	sst s4  }
0xd: {  	[smem:$0x3FA3] =	sst s5  }
0xe: {  	[smem:$0x3FA4] =	sst s6  }
0xf: {  	[smem:$0x3FA5] =	sst s7  }
0x10: {  	[smem:$0x3FA6] =	sst s8  }
0x11: {  	[smem:$0x3FA7] =	sst s9;
	s0 =	simm.s32 @!p0 $0x0  }
0x12: {  	s1 =	sld [smem:$0x3F8D];
	s0 =	simm.s32 @p0 $0x1  }
0x13: {  	[smem:$0x3FA8] =	sst s0;
	s0 =	simm.s32 @!p1 $0x0  }
0x14: {  	s2 =	sld [smem:$0x3F8C];
	s0 =	simm.s32 @p1 $0x1  }
0x15: {  	[smem:$0x3FA9] =	sst s0;
	s0 =	simm.s32 @!p2 $0x0  }
0x16: {  	s3 =	sld [smem:$0x3FDB];
	s0 =	simm.s32 @p2 $0x1  }
0x17: {  	s4 =	simm.s32 $0x1BF5;
	[smem:$0x3FAB] =	sst s0  }
0x18: {  	s0 =	sld [smem:$0x3F8E];
	_ =	swait.ge [sflag:s4], $0x0  }
0x19: {  	s7 =	sld [smem:$0x3F8F]  }
0x1a: {  	s8 =	sadd.s32 $0xFFFFE003, lr  }
0x1b: {  	s9 =	sadd.s32 $0xFFFFFEF7, lr;
	s5 =	simm.s32 $0xFFFFFFFF;
	p2 =	slt.u32 s8, $0xFFFFF086  }
0x1c: {  	p1 =	slt.u32 s9, $0xF7A;
	s5 =	simm.s32 @!p2 $0x0  }
0x1d: {  	s5 =	simm.s32 @p1 $0x1;
	p0 =	seq.s32 s7, s2  }
0x1e: {  	s7 =	smul.u32 @!p0 $0xF7A, s2;
	p2 =	seq.s32 @!p0 s5, $0x0  }
0x1f: {  	s9 =	smul.u32 $0xF7A, s1;
	s8 =	simm.s32 @!p0 $0x1BF5;
	p2 =	por !p2, p0  }
0x20: {  	[sflag:s8] =	ssyncset.s32 @!p0 $0xFFFFF086;
	s6 =	sadd.s32 @!p0 s3, s7;
	s7 =	simm.s32 @!p0 $0x108  }
0x21: {  	s3 =	sadd.s32 s3, s9;
	s6 =	sadd.s32 @!p0 $0x88, s6;
	s7 =	simm.s32 @p2 $0x1082  }
0x22: {  	[simem:s7], [sflag:s8] =	dma.local @!p0 [hbm:s6], $0xF7A  }
0x23: {  	s9 =	sor.u32 $0xD0000000, s2;
	s6 =	simm.s32 $0x108;
	_ =	swait.ge @!p0 [sflag:s8], $0x0  }
0x24: {  	s3 =	sadd.s32 $0x88, s3;
	s6 =	simm.s32 @!p1 $0x1082;
	[sflag:s4] =	ssyncset.s32 $0xFFFFF086  }
0x25: {  	[simem:s6], [sflag:s4] =	dma.local [hbm:s3], $0xF7A  }
0x26: {  	[smem:$0x3F8F] =	sst s1;
	(tag) =	ssettag s2;
	_ =	strace s9  }
0x27: {  	s1 =	sld [smem:$0x3F9F]  }
0x28: {  	s2 =	sld [smem:$0x3FA0]  }
0x29: {  	s4 =	sld [smem:$0x3FA2]  }
0x2a: {  	p0 =	seq.s32 s5, $0x0;
	s5 =	sld [smem:$0x3FA3]  }
0x2b: {  	s6 =	sld [smem:$0x3FA4]  }
0x2c: {  	s7 =	sld [smem:$0x3FA5]  }
0x2d: {  	s3 =	simm.s32 $0x108;
	s8 =	sld [smem:$0x3FA6]  }
0x2e: {  	s3 =	simm.s32 @!p0 $0x1082;
	s9 =	sld [smem:$0x3FA7]  }
0x2f: {  	lr =	sadd.s32 s0, s3;
	s0 =	sld [smem:$0x3F9E]  }
0x30: {  	s3 =	sld [smem:$0x3FA1]  }
0x31: {  	[smem:$0x3FAA] =	sst s10  }
0x32: {  	s10 =	sld [smem:$0x3FA8];
	_ =	sdelay $0x3  }
0x33: {  	p0 =	seq.s32 s10, $0x1;
	s10 =	sld [smem:$0x3FAA];
	_ =	sdelay $0x3  }
0x34: {  	[smem:$0x3FAA] =	sst s10  }
0x35: {  	s10 =	sld [smem:$0x3FA9];
	_ =	sdelay $0x3  }
0x36: {  	p1 =	seq.s32 s10, $0x1;
	s10 =	sld [smem:$0x3FAA];
	_ =	sdelay $0x3  }
0x37: {  	[smem:$0x3FAA] =	sst s10  }
0x38: {  	s10 =	sld [smem:$0x3FAB]  }
0x39: {  	_ = 	snop;
	(pc) =	sbr.ind lr, $3  }
0x3a: {  	_ = 	snop  }
0x3b: {  	_ = 	snop  }
0x3c: {  	p2 =	seq.s32 s10, $0x1;
	s10 =	sld [smem:$0x3FAA]  }
0x3d: {  	_ =	shalt  }
0x3e: {  	_ =	shalt  }
0x3f: {  	_ =	shalt  }
0x40: {  	_ =	shalt  }
0x41: {  	_ =	shalt  }
0x42: {  	_ =	shalt  }
0x43: {  	_ =	shalt  }
0x44: {  	_ =	shalt  }
0x45: {  	_ =	shalt  }
0x46: {  	_ =	shalt  }
0x47: {  	_ =	shalt  }
0x48: {  	_ =	shalt  }
0x49: {  	_ =	shalt  }
0x4a: {  	_ =	shalt  }
0x4b: {  	_ =	shalt  }
0x4c: {  	_ =	shalt  }
0x4d: {  	_ =	shalt  }
0x4e: {  	_ =	shalt  }
0x4f: {  	_ =	shalt  }
0x50: {  	_ =	shalt  }
0x51: {  	_ =	shalt  }
0x52: {  	_ =	shalt  }
0x53: {  	_ =	shalt  }
0x54: {  	_ =	shalt  }
0x55: {  	_ =	shalt  }
0x56: {  	_ =	shalt  }
0x57: {  	_ =	shalt  }
0x58: {  	_ =	shalt  }
0x59: {  	_ =	shalt  }
0x5a: {  	_ =	shalt  }
0x5b: {  	_ =	shalt  }
0x5c: {  	_ =	shalt  }
0x5d: {  	_ =	shalt  }
0x5e: {  	_ =	shalt  }
0x5f: {  	_ =	shalt  }
0x60: {  	_ =	shalt  }
0x61: {  	_ =	shalt  }
0x62: {  	_ =	shalt  }
0x63: {  	_ =	shalt  }
0x64: {  	_ =	shalt  }
0x65: {  	_ =	shalt  }
0x66: {  	_ =	shalt  }
0x67: {  	_ =	shalt  }
0x68: {  	_ =	shalt  }
0x69: {  	_ =	shalt  }
0x6a: {  	_ =	shalt  }
0x6b: {  	_ =	shalt  }
0x6c: {  	_ =	shalt  }
0x6d: {  	_ =	shalt  }
0x6e: {  	_ =	shalt  }
0x6f: {  	_ =	shalt  }
0x70: {  	_ =	shalt  }
0x71: {  	_ =	shalt  }
0x72: {  	_ =	shalt  }
0x73: {  	_ =	shalt  }
0x74: {  	_ =	shalt  }
0x75: {  	_ =	shalt  }
0x76: {  	_ =	shalt  }
0x77: {  	_ =	shalt  }
0x78: {  	_ =	shalt  }
0x79: {  	_ =	shalt  }
0x7a: {  	_ =	shalt  }
0x7b: {  	_ =	shalt  }
0x7c: {  	_ =	shalt  }
0x7d: {  	_ =	shalt  }
0x7e: {  	_ =	shalt  }
0x7f: {  	_ =	shalt  }
0x80: {  	_ =	shalt  }
0x81: {  	_ =	shalt  }
0x82: {  	_ =	shalt  }
0x83: {  	_ =	shalt  }
0x84: {  	_ =	shalt  }
0x85: {  	_ =	shalt  }
0x86: {  	_ =	shalt  }
0x87: {  	_ =	shalt  }
.Lfunc_end0:
.L_simem_size_0:
called_computation.2_lowered:
.L_overlay_start_0:
0x88: {  	s2 =	sld [smem:$0x3FD9]  }
0x89: {  	s3 =	sld [smem:$0x3FFE];
	_ =	sdelay $0x1  }
0x8a: {  	s1 =	srdreg.scid  }
0x8b: {  	s0 =	sand.u32 $0x1, s1  }
0x8c: {  	s16 =	sshll.u32 s0, $0xA;
	s2 =	sadd.s32 s3, s2  }
0x8d: {  	s2 =	sadd.s32 s2, s16  }
0x8e: {  	[smem:$0x3FB6] =	sst s2  }
0x8f: {  	_ = 	snop  }
0x90: {  	(tm) =	ssettm $0x1  }
0x91: {  	s17 =	sld [smem:$0x3FFB];
	_ =	sdelay $0x3  }
0x92: {  	_ =	strace s17  }
0x93: {  	s2 =	sld [smem:$0x3FFC];
	_ =	sdelay $0x3  }
0x94: {  	_ =	strace s2  }
0x95: {  	s2 =	sld [smem:$0x3FFD];
	_ =	sdelay $0x3  }
0x96: {  	_ =	strace s2  }
0x97: {  	_ =	strace $0x8FFFFFFF  }
0x98: {  	s18 =	sld [smem:$0x3FDB];
	_ =	sdelay $0x1  }
0x99: {  	s19 =	simm.s32 $_scs_section_size  }
0x9a: {  	s4 =	simm.s32 $_size__tile_overlayer_lowered;
	s5 =	simm.s32 $_tile_overlayer_lowered  }
0x9b: {  	s22 =	simm.s32 $0x1BFF;
	s21 =	sshll.u32 s5, $0x1;
	s2 =	sadd.s32 s19, s18  }
0x9c: {  	s6 =	simm.s32 $0x0;
	s20 =	sshll.u32 s4, $0x1;
	s4 =	sadd.s32 s21, s2  }
0x9d: {  	[timem:s6], [sflag:s22] =	dma.local [hbm:s4], s20  }
0x9e: {  	_ =	swait.ge [sflag:s22], s20  }
0x9f: {  	s3 =	ssub.s32 $0x0, s20;
	[sflag:s22] =	ssyncset.done $0x0  }
0xa0: {  	[sflag:s22] =	ssyncadd.s32 s3;
	_ =	sdelay $0x1  }
0xa1: {  	s23 =	simm.s32 $0x1B8B  }
0xa2: {  	_ =	swait.ge [sflag:s23], $0x1  }
0xa3: {  	[sflag:s23] =	ssyncset.done $0x0  }
0xa4: {  	s25 =	simm.s32 $0x1B8E;
	s24 =	sld [smem:$0x3FFE];
	[sflag:s23] =	ssyncadd.s32 $0xFFFFFFFF  }
0xa5: {  	s26 =	simm.s32 $execute0_lowered;
	[smem:$0x3FD2] =	sst s25  }
0xa6: {  	s4 =	sshll.u32 s26, $0x1;
	_ =	strace $0x8000004C;
	[dreg:$0x1] =	wrdreg $0xFFFFFFFF  }
0xa7: {  	s28 =	simm.s32 $_size_execute0_lowered;
	s2 =	sadd.s32 s2, s4;
	[dreg:$0x0] =	wrdreg $0x0  }
0xa8: {  	s4 =	sshll.u32 s28, $0x1;
	[dreg:$0x2] =	wrdreg s2  }
0xa9: {  	[dreg:$0x3] =	wrdreg s4  }
0xaa: {  	[dreg:$0x4] =	wrdreg $0xC0  }
0xab: {  	_ =	task [dreg:s6], $0x5FFFF  }
0xac: {  	[dreg:$0x1] =	wrdreg $0xFFFFFFFF  }
0xad: {  	[dreg:$0x0] =	wrdreg $0x60  }
0xae: {  	[dreg:$0x2] =	wrdreg s24  }
0xaf: {  	[dreg:$0x3] =	wrdreg $0x0  }
0xb0: {  	[dreg:$0x4] =	wrdreg $0x9  }
0xb1: {  	_ =	task.clear_ibuf [dreg:s6], $0x5FFFF;
	_ =	strace $0x9000004C  }
0xb2: {  	s29 =	simm.s32 $0x9;
	_ =	strace $0x8000004E  }
0xb3: {  	_ =	swait.ge [sflag:s29], $0x1  }
0xb4: {  	[sflag:s29] =	ssyncadd.s32 $0xFFFFFFFF  }
0xb5: {  	_ =	strace $0x9000004E  }
0xb6: {  	_ =	sfence  }
0xb7: {  	s30 =	sld [smem:$0x0];
	_ =	sdelay $0x2  }
0xb8: {  	s31 =	sshll.u32 s1, $0xD;
	s1 =	sshrl.u32 s1, $0x2  }
0xb9: {  	s3 =	sand.u32 $0x4000, s31;
	s1 =	sadd.s32 s1, s30  }
0xba: {  	s0 =	sor.u32 s3, s0;
	s1 =	sshll.u32 s1, $0x11  }
0xbb: {  	s0 =	sor.u32 s1, s0  }
0xbc: {  	s0 =	sadd.s32 $0x8F2B, s0  }
0xbd: {  	[sflag:s0] =	ssyncadd.remote.s32 $0x1  }
0xbe: {  	_ =	sfence.sel $0xFFFF  }
0xbf: {  	[dreg:$0x0] =	wrdreg $0xFFFFFFFF;
	(pc) =	sbr.abs _section_cstart, $3  }
0xc0: {  	[dreg:$0x1] =	wrdreg $0xFFFFFFFF  }
0xc1: {  	_ =	task.clear_ibuf [dreg:s6], $0x2FFFF;
	_ =	strace $0x9FFFFFFF  }
0xc2: {  	(tm) =	ssettm $0x7FFFFFFF  }
0xc3: {  	_ =	shalt  }
tec
execute0_lowered:
.L_overlay_start_1:
0x0: {  	(tag) =	ssettag $0x1  }
0x1: {  	s0 =	rddreg [dreg:$0x0]  }
0x2: {  	s1 =	rddreg [dreg:$0x1]  }
0x3: {  	s3 =	simm.s32 $0x0;
	s2 =	srdreg.scid;
	s10 =	stileid.u32  }
0x4: {  	s30 =	simm.s32 $0x9;
	[smem:$0x7FF] =	sst s3;
	s7 =	smul.u32 $0x14000, s10  }
0x5: {  	s2 =	sand.u32 $0x1, s2;
	s8 =	sshll.u32 s10, $0x1;
	s10 =	smul.u32 $0x50000, s10  }
0x6: {  	s6 =	smul.u32 $0x140000, s2;
	s8 =	sor.u32 s2, s8;
	s2 =	ssub.s32 $0x2, s2  }
0x7: {  	s4 =	sadd.s32 $0x17C00, s0;
	s24 =	sshrl.u32 s2, $0x1;
	s10 =	sshrl.u32 s10, $0x2  }
0x8: {  	s5 =	sadd.s32 $0xDE00, s0;
	s2 =	ssub.s32 s2, s24;
	s29 =	sadd.s32 s10, s1  }
0x9: {  	_ =	strace $0x8000004D;
	s13 =	smax.u32 s2, $0x1;
	[dreg:$0x9] =	wrdreg s29  }
0xa: {  	s9 =	sadd.s32 s7, s6;
	s14 =	sadd.s32 $0x1400, s29;
	[dreg:$0xb] =	wrdreg s13  }
0xb: {  	s6 =	smul.u32 $0x2710, s8;
	s15 =	sadd.s32 $0x2800, s29;
	[dreg:$0xc] =	wrdreg s14  }
0xc: {  	s7 =	sadd.s32 $0x4000, s0;
	s16 =	sadd.s32 $0x3C00, s29;
	[dreg:$0xd] =	wrdreg s15  }
0xd: {  	s10 =	simm.s32 $0x15680;
	s17 =	sadd.s32 $0x5000, s29;
	[dreg:$0xe] =	wrdreg s16  }
0xe: {  	s23 =	sshrl.u32 s9, $0x3;
	s18 =	sadd.s32 $0x6400, s29;
	[dreg:$0xf] =	wrdreg s17  }
0xf: {  	s19 =	sadd.s32 $0x7800, s29;
	s20 =	sadd.s32 $0x8C00, s29;
	[dreg:$0x10] =	wrdreg s18  }
0x10: {  	s21 =	sadd.s32 $0xA000, s29;
	s22 =	sadd.s32 $0xB400, s29;
	[dreg:$0x11] =	wrdreg s19  }
0x11: {  	s24 =	sadd.s32 $0xDC00, s29;
	s2 =	simm.s32 $0x15400;
	[dreg:$0x12] =	wrdreg s20  }
0x12: {  	s0 =	sadd.s32 s23, s0;
	s25 =	sshrl.u32 s6, $0x3;
	[dreg:$0x13] =	wrdreg s21  }
0x13: {  	s11 =	sadd.s32 $0x140, s6;
	s12 =	sadd.s32 $0x190, s6;
	[dreg:$0x14] =	wrdreg s22  }
0x14: {  	s23 =	sadd.s32 $0xC800, s29;
	[dreg:$0x16] =	wrdreg s24;
	s13 =	simm.s32 $0x15700  }
0x15: {  	s14 =	simm.s32 $0x1;
	s15 =	simm.s32 $0x50;
	s16 =	simm.s32 $0x15800  }
0x16: {  	s17 =	simm.s32 $0x5;
	s18 =	simm.s32 $0x15580;
	[dreg:$0x3] =	wrdreg s11  }
0x17: {  	s19 =	simm.s32 $0x15780;
	s20 =	simm.s32 $0x2;
	[dreg:$0x4] =	wrdreg s12  }
0x18: {  	s21 =	simm.s32 $0x18000;
	s26 =	sadd.s32 s5, s25;
	[dreg:$0x15] =	wrdreg s23  }
0x19: {  	s22 =	simm.s32 $0x6;
	s8 =	sadd.s32 s7, s25;
	[dreg:$0x5] =	wrdreg s26  }
0x1a: {  	s24 =	simm.s32 $0x3;
	s0 =	sadd.s32 $0x3FC00, s0;
	[dreg:$0x6] =	wrdreg s8  }
0x1b: {  	s28 =	sadd.s32 $0xA, s25;
	s25 =	sadd.s32 $0xF000, s29;
	[dreg:$0xa] =	wrdreg s0  }
0x1c: {  	s11 =	simm.s32 $0x15500;
	s31 =	sadd.s32 s5, s28;
	[dreg:$0x17] =	wrdreg s25  }
0x1d: {  	s23 =	simm.s32 $0x7;
	s9 =	sadd.s32 s7, s28;
	[dreg:$0x7] =	wrdreg s31  }
0x1e: {  	s12 =	simm.s32 $0x0;
	s26 =	sadd.s32 $0x10400, s29;
	[dreg:$0x8] =	wrdreg s9  }
0x1f: {  	s28 =	sadd.s32 $0x11800, s29;
	s8 =	simm.s32 $0x15600;
	[dreg:$0x18] =	wrdreg s26  }
0x20: {  	s25 =	simm.s32 $0x8;
	[dreg:$0x19] =	wrdreg s28;
	s31 =	sadd.s32 $0x12C00, s29  }
0x21: {  	v0 =	vimm.f32 $0.0e+00;
	s9 =	simm.s32 $0x15480;
	s26 =	simm.s32 $0x4;
	[dreg:$0x1a] =	wrdreg s31  }
.LBB2_1:
0x22: {  	[dreg:$0x1b] =	wrdreg s12;
	s12 =	simm.s32 $0x70;
	s28 =	simm.s32 $0x3C0  }
.LBB2_2:
0x23: {  	p0 =	sne.s32 s28, $0x4FC0;
	[tilespmem:s12+$0x14000] =	vst v0  }
0x24: {  	[tilespmem:s12+$0x13F90] =	vst v0  }
0x25: {  	[tilespmem:s12+$0x13FA0] =	vst v0  }
.Ltmp0:
0x26: {  	[tilespmem:s12+$0x13FB0] =	vst v0;
	(pc) =	sbr.rel @p0 .LBB2_2-.Ltmp0, $4  }
0x27: {  	[tilespmem:s12+$0x13FC0] =	vst v0  }
0x28: {  	[tilespmem:s12+$0x13FD0] =	vst v0  }
0x29: {  	[tilespmem:s12+$0x13FE0] =	vst v0  }
0x2a: {  	[tilespmem:s12+$0x13FF0] =	vst v0;
	s12 =	sshra.s32 s28, $0x2;
	s28 =	sadd.s32 $0x200, s28  }
0x2b: {  	[tilespmem:s12+$0x14000] =	vst v0  }
0x2c: {  	[tilespmem:s12+$0x13F90] =	vst v0  }
0x2d: {  	[tilespmem:s12+$0x13FA0] =	vst v0  }
0x2e: {  	[tilespmem:s12+$0x13FB0] =	vst v0  }
0x2f: {  	[tilespmem:s12+$0x13FC0] =	vst v0  }
0x30: {  	[tilespmem:s12+$0x13FD0] =	vst v0  }
0x31: {  	[tilespmem:s12+$0x13FE0] =	vst v0  }
0x32: {  	[tilespmem:s12+$0x13FF0] =	vst v0;
	s12 =	simm.s32 $0x14000  }
0x33: {  	[spmem:s29] =	stream.linear.scatter [tilespmem:s12], [sflag:$0x9], $0x1400, $0x38;
	[tilespmem:$0x1A800] =	vst v63  }
0x34: {  	_ =	swait.ge [sflag:s30], $0x1400  }
0x35: {  	[sflag:s30] =	ssyncset.done $0x0  }
0x36: {  	s0 =	rddreg [dreg:$0xc];
	[sflag:s30] =	ssyncadd.s32 $0xFFFFEC00  }
0x37: {  	[spmem:s0] =	stream.linear.scatter [tilespmem:s12], [sflag:$0x9], $0x1400, $0x38;
	[tilespmem:$0x1A800] =	vst v63  }
0x38: {  	_ =	swait.ge [sflag:s30], $0x1400  }
0x39: {  	[sflag:s30] =	ssyncset.done $0x0  }
0x3a: {  	s0 =	rddreg [dreg:$0xd];
	[sflag:s30] =	ssyncadd.s32 $0xFFFFEC00  }
0x3b: {  	[spmem:s0] =	stream.linear.scatter [tilespmem:s12], [sflag:$0x9], $0x1400, $0x38;
	[tilespmem:$0x1A800] =	vst v63  }
0x3c: {  	_ =	swait.ge [sflag:s30], $0x1400  }
0x3d: {  	[sflag:s30] =	ssyncset.done $0x0  }
0x3e: {  	s0 =	rddreg [dreg:$0xe];
	[sflag:s30] =	ssyncadd.s32 $0xFFFFEC00  }
0x3f: {  	[spmem:s0] =	stream.linear.scatter [tilespmem:s12], [sflag:$0x9], $0x1400, $0x38;
	[tilespmem:$0x1A800] =	vst v63  }
0x40: {  	_ =	swait.ge [sflag:s30], $0x1400  }
0x41: {  	[sflag:s30] =	ssyncset.done $0x0  }
0x42: {  	s0 =	rddreg [dreg:$0xf];
	[sflag:s30] =	ssyncadd.s32 $0xFFFFEC00  }
0x43: {  	[spmem:s0] =	stream.linear.scatter [tilespmem:s12], [sflag:$0x9], $0x1400, $0x38;
	[tilespmem:$0x1A800] =	vst v63  }
0x44: {  	_ =	swait.ge [sflag:s30], $0x1400  }
0x45: {  	[sflag:s30] =	ssyncset.done $0x0  }
0x46: {  	s0 =	rddreg [dreg:$0x10];
	[sflag:s30] =	ssyncadd.s32 $0xFFFFEC00  }
0x47: {  	[spmem:s0] =	stream.linear.scatter [tilespmem:s12], [sflag:$0x9], $0x1400, $0x38;
	[tilespmem:$0x1A800] =	vst v63  }
0x48: {  	_ =	swait.ge [sflag:s30], $0x1400  }
0x49: {  	[sflag:s30] =	ssyncset.done $0x0  }
0x4a: {  	s0 =	rddreg [dreg:$0x11];
	[sflag:s30] =	ssyncadd.s32 $0xFFFFEC00  }
0x4b: {  	[spmem:s0] =	stream.linear.scatter [tilespmem:s12], [sflag:$0x9], $0x1400, $0x38;
	[tilespmem:$0x1A800] =	vst v63  }
0x4c: {  	_ =	swait.ge [sflag:s30], $0x1400  }
0x4d: {  	[sflag:s30] =	ssyncset.done $0x0  }
0x4e: {  	s0 =	rddreg [dreg:$0x12];
	[sflag:s30] =	ssyncadd.s32 $0xFFFFEC00  }
0x4f: {  	[spmem:s0] =	stream.linear.scatter [tilespmem:s12], [sflag:$0x9], $0x1400, $0x38;
	[tilespmem:$0x1A800] =	vst v63  }
0x50: {  	_ =	swait.ge [sflag:s30], $0x1400  }
0x51: {  	[sflag:s30] =	ssyncset.done $0x0  }
0x52: {  	s0 =	rddreg [dreg:$0x13];
	[sflag:s30] =	ssyncadd.s32 $0xFFFFEC00  }
0x53: {  	[spmem:s0] =	stream.linear.scatter [tilespmem:s12], [sflag:$0x9], $0x1400, $0x38;
	[tilespmem:$0x1A800] =	vst v63  }
0x54: {  	_ =	swait.ge [sflag:s30], $0x1400  }
0x55: {  	[sflag:s30] =	ssyncset.done $0x0  }
0x56: {  	s0 =	rddreg [dreg:$0x14];
	[sflag:s30] =	ssyncadd.s32 $0xFFFFEC00  }
0x57: {  	[spmem:s0] =	stream.linear.scatter [tilespmem:s12], [sflag:$0x9], $0x1400, $0x38;
	[tilespmem:$0x1A800] =	vst v63  }
0x58: {  	_ =	swait.ge [sflag:s30], $0x1400  }
0x59: {  	[sflag:s30] =	ssyncset.done $0x0  }
0x5a: {  	s0 =	rddreg [dreg:$0x15];
	[sflag:s30] =	ssyncadd.s32 $0xFFFFEC00  }
0x5b: {  	[spmem:s0] =	stream.linear.scatter [tilespmem:s12], [sflag:$0x9], $0x1400, $0x38;
	[tilespmem:$0x1A800] =	vst v63  }
0x5c: {  	_ =	swait.ge [sflag:s30], $0x1400  }
0x5d: {  	[sflag:s30] =	ssyncset.done $0x0  }
0x5e: {  	s0 =	rddreg [dreg:$0x16];
	[sflag:s30] =	ssyncadd.s32 $0xFFFFEC00  }
0x5f: {  	[spmem:s0] =	stream.linear.scatter [tilespmem:s12], [sflag:$0x9], $0x1400, $0x38;
	[tilespmem:$0x1A800] =	vst v63  }
0x60: {  	_ =	swait.ge [sflag:s30], $0x1400  }
0x61: {  	[sflag:s30] =	ssyncset.done $0x0  }
0x62: {  	s0 =	rddreg [dreg:$0x17];
	[sflag:s30] =	ssyncadd.s32 $0xFFFFEC00  }
0x63: {  	[spmem:s0] =	stream.linear.scatter [tilespmem:s12], [sflag:$0x9], $0x1400, $0x38;
	[tilespmem:$0x1A800] =	vst v63  }
0x64: {  	_ =	swait.ge [sflag:s30], $0x1400  }
0x65: {  	[sflag:s30] =	ssyncset.done $0x0  }
0x66: {  	s0 =	rddreg [dreg:$0x18];
	[sflag:s30] =	ssyncadd.s32 $0xFFFFEC00  }
0x67: {  	[spmem:s0] =	stream.linear.scatter [tilespmem:s12], [sflag:$0x9], $0x1400, $0x38;
	[tilespmem:$0x1A800] =	vst v63  }
0x68: {  	_ =	swait.ge [sflag:s30], $0x1400  }
0x69: {  	[sflag:s30] =	ssyncset.done $0x0  }
0x6a: {  	s0 =	rddreg [dreg:$0x19];
	[sflag:s30] =	ssyncadd.s32 $0xFFFFEC00  }
0x6b: {  	[spmem:s0] =	stream.linear.scatter [tilespmem:s12], [sflag:$0x9], $0x1400, $0x38;
	[tilespmem:$0x1A800] =	vst v63  }
0x6c: {  	_ =	swait.ge [sflag:s30], $0x1400  }
0x6d: {  	[sflag:s30] =	ssyncset.done $0x0  }
0x6e: {  	s0 =	rddreg [dreg:$0x1a];
	[sflag:s30] =	ssyncadd.s32 $0xFFFFEC00  }
0x6f: {  	[spmem:s0] =	stream.linear.scatter [tilespmem:s12], [sflag:$0x9], $0x1400, $0x38;
	[tilespmem:$0x1A800] =	vst v63  }
0x70: {  	_ =	swait.ge [sflag:s30], $0x1400  }
0x71: {  	[sflag:s30] =	ssyncset.done $0x0  }
0x72: {  	[sflag:s30] =	ssyncadd.s32 $0xFFFFEC00  }
0x73: {  	[bflag:$0x0] =	sbarrier.arrive $0xFFFF  }
0x74: {  	s12 =	simm.s32 $0x0;
	s0 =	rddreg [dreg:$0x5]  }
0x75: {  	[tilespmem:s2], [sflag:$0x1] =	stream.linear.gather [hbm4b:s0+s12], $0x50, $0x38;
	[tilespmem:$0x1A800] =	vst v63  }
0x76: {  	p0 =	por $0x1, $0x1;
	s0 =	rddreg [dreg:$0x6]  }
0x77: {  	[tilespmem:s8], [sflag:$0x1] =	stream.linear.gather [hbm4b:s0+s12], $0x50, $0x38;
	[tilespmem:$0x1A800] =	vst v63  }
0x78: {  	s28 =	simm.s32 @!p0 $0xA0;
	s0 =	rddreg [dreg:$0x7]  }
0x79: {  	[tilespmem:s9], [sflag:$0x2] =	stream.linear.gather [hbm4b:s0+s12], $0x50, $0x38;
	[tilespmem:$0x1A800] =	vst v63  }
0x7a: {  	s29 =	simm.s32 @!p0 $0x7;
	s28 =	simm.s32 @p0 $0xA0;
	s0 =	rddreg [dreg:$0x8]  }
0x7b: {  	[tilespmem:s10], [sflag:$0x2] =	stream.linear.gather [hbm4b:s0+s12], $0x50, $0x38;
	[tilespmem:$0x1A800] =	vst v63  }
0x7c: {  	s28 =	sadd.s32 s6, s28;
	_ =	swait.ge @!p0 [sflag:s29], $0x2800  }
0x7d: {  	s28 =	sshrl.u32 s28, $0x3;
	[sflag:s29] =	ssyncset.done @!p0 $0x0  }
0x7e: {  	[sflag:s29] =	ssyncadd.s32 @!p0 $0xFFFFD800;
	s29 =	sadd.s32 s5, s28  }
0x7f: {  	[tilespmem:s11], [sflag:$0x3] =	stream.linear.gather [hbm4b:s29+s3], $0x50, $0x38;
	[tilespmem:$0x1A800] =	vst v63  }
0x80: {  	s28 =	sadd.s32 s7, s28  }
0x81: {  	[tilespmem:s13], [sflag:$0x3] =	stream.linear.gather [hbm4b:s28+s3], $0x50, $0x38;
	[tilespmem:$0x1A800] =	vst v63  }
0x82: {  	_ =	swait.ge [sflag:s14], $0x50  }
0x83: {  	[sflag:s14] =	ssyncset.done $0x0  }
0x84: {  	[sflag:s14] =	ssyncadd.s32 $0xFFFFFFB0  }
0x85: {  	_ =	swait.ge [sflag:s14], $0x50  }
0x86: {  	[sflag:s14] =	ssyncset.done $0x0  }
0x87: {  	[sflag:s14] =	ssyncadd.s32 $0xFFFFFFB0  }
0x88: {  	[tilespmem:s16], [sflag:$0x5] =	stream.indirect.gather [hbm4b:s4+s15], $0x80, s2, s15, $0xb8;
	[tilespmem:$0x1A800] =	vst v63  }
0x89: {  	_ =	swait.ge [sflag:s17], $0x2800  }
0x8a: {  	s28 =	simm.s32 @!p0 $0xF0;
	[sflag:s17] =	ssyncset.done $0x0  }
0x8b: {  	s29 =	simm.s32 @!p0 $0x8;
	s28 =	simm.s32 @p0 $0xF0;
	[sflag:s17] =	ssyncadd.s32 $0xFFFFD800  }
0x8c: {  	[spmem:s1] =	stream.indirect.scatter.add.f32 [tilespmem:s16], [sflag:$0x7], $0x80, s8, s15, $0xb8;
	[tilespmem:$0x1A800] =	vst v63  }
0x8d: {  	s28 =	sadd.s32 s6, s28;
	_ =	swait.ge @!p0 [sflag:s29], $0x2800  }
0x8e: {  	s28 =	sshrl.u32 s28, $0x3;
	[sflag:s29] =	ssyncset.done @!p0 $0x0  }
0x8f: {  	[sflag:s29] =	ssyncadd.s32 @!p0 $0xFFFFD800;
	s29 =	sadd.s32 s5, s28  }
0x90: {  	[tilespmem:s18], [sflag:$0x4] =	stream.linear.gather [hbm4b:s29+s3], $0x50, $0x38;
	[tilespmem:$0x1A800] =	vst v63  }
0x91: {  	s28 =	sadd.s32 s7, s28  }
0x92: {  	[tilespmem:s19], [sflag:$0x4] =	stream.linear.gather [hbm4b:s28+s3], $0x50, $0x38;
	[tilespmem:$0x1A800] =	vst v63  }
0x93: {  	_ =	swait.ge [sflag:s20], $0x50  }
0x94: {  	[sflag:s20] =	ssyncset.done $0x0  }
0x95: {  	[sflag:s20] =	ssyncadd.s32 $0xFFFFFFB0  }
0x96: {  	_ =	swait.ge [sflag:s20], $0x50  }
0x97: {  	[sflag:s20] =	ssyncset.done $0x0  }
0x98: {  	[sflag:s20] =	ssyncadd.s32 $0xFFFFFFB0  }
0x99: {  	[tilespmem:s21], [sflag:$0x6] =	stream.indirect.gather [hbm4b:s4+s15], $0x80, s9, s15, $0xb8;
	[tilespmem:$0x1A800] =	vst v63  }
0x9a: {  	_ =	swait.ge [sflag:s22], $0x2800  }
0x9b: {  	[sflag:s22] =	ssyncset.done $0x0  }
0x9c: {  	[sflag:s22] =	ssyncadd.s32 $0xFFFFD800  }
0x9d: {  	[spmem:s1] =	stream.indirect.scatter.add.f32 [tilespmem:s21], [sflag:$0x8], $0x80, s10, s15, $0xb8;
	[tilespmem:$0x1A800] =	vst v63  }
0x9e: {  	_ =	swait.ge [sflag:s23], $0x2800  }
0x9f: {  	s12 =	simm.s32 @p0 $0x0;
	s28 =	rddreg [dreg:$0x3]  }
0xa0: {  	s28 =	sadd.s32 s12, s28  }
0xa1: {  	[sflag:s23] =	ssyncset.done $0x0;
	s28 =	sshrl.u32 s28, $0x3  }
0xa2: {  	[sflag:s23] =	ssyncadd.s32 $0xFFFFD800;
	s29 =	sadd.s32 s5, s28  }
0xa3: {  	[tilespmem:s2], [sflag:$0x1] =	stream.linear.gather [hbm4b:s29+s3], $0x50, $0x38;
	[tilespmem:$0x1A800] =	vst v63  }
0xa4: {  	s28 =	sadd.s32 s7, s28  }
0xa5: {  	[tilespmem:s8], [sflag:$0x1] =	stream.linear.gather [hbm4b:s28+s3], $0x50, $0x38;
	[tilespmem:$0x1A800] =	vst v63  }
0xa6: {  	_ =	swait.ge [sflag:s24], $0x50  }
0xa7: {  	[sflag:s24] =	ssyncset.done $0x0  }
0xa8: {  	[sflag:s24] =	ssyncadd.s32 $0xFFFFFFB0  }
0xa9: {  	_ =	swait.ge [sflag:s24], $0x50  }
0xaa: {  	[sflag:s24] =	ssyncset.done $0x0  }
0xab: {  	[sflag:s24] =	ssyncadd.s32 $0xFFFFFFB0  }
0xac: {  	[tilespmem:s16], [sflag:$0x5] =	stream.indirect.gather [hbm4b:s4+s15], $0x80, s11, s15, $0xb8;
	[tilespmem:$0x1A800] =	vst v63  }
0xad: {  	_ =	swait.ge [sflag:s17], $0x2800  }
0xae: {  	[sflag:s17] =	ssyncset.done $0x0  }
0xaf: {  	[sflag:s17] =	ssyncadd.s32 $0xFFFFD800  }
0xb0: {  	[spmem:s1] =	stream.indirect.scatter.add.f32 [tilespmem:s16], [sflag:$0x7], $0x80, s13, s15, $0xb8;
	[tilespmem:$0x1A800] =	vst v63  }
0xb1: {  	_ =	swait.ge [sflag:s25], $0x2800  }
0xb2: {  	p0 =	por $0x0, $0x0;
	s28 =	rddreg [dreg:$0x4]  }
0xb3: {  	s12 =	sadd.s32 @!p0 s12, s28  }
0xb4: {  	s30 =	simm.s32 @!p0 $0x0;
	[sflag:s25] =	ssyncset.done $0x0;
	s12 =	sshrl.u32 @!p0 s12, $0x3  }
0xb5: {  	s28 =	simm.s32 @!p0 $0x15480;
	[sflag:s25] =	ssyncadd.s32 $0xFFFFD800;
	s29 =	sadd.s32 @!p0 s5, s12  }
0xb6: {  	[tilespmem:s28], [sflag:$0x2] =	stream.linear.gather @!p0 [hbm4b:s29+s30], $0x50, $0x38;
	[tilespmem:$0x1A800] =	vst v63  }
0xb7: {  	s12 =	sadd.s32 @!p0 s7, s12;
	s28 =	simm.s32 @!p0 $0x15680  }
0xb8: {  	[tilespmem:s28], [sflag:$0x2] =	stream.linear.gather @!p0 [hbm4b:s12+s30], $0x50, $0x38;
	[tilespmem:$0x1A800] =	vst v63  }
0xb9: {  	_ =	swait.ge [sflag:s26], $0x50  }
0xba: {  	[sflag:s26] =	ssyncset.done $0x0  }
0xbb: {  	[sflag:s26] =	ssyncadd.s32 $0xFFFFFFB0  }
0xbc: {  	p1 =	por $0x0, $0x0;
	_ =	swait.ge [sflag:s26], $0x50  }
0xbd: {  	s31 =	simm.s32 @!p1 $0x1E0;
	s29 =	simm.s32 $0x140;
	[sflag:s26] =	ssyncset.done $0x0  }
0xbe: {  	s30 =	simm.s32 $0x280;
	s28 =	simm.s32 @!p1 $0x230;
	[sflag:s26] =	ssyncadd.s32 $0xFFFFFFB0  }
.LBB2_4:
0xbf: {  	[tilespmem:s21], [sflag:$0x6] =	stream.indirect.gather [hbm4b:s4+s15], $0x80, s18, s15, $0xb8;
	[tilespmem:$0x1A800] =	vst v63  }
0xc0: {  	_ =	swait.ge [sflag:s22], $0x2800  }
0xc1: {  	[sflag:s22] =	ssyncset.done $0x0  }
0xc2: {  	s31 =	simm.s32 @p1 $0xA0;
	s0 =	simm.s32 @!p1 $0x7;
	[sflag:s22] =	ssyncadd.s32 $0xFFFFD800  }
0xc3: {  	[spmem:s1] =	stream.indirect.scatter.add.f32 [tilespmem:s21], [sflag:$0x8], $0x80, s19, s15, $0xb8;
	[tilespmem:$0x1A800] =	vst v63  }
0xc4: {  	s31 =	sadd.s32 s6, s31;
	_ =	swait.ge @!p1 [sflag:s0], $0x2800  }
0xc5: {  	s31 =	sshrl.u32 s31, $0x3;
	[sflag:s0] =	ssyncset.done @!p1 $0x0  }
0xc6: {  	[sflag:s0] =	ssyncadd.s32 @!p1 $0xFFFFD800;
	s0 =	sadd.s32 s5, s31  }
0xc7: {  	[tilespmem:s11], [sflag:$0x3] =	stream.linear.gather [hbm4b:s0+s3], $0x50, $0x38;
	[tilespmem:$0x1A800] =	vst v63  }
0xc8: {  	s0 =	sadd.s32 s7, s31  }
0xc9: {  	[tilespmem:s13], [sflag:$0x3] =	stream.linear.gather [hbm4b:s0+s3], $0x50, $0x38;
	[tilespmem:$0x1A800] =	vst v63  }
0xca: {  	_ =	swait.ge [sflag:s14], $0x50  }
0xcb: {  	[sflag:s14] =	ssyncset.done $0x0  }
0xcc: {  	[sflag:s14] =	ssyncadd.s32 $0xFFFFFFB0  }
0xcd: {  	_ =	swait.ge [sflag:s14], $0x50  }
0xce: {  	[sflag:s14] =	ssyncset.done $0x0  }
0xcf: {  	[sflag:s14] =	ssyncadd.s32 $0xFFFFFFB0  }
0xd0: {  	[tilespmem:s16], [sflag:$0x5] =	stream.indirect.gather [hbm4b:s4+s15], $0x80, s2, s15, $0xb8;
	[tilespmem:$0x1A800] =	vst v63  }
0xd1: {  	_ =	swait.ge [sflag:s17], $0x2800  }
0xd2: {  	[sflag:s17] =	ssyncset.done $0x0  }
0xd3: {  	s28 =	simm.s32 @p1 $0xF0;
	s0 =	simm.s32 @!p1 $0x8;
	[sflag:s17] =	ssyncadd.s32 $0xFFFFD800  }
0xd4: {  	[spmem:s1] =	stream.indirect.scatter.add.f32 [tilespmem:s16], [sflag:$0x7], $0x80, s8, s15, $0xb8;
	[tilespmem:$0x1A800] =	vst v63  }
0xd5: {  	s28 =	sadd.s32 s6, s28;
	_ =	swait.ge @!p1 [sflag:s0], $0x2800  }
0xd6: {  	s28 =	sshrl.u32 s28, $0x3;
	[sflag:s0] =	ssyncset.done @!p1 $0x0  }
0xd7: {  	[sflag:s0] =	ssyncadd.s32 @!p1 $0xFFFFD800;
	s0 =	sadd.s32 s5, s28  }
0xd8: {  	[tilespmem:s18], [sflag:$0x4] =	stream.linear.gather [hbm4b:s0+s3], $0x50, $0x38;
	[tilespmem:$0x1A800] =	vst v63  }
0xd9: {  	s0 =	sadd.s32 s7, s28  }
0xda: {  	[tilespmem:s19], [sflag:$0x4] =	stream.linear.gather [hbm4b:s0+s3], $0x50, $0x38;
	[tilespmem:$0x1A800] =	vst v63  }
0xdb: {  	_ =	swait.ge [sflag:s20], $0x50  }
0xdc: {  	[sflag:s20] =	ssyncset.done $0x0  }
0xdd: {  	[sflag:s20] =	ssyncadd.s32 $0xFFFFFFB0  }
0xde: {  	_ =	swait.ge [sflag:s20], $0x50  }
0xdf: {  	[sflag:s20] =	ssyncset.done $0x0  }
0xe0: {  	[sflag:s20] =	ssyncadd.s32 $0xFFFFFFB0  }
0xe1: {  	[tilespmem:s21], [sflag:$0x6] =	stream.indirect.gather [hbm4b:s4+s15], $0x80, s9, s15, $0xb8;
	[tilespmem:$0x1A800] =	vst v63  }
0xe2: {  	_ =	swait.ge [sflag:s22], $0x2800  }
0xe3: {  	[sflag:s22] =	ssyncset.done $0x0  }
0xe4: {  	[sflag:s22] =	ssyncadd.s32 $0xFFFFD800  }
0xe5: {  	[spmem:s1] =	stream.indirect.scatter.add.f32 [tilespmem:s21], [sflag:$0x8], $0x80, s10, s15, $0xb8;
	[tilespmem:$0x1A800] =	vst v63  }
0xe6: {  	s28 =	smov.u32 s29;
	_ =	swait.ge [sflag:s23], $0x2800  }
0xe7: {  	s28 =	simm.s32 @p1 $0x0;
	s0 =	rddreg [dreg:$0x3]  }
0xe8: {  	s0 =	sadd.s32 s28, s0  }
0xe9: {  	[sflag:s23] =	ssyncset.done $0x0;
	s0 =	sshrl.u32 s0, $0x3  }
0xea: {  	[sflag:s23] =	ssyncadd.s32 $0xFFFFD800;
	s31 =	sadd.s32 s5, s0  }
0xeb: {  	[tilespmem:s2], [sflag:$0x1] =	stream.linear.gather [hbm4b:s31+s3], $0x50, $0x38;
	[tilespmem:$0x1A800] =	vst v63  }
0xec: {  	s0 =	sadd.s32 s7, s0  }
0xed: {  	[tilespmem:s8], [sflag:$0x1] =	stream.linear.gather [hbm4b:s0+s3], $0x50, $0x38;
	[tilespmem:$0x1A800] =	vst v63  }
0xee: {  	_ =	swait.ge [sflag:s24], $0x50  }
0xef: {  	[sflag:s24] =	ssyncset.done $0x0  }
0xf0: {  	[sflag:s24] =	ssyncadd.s32 $0xFFFFFFB0  }
0xf1: {  	_ =	swait.ge [sflag:s24], $0x50  }
0xf2: {  	[sflag:s24] =	ssyncset.done $0x0  }
0xf3: {  	[sflag:s24] =	ssyncadd.s32 $0xFFFFFFB0  }
0xf4: {  	[tilespmem:s16], [sflag:$0x5] =	stream.indirect.gather [hbm4b:s4+s15], $0x80, s11, s15, $0xb8;
	[tilespmem:$0x1A800] =	vst v63  }
0xf5: {  	_ =	swait.ge [sflag:s17], $0x2800  }
0xf6: {  	[sflag:s17] =	ssyncset.done $0x0  }
0xf7: {  	[sflag:s17] =	ssyncadd.s32 $0xFFFFD800  }
0xf8: {  	[spmem:s1] =	stream.indirect.scatter.add.f32 [tilespmem:s16], [sflag:$0x7], $0x80, s13, s15, $0xb8;
	[tilespmem:$0x1A800] =	vst v63  }
0xf9: {  	_ =	swait.ge [sflag:s25], $0x2800  }
0xfa: {  	s12 =	smov.u32 s30;
	p1 =	seq.s32 s29, $0x2580;
	s0 =	rddreg [dreg:$0x4]  }
0xfb: {  	s29 =	smov.u32 s12;
	s0 =	sadd.s32 @!p1 s28, s0  }
0xfc: {  	s12 =	simm.s32 @!p1 $0x15480;
	[sflag:s25] =	ssyncset.done $0x0;
	s0 =	sshrl.u32 @!p1 s0, $0x3  }
0xfd: {  	s31 =	simm.s32 @!p1 $0x0;
	[sflag:s25] =	ssyncadd.s32 $0xFFFFD800;
	s28 =	sadd.s32 @!p1 s5, s0  }
0xfe: {  	[tilespmem:s12], [sflag:$0x2] =	stream.linear.gather @!p1 [hbm4b:s28+s31], $0x50, $0x38;
	[tilespmem:$0x1A800] =	vst v63  }
0xff: {  	s30 =	sadd.s32 $0x140, s30;
	s0 =	sadd.s32 @!p1 s7, s0;
	s12 =	simm.s32 @!p1 $0x15680  }
0x100: {  	[tilespmem:s12], [sflag:$0x2] =	stream.linear.gather @!p1 [hbm4b:s0+s31], $0x50, $0x38;
	[tilespmem:$0x1A800] =	vst v63  }
0x101: {  	p0 =	sne.s32 s30, $0x26C0;
	_ =	swait.ge [sflag:s26], $0x50  }
.Ltmp1:
0x102: {  	[sflag:s26] =	ssyncset.done $0x0;
	(pc) =	sbr.rel @p0 .LBB2_4-.Ltmp1, $4  }
0x103: {  	[sflag:s26] =	ssyncadd.s32 $0xFFFFFFB0  }
0x104: {  	_ =	swait.ge [sflag:s26], $0x50  }
0x105: {  	p1 =	seq.s32 s29, $0x0;
	[sflag:s26] =	ssyncset.done $0x0  }
0x106: {  	s31 =	sadd.s32 @!p1 $0xA0, s29;
	s28 =	sadd.s32 @!p1 $0xF0, s29;
	[sflag:s26] =	ssyncadd.s32 $0xFFFFFFB0  }
0x107: {  	[tilespmem:s21], [sflag:$0x6] =	stream.indirect.gather [hbm4b:s4+s15], $0x80, s18, s15, $0xb8;
	[tilespmem:$0x1A800] =	vst v63  }
0x108: {  	_ =	swait.ge [sflag:s22], $0x2800  }
0x109: {  	[sflag:s22] =	ssyncset.done $0x0  }
0x10a: {  	s31 =	simm.s32 @p1 $0xA0;
	s0 =	simm.s32 @!p1 $0x7;
	[sflag:s22] =	ssyncadd.s32 $0xFFFFD800  }
0x10b: {  	[spmem:s1] =	stream.indirect.scatter.add.f32 [tilespmem:s21], [sflag:$0x8], $0x80, s19, s15, $0xb8;
	[tilespmem:$0x1A800] =	vst v63  }
0x10c: {  	s12 =	sadd.s32 s6, s31;
	_ =	swait.ge @!p1 [sflag:s0], $0x2800  }
0x10d: {  	s12 =	sshrl.u32 s12, $0x3;
	[sflag:s0] =	ssyncset.done @!p1 $0x0  }
0x10e: {  	s31 =	sadd.s32 s5, s12;
	[sflag:s0] =	ssyncadd.s32 @!p1 $0xFFFFD800  }
0x10f: {  	[tilespmem:s11], [sflag:$0x3] =	stream.linear.gather [hbm4b:s31+s3], $0x50, $0x38;
	[tilespmem:$0x1A800] =	vst v63  }
0x110: {  	s12 =	sadd.s32 s7, s12  }
0x111: {  	[tilespmem:s13], [sflag:$0x3] =	stream.linear.gather [hbm4b:s12+s3], $0x50, $0x38;
	[tilespmem:$0x1A800] =	vst v63  }
0x112: {  	_ =	swait.ge [sflag:s14], $0x50  }
0x113: {  	[sflag:s14] =	ssyncset.done $0x0  }
0x114: {  	[sflag:s14] =	ssyncadd.s32 $0xFFFFFFB0  }
0x115: {  	_ =	swait.ge [sflag:s14], $0x50  }
0x116: {  	[sflag:s14] =	ssyncset.done $0x0  }
0x117: {  	[sflag:s14] =	ssyncadd.s32 $0xFFFFFFB0  }
0x118: {  	[tilespmem:s16], [sflag:$0x5] =	stream.indirect.gather [hbm4b:s4+s15], $0x80, s2, s15, $0xb8;
	[tilespmem:$0x1A800] =	vst v63  }
0x119: {  	_ =	swait.ge [sflag:s17], $0x2800  }
0x11a: {  	[sflag:s17] =	ssyncset.done $0x0  }
0x11b: {  	s28 =	simm.s32 @p1 $0xF0;
	s0 =	simm.s32 @!p1 $0x8;
	[sflag:s17] =	ssyncadd.s32 $0xFFFFD800  }
0x11c: {  	[spmem:s1] =	stream.indirect.scatter.add.f32 [tilespmem:s16], [sflag:$0x7], $0x80, s8, s15, $0xb8;
	[tilespmem:$0x1A800] =	vst v63  }
0x11d: {  	s28 =	sadd.s32 s6, s28;
	_ =	swait.ge @!p1 [sflag:s0], $0x2800  }
0x11e: {  	s12 =	sshrl.u32 s28, $0x3;
	[sflag:s0] =	ssyncset.done @!p1 $0x0  }
0x11f: {  	s31 =	sadd.s32 s5, s12;
	[sflag:s0] =	ssyncadd.s32 @!p1 $0xFFFFD800  }
0x120: {  	[tilespmem:s18], [sflag:$0x4] =	stream.linear.gather [hbm4b:s31+s3], $0x50, $0x38;
	[tilespmem:$0x1A800] =	vst v63  }
0x121: {  	s12 =	sadd.s32 s7, s12  }
0x122: {  	[tilespmem:s19], [sflag:$0x4] =	stream.linear.gather [hbm4b:s12+s3], $0x50, $0x38;
	[tilespmem:$0x1A800] =	vst v63  }
0x123: {  	_ =	swait.ge [sflag:s20], $0x50  }
0x124: {  	[sflag:s20] =	ssyncset.done $0x0  }
0x125: {  	[sflag:s20] =	ssyncadd.s32 $0xFFFFFFB0  }
0x126: {  	_ =	swait.ge [sflag:s20], $0x50  }
0x127: {  	[sflag:s20] =	ssyncset.done $0x0  }
0x128: {  	[sflag:s20] =	ssyncadd.s32 $0xFFFFFFB0  }
0x129: {  	[tilespmem:s21], [sflag:$0x6] =	stream.indirect.gather [hbm4b:s4+s15], $0x80, s9, s15, $0xb8;
	[tilespmem:$0x1A800] =	vst v63  }
0x12a: {  	_ =	swait.ge [sflag:s22], $0x2800  }
0x12b: {  	[sflag:s22] =	ssyncset.done $0x0  }
0x12c: {  	[sflag:s22] =	ssyncadd.s32 $0xFFFFD800  }
0x12d: {  	[spmem:s1] =	stream.indirect.scatter.add.f32 [tilespmem:s21], [sflag:$0x8], $0x80, s10, s15, $0xb8;
	[tilespmem:$0x1A800] =	vst v63  }
0x12e: {  	s12 =	smov.u32 s29;
	_ =	swait.ge [sflag:s23], $0x2800  }
0x12f: {  	s12 =	simm.s32 @p1 $0x0;
	s28 =	rddreg [dreg:$0x3]  }
0x130: {  	s0 =	sadd.s32 s12, s28  }
0x131: {  	[sflag:s23] =	ssyncset.done $0x0;
	s0 =	sshrl.u32 s0, $0x3  }
0x132: {  	[sflag:s23] =	ssyncadd.s32 $0xFFFFD800;
	s31 =	sadd.s32 s5, s0  }
0x133: {  	[tilespmem:s2], [sflag:$0x1] =	stream.linear.gather [hbm4b:s31+s3], $0x50, $0x38;
	[tilespmem:$0x1A800] =	vst v63  }
0x134: {  	s0 =	sadd.s32 s7, s0  }
0x135: {  	[tilespmem:s8], [sflag:$0x1] =	stream.linear.gather [hbm4b:s0+s3], $0x50, $0x38;
	[tilespmem:$0x1A800] =	vst v63  }
0x136: {  	_ =	swait.ge [sflag:s24], $0x50  }
0x137: {  	[sflag:s24] =	ssyncset.done $0x0  }
0x138: {  	[sflag:s24] =	ssyncadd.s32 $0xFFFFFFB0  }
0x139: {  	_ =	swait.ge [sflag:s24], $0x50  }
0x13a: {  	[sflag:s24] =	ssyncset.done $0x0  }
0x13b: {  	[sflag:s24] =	ssyncadd.s32 $0xFFFFFFB0  }
0x13c: {  	[tilespmem:s16], [sflag:$0x5] =	stream.indirect.gather [hbm4b:s4+s15], $0x80, s11, s15, $0xb8;
	[tilespmem:$0x1A800] =	vst v63  }
0x13d: {  	_ =	swait.ge [sflag:s17], $0x2800  }
0x13e: {  	[sflag:s17] =	ssyncset.done $0x0  }
0x13f: {  	[sflag:s17] =	ssyncadd.s32 $0xFFFFD800  }
0x140: {  	[spmem:s1] =	stream.indirect.scatter.add.f32 [tilespmem:s16], [sflag:$0x7], $0x80, s13, s15, $0xb8;
	[tilespmem:$0x1A800] =	vst v63  }
0x141: {  	_ =	swait.ge [sflag:s25], $0x2800  }
0x142: {  	p0 =	seq.s32 s29, $0x2580;
	s0 =	rddreg [dreg:$0x4]  }
0x143: {  	s0 =	sadd.s32 @!p0 s12, s0  }
0x144: {  	s29 =	simm.s32 @!p0 $0x0;
	[sflag:s25] =	ssyncset.done $0x0;
	s0 =	sshrl.u32 @!p0 s0, $0x3  }
0x145: {  	s12 =	simm.s32 @!p0 $0x15480;
	[sflag:s25] =	ssyncadd.s32 $0xFFFFD800;
	s28 =	sadd.s32 @!p0 s5, s0  }
0x146: {  	[tilespmem:s12], [sflag:$0x2] =	stream.linear.gather @!p0 [hbm4b:s28+s29], $0x50, $0x38;
	[tilespmem:$0x1A800] =	vst v63  }
0x147: {  	s0 =	sadd.s32 @!p0 s7, s0;
	s12 =	simm.s32 @!p0 $0x15680  }
0x148: {  	[tilespmem:s12], [sflag:$0x2] =	stream.linear.gather @!p0 [hbm4b:s0+s29], $0x50, $0x38;
	[tilespmem:$0x1A800] =	vst v63  }
0x149: {  	_ =	swait.ge [sflag:s26], $0x50  }
0x14a: {  	[sflag:s26] =	ssyncset.done $0x0  }
0x14b: {  	[sflag:s26] =	ssyncadd.s32 $0xFFFFFFB0  }
0x14c: {  	_ =	swait.ge [sflag:s26], $0x50  }
0x14d: {  	[sflag:s26] =	ssyncset.done $0x0  }
0x14e: {  	[sflag:s26] =	ssyncadd.s32 $0xFFFFFFB0  }
0x14f: {  	[tilespmem:s21], [sflag:$0x6] =	stream.indirect.gather [hbm4b:s4+s15], $0x80, s18, s15, $0xb8;
	[tilespmem:$0x1A800] =	vst v63  }
0x150: {  	_ =	swait.ge [sflag:s22], $0x2800  }
0x151: {  	[sflag:s22] =	ssyncset.done $0x0  }
0x152: {  	[sflag:s22] =	ssyncadd.s32 $0xFFFFD800  }
0x153: {  	[spmem:s1] =	stream.indirect.scatter.add.f32 [tilespmem:s21], [sflag:$0x8], $0x80, s19, s15, $0xb8;
	[tilespmem:$0x1A800] =	vst v63  }
0x154: {  	_ =	swait.ge [sflag:s23], $0x2800  }
0x155: {  	[sflag:s23] =	ssyncset.done $0x0  }
0x156: {  	[sflag:s23] =	ssyncadd.s32 $0xFFFFD800  }
0x157: {  	_ =	swait.ge [sflag:s14], $0x50  }
0x158: {  	[sflag:s14] =	ssyncset.done $0x0  }
0x159: {  	[sflag:s14] =	ssyncadd.s32 $0xFFFFFFB0  }
0x15a: {  	_ =	swait.ge [sflag:s14], $0x50  }
0x15b: {  	[sflag:s14] =	ssyncset.done $0x0  }
0x15c: {  	[sflag:s14] =	ssyncadd.s32 $0xFFFFFFB0  }
0x15d: {  	[tilespmem:s16], [sflag:$0x5] =	stream.indirect.gather [hbm4b:s4+s15], $0x80, s2, s15, $0xb8;
	[tilespmem:$0x1A800] =	vst v63  }
0x15e: {  	_ =	swait.ge [sflag:s17], $0x2800  }
0x15f: {  	[sflag:s17] =	ssyncset.done $0x0  }
0x160: {  	[sflag:s17] =	ssyncadd.s32 $0xFFFFD800  }
0x161: {  	[spmem:s1] =	stream.indirect.scatter.add.f32 [tilespmem:s16], [sflag:$0x7], $0x80, s8, s15, $0xb8;
	[tilespmem:$0x1A800] =	vst v63  }
0x162: {  	_ =	swait.ge [sflag:s25], $0x2800  }
0x163: {  	[sflag:s25] =	ssyncset.done $0x0  }
0x164: {  	[sflag:s25] =	ssyncadd.s32 $0xFFFFD800  }
0x165: {  	_ =	swait.ge [sflag:s23], $0x2800  }
0x166: {  	[sflag:s23] =	ssyncset.done $0x0  }
0x167: {  	[sflag:s23] =	ssyncadd.s32 $0xFFFFD800  }
0x168: {  	s28 =	stileid.u32;
	[bflag:$0x0] =	sbarrier.arrive $0xFFFF  }
0x169: {  	s30 =	simm.s32 $0x9;
	s0 =	sshll.u32 s28, $0x6;
	s29 =	rddreg [dreg:$0x9]  }
0x16a: {  	s0 =	sor.u32 $0x1C09, s0;
	s31 =	rddreg [dreg:$0xa];
	s12 =	sshrl.u32 s29, $0x3  }
0x16b: {  	[hbm:s31], [sflag:s0] =	dma.local [spmem:s12], $0x2800  }
0x16c: {  	_ =	swait.ge [sflag:s30], $0x2800  }
0x16d: {  	s28 =	rddreg [dreg:$0x1b]  }
0x16e: {  	s31 =	rddreg [dreg:$0xb];
	s12 =	sadd.s32 $0x1, s28  }
0x16f: {  	p0 =	sne.s32 s12, s31  }
.Ltmp2:
0x170: {  	_ = 	snop;
	(pc) =	sbr.rel @p0 .LBB2_1-.Ltmp2, $3  }
0x171: {  	_ =	sdelay $0x1  }
0x172: {  	[sflag:s30] =	ssyncset.done $0x0  }
0x173: {  	[sflag:s30] =	ssyncadd.s32 $0xFFFFD800  }
0x174: {  	_ =	sfence.sel $0x180000  }
0x175: {  	[bflag:$0x0] =	sbarrier.arrive $0xFFFF  }
0x176: {  	_ =	strace $0x9000004D  }
0x177: {  	s0 =	stileid.u32;
	[bflag:$0x2] =	sbarrier.arrive $0xFFFF  }
0x178: {  	p0 =	sne.s32 s0, $0x0;
	s0 =	rddreg [dreg:$0x2]  }
0x179: {  	s0 =	sadd.s32 @!p0 $0x100000, s0  }
0x17a: {  	[sflag:s0] =	ssyncadd.tile.s32 @!p0 $0x1;
	_ =	shalt  }
.Lfunc_end2:
_tile_overlayer_lowered:
.L_overlay_start_2:
0x17b: {  	(tag) =	ssettag $0x2  }
0x17c: {  	s0 =	rddreg [dreg:$0x0];
	s2 =	stileid.u32  }
0x17d: {  	s1 =	rddreg [dreg:$0x1];
	p0 =	sne.s32 s2, $0x0  }
0x17e: {  	s3 =	rddreg [dreg:$0x2];
	[bflag:$0x3] =	sbarrier.arrive $0xFFFF;
	s2 =	simm.s32 @!p0 $0x1C09  }
0x17f: {  	[timem:s3], [sflag:s2] =	dma.local @!p0 [hbm:s0], s1  }
0x180: {  	s0 =	simm.s32 @!p0 $0x9  }
0x181: {  	_ =	swait.ge @!p0 [sflag:s0], s1  }
0x182: {  	s1 =	ssub.s32 @!p0 $0x0, s1;
	[sflag:s0] =	ssyncset.done @!p0 $0x0  }
0x183: {  	[sflag:s0] =	ssyncadd.s32 @!p0 s1  }
0x184: {  	[bflag:$0x3] =	sbarrier.arrive $0xFFFF  }
0x185: {  	_ =	shalt  }

// kernel: kernel.21.cloned.1.call-start
scs
__scs_entry_jumppad:
0x0: {  	(pc) =	sbr.rel $0x88, $3  }
0x1: {  	(tag) =	ssettag $0x0;
	lr =	simm.s32 $0x1  }
0x2: {  	[smem:$0x3F8F] =	sst lr;
	_ =	strace $0xD0000000  }
0x3: {  	_ = 	snop  }
0x4: {  	_ = 	snop  }
0x5: {  	_ = 	snop  }
0x6: {  	_ = 	snop  }
0x7: {  	_ = 	snop  }
__scs_overlays_trampoline_lowered:
0x8: {  	[smem:$0x3F9E] =	sst s0  }
0x9: {  	[smem:$0x3F9F] =	sst s1  }
0xa: {  	[smem:$0x3FA0] =	sst s2  }
0xb: {  	[smem:$0x3FA1] =	sst s3  }
0xc: {  	[smem:$0x3FA2] =	sst s4  }
0xd: {  	[smem:$0x3FA3] =	sst s5  }
0xe: {  	[smem:$0x3FA4] =	sst s6  }
0xf: {  	[smem:$0x3FA5] =	sst s7  }
0x10: {  	[smem:$0x3FA6] =	sst s8  }
0x11: {  	[smem:$0x3FA7] =	sst s9;
	s0 =	simm.s32 @!p0 $0x0  }
0x12: {  	s1 =	sld [smem:$0x3F8D];
	s0 =	simm.s32 @p0 $0x1  }
0x13: {  	[smem:$0x3FA8] =	sst s0;
	s0 =	simm.s32 @!p1 $0x0  }
0x14: {  	s2 =	sld [smem:$0x3F8C];
	s0 =	simm.s32 @p1 $0x1  }
0x15: {  	[smem:$0x3FA9] =	sst s0;
	s0 =	simm.s32 @!p2 $0x0  }
0x16: {  	s3 =	sld [smem:$0x3FDB];
	s0 =	simm.s32 @p2 $0x1  }
0x17: {  	s4 =	simm.s32 $0x1BF5;
	[smem:$0x3FAB] =	sst s0  }
0x18: {  	s0 =	sld [smem:$0x3F8E];
	_ =	swait.ge [sflag:s4], $0x0  }
0x19: {  	s7 =	sld [smem:$0x3F8F]  }
0x1a: {  	s8 =	sadd.s32 $0xFFFFE003, lr  }
0x1b: {  	s9 =	sadd.s32 $0xFFFFFEF7, lr;
	s5 =	simm.s32 $0xFFFFFFFF;
	p2 =	slt.u32 s8, $0xFFFFF086  }
0x1c: {  	p1 =	slt.u32 s9, $0xF7A;
	s5 =	simm.s32 @!p2 $0x0  }
0x1d: {  	s5 =	simm.s32 @p1 $0x1;
	p0 =	seq.s32 s7, s2  }
0x1e: {  	s7 =	smul.u32 @!p0 $0xF7A, s2;
	p2 =	seq.s32 @!p0 s5, $0x0  }
0x1f: {  	s9 =	smul.u32 $0xF7A, s1;
	s8 =	simm.s32 @!p0 $0x1BF5;
	p2 =	por !p2, p0  }
0x20: {  	[sflag:s8] =	ssyncset.s32 @!p0 $0xFFFFF086;
	s6 =	sadd.s32 @!p0 s3, s7;
	s7 =	simm.s32 @!p0 $0x108  }
0x21: {  	s3 =	sadd.s32 s3, s9;
	s6 =	sadd.s32 @!p0 $0x88, s6;
	s7 =	simm.s32 @p2 $0x1082  }
0x22: {  	[simem:s7], [sflag:s8] =	dma.local @!p0 [hbm:s6], $0xF7A  }
0x23: {  	s9 =	sor.u32 $0xD0000000, s2;
	s6 =	simm.s32 $0x108;
	_ =	swait.ge @!p0 [sflag:s8], $0x0  }
0x24: {  	s3 =	sadd.s32 $0x88, s3;
	s6 =	simm.s32 @!p1 $0x1082;
	[sflag:s4] =	ssyncset.s32 $0xFFFFF086  }
0x25: {  	[simem:s6], [sflag:s4] =	dma.local [hbm:s3], $0xF7A  }
0x26: {  	[smem:$0x3F8F] =	sst s1;
	(tag) =	ssettag s2;
	_ =	strace s9  }
0x27: {  	s1 =	sld [smem:$0x3F9F]  }
0x28: {  	s2 =	sld [smem:$0x3FA0]  }
0x29: {  	s4 =	sld [smem:$0x3FA2]  }
0x2a: {  	p0 =	seq.s32 s5, $0x0;
	s5 =	sld [smem:$0x3FA3]  }
0x2b: {  	s6 =	sld [smem:$0x3FA4]  }
0x2c: {  	s7 =	sld [smem:$0x3FA5]  }
0x2d: {  	s3 =	simm.s32 $0x108;
	s8 =	sld [smem:$0x3FA6]  }
0x2e: {  	s3 =	simm.s32 @!p0 $0x1082;
	s9 =	sld [smem:$0x3FA7]  }
0x2f: {  	lr =	sadd.s32 s0, s3;
	s0 =	sld [smem:$0x3F9E]  }
0x30: {  	s3 =	sld [smem:$0x3FA1]  }
0x31: {  	[smem:$0x3FAA] =	sst s10  }
0x32: {  	s10 =	sld [smem:$0x3FA8];
	_ =	sdelay $0x3  }
0x33: {  	p0 =	seq.s32 s10, $0x1;
	s10 =	sld [smem:$0x3FAA];
	_ =	sdelay $0x3  }
0x34: {  	[smem:$0x3FAA] =	sst s10  }
0x35: {  	s10 =	sld [smem:$0x3FA9];
	_ =	sdelay $0x3  }
0x36: {  	p1 =	seq.s32 s10, $0x1;
	s10 =	sld [smem:$0x3FAA];
	_ =	sdelay $0x3  }
0x37: {  	[smem:$0x3FAA] =	sst s10  }
0x38: {  	s10 =	sld [smem:$0x3FAB]  }
0x39: {  	_ = 	snop;
	(pc) =	sbr.ind lr, $3  }
0x3a: {  	_ = 	snop  }
0x3b: {  	_ = 	snop  }
0x3c: {  	p2 =	seq.s32 s10, $0x1;
	s10 =	sld [smem:$0x3FAA]  }
0x3d: {  	_ =	shalt  }
0x3e: {  	_ =	shalt  }
0x3f: {  	_ =	shalt  }
0x40: {  	_ =	shalt  }
0x41: {  	_ =	shalt  }
0x42: {  	_ =	shalt  }
0x43: {  	_ =	shalt  }
0x44: {  	_ =	shalt  }
0x45: {  	_ =	shalt  }
0x46: {  	_ =	shalt  }
0x47: {  	_ =	shalt  }
0x48: {  	_ =	shalt  }
0x49: {  	_ =	shalt  }
0x4a: {  	_ =	shalt  }
0x4b: {  	_ =	shalt  }
0x4c: {  	_ =	shalt  }
0x4d: {  	_ =	shalt  }
0x4e: {  	_ =	shalt  }
0x4f: {  	_ =	shalt  }
0x50: {  	_ =	shalt  }
0x51: {  	_ =	shalt  }
0x52: {  	_ =	shalt  }
0x53: {  	_ =	shalt  }
0x54: {  	_ =	shalt  }
0x55: {  	_ =	shalt  }
0x56: {  	_ =	shalt  }
0x57: {  	_ =	shalt  }
0x58: {  	_ =	shalt  }
0x59: {  	_ =	shalt  }
0x5a: {  	_ =	shalt  }
0x5b: {  	_ =	shalt  }
0x5c: {  	_ =	shalt  }
0x5d: {  	_ =	shalt  }
0x5e: {  	_ =	shalt  }
0x5f: {  	_ =	shalt  }
0x60: {  	_ =	shalt  }
0x61: {  	_ =	shalt  }
0x62: {  	_ =	shalt  }
0x63: {  	_ =	shalt  }
0x64: {  	_ =	shalt  }
0x65: {  	_ =	shalt  }
0x66: {  	_ =	shalt  }
0x67: {  	_ =	shalt  }
0x68: {  	_ =	shalt  }
0x69: {  	_ =	shalt  }
0x6a: {  	_ =	shalt  }
0x6b: {  	_ =	shalt  }
0x6c: {  	_ =	shalt  }
0x6d: {  	_ =	shalt  }
0x6e: {  	_ =	shalt  }
0x6f: {  	_ =	shalt  }
0x70: {  	_ =	shalt  }
0x71: {  	_ =	shalt  }
0x72: {  	_ =	shalt  }
0x73: {  	_ =	shalt  }
0x74: {  	_ =	shalt  }
0x75: {  	_ =	shalt  }
0x76: {  	_ =	shalt  }
0x77: {  	_ =	shalt  }
0x78: {  	_ =	shalt  }
0x79: {  	_ =	shalt  }
0x7a: {  	_ =	shalt  }
0x7b: {  	_ =	shalt  }
0x7c: {  	_ =	shalt  }
0x7d: {  	_ =	shalt  }
0x7e: {  	_ =	shalt  }
0x7f: {  	_ =	shalt  }
0x80: {  	_ =	shalt  }
0x81: {  	_ =	shalt  }
0x82: {  	_ =	shalt  }
0x83: {  	_ =	shalt  }
0x84: {  	_ =	shalt  }
0x85: {  	_ =	shalt  }
0x86: {  	_ =	shalt  }
0x87: {  	_ =	shalt  }
.Lfunc_end0:
.L_simem_size_0:
called_computation.3_lowered:
.L_overlay_start_0:
0x88: {  	s2 =	sld [smem:$0x3FD9]  }
0x89: {  	s3 =	sld [smem:$0x3FFE];
	_ =	sdelay $0x1  }
0x8a: {  	s1 =	srdreg.scid  }
0x8b: {  	s0 =	sand.u32 $0x1, s1  }
0x8c: {  	s16 =	sshll.u32 s0, $0xA;
	s2 =	sadd.s32 s3, s2  }
0x8d: {  	s2 =	sadd.s32 s2, s16  }
0x8e: {  	[smem:$0x3FB6] =	sst s2  }
0x8f: {  	_ = 	snop  }
0x90: {  	(tm) =	ssettm $0x1  }
0x91: {  	s17 =	sld [smem:$0x3FFB];
	_ =	sdelay $0x3  }
0x92: {  	_ =	strace s17  }
0x93: {  	s2 =	sld [smem:$0x3FFC];
	_ =	sdelay $0x3  }
0x94: {  	_ =	strace s2  }
0x95: {  	s2 =	sld [smem:$0x3FFD];
	_ =	sdelay $0x3  }
0x96: {  	_ =	strace s2  }
0x97: {  	_ =	strace $0x8FFFFFFF  }
0x98: {  	s18 =	sld [smem:$0x3FDB];
	_ =	sdelay $0x1  }
0x99: {  	s19 =	simm.s32 $_scs_section_size  }
0x9a: {  	s4 =	simm.s32 $_size__tile_overlayer_lowered;
	s5 =	simm.s32 $_tile_overlayer_lowered  }
0x9b: {  	s22 =	simm.s32 $0x1BFF;
	s21 =	sshll.u32 s5, $0x1;
	s2 =	sadd.s32 s19, s18  }
0x9c: {  	s6 =	simm.s32 $0x0;
	s20 =	sshll.u32 s4, $0x1;
	s4 =	sadd.s32 s21, s2  }
0x9d: {  	[timem:s6], [sflag:s22] =	dma.local [hbm:s4], s20  }
0x9e: {  	_ =	swait.ge [sflag:s22], s20  }
0x9f: {  	s3 =	ssub.s32 $0x0, s20;
	[sflag:s22] =	ssyncset.done $0x0  }
0xa0: {  	[sflag:s22] =	ssyncadd.s32 s3;
	_ =	sdelay $0x1  }
0xa1: {  	s23 =	simm.s32 $0x1B8B  }
0xa2: {  	_ =	swait.ge [sflag:s23], $0x1  }
0xa3: {  	[sflag:s23] =	ssyncset.done $0x0  }
0xa4: {  	s25 =	simm.s32 $0x1B8E;
	s24 =	sld [smem:$0x3FFE];
	[sflag:s23] =	ssyncadd.s32 $0xFFFFFFFF  }
0xa5: {  	s26 =	simm.s32 $execute0_lowered;
	[smem:$0x3FD2] =	sst s25  }
0xa6: {  	s4 =	sshll.u32 s26, $0x1;
	_ =	strace $0x8000004F;
	[dreg:$0x1] =	wrdreg $0xFFFFFFFF  }
0xa7: {  	s28 =	simm.s32 $_size_execute0_lowered;
	s2 =	sadd.s32 s2, s4;
	[dreg:$0x0] =	wrdreg $0x0  }
0xa8: {  	s4 =	sshll.u32 s28, $0x1;
	[dreg:$0x2] =	wrdreg s2  }
0xa9: {  	[dreg:$0x3] =	wrdreg s4  }
0xaa: {  	[dreg:$0x4] =	wrdreg $0xC0  }
0xab: {  	_ =	task [dreg:s6], $0x5FFFF  }
0xac: {  	[dreg:$0x1] =	wrdreg $0xFFFFFFFF  }
0xad: {  	[dreg:$0x0] =	wrdreg $0x60  }
0xae: {  	[dreg:$0x2] =	wrdreg s24  }
0xaf: {  	[dreg:$0x3] =	wrdreg $0x0  }
0xb0: {  	[dreg:$0x4] =	wrdreg $0x9  }
0xb1: {  	_ =	task.clear_ibuf [dreg:s6], $0x5FFFF;
	_ =	strace $0x9000004F  }
0xb2: {  	s29 =	simm.s32 $0x9;
	_ =	strace $0x80000051  }
0xb3: {  	_ =	swait.ge [sflag:s29], $0x1  }
0xb4: {  	[sflag:s29] =	ssyncadd.s32 $0xFFFFFFFF  }
0xb5: {  	_ =	strace $0x90000051  }
0xb6: {  	_ =	sfence  }
0xb7: {  	s30 =	sld [smem:$0x0];
	_ =	sdelay $0x2  }
0xb8: {  	s31 =	sshll.u32 s1, $0xD;
	s1 =	sshrl.u32 s1, $0x2  }
0xb9: {  	s3 =	sand.u32 $0x4000, s31;
	s1 =	sadd.s32 s1, s30  }
0xba: {  	s0 =	sor.u32 s3, s0;
	s1 =	sshll.u32 s1, $0x11  }
0xbb: {  	s0 =	sor.u32 s1, s0  }
0xbc: {  	s0 =	sadd.s32 $0x8F2B, s0  }
0xbd: {  	[sflag:s0] =	ssyncadd.remote.s32 $0x1  }
0xbe: {  	_ =	sfence.sel $0xFFFF  }
0xbf: {  	[dreg:$0x0] =	wrdreg $0xFFFFFFFF;
	(pc) =	sbr.abs _section_cstart, $3  }
0xc0: {  	[dreg:$0x1] =	wrdreg $0xFFFFFFFF  }
0xc1: {  	_ =	task.clear_ibuf [dreg:s6], $0x2FFFF;
	_ =	strace $0x9FFFFFFF  }
0xc2: {  	(tm) =	ssettm $0x7FFFFFFF  }
0xc3: {  	_ =	shalt  }
tec
execute0_lowered:
.L_overlay_start_1:
0x0: {  	(tag) =	ssettag $0x1  }
0x1: {  	s0 =	rddreg [dreg:$0x0]  }
0x2: {  	s1 =	rddreg [dreg:$0x1]  }
0x3: {  	s3 =	simm.s32 $0x0;
	s2 =	srdreg.scid;
	s10 =	stileid.u32  }
0x4: {  	s30 =	simm.s32 $0x9;
	[smem:$0x7FF] =	sst s3;
	s7 =	smul.u32 $0x14000, s10  }
0x5: {  	s2 =	sand.u32 $0x1, s2;
	s8 =	sshll.u32 s10, $0x1;
	s10 =	smul.u32 $0x50000, s10  }
0x6: {  	s6 =	smul.u32 $0x140000, s2;
	s8 =	sor.u32 s2, s8;
	s2 =	ssub.s32 $0x2, s2  }
0x7: {  	s4 =	sadd.s32 $0x17C00, s0;
	s24 =	sshrl.u32 s2, $0x1;
	s10 =	sshrl.u32 s10, $0x2  }
0x8: {  	s5 =	sadd.s32 $0xDE00, s0;
	s2 =	ssub.s32 s2, s24;
	s29 =	sadd.s32 s10, s1  }
0x9: {  	_ =	strace $0x80000050;
	s13 =	smax.u32 s2, $0x1;
	[dreg:$0x9] =	wrdreg s29  }
0xa: {  	s9 =	sadd.s32 s7, s6;
	s14 =	sadd.s32 $0x1400, s29;
	[dreg:$0xb] =	wrdreg s13  }
0xb: {  	s6 =	smul.u32 $0x2710, s8;
	s15 =	sadd.s32 $0x2800, s29;
	[dreg:$0xc] =	wrdreg s14  }
0xc: {  	s7 =	sadd.s32 $0x4000, s0;
	s16 =	sadd.s32 $0x3C00, s29;
	[dreg:$0xd] =	wrdreg s15  }
0xd: {  	s10 =	simm.s32 $0x15680;
	s17 =	sadd.s32 $0x5000, s29;
	[dreg:$0xe] =	wrdreg s16  }
0xe: {  	s23 =	sshrl.u32 s9, $0x3;
	s18 =	sadd.s32 $0x6400, s29;
	[dreg:$0xf] =	wrdreg s17  }
0xf: {  	s19 =	sadd.s32 $0x7800, s29;
	s20 =	sadd.s32 $0x8C00, s29;
	[dreg:$0x10] =	wrdreg s18  }
0x10: {  	s21 =	sadd.s32 $0xA000, s29;
	s22 =	sadd.s32 $0xB400, s29;
	[dreg:$0x11] =	wrdreg s19  }
0x11: {  	s24 =	sadd.s32 $0xDC00, s29;
	s2 =	simm.s32 $0x15400;
	[dreg:$0x12] =	wrdreg s20  }
0x12: {  	s0 =	sadd.s32 s23, s0;
	s25 =	sshrl.u32 s6, $0x3;
	[dreg:$0x13] =	wrdreg s21  }
0x13: {  	s11 =	sadd.s32 $0x140, s6;
	s12 =	sadd.s32 $0x190, s6;
	[dreg:$0x14] =	wrdreg s22  }
0x14: {  	s23 =	sadd.s32 $0xC800, s29;
	[dreg:$0x16] =	wrdreg s24;
	s13 =	simm.s32 $0x15700  }
0x15: {  	s14 =	simm.s32 $0x1;
	s15 =	simm.s32 $0x50;
	s16 =	simm.s32 $0x15800  }
0x16: {  	s17 =	simm.s32 $0x5;
	s18 =	simm.s32 $0x15580;
	[dreg:$0x3] =	wrdreg s11  }
0x17: {  	s19 =	simm.s32 $0x15780;
	s20 =	simm.s32 $0x2;
	[dreg:$0x4] =	wrdreg s12  }
0x18: {  	s21 =	simm.s32 $0x18000;
	s26 =	sadd.s32 s5, s25;
	[dreg:$0x15] =	wrdreg s23  }
0x19: {  	s22 =	simm.s32 $0x6;
	s8 =	sadd.s32 s7, s25;
	[dreg:$0x5] =	wrdreg s26  }
0x1a: {  	s24 =	simm.s32 $0x3;
	s0 =	sadd.s32 $0x3FC00, s0;
	[dreg:$0x6] =	wrdreg s8  }
0x1b: {  	s28 =	sadd.s32 $0xA, s25;
	s25 =	sadd.s32 $0xF000, s29;
	[dreg:$0xa] =	wrdreg s0  }
0x1c: {  	s11 =	simm.s32 $0x15500;
	s31 =	sadd.s32 s5, s28;
	[dreg:$0x17] =	wrdreg s25  }
0x1d: {  	s23 =	simm.s32 $0x7;
	s9 =	sadd.s32 s7, s28;
	[dreg:$0x7] =	wrdreg s31  }
0x1e: {  	s12 =	simm.s32 $0x0;
	s26 =	sadd.s32 $0x10400, s29;
	[dreg:$0x8] =	wrdreg s9  }
0x1f: {  	s28 =	sadd.s32 $0x11800, s29;
	s8 =	simm.s32 $0x15600;
	[dreg:$0x18] =	wrdreg s26  }
0x20: {  	s25 =	simm.s32 $0x8;
	[dreg:$0x19] =	wrdreg s28;
	s31 =	sadd.s32 $0x12C00, s29  }
0x21: {  	v0 =	vimm.f32 $0.0e+00;
	s9 =	simm.s32 $0x15480;
	s26 =	simm.s32 $0x4;
	[dreg:$0x1a] =	wrdreg s31  }
.LBB2_1:
0x22: {  	[dreg:$0x1b] =	wrdreg s12;
	s12 =	simm.s32 $0x70;
	s28 =	simm.s32 $0x3C0  }
.LBB2_2:
0x23: {  	p0 =	sne.s32 s28, $0x4FC0;
	[tilespmem:s12+$0x14000] =	vst v0  }
0x24: {  	[tilespmem:s12+$0x13F90] =	vst v0  }
0x25: {  	[tilespmem:s12+$0x13FA0] =	vst v0  }
.Ltmp0:
0x26: {  	[tilespmem:s12+$0x13FB0] =	vst v0;
	(pc) =	sbr.rel @p0 .LBB2_2-.Ltmp0, $4  }
0x27: {  	[tilespmem:s12+$0x13FC0] =	vst v0  }
0x28: {  	[tilespmem:s12+$0x13FD0] =	vst v0  }
0x29: {  	[tilespmem:s12+$0x13FE0] =	vst v0  }
0x2a: {  	[tilespmem:s12+$0x13FF0] =	vst v0;
	s12 =	sshra.s32 s28, $0x2;
	s28 =	sadd.s32 $0x200, s28  }
0x2b: {  	[tilespmem:s12+$0x14000] =	vst v0  }
0x2c: {  	[tilespmem:s12+$0x13F90] =	vst v0  }
0x2d: {  	[tilespmem:s12+$0x13FA0] =	vst v0  }
0x2e: {  	[tilespmem:s12+$0x13FB0] =	vst v0  }
0x2f: {  	[tilespmem:s12+$0x13FC0] =	vst v0  }
0x30: {  	[tilespmem:s12+$0x13FD0] =	vst v0  }
0x31: {  	[tilespmem:s12+$0x13FE0] =	vst v0  }
0x32: {  	[tilespmem:s12+$0x13FF0] =	vst v0;
	s12 =	simm.s32 $0x14000  }
0x33: {  	[spmem:s29] =	stream.linear.scatter [tilespmem:s12], [sflag:$0x9], $0x1400, $0x38;
	[tilespmem:$0x1A800] =	vst v63  }
0x34: {  	_ =	swait.ge [sflag:s30], $0x1400  }
0x35: {  	[sflag:s30] =	ssyncset.done $0x0  }
0x36: {  	s0 =	rddreg [dreg:$0xc];
	[sflag:s30] =	ssyncadd.s32 $0xFFFFEC00  }
0x37: {  	[spmem:s0] =	stream.linear.scatter [tilespmem:s12], [sflag:$0x9], $0x1400, $0x38;
	[tilespmem:$0x1A800] =	vst v63  }
0x38: {  	_ =	swait.ge [sflag:s30], $0x1400  }
0x39: {  	[sflag:s30] =	ssyncset.done $0x0  }
0x3a: {  	s0 =	rddreg [dreg:$0xd];
	[sflag:s30] =	ssyncadd.s32 $0xFFFFEC00  }
0x3b: {  	[spmem:s0] =	stream.linear.scatter [tilespmem:s12], [sflag:$0x9], $0x1400, $0x38;
	[tilespmem:$0x1A800] =	vst v63  }
0x3c: {  	_ =	swait.ge [sflag:s30], $0x1400  }
0x3d: {  	[sflag:s30] =	ssyncset.done $0x0  }
0x3e: {  	s0 =	rddreg [dreg:$0xe];
	[sflag:s30] =	ssyncadd.s32 $0xFFFFEC00  }
0x3f: {  	[spmem:s0] =	stream.linear.scatter [tilespmem:s12], [sflag:$0x9], $0x1400, $0x38;
	[tilespmem:$0x1A800] =	vst v63  }
0x40: {  	_ =	swait.ge [sflag:s30], $0x1400  }
0x41: {  	[sflag:s30] =	ssyncset.done $0x0  }
0x42: {  	s0 =	rddreg [dreg:$0xf];
	[sflag:s30] =	ssyncadd.s32 $0xFFFFEC00  }
0x43: {  	[spmem:s0] =	stream.linear.scatter [tilespmem:s12], [sflag:$0x9], $0x1400, $0x38;
	[tilespmem:$0x1A800] =	vst v63  }
0x44: {  	_ =	swait.ge [sflag:s30], $0x1400  }
0x45: {  	[sflag:s30] =	ssyncset.done $0x0  }
0x46: {  	s0 =	rddreg [dreg:$0x10];
	[sflag:s30] =	ssyncadd.s32 $0xFFFFEC00  }
0x47: {  	[spmem:s0] =	stream.linear.scatter [tilespmem:s12], [sflag:$0x9], $0x1400, $0x38;
	[tilespmem:$0x1A800] =	vst v63  }
0x48: {  	_ =	swait.ge [sflag:s30], $0x1400  }
0x49: {  	[sflag:s30] =	ssyncset.done $0x0  }
0x4a: {  	s0 =	rddreg [dreg:$0x11];
	[sflag:s30] =	ssyncadd.s32 $0xFFFFEC00  }
0x4b: {  	[spmem:s0] =	stream.linear.scatter [tilespmem:s12], [sflag:$0x9], $0x1400, $0x38;
	[tilespmem:$0x1A800] =	vst v63  }
0x4c: {  	_ =	swait.ge [sflag:s30], $0x1400  }
0x4d: {  	[sflag:s30] =	ssyncset.done $0x0  }
0x4e: {  	s0 =	rddreg [dreg:$0x12];
	[sflag:s30] =	ssyncadd.s32 $0xFFFFEC00  }
0x4f: {  	[spmem:s0] =	stream.linear.scatter [tilespmem:s12], [sflag:$0x9], $0x1400, $0x38;
	[tilespmem:$0x1A800] =	vst v63  }
0x50: {  	_ =	swait.ge [sflag:s30], $0x1400  }
0x51: {  	[sflag:s30] =	ssyncset.done $0x0  }
0x52: {  	s0 =	rddreg [dreg:$0x13];
	[sflag:s30] =	ssyncadd.s32 $0xFFFFEC00  }
0x53: {  	[spmem:s0] =	stream.linear.scatter [tilespmem:s12], [sflag:$0x9], $0x1400, $0x38;
	[tilespmem:$0x1A800] =	vst v63  }
0x54: {  	_ =	swait.ge [sflag:s30], $0x1400  }
0x55: {  	[sflag:s30] =	ssyncset.done $0x0  }
0x56: {  	s0 =	rddreg [dreg:$0x14];
	[sflag:s30] =	ssyncadd.s32 $0xFFFFEC00  }
0x57: {  	[spmem:s0] =	stream.linear.scatter [tilespmem:s12], [sflag:$0x9], $0x1400, $0x38;
	[tilespmem:$0x1A800] =	vst v63  }
0x58: {  	_ =	swait.ge [sflag:s30], $0x1400  }
0x59: {  	[sflag:s30] =	ssyncset.done $0x0  }
0x5a: {  	s0 =	rddreg [dreg:$0x15];
	[sflag:s30] =	ssyncadd.s32 $0xFFFFEC00  }
0x5b: {  	[spmem:s0] =	stream.linear.scatter [tilespmem:s12], [sflag:$0x9], $0x1400, $0x38;
	[tilespmem:$0x1A800] =	vst v63  }
0x5c: {  	_ =	swait.ge [sflag:s30], $0x1400  }
0x5d: {  	[sflag:s30] =	ssyncset.done $0x0  }
0x5e: {  	s0 =	rddreg [dreg:$0x16];
	[sflag:s30] =	ssyncadd.s32 $0xFFFFEC00  }
0x5f: {  	[spmem:s0] =	stream.linear.scatter [tilespmem:s12], [sflag:$0x9], $0x1400, $0x38;
	[tilespmem:$0x1A800] =	vst v63  }
0x60: {  	_ =	swait.ge [sflag:s30], $0x1400  }
0x61: {  	[sflag:s30] =	ssyncset.done $0x0  }
0x62: {  	s0 =	rddreg [dreg:$0x17];
	[sflag:s30] =	ssyncadd.s32 $0xFFFFEC00  }
0x63: {  	[spmem:s0] =	stream.linear.scatter [tilespmem:s12], [sflag:$0x9], $0x1400, $0x38;
	[tilespmem:$0x1A800] =	vst v63  }
0x64: {  	_ =	swait.ge [sflag:s30], $0x1400  }
0x65: {  	[sflag:s30] =	ssyncset.done $0x0  }
0x66: {  	s0 =	rddreg [dreg:$0x18];
	[sflag:s30] =	ssyncadd.s32 $0xFFFFEC00  }
0x67: {  	[spmem:s0] =	stream.linear.scatter [tilespmem:s12], [sflag:$0x9], $0x1400, $0x38;
	[tilespmem:$0x1A800] =	vst v63  }
0x68: {  	_ =	swait.ge [sflag:s30], $0x1400  }
0x69: {  	[sflag:s30] =	ssyncset.done $0x0  }
0x6a: {  	s0 =	rddreg [dreg:$0x19];
	[sflag:s30] =	ssyncadd.s32 $0xFFFFEC00  }
0x6b: {  	[spmem:s0] =	stream.linear.scatter [tilespmem:s12], [sflag:$0x9], $0x1400, $0x38;
	[tilespmem:$0x1A800] =	vst v63  }
0x6c: {  	_ =	swait.ge [sflag:s30], $0x1400  }
0x6d: {  	[sflag:s30] =	ssyncset.done $0x0  }
0x6e: {  	s0 =	rddreg [dreg:$0x1a];
	[sflag:s30] =	ssyncadd.s32 $0xFFFFEC00  }
0x6f: {  	[spmem:s0] =	stream.linear.scatter [tilespmem:s12], [sflag:$0x9], $0x1400, $0x38;
	[tilespmem:$0x1A800] =	vst v63  }
0x70: {  	_ =	swait.ge [sflag:s30], $0x1400  }
0x71: {  	[sflag:s30] =	ssyncset.done $0x0  }
0x72: {  	[sflag:s30] =	ssyncadd.s32 $0xFFFFEC00  }
0x73: {  	[bflag:$0x0] =	sbarrier.arrive $0xFFFF  }
0x74: {  	s12 =	simm.s32 $0x0;
	s0 =	rddreg [dreg:$0x5]  }
0x75: {  	[tilespmem:s2], [sflag:$0x1] =	stream.linear.gather [hbm4b:s0+s12], $0x50, $0x38;
	[tilespmem:$0x1A800] =	vst v63  }
0x76: {  	p0 =	por $0x1, $0x1;
	s0 =	rddreg [dreg:$0x6]  }
0x77: {  	[tilespmem:s8], [sflag:$0x1] =	stream.linear.gather [hbm4b:s0+s12], $0x50, $0x38;
	[tilespmem:$0x1A800] =	vst v63  }
0x78: {  	s28 =	simm.s32 @!p0 $0xA0;
	s0 =	rddreg [dreg:$0x7]  }
0x79: {  	[tilespmem:s9], [sflag:$0x2] =	stream.linear.gather [hbm4b:s0+s12], $0x50, $0x38;
	[tilespmem:$0x1A800] =	vst v63  }
0x7a: {  	s29 =	simm.s32 @!p0 $0x7;
	s28 =	simm.s32 @p0 $0xA0;
	s0 =	rddreg [dreg:$0x8]  }
0x7b: {  	[tilespmem:s10], [sflag:$0x2] =	stream.linear.gather [hbm4b:s0+s12], $0x50, $0x38;
	[tilespmem:$0x1A800] =	vst v63  }
0x7c: {  	s28 =	sadd.s32 s6, s28;
	_ =	swait.ge @!p0 [sflag:s29], $0x2800  }
0x7d: {  	s28 =	sshrl.u32 s28, $0x3;
	[sflag:s29] =	ssyncset.done @!p0 $0x0  }
0x7e: {  	[sflag:s29] =	ssyncadd.s32 @!p0 $0xFFFFD800;
	s29 =	sadd.s32 s5, s28  }
0x7f: {  	[tilespmem:s11], [sflag:$0x3] =	stream.linear.gather [hbm4b:s29+s3], $0x50, $0x38;
	[tilespmem:$0x1A800] =	vst v63  }
0x80: {  	s28 =	sadd.s32 s7, s28  }
0x81: {  	[tilespmem:s13], [sflag:$0x3] =	stream.linear.gather [hbm4b:s28+s3], $0x50, $0x38;
	[tilespmem:$0x1A800] =	vst v63  }
0x82: {  	_ =	swait.ge [sflag:s14], $0x50  }
0x83: {  	[sflag:s14] =	ssyncset.done $0x0  }
0x84: {  	[sflag:s14] =	ssyncadd.s32 $0xFFFFFFB0  }
0x85: {  	_ =	swait.ge [sflag:s14], $0x50  }
0x86: {  	[sflag:s14] =	ssyncset.done $0x0  }
0x87: {  	[sflag:s14] =	ssyncadd.s32 $0xFFFFFFB0  }
0x88: {  	[tilespmem:s16], [sflag:$0x5] =	stream.indirect.gather [hbm4b:s4+s15], $0x80, s2, s15, $0xb8;
	[tilespmem:$0x1A800] =	vst v63  }
0x89: {  	_ =	swait.ge [sflag:s17], $0x2800  }
0x8a: {  	s28 =	simm.s32 @!p0 $0xF0;
	[sflag:s17] =	ssyncset.done $0x0  }
0x8b: {  	s29 =	simm.s32 @!p0 $0x8;
	s28 =	simm.s32 @p0 $0xF0;
	[sflag:s17] =	ssyncadd.s32 $0xFFFFD800  }
0x8c: {  	[spmem:s1] =	stream.indirect.scatter.add.f32 [tilespmem:s16], [sflag:$0x7], $0x80, s8, s15, $0xb8;
	[tilespmem:$0x1A800] =	vst v63  }
0x8d: {  	s28 =	sadd.s32 s6, s28;
	_ =	swait.ge @!p0 [sflag:s29], $0x2800  }
0x8e: {  	s28 =	sshrl.u32 s28, $0x3;
	[sflag:s29] =	ssyncset.done @!p0 $0x0  }
0x8f: {  	[sflag:s29] =	ssyncadd.s32 @!p0 $0xFFFFD800;
	s29 =	sadd.s32 s5, s28  }
0x90: {  	[tilespmem:s18], [sflag:$0x4] =	stream.linear.gather [hbm4b:s29+s3], $0x50, $0x38;
	[tilespmem:$0x1A800] =	vst v63  }
0x91: {  	s28 =	sadd.s32 s7, s28  }
0x92: {  	[tilespmem:s19], [sflag:$0x4] =	stream.linear.gather [hbm4b:s28+s3], $0x50, $0x38;
	[tilespmem:$0x1A800] =	vst v63  }
0x93: {  	_ =	swait.ge [sflag:s20], $0x50  }
0x94: {  	[sflag:s20] =	ssyncset.done $0x0  }
0x95: {  	[sflag:s20] =	ssyncadd.s32 $0xFFFFFFB0  }
0x96: {  	_ =	swait.ge [sflag:s20], $0x50  }
0x97: {  	[sflag:s20] =	ssyncset.done $0x0  }
0x98: {  	[sflag:s20] =	ssyncadd.s32 $0xFFFFFFB0  }
0x99: {  	[tilespmem:s21], [sflag:$0x6] =	stream.indirect.gather [hbm4b:s4+s15], $0x80, s9, s15, $0xb8;
	[tilespmem:$0x1A800] =	vst v63  }
0x9a: {  	_ =	swait.ge [sflag:s22], $0x2800  }
0x9b: {  	[sflag:s22] =	ssyncset.done $0x0  }
0x9c: {  	[sflag:s22] =	ssyncadd.s32 $0xFFFFD800  }
0x9d: {  	[spmem:s1] =	stream.indirect.scatter.add.f32 [tilespmem:s21], [sflag:$0x8], $0x80, s10, s15, $0xb8;
	[tilespmem:$0x1A800] =	vst v63  }
0x9e: {  	_ =	swait.ge [sflag:s23], $0x2800  }
0x9f: {  	s12 =	simm.s32 @p0 $0x0;
	s28 =	rddreg [dreg:$0x3]  }
0xa0: {  	s28 =	sadd.s32 s12, s28  }
0xa1: {  	[sflag:s23] =	ssyncset.done $0x0;
	s28 =	sshrl.u32 s28, $0x3  }
0xa2: {  	[sflag:s23] =	ssyncadd.s32 $0xFFFFD800;
	s29 =	sadd.s32 s5, s28  }
0xa3: {  	[tilespmem:s2], [sflag:$0x1] =	stream.linear.gather [hbm4b:s29+s3], $0x50, $0x38;
	[tilespmem:$0x1A800] =	vst v63  }
0xa4: {  	s28 =	sadd.s32 s7, s28  }
0xa5: {  	[tilespmem:s8], [sflag:$0x1] =	stream.linear.gather [hbm4b:s28+s3], $0x50, $0x38;
	[tilespmem:$0x1A800] =	vst v63  }
0xa6: {  	_ =	swait.ge [sflag:s24], $0x50  }
0xa7: {  	[sflag:s24] =	ssyncset.done $0x0  }
0xa8: {  	[sflag:s24] =	ssyncadd.s32 $0xFFFFFFB0  }
0xa9: {  	_ =	swait.ge [sflag:s24], $0x50  }
0xaa: {  	[sflag:s24] =	ssyncset.done $0x0  }
0xab: {  	[sflag:s24] =	ssyncadd.s32 $0xFFFFFFB0  }
0xac: {  	[tilespmem:s16], [sflag:$0x5] =	stream.indirect.gather [hbm4b:s4+s15], $0x80, s11, s15, $0xb8;
	[tilespmem:$0x1A800] =	vst v63  }
0xad: {  	_ =	swait.ge [sflag:s17], $0x2800  }
0xae: {  	[sflag:s17] =	ssyncset.done $0x0  }
0xaf: {  	[sflag:s17] =	ssyncadd.s32 $0xFFFFD800  }
0xb0: {  	[spmem:s1] =	stream.indirect.scatter.add.f32 [tilespmem:s16], [sflag:$0x7], $0x80, s13, s15, $0xb8;
	[tilespmem:$0x1A800] =	vst v63  }
0xb1: {  	_ =	swait.ge [sflag:s25], $0x2800  }
0xb2: {  	p0 =	por $0x0, $0x0;
	s28 =	rddreg [dreg:$0x4]  }
0xb3: {  	s12 =	sadd.s32 @!p0 s12, s28  }
0xb4: {  	s30 =	simm.s32 @!p0 $0x0;
	[sflag:s25] =	ssyncset.done $0x0;
	s12 =	sshrl.u32 @!p0 s12, $0x3  }
0xb5: {  	s28 =	simm.s32 @!p0 $0x15480;
	[sflag:s25] =	ssyncadd.s32 $0xFFFFD800;
	s29 =	sadd.s32 @!p0 s5, s12  }
0xb6: {  	[tilespmem:s28], [sflag:$0x2] =	stream.linear.gather @!p0 [hbm4b:s29+s30], $0x50, $0x38;
	[tilespmem:$0x1A800] =	vst v63  }
0xb7: {  	s12 =	sadd.s32 @!p0 s7, s12;
	s28 =	simm.s32 @!p0 $0x15680  }
0xb8: {  	[tilespmem:s28], [sflag:$0x2] =	stream.linear.gather @!p0 [hbm4b:s12+s30], $0x50, $0x38;
	[tilespmem:$0x1A800] =	vst v63  }
0xb9: {  	_ =	swait.ge [sflag:s26], $0x50  }
0xba: {  	[sflag:s26] =	ssyncset.done $0x0  }
0xbb: {  	[sflag:s26] =	ssyncadd.s32 $0xFFFFFFB0  }
0xbc: {  	p1 =	por $0x0, $0x0;
	_ =	swait.ge [sflag:s26], $0x50  }
0xbd: {  	s31 =	simm.s32 @!p1 $0x1E0;
	s29 =	simm.s32 $0x140;
	[sflag:s26] =	ssyncset.done $0x0  }
0xbe: {  	s30 =	simm.s32 $0x280;
	s28 =	simm.s32 @!p1 $0x230;
	[sflag:s26] =	ssyncadd.s32 $0xFFFFFFB0  }
.LBB2_4:
0xbf: {  	[tilespmem:s21], [sflag:$0x6] =	stream.indirect.gather [hbm4b:s4+s15], $0x80, s18, s15, $0xb8;
	[tilespmem:$0x1A800] =	vst v63  }
0xc0: {  	_ =	swait.ge [sflag:s22], $0x2800  }
0xc1: {  	[sflag:s22] =	ssyncset.done $0x0  }
0xc2: {  	s31 =	simm.s32 @p1 $0xA0;
	s0 =	simm.s32 @!p1 $0x7;
	[sflag:s22] =	ssyncadd.s32 $0xFFFFD800  }
0xc3: {  	[spmem:s1] =	stream.indirect.scatter.add.f32 [tilespmem:s21], [sflag:$0x8], $0x80, s19, s15, $0xb8;
	[tilespmem:$0x1A800] =	vst v63  }
0xc4: {  	s31 =	sadd.s32 s6, s31;
	_ =	swait.ge @!p1 [sflag:s0], $0x2800  }
0xc5: {  	s31 =	sshrl.u32 s31, $0x3;
	[sflag:s0] =	ssyncset.done @!p1 $0x0  }
0xc6: {  	[sflag:s0] =	ssyncadd.s32 @!p1 $0xFFFFD800;
	s0 =	sadd.s32 s5, s31  }
0xc7: {  	[tilespmem:s11], [sflag:$0x3] =	stream.linear.gather [hbm4b:s0+s3], $0x50, $0x38;
	[tilespmem:$0x1A800] =	vst v63  }
0xc8: {  	s0 =	sadd.s32 s7, s31  }
0xc9: {  	[tilespmem:s13], [sflag:$0x3] =	stream.linear.gather [hbm4b:s0+s3], $0x50, $0x38;
	[tilespmem:$0x1A800] =	vst v63  }
0xca: {  	_ =	swait.ge [sflag:s14], $0x50  }
0xcb: {  	[sflag:s14] =	ssyncset.done $0x0  }
0xcc: {  	[sflag:s14] =	ssyncadd.s32 $0xFFFFFFB0  }
0xcd: {  	_ =	swait.ge [sflag:s14], $0x50  }
0xce: {  	[sflag:s14] =	ssyncset.done $0x0  }
0xcf: {  	[sflag:s14] =	ssyncadd.s32 $0xFFFFFFB0  }
0xd0: {  	[tilespmem:s16], [sflag:$0x5] =	stream.indirect.gather [hbm4b:s4+s15], $0x80, s2, s15, $0xb8;
	[tilespmem:$0x1A800] =	vst v63  }
0xd1: {  	_ =	swait.ge [sflag:s17], $0x2800  }
0xd2: {  	[sflag:s17] =	ssyncset.done $0x0  }
0xd3: {  	s28 =	simm.s32 @p1 $0xF0;
	s0 =	simm.s32 @!p1 $0x8;
	[sflag:s17] =	ssyncadd.s32 $0xFFFFD800  }
0xd4: {  	[spmem:s1] =	stream.indirect.scatter.add.f32 [tilespmem:s16], [sflag:$0x7], $0x80, s8, s15, $0xb8;
	[tilespmem:$0x1A800] =	vst v63  }
0xd5: {  	s28 =	sadd.s32 s6, s28;
	_ =	swait.ge @!p1 [sflag:s0], $0x2800  }
0xd6: {  	s28 =	sshrl.u32 s28, $0x3;
	[sflag:s0] =	ssyncset.done @!p1 $0x0  }
0xd7: {  	[sflag:s0] =	ssyncadd.s32 @!p1 $0xFFFFD800;
	s0 =	sadd.s32 s5, s28  }
0xd8: {  	[tilespmem:s18], [sflag:$0x4] =	stream.linear.gather [hbm4b:s0+s3], $0x50, $0x38;
	[tilespmem:$0x1A800] =	vst v63  }
0xd9: {  	s0 =	sadd.s32 s7, s28  }
0xda: {  	[tilespmem:s19], [sflag:$0x4] =	stream.linear.gather [hbm4b:s0+s3], $0x50, $0x38;
	[tilespmem:$0x1A800] =	vst v63  }
0xdb: {  	_ =	swait.ge [sflag:s20], $0x50  }
0xdc: {  	[sflag:s20] =	ssyncset.done $0x0  }
0xdd: {  	[sflag:s20] =	ssyncadd.s32 $0xFFFFFFB0  }
0xde: {  	_ =	swait.ge [sflag:s20], $0x50  }
0xdf: {  	[sflag:s20] =	ssyncset.done $0x0  }
0xe0: {  	[sflag:s20] =	ssyncadd.s32 $0xFFFFFFB0  }
0xe1: {  	[tilespmem:s21], [sflag:$0x6] =	stream.indirect.gather [hbm4b:s4+s15], $0x80, s9, s15, $0xb8;
	[tilespmem:$0x1A800] =	vst v63  }
0xe2: {  	_ =	swait.ge [sflag:s22], $0x2800  }
0xe3: {  	[sflag:s22] =	ssyncset.done $0x0  }
0xe4: {  	[sflag:s22] =	ssyncadd.s32 $0xFFFFD800  }
0xe5: {  	[spmem:s1] =	stream.indirect.scatter.add.f32 [tilespmem:s21], [sflag:$0x8], $0x80, s10, s15, $0xb8;
	[tilespmem:$0x1A800] =	vst v63  }
0xe6: {  	s28 =	smov.u32 s29;
	_ =	swait.ge [sflag:s23], $0x2800  }
0xe7: {  	s28 =	simm.s32 @p1 $0x0;
	s0 =	rddreg [dreg:$0x3]  }
0xe8: {  	s0 =	sadd.s32 s28, s0  }
0xe9: {  	[sflag:s23] =	ssyncset.done $0x0;
	s0 =	sshrl.u32 s0, $0x3  }
0xea: {  	[sflag:s23] =	ssyncadd.s32 $0xFFFFD800;
	s31 =	sadd.s32 s5, s0  }
0xeb: {  	[tilespmem:s2], [sflag:$0x1] =	stream.linear.gather [hbm4b:s31+s3], $0x50, $0x38;
	[tilespmem:$0x1A800] =	vst v63  }
0xec: {  	s0 =	sadd.s32 s7, s0  }
0xed: {  	[tilespmem:s8], [sflag:$0x1] =	stream.linear.gather [hbm4b:s0+s3], $0x50, $0x38;
	[tilespmem:$0x1A800] =	vst v63  }
0xee: {  	_ =	swait.ge [sflag:s24], $0x50  }
0xef: {  	[sflag:s24] =	ssyncset.done $0x0  }
0xf0: {  	[sflag:s24] =	ssyncadd.s32 $0xFFFFFFB0  }
0xf1: {  	_ =	swait.ge [sflag:s24], $0x50  }
0xf2: {  	[sflag:s24] =	ssyncset.done $0x0  }
0xf3: {  	[sflag:s24] =	ssyncadd.s32 $0xFFFFFFB0  }
0xf4: {  	[tilespmem:s16], [sflag:$0x5] =	stream.indirect.gather [hbm4b:s4+s15], $0x80, s11, s15, $0xb8;
	[tilespmem:$0x1A800] =	vst v63  }
0xf5: {  	_ =	swait.ge [sflag:s17], $0x2800  }
0xf6: {  	[sflag:s17] =	ssyncset.done $0x0  }
0xf7: {  	[sflag:s17] =	ssyncadd.s32 $0xFFFFD800  }
0xf8: {  	[spmem:s1] =	stream.indirect.scatter.add.f32 [tilespmem:s16], [sflag:$0x7], $0x80, s13, s15, $0xb8;
	[tilespmem:$0x1A800] =	vst v63  }
0xf9: {  	_ =	swait.ge [sflag:s25], $0x2800  }
0xfa: {  	s12 =	smov.u32 s30;
	p1 =	seq.s32 s29, $0x2580;
	s0 =	rddreg [dreg:$0x4]  }
0xfb: {  	s29 =	smov.u32 s12;
	s0 =	sadd.s32 @!p1 s28, s0  }
0xfc: {  	s12 =	simm.s32 @!p1 $0x15480;
	[sflag:s25] =	ssyncset.done $0x0;
	s0 =	sshrl.u32 @!p1 s0, $0x3  }
0xfd: {  	s31 =	simm.s32 @!p1 $0x0;
	[sflag:s25] =	ssyncadd.s32 $0xFFFFD800;
	s28 =	sadd.s32 @!p1 s5, s0  }
0xfe: {  	[tilespmem:s12], [sflag:$0x2] =	stream.linear.gather @!p1 [hbm4b:s28+s31], $0x50, $0x38;
	[tilespmem:$0x1A800] =	vst v63  }
0xff: {  	s30 =	sadd.s32 $0x140, s30;
	s0 =	sadd.s32 @!p1 s7, s0;
	s12 =	simm.s32 @!p1 $0x15680  }
0x100: {  	[tilespmem:s12], [sflag:$0x2] =	stream.linear.gather @!p1 [hbm4b:s0+s31], $0x50, $0x38;
	[tilespmem:$0x1A800] =	vst v63  }
0x101: {  	p0 =	sne.s32 s30, $0x26C0;
	_ =	swait.ge [sflag:s26], $0x50  }
.Ltmp1:
0x102: {  	[sflag:s26] =	ssyncset.done $0x0;
	(pc) =	sbr.rel @p0 .LBB2_4-.Ltmp1, $4  }
0x103: {  	[sflag:s26] =	ssyncadd.s32 $0xFFFFFFB0  }
0x104: {  	_ =	swait.ge [sflag:s26], $0x50  }
0x105: {  	p1 =	seq.s32 s29, $0x0;
	[sflag:s26] =	ssyncset.done $0x0  }
0x106: {  	s31 =	sadd.s32 @!p1 $0xA0, s29;
	s28 =	sadd.s32 @!p1 $0xF0, s29;
	[sflag:s26] =	ssyncadd.s32 $0xFFFFFFB0  }
0x107: {  	[tilespmem:s21], [sflag:$0x6] =	stream.indirect.gather [hbm4b:s4+s15], $0x80, s18, s15, $0xb8;
	[tilespmem:$0x1A800] =	vst v63  }
0x108: {  	_ =	swait.ge [sflag:s22], $0x2800  }
0x109: {  	[sflag:s22] =	ssyncset.done $0x0  }
0x10a: {  	s31 =	simm.s32 @p1 $0xA0;
	s0 =	simm.s32 @!p1 $0x7;
	[sflag:s22] =	ssyncadd.s32 $0xFFFFD800  }
0x10b: {  	[spmem:s1] =	stream.indirect.scatter.add.f32 [tilespmem:s21], [sflag:$0x8], $0x80, s19, s15, $0xb8;
	[tilespmem:$0x1A800] =	vst v63  }
0x10c: {  	s12 =	sadd.s32 s6, s31;
	_ =	swait.ge @!p1 [sflag:s0], $0x2800  }
0x10d: {  	s12 =	sshrl.u32 s12, $0x3;
	[sflag:s0] =	ssyncset.done @!p1 $0x0  }
0x10e: {  	s31 =	sadd.s32 s5, s12;
	[sflag:s0] =	ssyncadd.s32 @!p1 $0xFFFFD800  }
0x10f: {  	[tilespmem:s11], [sflag:$0x3] =	stream.linear.gather [hbm4b:s31+s3], $0x50, $0x38;
	[tilespmem:$0x1A800] =	vst v63  }
0x110: {  	s12 =	sadd.s32 s7, s12  }
0x111: {  	[tilespmem:s13], [sflag:$0x3] =	stream.linear.gather [hbm4b:s12+s3], $0x50, $0x38;
	[tilespmem:$0x1A800] =	vst v63  }
0x112: {  	_ =	swait.ge [sflag:s14], $0x50  }
0x113: {  	[sflag:s14] =	ssyncset.done $0x0  }
0x114: {  	[sflag:s14] =	ssyncadd.s32 $0xFFFFFFB0  }
0x115: {  	_ =	swait.ge [sflag:s14], $0x50  }
0x116: {  	[sflag:s14] =	ssyncset.done $0x0  }
0x117: {  	[sflag:s14] =	ssyncadd.s32 $0xFFFFFFB0  }
0x118: {  	[tilespmem:s16], [sflag:$0x5] =	stream.indirect.gather [hbm4b:s4+s15], $0x80, s2, s15, $0xb8;
	[tilespmem:$0x1A800] =	vst v63  }
0x119: {  	_ =	swait.ge [sflag:s17], $0x2800  }
0x11a: {  	[sflag:s17] =	ssyncset.done $0x0  }
0x11b: {  	s28 =	simm.s32 @p1 $0xF0;
	s0 =	simm.s32 @!p1 $0x8;
	[sflag:s17] =	ssyncadd.s32 $0xFFFFD800  }
0x11c: {  	[spmem:s1] =	stream.indirect.scatter.add.f32 [tilespmem:s16], [sflag:$0x7], $0x80, s8, s15, $0xb8;
	[tilespmem:$0x1A800] =	vst v63  }
0x11d: {  	s28 =	sadd.s32 s6, s28;
	_ =	swait.ge @!p1 [sflag:s0], $0x2800  }
0x11e: {  	s12 =	sshrl.u32 s28, $0x3;
	[sflag:s0] =	ssyncset.done @!p1 $0x0  }
0x11f: {  	s31 =	sadd.s32 s5, s12;
	[sflag:s0] =	ssyncadd.s32 @!p1 $0xFFFFD800  }
0x120: {  	[tilespmem:s18], [sflag:$0x4] =	stream.linear.gather [hbm4b:s31+s3], $0x50, $0x38;
	[tilespmem:$0x1A800] =	vst v63  }
0x121: {  	s12 =	sadd.s32 s7, s12  }
0x122: {  	[tilespmem:s19], [sflag:$0x4] =	stream.linear.gather [hbm4b:s12+s3], $0x50, $0x38;
	[tilespmem:$0x1A800] =	vst v63  }
0x123: {  	_ =	swait.ge [sflag:s20], $0x50  }
0x124: {  	[sflag:s20] =	ssyncset.done $0x0  }
0x125: {  	[sflag:s20] =	ssyncadd.s32 $0xFFFFFFB0  }
0x126: {  	_ =	swait.ge [sflag:s20], $0x50  }
0x127: {  	[sflag:s20] =	ssyncset.done $0x0  }
0x128: {  	[sflag:s20] =	ssyncadd.s32 $0xFFFFFFB0  }
0x129: {  	[tilespmem:s21], [sflag:$0x6] =	stream.indirect.gather [hbm4b:s4+s15], $0x80, s9, s15, $0xb8;
	[tilespmem:$0x1A800] =	vst v63  }
0x12a: {  	_ =	swait.ge [sflag:s22], $0x2800  }
0x12b: {  	[sflag:s22] =	ssyncset.done $0x0  }
0x12c: {  	[sflag:s22] =	ssyncadd.s32 $0xFFFFD800  }
0x12d: {  	[spmem:s1] =	stream.indirect.scatter.add.f32 [tilespmem:s21], [sflag:$0x8], $0x80, s10, s15, $0xb8;
	[tilespmem:$0x1A800] =	vst v63  }
0x12e: {  	s12 =	smov.u32 s29;
	_ =	swait.ge [sflag:s23], $0x2800  }
0x12f: {  	s12 =	simm.s32 @p1 $0x0;
	s28 =	rddreg [dreg:$0x3]  }
0x130: {  	s0 =	sadd.s32 s12, s28  }
0x131: {  	[sflag:s23] =	ssyncset.done $0x0;
	s0 =	sshrl.u32 s0, $0x3  }
0x132: {  	[sflag:s23] =	ssyncadd.s32 $0xFFFFD800;
	s31 =	sadd.s32 s5, s0  }
0x133: {  	[tilespmem:s2], [sflag:$0x1] =	stream.linear.gather [hbm4b:s31+s3], $0x50, $0x38;
	[tilespmem:$0x1A800] =	vst v63  }
0x134: {  	s0 =	sadd.s32 s7, s0  }
0x135: {  	[tilespmem:s8], [sflag:$0x1] =	stream.linear.gather [hbm4b:s0+s3], $0x50, $0x38;
	[tilespmem:$0x1A800] =	vst v63  }
0x136: {  	_ =	swait.ge [sflag:s24], $0x50  }
0x137: {  	[sflag:s24] =	ssyncset.done $0x0  }
0x138: {  	[sflag:s24] =	ssyncadd.s32 $0xFFFFFFB0  }
0x139: {  	_ =	swait.ge [sflag:s24], $0x50  }
0x13a: {  	[sflag:s24] =	ssyncset.done $0x0  }
0x13b: {  	[sflag:s24] =	ssyncadd.s32 $0xFFFFFFB0  }
0x13c: {  	[tilespmem:s16], [sflag:$0x5] =	stream.indirect.gather [hbm4b:s4+s15], $0x80, s11, s15, $0xb8;
	[tilespmem:$0x1A800] =	vst v63  }
0x13d: {  	_ =	swait.ge [sflag:s17], $0x2800  }
0x13e: {  	[sflag:s17] =	ssyncset.done $0x0  }
0x13f: {  	[sflag:s17] =	ssyncadd.s32 $0xFFFFD800  }
0x140: {  	[spmem:s1] =	stream.indirect.scatter.add.f32 [tilespmem:s16], [sflag:$0x7], $0x80, s13, s15, $0xb8;
	[tilespmem:$0x1A800] =	vst v63  }
0x141: {  	_ =	swait.ge [sflag:s25], $0x2800  }
0x142: {  	p0 =	seq.s32 s29, $0x2580;
	s0 =	rddreg [dreg:$0x4]  }
0x143: {  	s0 =	sadd.s32 @!p0 s12, s0  }
0x144: {  	s29 =	simm.s32 @!p0 $0x0;
	[sflag:s25] =	ssyncset.done $0x0;
	s0 =	sshrl.u32 @!p0 s0, $0x3  }
0x145: {  	s12 =	simm.s32 @!p0 $0x15480;
	[sflag:s25] =	ssyncadd.s32 $0xFFFFD800;
	s28 =	sadd.s32 @!p0 s5, s0  }
0x146: {  	[tilespmem:s12], [sflag:$0x2] =	stream.linear.gather @!p0 [hbm4b:s28+s29], $0x50, $0x38;
	[tilespmem:$0x1A800] =	vst v63  }
0x147: {  	s0 =	sadd.s32 @!p0 s7, s0;
	s12 =	simm.s32 @!p0 $0x15680  }
0x148: {  	[tilespmem:s12], [sflag:$0x2] =	stream.linear.gather @!p0 [hbm4b:s0+s29], $0x50, $0x38;
	[tilespmem:$0x1A800] =	vst v63  }
0x149: {  	_ =	swait.ge [sflag:s26], $0x50  }
0x14a: {  	[sflag:s26] =	ssyncset.done $0x0  }
0x14b: {  	[sflag:s26] =	ssyncadd.s32 $0xFFFFFFB0  }
0x14c: {  	_ =	swait.ge [sflag:s26], $0x50  }
0x14d: {  	[sflag:s26] =	ssyncset.done $0x0  }
0x14e: {  	[sflag:s26] =	ssyncadd.s32 $0xFFFFFFB0  }
0x14f: {  	[tilespmem:s21], [sflag:$0x6] =	stream.indirect.gather [hbm4b:s4+s15], $0x80, s18, s15, $0xb8;
	[tilespmem:$0x1A800] =	vst v63  }
0x150: {  	_ =	swait.ge [sflag:s22], $0x2800  }
0x151: {  	[sflag:s22] =	ssyncset.done $0x0  }
0x152: {  	[sflag:s22] =	ssyncadd.s32 $0xFFFFD800  }
0x153: {  	[spmem:s1] =	stream.indirect.scatter.add.f32 [tilespmem:s21], [sflag:$0x8], $0x80, s19, s15, $0xb8;
	[tilespmem:$0x1A800] =	vst v63  }
0x154: {  	_ =	swait.ge [sflag:s23], $0x2800  }
0x155: {  	[sflag:s23] =	ssyncset.done $0x0  }
0x156: {  	[sflag:s23] =	ssyncadd.s32 $0xFFFFD800  }
0x157: {  	_ =	swait.ge [sflag:s14], $0x50  }
0x158: {  	[sflag:s14] =	ssyncset.done $0x0  }
0x159: {  	[sflag:s14] =	ssyncadd.s32 $0xFFFFFFB0  }
0x15a: {  	_ =	swait.ge [sflag:s14], $0x50  }
0x15b: {  	[sflag:s14] =	ssyncset.done $0x0  }
0x15c: {  	[sflag:s14] =	ssyncadd.s32 $0xFFFFFFB0  }
0x15d: {  	[tilespmem:s16], [sflag:$0x5] =	stream.indirect.gather [hbm4b:s4+s15], $0x80, s2, s15, $0xb8;
	[tilespmem:$0x1A800] =	vst v63  }
0x15e: {  	_ =	swait.ge [sflag:s17], $0x2800  }
0x15f: {  	[sflag:s17] =	ssyncset.done $0x0  }
0x160: {  	[sflag:s17] =	ssyncadd.s32 $0xFFFFD800  }
0x161: {  	[spmem:s1] =	stream.indirect.scatter.add.f32 [tilespmem:s16], [sflag:$0x7], $0x80, s8, s15, $0xb8;
	[tilespmem:$0x1A800] =	vst v63  }
0x162: {  	_ =	swait.ge [sflag:s25], $0x2800  }
0x163: {  	[sflag:s25] =	ssyncset.done $0x0  }
0x164: {  	[sflag:s25] =	ssyncadd.s32 $0xFFFFD800  }
0x165: {  	_ =	swait.ge [sflag:s23], $0x2800  }
0x166: {  	[sflag:s23] =	ssyncset.done $0x0  }
0x167: {  	[sflag:s23] =	ssyncadd.s32 $0xFFFFD800  }
0x168: {  	s28 =	stileid.u32;
	[bflag:$0x0] =	sbarrier.arrive $0xFFFF  }
0x169: {  	s30 =	simm.s32 $0x9;
	s0 =	sshll.u32 s28, $0x6;
	s29 =	rddreg [dreg:$0x9]  }
0x16a: {  	s0 =	sor.u32 $0x1C09, s0;
	s31 =	rddreg [dreg:$0xa];
	s12 =	sshrl.u32 s29, $0x3  }
0x16b: {  	[hbm:s31], [sflag:s0] =	dma.local [spmem:s12], $0x2800  }
0x16c: {  	_ =	swait.ge [sflag:s30], $0x2800  }
0x16d: {  	s28 =	rddreg [dreg:$0x1b]  }
0x16e: {  	s31 =	rddreg [dreg:$0xb];
	s12 =	sadd.s32 $0x1, s28  }
0x16f: {  	p0 =	sne.s32 s12, s31  }
.Ltmp2:
0x170: {  	_ = 	snop;
	(pc) =	sbr.rel @p0 .LBB2_1-.Ltmp2, $3  }
0x171: {  	_ =	sdelay $0x1  }
0x172: {  	[sflag:s30] =	ssyncset.done $0x0  }
0x173: {  	[sflag:s30] =	ssyncadd.s32 $0xFFFFD800  }
0x174: {  	_ =	sfence.sel $0x180000  }
0x175: {  	[bflag:$0x0] =	sbarrier.arrive $0xFFFF  }
0x176: {  	_ =	strace $0x90000050  }
0x177: {  	s0 =	stileid.u32;
	[bflag:$0x2] =	sbarrier.arrive $0xFFFF  }
0x178: {  	p0 =	sne.s32 s0, $0x0;
	s0 =	rddreg [dreg:$0x2]  }
0x179: {  	s0 =	sadd.s32 @!p0 $0x100000, s0  }
0x17a: {  	[sflag:s0] =	ssyncadd.tile.s32 @!p0 $0x1;
	_ =	shalt  }
.Lfunc_end2:
_tile_overlayer_lowered:
.L_overlay_start_2:
0x17b: {  	(tag) =	ssettag $0x2  }
0x17c: {  	s0 =	rddreg [dreg:$0x0];
	s2 =	stileid.u32  }
0x17d: {  	s1 =	rddreg [dreg:$0x1];
	p0 =	sne.s32 s2, $0x0  }
0x17e: {  	s3 =	rddreg [dreg:$0x2];
	[bflag:$0x3] =	sbarrier.arrive $0xFFFF;
	s2 =	simm.s32 @!p0 $0x1C09  }
0x17f: {  	[timem:s3], [sflag:s2] =	dma.local @!p0 [hbm:s0], s1  }
0x180: {  	s0 =	simm.s32 @!p0 $0x9  }
0x181: {  	_ =	swait.ge @!p0 [sflag:s0], s1  }
0x182: {  	s1 =	ssub.s32 @!p0 $0x0, s1;
	[sflag:s0] =	ssyncset.done @!p0 $0x0  }
0x183: {  	[sflag:s0] =	ssyncadd.s32 @!p0 s1  }
0x184: {  	[bflag:$0x3] =	sbarrier.arrive $0xFFFF  }
0x185: {  	_ =	shalt  }

// kernel: kernel.24.cloned.1.call-start
scs
__scs_entry_jumppad:
0x0: {  	(pc) =	sbr.rel $0x88, $3  }
0x1: {  	(tag) =	ssettag $0x0;
	lr =	simm.s32 $0x1  }
0x2: {  	[smem:$0x3F8F] =	sst lr;
	_ =	strace $0xD0000000  }
0x3: {  	_ = 	snop  }
0x4: {  	_ = 	snop  }
0x5: {  	_ = 	snop  }
0x6: {  	_ = 	snop  }
0x7: {  	_ = 	snop  }
__scs_overlays_trampoline_lowered:
0x8: {  	[smem:$0x3F9E] =	sst s0  }
0x9: {  	[smem:$0x3F9F] =	sst s1  }
0xa: {  	[smem:$0x3FA0] =	sst s2  }
0xb: {  	[smem:$0x3FA1] =	sst s3  }
0xc: {  	[smem:$0x3FA2] =	sst s4  }
0xd: {  	[smem:$0x3FA3] =	sst s5  }
0xe: {  	[smem:$0x3FA4] =	sst s6  }
0xf: {  	[smem:$0x3FA5] =	sst s7  }
0x10: {  	[smem:$0x3FA6] =	sst s8  }
0x11: {  	[smem:$0x3FA7] =	sst s9;
	s0 =	simm.s32 @!p0 $0x0  }
0x12: {  	s1 =	sld [smem:$0x3F8D];
	s0 =	simm.s32 @p0 $0x1  }
0x13: {  	[smem:$0x3FA8] =	sst s0;
	s0 =	simm.s32 @!p1 $0x0  }
0x14: {  	s2 =	sld [smem:$0x3F8C];
	s0 =	simm.s32 @p1 $0x1  }
0x15: {  	[smem:$0x3FA9] =	sst s0;
	s0 =	simm.s32 @!p2 $0x0  }
0x16: {  	s3 =	sld [smem:$0x3FDB];
	s0 =	simm.s32 @p2 $0x1  }
0x17: {  	s4 =	simm.s32 $0x1BF5;
	[smem:$0x3FAB] =	sst s0  }
0x18: {  	s0 =	sld [smem:$0x3F8E];
	_ =	swait.ge [sflag:s4], $0x0  }
0x19: {  	s7 =	sld [smem:$0x3F8F]  }
0x1a: {  	s8 =	sadd.s32 $0xFFFFE003, lr  }
0x1b: {  	s9 =	sadd.s32 $0xFFFFFEF7, lr;
	s5 =	simm.s32 $0xFFFFFFFF;
	p2 =	slt.u32 s8, $0xFFFFF086  }
0x1c: {  	p1 =	slt.u32 s9, $0xF7A;
	s5 =	simm.s32 @!p2 $0x0  }
0x1d: {  	s5 =	simm.s32 @p1 $0x1;
	p0 =	seq.s32 s7, s2  }
0x1e: {  	s7 =	smul.u32 @!p0 $0xF7A, s2;
	p2 =	seq.s32 @!p0 s5, $0x0  }
0x1f: {  	s9 =	smul.u32 $0xF7A, s1;
	s8 =	simm.s32 @!p0 $0x1BF5;
	p2 =	por !p2, p0  }
0x20: {  	[sflag:s8] =	ssyncset.s32 @!p0 $0xFFFFF086;
	s6 =	sadd.s32 @!p0 s3, s7;
	s7 =	simm.s32 @!p0 $0x108  }
0x21: {  	s3 =	sadd.s32 s3, s9;
	s6 =	sadd.s32 @!p0 $0x88, s6;
	s7 =	simm.s32 @p2 $0x1082  }
0x22: {  	[simem:s7], [sflag:s8] =	dma.local @!p0 [hbm:s6], $0xF7A  }
0x23: {  	s9 =	sor.u32 $0xD0000000, s2;
	s6 =	simm.s32 $0x108;
	_ =	swait.ge @!p0 [sflag:s8], $0x0  }
0x24: {  	s3 =	sadd.s32 $0x88, s3;
	s6 =	simm.s32 @!p1 $0x1082;
	[sflag:s4] =	ssyncset.s32 $0xFFFFF086  }
0x25: {  	[simem:s6], [sflag:s4] =	dma.local [hbm:s3], $0xF7A  }
0x26: {  	[smem:$0x3F8F] =	sst s1;
	(tag) =	ssettag s2;
	_ =	strace s9  }
0x27: {  	s1 =	sld [smem:$0x3F9F]  }
0x28: {  	s2 =	sld [smem:$0x3FA0]  }
0x29: {  	s4 =	sld [smem:$0x3FA2]  }
0x2a: {  	p0 =	seq.s32 s5, $0x0;
	s5 =	sld [smem:$0x3FA3]  }
0x2b: {  	s6 =	sld [smem:$0x3FA4]  }
0x2c: {  	s7 =	sld [smem:$0x3FA5]  }
0x2d: {  	s3 =	simm.s32 $0x108;
	s8 =	sld [smem:$0x3FA6]  }
0x2e: {  	s3 =	simm.s32 @!p0 $0x1082;
	s9 =	sld [smem:$0x3FA7]  }
0x2f: {  	lr =	sadd.s32 s0, s3;
	s0 =	sld [smem:$0x3F9E]  }
0x30: {  	s3 =	sld [smem:$0x3FA1]  }
0x31: {  	[smem:$0x3FAA] =	sst s10  }
0x32: {  	s10 =	sld [smem:$0x3FA8];
	_ =	sdelay $0x3  }
0x33: {  	p0 =	seq.s32 s10, $0x1;
	s10 =	sld [smem:$0x3FAA];
	_ =	sdelay $0x3  }
0x34: {  	[smem:$0x3FAA] =	sst s10  }
0x35: {  	s10 =	sld [smem:$0x3FA9];
	_ =	sdelay $0x3  }
0x36: {  	p1 =	seq.s32 s10, $0x1;
	s10 =	sld [smem:$0x3FAA];
	_ =	sdelay $0x3  }
0x37: {  	[smem:$0x3FAA] =	sst s10  }
0x38: {  	s10 =	sld [smem:$0x3FAB]  }
0x39: {  	_ = 	snop;
	(pc) =	sbr.ind lr, $3  }
0x3a: {  	_ = 	snop  }
0x3b: {  	_ = 	snop  }
0x3c: {  	p2 =	seq.s32 s10, $0x1;
	s10 =	sld [smem:$0x3FAA]  }
0x3d: {  	_ =	shalt  }
0x3e: {  	_ =	shalt  }
0x3f: {  	_ =	shalt  }
0x40: {  	_ =	shalt  }
0x41: {  	_ =	shalt  }
0x42: {  	_ =	shalt  }
0x43: {  	_ =	shalt  }
0x44: {  	_ =	shalt  }
0x45: {  	_ =	shalt  }
0x46: {  	_ =	shalt  }
0x47: {  	_ =	shalt  }
0x48: {  	_ =	shalt  }
0x49: {  	_ =	shalt  }
0x4a: {  	_ =	shalt  }
0x4b: {  	_ =	shalt  }
0x4c: {  	_ =	shalt  }
0x4d: {  	_ =	shalt  }
0x4e: {  	_ =	shalt  }
0x4f: {  	_ =	shalt  }
0x50: {  	_ =	shalt  }
0x51: {  	_ =	shalt  }
0x52: {  	_ =	shalt  }
0x53: {  	_ =	shalt  }
0x54: {  	_ =	shalt  }
0x55: {  	_ =	shalt  }
0x56: {  	_ =	shalt  }
0x57: {  	_ =	shalt  }
0x58: {  	_ =	shalt  }
0x59: {  	_ =	shalt  }
0x5a: {  	_ =	shalt  }
0x5b: {  	_ =	shalt  }
0x5c: {  	_ =	shalt  }
0x5d: {  	_ =	shalt  }
0x5e: {  	_ =	shalt  }
0x5f: {  	_ =	shalt  }
0x60: {  	_ =	shalt  }
0x61: {  	_ =	shalt  }
0x62: {  	_ =	shalt  }
0x63: {  	_ =	shalt  }
0x64: {  	_ =	shalt  }
0x65: {  	_ =	shalt  }
0x66: {  	_ =	shalt  }
0x67: {  	_ =	shalt  }
0x68: {  	_ =	shalt  }
0x69: {  	_ =	shalt  }
0x6a: {  	_ =	shalt  }
0x6b: {  	_ =	shalt  }
0x6c: {  	_ =	shalt  }
0x6d: {  	_ =	shalt  }
0x6e: {  	_ =	shalt  }
0x6f: {  	_ =	shalt  }
0x70: {  	_ =	shalt  }
0x71: {  	_ =	shalt  }
0x72: {  	_ =	shalt  }
0x73: {  	_ =	shalt  }
0x74: {  	_ =	shalt  }
0x75: {  	_ =	shalt  }
0x76: {  	_ =	shalt  }
0x77: {  	_ =	shalt  }
0x78: {  	_ =	shalt  }
0x79: {  	_ =	shalt  }
0x7a: {  	_ =	shalt  }
0x7b: {  	_ =	shalt  }
0x7c: {  	_ =	shalt  }
0x7d: {  	_ =	shalt  }
0x7e: {  	_ =	shalt  }
0x7f: {  	_ =	shalt  }
0x80: {  	_ =	shalt  }
0x81: {  	_ =	shalt  }
0x82: {  	_ =	shalt  }
0x83: {  	_ =	shalt  }
0x84: {  	_ =	shalt  }
0x85: {  	_ =	shalt  }
0x86: {  	_ =	shalt  }
0x87: {  	_ =	shalt  }
.Lfunc_end0:
.L_simem_size_0:
called_computation.4_lowered:
.L_overlay_start_0:
0x88: {  	s2 =	sld [smem:$0x3FD9]  }
0x89: {  	s3 =	sld [smem:$0x3FFE];
	_ =	sdelay $0x1  }
0x8a: {  	s1 =	srdreg.scid  }
0x8b: {  	s0 =	sand.u32 $0x1, s1  }
0x8c: {  	s16 =	sshll.u32 s0, $0xA;
	s2 =	sadd.s32 s3, s2  }
0x8d: {  	s2 =	sadd.s32 s2, s16  }
0x8e: {  	[smem:$0x3FB6] =	sst s2  }
0x8f: {  	_ = 	snop  }
0x90: {  	(tm) =	ssettm $0x1  }
0x91: {  	s17 =	sld [smem:$0x3FFB];
	_ =	sdelay $0x3  }
0x92: {  	_ =	strace s17  }
0x93: {  	s2 =	sld [smem:$0x3FFC];
	_ =	sdelay $0x3  }
0x94: {  	_ =	strace s2  }
0x95: {  	s2 =	sld [smem:$0x3FFD];
	_ =	sdelay $0x3  }
0x96: {  	_ =	strace s2  }
0x97: {  	_ =	strace $0x8FFFFFFF  }
0x98: {  	s18 =	sld [smem:$0x3FDB];
	_ =	sdelay $0x1  }
0x99: {  	s19 =	simm.s32 $_scs_section_size  }
0x9a: {  	s4 =	simm.s32 $_size__tile_overlayer_lowered;
	s5 =	simm.s32 $_tile_overlayer_lowered  }
0x9b: {  	s22 =	simm.s32 $0x1BFF;
	s21 =	sshll.u32 s5, $0x1;
	s2 =	sadd.s32 s19, s18  }
0x9c: {  	s6 =	simm.s32 $0x0;
	s20 =	sshll.u32 s4, $0x1;
	s4 =	sadd.s32 s21, s2  }
0x9d: {  	[timem:s6], [sflag:s22] =	dma.local [hbm:s4], s20  }
0x9e: {  	_ =	swait.ge [sflag:s22], s20  }
0x9f: {  	s3 =	ssub.s32 $0x0, s20;
	[sflag:s22] =	ssyncset.done $0x0  }
0xa0: {  	[sflag:s22] =	ssyncadd.s32 s3;
	_ =	sdelay $0x1  }
0xa1: {  	s23 =	simm.s32 $0x1B8B  }
0xa2: {  	_ =	swait.ge [sflag:s23], $0x1  }
0xa3: {  	[sflag:s23] =	ssyncset.done $0x0  }
0xa4: {  	s25 =	simm.s32 $0x1B8E;
	s24 =	sld [smem:$0x3FFE];
	[sflag:s23] =	ssyncadd.s32 $0xFFFFFFFF  }
0xa5: {  	s26 =	simm.s32 $execute0_lowered;
	[smem:$0x3FD2] =	sst s25  }
0xa6: {  	s4 =	sshll.u32 s26, $0x1;
	_ =	strace $0x80000052;
	[dreg:$0x1] =	wrdreg $0xFFFFFFFF  }
0xa7: {  	s28 =	simm.s32 $_size_execute0_lowered;
	s2 =	sadd.s32 s2, s4;
	[dreg:$0x0] =	wrdreg $0x0  }
0xa8: {  	s4 =	sshll.u32 s28, $0x1;
	[dreg:$0x2] =	wrdreg s2  }
0xa9: {  	[dreg:$0x3] =	wrdreg s4  }
0xaa: {  	[dreg:$0x4] =	wrdreg $0xC0  }
0xab: {  	_ =	task [dreg:s6], $0x5FFFF  }
0xac: {  	[dreg:$0x1] =	wrdreg $0xFFFFFFFF  }
0xad: {  	[dreg:$0x0] =	wrdreg $0x60  }
0xae: {  	[dreg:$0x2] =	wrdreg s24  }
0xaf: {  	[dreg:$0x3] =	wrdreg $0x0  }
0xb0: {  	[dreg:$0x4] =	wrdreg $0x9  }
0xb1: {  	_ =	task.clear_ibuf [dreg:s6], $0x5FFFF;
	_ =	strace $0x90000052  }
0xb2: {  	s29 =	simm.s32 $0x9;
	_ =	strace $0x80000054  }
0xb3: {  	_ =	swait.ge [sflag:s29], $0x1  }
0xb4: {  	[sflag:s29] =	ssyncadd.s32 $0xFFFFFFFF  }
0xb5: {  	_ =	strace $0x90000054  }
0xb6: {  	_ =	sfence  }
0xb7: {  	s30 =	sld [smem:$0x0];
	_ =	sdelay $0x2  }
0xb8: {  	s31 =	sshll.u32 s1, $0xD;
	s1 =	sshrl.u32 s1, $0x2  }
0xb9: {  	s3 =	sand.u32 $0x4000, s31;
	s1 =	sadd.s32 s1, s30  }
0xba: {  	s0 =	sor.u32 s3, s0;
	s1 =	sshll.u32 s1, $0x11  }
0xbb: {  	s0 =	sor.u32 s1, s0  }
0xbc: {  	s0 =	sadd.s32 $0x8F2B, s0  }
0xbd: {  	[sflag:s0] =	ssyncadd.remote.s32 $0x1  }
0xbe: {  	_ =	sfence.sel $0xFFFF  }
0xbf: {  	[dreg:$0x0] =	wrdreg $0xFFFFFFFF;
	(pc) =	sbr.abs _section_cstart, $3  }
0xc0: {  	[dreg:$0x1] =	wrdreg $0xFFFFFFFF  }
0xc1: {  	_ =	task.clear_ibuf [dreg:s6], $0x2FFFF;
	_ =	strace $0x9FFFFFFF  }
0xc2: {  	(tm) =	ssettm $0x7FFFFFFF  }
0xc3: {  	_ =	shalt  }
tec
execute0_lowered:
.L_overlay_start_1:
0x0: {  	(tag) =	ssettag $0x1  }
0x1: {  	s0 =	rddreg [dreg:$0x0]  }
0x2: {  	s1 =	rddreg [dreg:$0x1]  }
0x3: {  	s3 =	simm.s32 $0x0;
	s2 =	srdreg.scid;
	s10 =	stileid.u32  }
0x4: {  	s30 =	simm.s32 $0x9;
	[smem:$0x7FF] =	sst s3;
	s7 =	smul.u32 $0x14000, s10  }
0x5: {  	s2 =	sand.u32 $0x1, s2;
	s8 =	sshll.u32 s10, $0x1;
	s10 =	smul.u32 $0x50000, s10  }
0x6: {  	s6 =	smul.u32 $0x140000, s2;
	s8 =	sor.u32 s2, s8;
	s2 =	ssub.s32 $0x2, s2  }
0x7: {  	s4 =	sadd.s32 $0x17C00, s0;
	s24 =	sshrl.u32 s2, $0x1;
	s10 =	sshrl.u32 s10, $0x2  }
0x8: {  	s5 =	sadd.s32 $0xDE00, s0;
	s2 =	ssub.s32 s2, s24;
	s29 =	sadd.s32 s10, s1  }
0x9: {  	_ =	strace $0x80000053;
	s13 =	smax.u32 s2, $0x1;
	[dreg:$0x9] =	wrdreg s29  }
0xa: {  	s9 =	sadd.s32 s7, s6;
	s14 =	sadd.s32 $0x1400, s29;
	[dreg:$0xb] =	wrdreg s13  }
0xb: {  	s6 =	smul.u32 $0x2710, s8;
	s15 =	sadd.s32 $0x2800, s29;
	[dreg:$0xc] =	wrdreg s14  }
0xc: {  	s7 =	sadd.s32 $0x4000, s0;
	s16 =	sadd.s32 $0x3C00, s29;
	[dreg:$0xd] =	wrdreg s15  }
0xd: {  	s10 =	simm.s32 $0x15680;
	s17 =	sadd.s32 $0x5000, s29;
	[dreg:$0xe] =	wrdreg s16  }
0xe: {  	s23 =	sshrl.u32 s9, $0x3;
	s18 =	sadd.s32 $0x6400, s29;
	[dreg:$0xf] =	wrdreg s17  }
0xf: {  	s19 =	sadd.s32 $0x7800, s29;
	s20 =	sadd.s32 $0x8C00, s29;
	[dreg:$0x10] =	wrdreg s18  }
0x10: {  	s21 =	sadd.s32 $0xA000, s29;
	s22 =	sadd.s32 $0xB400, s29;
	[dreg:$0x11] =	wrdreg s19  }
0x11: {  	s24 =	sadd.s32 $0xDC00, s29;
	s2 =	simm.s32 $0x15400;
	[dreg:$0x12] =	wrdreg s20  }
0x12: {  	s0 =	sadd.s32 s23, s0;
	s25 =	sshrl.u32 s6, $0x3;
	[dreg:$0x13] =	wrdreg s21  }
0x13: {  	s11 =	sadd.s32 $0x140, s6;
	s12 =	sadd.s32 $0x190, s6;
	[dreg:$0x14] =	wrdreg s22  }
0x14: {  	s23 =	sadd.s32 $0xC800, s29;
	[dreg:$0x16] =	wrdreg s24;
	s13 =	simm.s32 $0x15700  }
0x15: {  	s14 =	simm.s32 $0x1;
	s15 =	simm.s32 $0x50;
	s16 =	simm.s32 $0x15800  }
0x16: {  	s17 =	simm.s32 $0x5;
	s18 =	simm.s32 $0x15580;
	[dreg:$0x3] =	wrdreg s11  }
0x17: {  	s19 =	simm.s32 $0x15780;
	s20 =	simm.s32 $0x2;
	[dreg:$0x4] =	wrdreg s12  }
0x18: {  	s21 =	simm.s32 $0x18000;
	s26 =	sadd.s32 s5, s25;
	[dreg:$0x15] =	wrdreg s23  }
0x19: {  	s22 =	simm.s32 $0x6;
	s8 =	sadd.s32 s7, s25;
	[dreg:$0x5] =	wrdreg s26  }
0x1a: {  	s24 =	simm.s32 $0x3;
	s0 =	sadd.s32 $0x3FC00, s0;
	[dreg:$0x6] =	wrdreg s8  }
0x1b: {  	s28 =	sadd.s32 $0xA, s25;
	s25 =	sadd.s32 $0xF000, s29;
	[dreg:$0xa] =	wrdreg s0  }
0x1c: {  	s11 =	simm.s32 $0x15500;
	s31 =	sadd.s32 s5, s28;
	[dreg:$0x17] =	wrdreg s25  }
0x1d: {  	s23 =	simm.s32 $0x7;
	s9 =	sadd.s32 s7, s28;
	[dreg:$0x7] =	wrdreg s31  }
0x1e: {  	s12 =	simm.s32 $0x0;
	s26 =	sadd.s32 $0x10400, s29;
	[dreg:$0x8] =	wrdreg s9  }
0x1f: {  	s28 =	sadd.s32 $0x11800, s29;
	s8 =	simm.s32 $0x15600;
	[dreg:$0x18] =	wrdreg s26  }
0x20: {  	s25 =	simm.s32 $0x8;
	[dreg:$0x19] =	wrdreg s28;
	s31 =	sadd.s32 $0x12C00, s29  }
0x21: {  	v0 =	vimm.f32 $0.0e+00;
	s9 =	simm.s32 $0x15480;
	s26 =	simm.s32 $0x4;
	[dreg:$0x1a] =	wrdreg s31  }
.LBB2_1:
0x22: {  	[dreg:$0x1b] =	wrdreg s12;
	s12 =	simm.s32 $0x70;
	s28 =	simm.s32 $0x3C0  }
.LBB2_2:
0x23: {  	p0 =	sne.s32 s28, $0x4FC0;
	[tilespmem:s12+$0x14000] =	vst v0  }
0x24: {  	[tilespmem:s12+$0x13F90] =	vst v0  }
0x25: {  	[tilespmem:s12+$0x13FA0] =	vst v0  }
.Ltmp0:
0x26: {  	[tilespmem:s12+$0x13FB0] =	vst v0;
	(pc) =	sbr.rel @p0 .LBB2_2-.Ltmp0, $4  }
0x27: {  	[tilespmem:s12+$0x13FC0] =	vst v0  }
0x28: {  	[tilespmem:s12+$0x13FD0] =	vst v0  }
0x29: {  	[tilespmem:s12+$0x13FE0] =	vst v0  }
0x2a: {  	[tilespmem:s12+$0x13FF0] =	vst v0;
	s12 =	sshra.s32 s28, $0x2;
	s28 =	sadd.s32 $0x200, s28  }
0x2b: {  	[tilespmem:s12+$0x14000] =	vst v0  }
0x2c: {  	[tilespmem:s12+$0x13F90] =	vst v0  }
0x2d: {  	[tilespmem:s12+$0x13FA0] =	vst v0  }
0x2e: {  	[tilespmem:s12+$0x13FB0] =	vst v0  }
0x2f: {  	[tilespmem:s12+$0x13FC0] =	vst v0  }
0x30: {  	[tilespmem:s12+$0x13FD0] =	vst v0  }
0x31: {  	[tilespmem:s12+$0x13FE0] =	vst v0  }
0x32: {  	[tilespmem:s12+$0x13FF0] =	vst v0;
	s12 =	simm.s32 $0x14000  }
0x33: {  	[spmem:s29] =	stream.linear.scatter [tilespmem:s12], [sflag:$0x9], $0x1400, $0x38;
	[tilespmem:$0x1A800] =	vst v63  }
0x34: {  	_ =	swait.ge [sflag:s30], $0x1400  }
0x35: {  	[sflag:s30] =	ssyncset.done $0x0  }
0x36: {  	s0 =	rddreg [dreg:$0xc];
	[sflag:s30] =	ssyncadd.s32 $0xFFFFEC00  }
0x37: {  	[spmem:s0] =	stream.linear.scatter [tilespmem:s12], [sflag:$0x9], $0x1400, $0x38;
	[tilespmem:$0x1A800] =	vst v63  }
0x38: {  	_ =	swait.ge [sflag:s30], $0x1400  }
0x39: {  	[sflag:s30] =	ssyncset.done $0x0  }
0x3a: {  	s0 =	rddreg [dreg:$0xd];
	[sflag:s30] =	ssyncadd.s32 $0xFFFFEC00  }
0x3b: {  	[spmem:s0] =	stream.linear.scatter [tilespmem:s12], [sflag:$0x9], $0x1400, $0x38;
	[tilespmem:$0x1A800] =	vst v63  }
0x3c: {  	_ =	swait.ge [sflag:s30], $0x1400  }
0x3d: {  	[sflag:s30] =	ssyncset.done $0x0  }
0x3e: {  	s0 =	rddreg [dreg:$0xe];
	[sflag:s30] =	ssyncadd.s32 $0xFFFFEC00  }
0x3f: {  	[spmem:s0] =	stream.linear.scatter [tilespmem:s12], [sflag:$0x9], $0x1400, $0x38;
	[tilespmem:$0x1A800] =	vst v63  }
0x40: {  	_ =	swait.ge [sflag:s30], $0x1400  }
0x41: {  	[sflag:s30] =	ssyncset.done $0x0  }
0x42: {  	s0 =	rddreg [dreg:$0xf];
	[sflag:s30] =	ssyncadd.s32 $0xFFFFEC00  }
0x43: {  	[spmem:s0] =	stream.linear.scatter [tilespmem:s12], [sflag:$0x9], $0x1400, $0x38;
	[tilespmem:$0x1A800] =	vst v63  }
0x44: {  	_ =	swait.ge [sflag:s30], $0x1400  }
0x45: {  	[sflag:s30] =	ssyncset.done $0x0  }
0x46: {  	s0 =	rddreg [dreg:$0x10];
	[sflag:s30] =	ssyncadd.s32 $0xFFFFEC00  }
0x47: {  	[spmem:s0] =	stream.linear.scatter [tilespmem:s12], [sflag:$0x9], $0x1400, $0x38;
	[tilespmem:$0x1A800] =	vst v63  }
0x48: {  	_ =	swait.ge [sflag:s30], $0x1400  }
0x49: {  	[sflag:s30] =	ssyncset.done $0x0  }
0x4a: {  	s0 =	rddreg [dreg:$0x11];
	[sflag:s30] =	ssyncadd.s32 $0xFFFFEC00  }
0x4b: {  	[spmem:s0] =	stream.linear.scatter [tilespmem:s12], [sflag:$0x9], $0x1400, $0x38;
	[tilespmem:$0x1A800] =	vst v63  }
0x4c: {  	_ =	swait.ge [sflag:s30], $0x1400  }
0x4d: {  	[sflag:s30] =	ssyncset.done $0x0  }
0x4e: {  	s0 =	rddreg [dreg:$0x12];
	[sflag:s30] =	ssyncadd.s32 $0xFFFFEC00  }
0x4f: {  	[spmem:s0] =	stream.linear.scatter [tilespmem:s12], [sflag:$0x9], $0x1400, $0x38;
	[tilespmem:$0x1A800] =	vst v63  }
0x50: {  	_ =	swait.ge [sflag:s30], $0x1400  }
0x51: {  	[sflag:s30] =	ssyncset.done $0x0  }
0x52: {  	s0 =	rddreg [dreg:$0x13];
	[sflag:s30] =	ssyncadd.s32 $0xFFFFEC00  }
0x53: {  	[spmem:s0] =	stream.linear.scatter [tilespmem:s12], [sflag:$0x9], $0x1400, $0x38;
	[tilespmem:$0x1A800] =	vst v63  }
0x54: {  	_ =	swait.ge [sflag:s30], $0x1400  }
0x55: {  	[sflag:s30] =	ssyncset.done $0x0  }
0x56: {  	s0 =	rddreg [dreg:$0x14];
	[sflag:s30] =	ssyncadd.s32 $0xFFFFEC00  }
0x57: {  	[spmem:s0] =	stream.linear.scatter [tilespmem:s12], [sflag:$0x9], $0x1400, $0x38;
	[tilespmem:$0x1A800] =	vst v63  }
0x58: {  	_ =	swait.ge [sflag:s30], $0x1400  }
0x59: {  	[sflag:s30] =	ssyncset.done $0x0  }
0x5a: {  	s0 =	rddreg [dreg:$0x15];
	[sflag:s30] =	ssyncadd.s32 $0xFFFFEC00  }
0x5b: {  	[spmem:s0] =	stream.linear.scatter [tilespmem:s12], [sflag:$0x9], $0x1400, $0x38;
	[tilespmem:$0x1A800] =	vst v63  }
0x5c: {  	_ =	swait.ge [sflag:s30], $0x1400  }
0x5d: {  	[sflag:s30] =	ssyncset.done $0x0  }
0x5e: {  	s0 =	rddreg [dreg:$0x16];
	[sflag:s30] =	ssyncadd.s32 $0xFFFFEC00  }
0x5f: {  	[spmem:s0] =	stream.linear.scatter [tilespmem:s12], [sflag:$0x9], $0x1400, $0x38;
	[tilespmem:$0x1A800] =	vst v63  }
0x60: {  	_ =	swait.ge [sflag:s30], $0x1400  }
0x61: {  	[sflag:s30] =	ssyncset.done $0x0  }
0x62: {  	s0 =	rddreg [dreg:$0x17];
	[sflag:s30] =	ssyncadd.s32 $0xFFFFEC00  }
0x63: {  	[spmem:s0] =	stream.linear.scatter [tilespmem:s12], [sflag:$0x9], $0x1400, $0x38;
	[tilespmem:$0x1A800] =	vst v63  }
0x64: {  	_ =	swait.ge [sflag:s30], $0x1400  }
0x65: {  	[sflag:s30] =	ssyncset.done $0x0  }
0x66: {  	s0 =	rddreg [dreg:$0x18];
	[sflag:s30] =	ssyncadd.s32 $0xFFFFEC00  }
0x67: {  	[spmem:s0] =	stream.linear.scatter [tilespmem:s12], [sflag:$0x9], $0x1400, $0x38;
	[tilespmem:$0x1A800] =	vst v63  }
0x68: {  	_ =	swait.ge [sflag:s30], $0x1400  }
0x69: {  	[sflag:s30] =	ssyncset.done $0x0  }
0x6a: {  	s0 =	rddreg [dreg:$0x19];
	[sflag:s30] =	ssyncadd.s32 $0xFFFFEC00  }
0x6b: {  	[spmem:s0] =	stream.linear.scatter [tilespmem:s12], [sflag:$0x9], $0x1400, $0x38;
	[tilespmem:$0x1A800] =	vst v63  }
0x6c: {  	_ =	swait.ge [sflag:s30], $0x1400  }
0x6d: {  	[sflag:s30] =	ssyncset.done $0x0  }
0x6e: {  	s0 =	rddreg [dreg:$0x1a];
	[sflag:s30] =	ssyncadd.s32 $0xFFFFEC00  }
0x6f: {  	[spmem:s0] =	stream.linear.scatter [tilespmem:s12], [sflag:$0x9], $0x1400, $0x38;
	[tilespmem:$0x1A800] =	vst v63  }
0x70: {  	_ =	swait.ge [sflag:s30], $0x1400  }
0x71: {  	[sflag:s30] =	ssyncset.done $0x0  }
0x72: {  	[sflag:s30] =	ssyncadd.s32 $0xFFFFEC00  }
0x73: {  	[bflag:$0x0] =	sbarrier.arrive $0xFFFF  }
0x74: {  	s12 =	simm.s32 $0x0;
	s0 =	rddreg [dreg:$0x5]  }
0x75: {  	[tilespmem:s2], [sflag:$0x1] =	stream.linear.gather [hbm4b:s0+s12], $0x50, $0x38;
	[tilespmem:$0x1A800] =	vst v63  }
0x76: {  	p0 =	por $0x1, $0x1;
	s0 =	rddreg [dreg:$0x6]  }
0x77: {  	[tilespmem:s8], [sflag:$0x1] =	stream.linear.gather [hbm4b:s0+s12], $0x50, $0x38;
	[tilespmem:$0x1A800] =	vst v63  }
0x78: {  	s28 =	simm.s32 @!p0 $0xA0;
	s0 =	rddreg [dreg:$0x7]  }
0x79: {  	[tilespmem:s9], [sflag:$0x2] =	stream.linear.gather [hbm4b:s0+s12], $0x50, $0x38;
	[tilespmem:$0x1A800] =	vst v63  }
0x7a: {  	s29 =	simm.s32 @!p0 $0x7;
	s28 =	simm.s32 @p0 $0xA0;
	s0 =	rddreg [dreg:$0x8]  }
0x7b: {  	[tilespmem:s10], [sflag:$0x2] =	stream.linear.gather [hbm4b:s0+s12], $0x50, $0x38;
	[tilespmem:$0x1A800] =	vst v63  }
0x7c: {  	s28 =	sadd.s32 s6, s28;
	_ =	swait.ge @!p0 [sflag:s29], $0x2800  }
0x7d: {  	s28 =	sshrl.u32 s28, $0x3;
	[sflag:s29] =	ssyncset.done @!p0 $0x0  }
0x7e: {  	[sflag:s29] =	ssyncadd.s32 @!p0 $0xFFFFD800;
	s29 =	sadd.s32 s5, s28  }
0x7f: {  	[tilespmem:s11], [sflag:$0x3] =	stream.linear.gather [hbm4b:s29+s3], $0x50, $0x38;
	[tilespmem:$0x1A800] =	vst v63  }
0x80: {  	s28 =	sadd.s32 s7, s28  }
0x81: {  	[tilespmem:s13], [sflag:$0x3] =	stream.linear.gather [hbm4b:s28+s3], $0x50, $0x38;
	[tilespmem:$0x1A800] =	vst v63  }
0x82: {  	_ =	swait.ge [sflag:s14], $0x50  }
0x83: {  	[sflag:s14] =	ssyncset.done $0x0  }
0x84: {  	[sflag:s14] =	ssyncadd.s32 $0xFFFFFFB0  }
0x85: {  	_ =	swait.ge [sflag:s14], $0x50  }
0x86: {  	[sflag:s14] =	ssyncset.done $0x0  }
0x87: {  	[sflag:s14] =	ssyncadd.s32 $0xFFFFFFB0  }
0x88: {  	[tilespmem:s16], [sflag:$0x5] =	stream.indirect.gather [hbm4b:s4+s15], $0x80, s2, s15, $0xb8;
	[tilespmem:$0x1A800] =	vst v63  }
0x89: {  	_ =	swait.ge [sflag:s17], $0x2800  }
0x8a: {  	s28 =	simm.s32 @!p0 $0xF0;
	[sflag:s17] =	ssyncset.done $0x0  }
0x8b: {  	s29 =	simm.s32 @!p0 $0x8;
	s28 =	simm.s32 @p0 $0xF0;
	[sflag:s17] =	ssyncadd.s32 $0xFFFFD800  }
0x8c: {  	[spmem:s1] =	stream.indirect.scatter.add.f32 [tilespmem:s16], [sflag:$0x7], $0x80, s8, s15, $0xb8;
	[tilespmem:$0x1A800] =	vst v63  }
0x8d: {  	s28 =	sadd.s32 s6, s28;
	_ =	swait.ge @!p0 [sflag:s29], $0x2800  }
0x8e: {  	s28 =	sshrl.u32 s28, $0x3;
	[sflag:s29] =	ssyncset.done @!p0 $0x0  }
0x8f: {  	[sflag:s29] =	ssyncadd.s32 @!p0 $0xFFFFD800;
	s29 =	sadd.s32 s5, s28  }
0x90: {  	[tilespmem:s18], [sflag:$0x4] =	stream.linear.gather [hbm4b:s29+s3], $0x50, $0x38;
	[tilespmem:$0x1A800] =	vst v63  }
0x91: {  	s28 =	sadd.s32 s7, s28  }
0x92: {  	[tilespmem:s19], [sflag:$0x4] =	stream.linear.gather [hbm4b:s28+s3], $0x50, $0x38;
	[tilespmem:$0x1A800] =	vst v63  }
0x93: {  	_ =	swait.ge [sflag:s20], $0x50  }
0x94: {  	[sflag:s20] =	ssyncset.done $0x0  }
0x95: {  	[sflag:s20] =	ssyncadd.s32 $0xFFFFFFB0  }
0x96: {  	_ =	swait.ge [sflag:s20], $0x50  }
0x97: {  	[sflag:s20] =	ssyncset.done $0x0  }
0x98: {  	[sflag:s20] =	ssyncadd.s32 $0xFFFFFFB0  }
0x99: {  	[tilespmem:s21], [sflag:$0x6] =	stream.indirect.gather [hbm4b:s4+s15], $0x80, s9, s15, $0xb8;
	[tilespmem:$0x1A800] =	vst v63  }
0x9a: {  	_ =	swait.ge [sflag:s22], $0x2800  }
0x9b: {  	[sflag:s22] =	ssyncset.done $0x0  }
0x9c: {  	[sflag:s22] =	ssyncadd.s32 $0xFFFFD800  }
0x9d: {  	[spmem:s1] =	stream.indirect.scatter.add.f32 [tilespmem:s21], [sflag:$0x8], $0x80, s10, s15, $0xb8;
	[tilespmem:$0x1A800] =	vst v63  }
0x9e: {  	_ =	swait.ge [sflag:s23], $0x2800  }
0x9f: {  	s12 =	simm.s32 @p0 $0x0;
	s28 =	rddreg [dreg:$0x3]  }
0xa0: {  	s28 =	sadd.s32 s12, s28  }
0xa1: {  	[sflag:s23] =	ssyncset.done $0x0;
	s28 =	sshrl.u32 s28, $0x3  }
0xa2: {  	[sflag:s23] =	ssyncadd.s32 $0xFFFFD800;
	s29 =	sadd.s32 s5, s28  }
0xa3: {  	[tilespmem:s2], [sflag:$0x1] =	stream.linear.gather [hbm4b:s29+s3], $0x50, $0x38;
	[tilespmem:$0x1A800] =	vst v63  }
0xa4: {  	s28 =	sadd.s32 s7, s28  }
0xa5: {  	[tilespmem:s8], [sflag:$0x1] =	stream.linear.gather [hbm4b:s28+s3], $0x50, $0x38;
	[tilespmem:$0x1A800] =	vst v63  }
0xa6: {  	_ =	swait.ge [sflag:s24], $0x50  }
0xa7: {  	[sflag:s24] =	ssyncset.done $0x0  }
0xa8: {  	[sflag:s24] =	ssyncadd.s32 $0xFFFFFFB0  }
0xa9: {  	_ =	swait.ge [sflag:s24], $0x50  }
0xaa: {  	[sflag:s24] =	ssyncset.done $0x0  }
0xab: {  	[sflag:s24] =	ssyncadd.s32 $0xFFFFFFB0  }
0xac: {  	[tilespmem:s16], [sflag:$0x5] =	stream.indirect.gather [hbm4b:s4+s15], $0x80, s11, s15, $0xb8;
	[tilespmem:$0x1A800] =	vst v63  }
0xad: {  	_ =	swait.ge [sflag:s17], $0x2800  }
0xae: {  	[sflag:s17] =	ssyncset.done $0x0  }
0xaf: {  	[sflag:s17] =	ssyncadd.s32 $0xFFFFD800  }
0xb0: {  	[spmem:s1] =	stream.indirect.scatter.add.f32 [tilespmem:s16], [sflag:$0x7], $0x80, s13, s15, $0xb8;
	[tilespmem:$0x1A800] =	vst v63  }
0xb1: {  	_ =	swait.ge [sflag:s25], $0x2800  }
0xb2: {  	p0 =	por $0x0, $0x0;
	s28 =	rddreg [dreg:$0x4]  }
0xb3: {  	s12 =	sadd.s32 @!p0 s12, s28  }
0xb4: {  	s30 =	simm.s32 @!p0 $0x0;
	[sflag:s25] =	ssyncset.done $0x0;
	s12 =	sshrl.u32 @!p0 s12, $0x3  }
0xb5: {  	s28 =	simm.s32 @!p0 $0x15480;
	[sflag:s25] =	ssyncadd.s32 $0xFFFFD800;
	s29 =	sadd.s32 @!p0 s5, s12  }
0xb6: {  	[tilespmem:s28], [sflag:$0x2] =	stream.linear.gather @!p0 [hbm4b:s29+s30], $0x50, $0x38;
	[tilespmem:$0x1A800] =	vst v63  }
0xb7: {  	s12 =	sadd.s32 @!p0 s7, s12;
	s28 =	simm.s32 @!p0 $0x15680  }
0xb8: {  	[tilespmem:s28], [sflag:$0x2] =	stream.linear.gather @!p0 [hbm4b:s12+s30], $0x50, $0x38;
	[tilespmem:$0x1A800] =	vst v63  }
0xb9: {  	_ =	swait.ge [sflag:s26], $0x50  }
0xba: {  	[sflag:s26] =	ssyncset.done $0x0  }
0xbb: {  	[sflag:s26] =	ssyncadd.s32 $0xFFFFFFB0  }
0xbc: {  	p1 =	por $0x0, $0x0;
	_ =	swait.ge [sflag:s26], $0x50  }
0xbd: {  	s31 =	simm.s32 @!p1 $0x1E0;
	s29 =	simm.s32 $0x140;
	[sflag:s26] =	ssyncset.done $0x0  }
0xbe: {  	s30 =	simm.s32 $0x280;
	s28 =	simm.s32 @!p1 $0x230;
	[sflag:s26] =	ssyncadd.s32 $0xFFFFFFB0  }
.LBB2_4:
0xbf: {  	[tilespmem:s21], [sflag:$0x6] =	stream.indirect.gather [hbm4b:s4+s15], $0x80, s18, s15, $0xb8;
	[tilespmem:$0x1A800] =	vst v63  }
0xc0: {  	_ =	swait.ge [sflag:s22], $0x2800  }
0xc1: {  	[sflag:s22] =	ssyncset.done $0x0  }
0xc2: {  	s31 =	simm.s32 @p1 $0xA0;
	s0 =	simm.s32 @!p1 $0x7;
	[sflag:s22] =	ssyncadd.s32 $0xFFFFD800  }
0xc3: {  	[spmem:s1] =	stream.indirect.scatter.add.f32 [tilespmem:s21], [sflag:$0x8], $0x80, s19, s15, $0xb8;
	[tilespmem:$0x1A800] =	vst v63  }
0xc4: {  	s31 =	sadd.s32 s6, s31;
	_ =	swait.ge @!p1 [sflag:s0], $0x2800  }
0xc5: {  	s31 =	sshrl.u32 s31, $0x3;
	[sflag:s0] =	ssyncset.done @!p1 $0x0  }
0xc6: {  	[sflag:s0] =	ssyncadd.s32 @!p1 $0xFFFFD800;
	s0 =	sadd.s32 s5, s31  }
0xc7: {  	[tilespmem:s11], [sflag:$0x3] =	stream.linear.gather [hbm4b:s0+s3], $0x50, $0x38;
	[tilespmem:$0x1A800] =	vst v63  }
0xc8: {  	s0 =	sadd.s32 s7, s31  }
0xc9: {  	[tilespmem:s13], [sflag:$0x3] =	stream.linear.gather [hbm4b:s0+s3], $0x50, $0x38;
	[tilespmem:$0x1A800] =	vst v63  }
0xca: {  	_ =	swait.ge [sflag:s14], $0x50  }
0xcb: {  	[sflag:s14] =	ssyncset.done $0x0  }
0xcc: {  	[sflag:s14] =	ssyncadd.s32 $0xFFFFFFB0  }
0xcd: {  	_ =	swait.ge [sflag:s14], $0x50  }
0xce: {  	[sflag:s14] =	ssyncset.done $0x0  }
0xcf: {  	[sflag:s14] =	ssyncadd.s32 $0xFFFFFFB0  }
0xd0: {  	[tilespmem:s16], [sflag:$0x5] =	stream.indirect.gather [hbm4b:s4+s15], $0x80, s2, s15, $0xb8;
	[tilespmem:$0x1A800] =	vst v63  }
0xd1: {  	_ =	swait.ge [sflag:s17], $0x2800  }
0xd2: {  	[sflag:s17] =	ssyncset.done $0x0  }
0xd3: {  	s28 =	simm.s32 @p1 $0xF0;
	s0 =	simm.s32 @!p1 $0x8;
	[sflag:s17] =	ssyncadd.s32 $0xFFFFD800  }
0xd4: {  	[spmem:s1] =	stream.indirect.scatter.add.f32 [tilespmem:s16], [sflag:$0x7], $0x80, s8, s15, $0xb8;
	[tilespmem:$0x1A800] =	vst v63  }
0xd5: {  	s28 =	sadd.s32 s6, s28;
	_ =	swait.ge @!p1 [sflag:s0], $0x2800  }
0xd6: {  	s28 =	sshrl.u32 s28, $0x3;
	[sflag:s0] =	ssyncset.done @!p1 $0x0  }
0xd7: {  	[sflag:s0] =	ssyncadd.s32 @!p1 $0xFFFFD800;
	s0 =	sadd.s32 s5, s28  }
0xd8: {  	[tilespmem:s18], [sflag:$0x4] =	stream.linear.gather [hbm4b:s0+s3], $0x50, $0x38;
	[tilespmem:$0x1A800] =	vst v63  }
0xd9: {  	s0 =	sadd.s32 s7, s28  }
0xda: {  	[tilespmem:s19], [sflag:$0x4] =	stream.linear.gather [hbm4b:s0+s3], $0x50, $0x38;
	[tilespmem:$0x1A800] =	vst v63  }
0xdb: {  	_ =	swait.ge [sflag:s20], $0x50  }
0xdc: {  	[sflag:s20] =	ssyncset.done $0x0  }
0xdd: {  	[sflag:s20] =	ssyncadd.s32 $0xFFFFFFB0  }
0xde: {  	_ =	swait.ge [sflag:s20], $0x50  }
0xdf: {  	[sflag:s20] =	ssyncset.done $0x0  }
0xe0: {  	[sflag:s20] =	ssyncadd.s32 $0xFFFFFFB0  }
0xe1: {  	[tilespmem:s21], [sflag:$0x6] =	stream.indirect.gather [hbm4b:s4+s15], $0x80, s9, s15, $0xb8;
	[tilespmem:$0x1A800] =	vst v63  }
0xe2: {  	_ =	swait.ge [sflag:s22], $0x2800  }
0xe3: {  	[sflag:s22] =	ssyncset.done $0x0  }
0xe4: {  	[sflag:s22] =	ssyncadd.s32 $0xFFFFD800  }
0xe5: {  	[spmem:s1] =	stream.indirect.scatter.add.f32 [tilespmem:s21], [sflag:$0x8], $0x80, s10, s15, $0xb8;
	[tilespmem:$0x1A800] =	vst v63  }
0xe6: {  	s28 =	smov.u32 s29;
	_ =	swait.ge [sflag:s23], $0x2800  }
0xe7: {  	s28 =	simm.s32 @p1 $0x0;
	s0 =	rddreg [dreg:$0x3]  }
0xe8: {  	s0 =	sadd.s32 s28, s0  }
0xe9: {  	[sflag:s23] =	ssyncset.done $0x0;
	s0 =	sshrl.u32 s0, $0x3  }
0xea: {  	[sflag:s23] =	ssyncadd.s32 $0xFFFFD800;
	s31 =	sadd.s32 s5, s0  }
0xeb: {  	[tilespmem:s2], [sflag:$0x1] =	stream.linear.gather [hbm4b:s31+s3], $0x50, $0x38;
	[tilespmem:$0x1A800] =	vst v63  }
0xec: {  	s0 =	sadd.s32 s7, s0  }
0xed: {  	[tilespmem:s8], [sflag:$0x1] =	stream.linear.gather [hbm4b:s0+s3], $0x50, $0x38;
	[tilespmem:$0x1A800] =	vst v63  }
0xee: {  	_ =	swait.ge [sflag:s24], $0x50  }
0xef: {  	[sflag:s24] =	ssyncset.done $0x0  }
0xf0: {  	[sflag:s24] =	ssyncadd.s32 $0xFFFFFFB0  }
0xf1: {  	_ =	swait.ge [sflag:s24], $0x50  }
0xf2: {  	[sflag:s24] =	ssyncset.done $0x0  }
0xf3: {  	[sflag:s24] =	ssyncadd.s32 $0xFFFFFFB0  }
0xf4: {  	[tilespmem:s16], [sflag:$0x5] =	stream.indirect.gather [hbm4b:s4+s15], $0x80, s11, s15, $0xb8;
	[tilespmem:$0x1A800] =	vst v63  }
0xf5: {  	_ =	swait.ge [sflag:s17], $0x2800  }
0xf6: {  	[sflag:s17] =	ssyncset.done $0x0  }
0xf7: {  	[sflag:s17] =	ssyncadd.s32 $0xFFFFD800  }
0xf8: {  	[spmem:s1] =	stream.indirect.scatter.add.f32 [tilespmem:s16], [sflag:$0x7], $0x80, s13, s15, $0xb8;
	[tilespmem:$0x1A800] =	vst v63  }
0xf9: {  	_ =	swait.ge [sflag:s25], $0x2800  }
0xfa: {  	s12 =	smov.u32 s30;
	p1 =	seq.s32 s29, $0x2580;
	s0 =	rddreg [dreg:$0x4]  }
0xfb: {  	s29 =	smov.u32 s12;
	s0 =	sadd.s32 @!p1 s28, s0  }
0xfc: {  	s12 =	simm.s32 @!p1 $0x15480;
	[sflag:s25] =	ssyncset.done $0x0;
	s0 =	sshrl.u32 @!p1 s0, $0x3  }
0xfd: {  	s31 =	simm.s32 @!p1 $0x0;
	[sflag:s25] =	ssyncadd.s32 $0xFFFFD800;
	s28 =	sadd.s32 @!p1 s5, s0  }
0xfe: {  	[tilespmem:s12], [sflag:$0x2] =	stream.linear.gather @!p1 [hbm4b:s28+s31], $0x50, $0x38;
	[tilespmem:$0x1A800] =	vst v63  }
0xff: {  	s30 =	sadd.s32 $0x140, s30;
	s0 =	sadd.s32 @!p1 s7, s0;
	s12 =	simm.s32 @!p1 $0x15680  }
0x100: {  	[tilespmem:s12], [sflag:$0x2] =	stream.linear.gather @!p1 [hbm4b:s0+s31], $0x50, $0x38;
	[tilespmem:$0x1A800] =	vst v63  }
0x101: {  	p0 =	sne.s32 s30, $0x26C0;
	_ =	swait.ge [sflag:s26], $0x50  }
.Ltmp1:
0x102: {  	[sflag:s26] =	ssyncset.done $0x0;
	(pc) =	sbr.rel @p0 .LBB2_4-.Ltmp1, $4  }
0x103: {  	[sflag:s26] =	ssyncadd.s32 $0xFFFFFFB0  }
0x104: {  	_ =	swait.ge [sflag:s26], $0x50  }
0x105: {  	p1 =	seq.s32 s29, $0x0;
	[sflag:s26] =	ssyncset.done $0x0  }
0x106: {  	s31 =	sadd.s32 @!p1 $0xA0, s29;
	s28 =	sadd.s32 @!p1 $0xF0, s29;
	[sflag:s26] =	ssyncadd.s32 $0xFFFFFFB0  }
0x107: {  	[tilespmem:s21], [sflag:$0x6] =	stream.indirect.gather [hbm4b:s4+s15], $0x80, s18, s15, $0xb8;
	[tilespmem:$0x1A800] =	vst v63  }
0x108: {  	_ =	swait.ge [sflag:s22], $0x2800  }
0x109: {  	[sflag:s22] =	ssyncset.done $0x0  }
0x10a: {  	s31 =	simm.s32 @p1 $0xA0;
	s0 =	simm.s32 @!p1 $0x7;
	[sflag:s22] =	ssyncadd.s32 $0xFFFFD800  }
0x10b: {  	[spmem:s1] =	stream.indirect.scatter.add.f32 [tilespmem:s21], [sflag:$0x8], $0x80, s19, s15, $0xb8;
	[tilespmem:$0x1A800] =	vst v63  }
0x10c: {  	s12 =	sadd.s32 s6, s31;
	_ =	swait.ge @!p1 [sflag:s0], $0x2800  }
0x10d: {  	s12 =	sshrl.u32 s12, $0x3;
	[sflag:s0] =	ssyncset.done @!p1 $0x0  }
0x10e: {  	s31 =	sadd.s32 s5, s12;
	[sflag:s0] =	ssyncadd.s32 @!p1 $0xFFFFD800  }
0x10f: {  	[tilespmem:s11], [sflag:$0x3] =	stream.linear.gather [hbm4b:s31+s3], $0x50, $0x38;
	[tilespmem:$0x1A800] =	vst v63  }
0x110: {  	s12 =	sadd.s32 s7, s12  }
0x111: {  	[tilespmem:s13], [sflag:$0x3] =	stream.linear.gather [hbm4b:s12+s3], $0x50, $0x38;
	[tilespmem:$0x1A800] =	vst v63  }
0x112: {  	_ =	swait.ge [sflag:s14], $0x50  }
0x113: {  	[sflag:s14] =	ssyncset.done $0x0  }
0x114: {  	[sflag:s14] =	ssyncadd.s32 $0xFFFFFFB0  }
0x115: {  	_ =	swait.ge [sflag:s14], $0x50  }
0x116: {  	[sflag:s14] =	ssyncset.done $0x0  }
0x117: {  	[sflag:s14] =	ssyncadd.s32 $0xFFFFFFB0  }
0x118: {  	[tilespmem:s16], [sflag:$0x5] =	stream.indirect.gather [hbm4b:s4+s15], $0x80, s2, s15, $0xb8;
	[tilespmem:$0x1A800] =	vst v63  }
0x119: {  	_ =	swait.ge [sflag:s17], $0x2800  }
0x11a: {  	[sflag:s17] =	ssyncset.done $0x0  }
0x11b: {  	s28 =	simm.s32 @p1 $0xF0;
	s0 =	simm.s32 @!p1 $0x8;
	[sflag:s17] =	ssyncadd.s32 $0xFFFFD800  }
0x11c: {  	[spmem:s1] =	stream.indirect.scatter.add.f32 [tilespmem:s16], [sflag:$0x7], $0x80, s8, s15, $0xb8;
	[tilespmem:$0x1A800] =	vst v63  }
0x11d: {  	s28 =	sadd.s32 s6, s28;
	_ =	swait.ge @!p1 [sflag:s0], $0x2800  }
0x11e: {  	s12 =	sshrl.u32 s28, $0x3;
	[sflag:s0] =	ssyncset.done @!p1 $0x0  }
0x11f: {  	s31 =	sadd.s32 s5, s12;
	[sflag:s0] =	ssyncadd.s32 @!p1 $0xFFFFD800  }
0x120: {  	[tilespmem:s18], [sflag:$0x4] =	stream.linear.gather [hbm4b:s31+s3], $0x50, $0x38;
	[tilespmem:$0x1A800] =	vst v63  }
0x121: {  	s12 =	sadd.s32 s7, s12  }
0x122: {  	[tilespmem:s19], [sflag:$0x4] =	stream.linear.gather [hbm4b:s12+s3], $0x50, $0x38;
	[tilespmem:$0x1A800] =	vst v63  }
0x123: {  	_ =	swait.ge [sflag:s20], $0x50  }
0x124: {  	[sflag:s20] =	ssyncset.done $0x0  }
0x125: {  	[sflag:s20] =	ssyncadd.s32 $0xFFFFFFB0  }
0x126: {  	_ =	swait.ge [sflag:s20], $0x50  }
0x127: {  	[sflag:s20] =	ssyncset.done $0x0  }
0x128: {  	[sflag:s20] =	ssyncadd.s32 $0xFFFFFFB0  }
0x129: {  	[tilespmem:s21], [sflag:$0x6] =	stream.indirect.gather [hbm4b:s4+s15], $0x80, s9, s15, $0xb8;
	[tilespmem:$0x1A800] =	vst v63  }
0x12a: {  	_ =	swait.ge [sflag:s22], $0x2800  }
0x12b: {  	[sflag:s22] =	ssyncset.done $0x0  }
0x12c: {  	[sflag:s22] =	ssyncadd.s32 $0xFFFFD800  }
0x12d: {  	[spmem:s1] =	stream.indirect.scatter.add.f32 [tilespmem:s21], [sflag:$0x8], $0x80, s10, s15, $0xb8;
	[tilespmem:$0x1A800] =	vst v63  }
0x12e: {  	s12 =	smov.u32 s29;
	_ =	swait.ge [sflag:s23], $0x2800  }
0x12f: {  	s12 =	simm.s32 @p1 $0x0;
	s28 =	rddreg [dreg:$0x3]  }
0x130: {  	s0 =	sadd.s32 s12, s28  }
0x131: {  	[sflag:s23] =	ssyncset.done $0x0;
	s0 =	sshrl.u32 s0, $0x3  }
0x132: {  	[sflag:s23] =	ssyncadd.s32 $0xFFFFD800;
	s31 =	sadd.s32 s5, s0  }
0x133: {  	[tilespmem:s2], [sflag:$0x1] =	stream.linear.gather [hbm4b:s31+s3], $0x50, $0x38;
	[tilespmem:$0x1A800] =	vst v63  }
0x134: {  	s0 =	sadd.s32 s7, s0  }
0x135: {  	[tilespmem:s8], [sflag:$0x1] =	stream.linear.gather [hbm4b:s0+s3], $0x50, $0x38;
	[tilespmem:$0x1A800] =	vst v63  }
0x136: {  	_ =	swait.ge [sflag:s24], $0x50  }
0x137: {  	[sflag:s24] =	ssyncset.done $0x0  }
0x138: {  	[sflag:s24] =	ssyncadd.s32 $0xFFFFFFB0  }
0x139: {  	_ =	swait.ge [sflag:s24], $0x50  }
0x13a: {  	[sflag:s24] =	ssyncset.done $0x0  }
0x13b: {  	[sflag:s24] =	ssyncadd.s32 $0xFFFFFFB0  }
0x13c: {  	[tilespmem:s16], [sflag:$0x5] =	stream.indirect.gather [hbm4b:s4+s15], $0x80, s11, s15, $0xb8;
	[tilespmem:$0x1A800] =	vst v63  }
0x13d: {  	_ =	swait.ge [sflag:s17], $0x2800  }
0x13e: {  	[sflag:s17] =	ssyncset.done $0x0  }
0x13f: {  	[sflag:s17] =	ssyncadd.s32 $0xFFFFD800  }
0x140: {  	[spmem:s1] =	stream.indirect.scatter.add.f32 [tilespmem:s16], [sflag:$0x7], $0x80, s13, s15, $0xb8;
	[tilespmem:$0x1A800] =	vst v63  }
0x141: {  	_ =	swait.ge [sflag:s25], $0x2800  }
0x142: {  	p0 =	seq.s32 s29, $0x2580;
	s0 =	rddreg [dreg:$0x4]  }
0x143: {  	s0 =	sadd.s32 @!p0 s12, s0  }
0x144: {  	s29 =	simm.s32 @!p0 $0x0;
	[sflag:s25] =	ssyncset.done $0x0;
	s0 =	sshrl.u32 @!p0 s0, $0x3  }
0x145: {  	s12 =	simm.s32 @!p0 $0x15480;
	[sflag:s25] =	ssyncadd.s32 $0xFFFFD800;
	s28 =	sadd.s32 @!p0 s5, s0  }
0x146: {  	[tilespmem:s12], [sflag:$0x2] =	stream.linear.gather @!p0 [hbm4b:s28+s29], $0x50, $0x38;
	[tilespmem:$0x1A800] =	vst v63  }
0x147: {  	s0 =	sadd.s32 @!p0 s7, s0;
	s12 =	simm.s32 @!p0 $0x15680  }
0x148: {  	[tilespmem:s12], [sflag:$0x2] =	stream.linear.gather @!p0 [hbm4b:s0+s29], $0x50, $0x38;
	[tilespmem:$0x1A800] =	vst v63  }
0x149: {  	_ =	swait.ge [sflag:s26], $0x50  }
0x14a: {  	[sflag:s26] =	ssyncset.done $0x0  }
0x14b: {  	[sflag:s26] =	ssyncadd.s32 $0xFFFFFFB0  }
0x14c: {  	_ =	swait.ge [sflag:s26], $0x50  }
0x14d: {  	[sflag:s26] =	ssyncset.done $0x0  }
0x14e: {  	[sflag:s26] =	ssyncadd.s32 $0xFFFFFFB0  }
0x14f: {  	[tilespmem:s21], [sflag:$0x6] =	stream.indirect.gather [hbm4b:s4+s15], $0x80, s18, s15, $0xb8;
	[tilespmem:$0x1A800] =	vst v63  }
0x150: {  	_ =	swait.ge [sflag:s22], $0x2800  }
0x151: {  	[sflag:s22] =	ssyncset.done $0x0  }
0x152: {  	[sflag:s22] =	ssyncadd.s32 $0xFFFFD800  }
0x153: {  	[spmem:s1] =	stream.indirect.scatter.add.f32 [tilespmem:s21], [sflag:$0x8], $0x80, s19, s15, $0xb8;
	[tilespmem:$0x1A800] =	vst v63  }
0x154: {  	_ =	swait.ge [sflag:s23], $0x2800  }
0x155: {  	[sflag:s23] =	ssyncset.done $0x0  }
0x156: {  	[sflag:s23] =	ssyncadd.s32 $0xFFFFD800  }
0x157: {  	_ =	swait.ge [sflag:s14], $0x50  }
0x158: {  	[sflag:s14] =	ssyncset.done $0x0  }
0x159: {  	[sflag:s14] =	ssyncadd.s32 $0xFFFFFFB0  }
0x15a: {  	_ =	swait.ge [sflag:s14], $0x50  }
0x15b: {  	[sflag:s14] =	ssyncset.done $0x0  }
0x15c: {  	[sflag:s14] =	ssyncadd.s32 $0xFFFFFFB0  }
0x15d: {  	[tilespmem:s16], [sflag:$0x5] =	stream.indirect.gather [hbm4b:s4+s15], $0x80, s2, s15, $0xb8;
	[tilespmem:$0x1A800] =	vst v63  }
0x15e: {  	_ =	swait.ge [sflag:s17], $0x2800  }
0x15f: {  	[sflag:s17] =	ssyncset.done $0x0  }
0x160: {  	[sflag:s17] =	ssyncadd.s32 $0xFFFFD800  }
0x161: {  	[spmem:s1] =	stream.indirect.scatter.add.f32 [tilespmem:s16], [sflag:$0x7], $0x80, s8, s15, $0xb8;
	[tilespmem:$0x1A800] =	vst v63  }
0x162: {  	_ =	swait.ge [sflag:s25], $0x2800  }
0x163: {  	[sflag:s25] =	ssyncset.done $0x0  }
0x164: {  	[sflag:s25] =	ssyncadd.s32 $0xFFFFD800  }
0x165: {  	_ =	swait.ge [sflag:s23], $0x2800  }
0x166: {  	[sflag:s23] =	ssyncset.done $0x0  }
0x167: {  	[sflag:s23] =	ssyncadd.s32 $0xFFFFD800  }
0x168: {  	s28 =	stileid.u32;
	[bflag:$0x0] =	sbarrier.arrive $0xFFFF  }
0x169: {  	s30 =	simm.s32 $0x9;
	s0 =	sshll.u32 s28, $0x6;
	s29 =	rddreg [dreg:$0x9]  }
0x16a: {  	s0 =	sor.u32 $0x1C09, s0;
	s31 =	rddreg [dreg:$0xa];
	s12 =	sshrl.u32 s29, $0x3  }
0x16b: {  	[hbm:s31], [sflag:s0] =	dma.local [spmem:s12], $0x2800  }
0x16c: {  	_ =	swait.ge [sflag:s30], $0x2800  }
0x16d: {  	s28 =	rddreg [dreg:$0x1b]  }
0x16e: {  	s31 =	rddreg [dreg:$0xb];
	s12 =	sadd.s32 $0x1, s28  }
0x16f: {  	p0 =	sne.s32 s12, s31  }
.Ltmp2:
0x170: {  	_ = 	snop;
	(pc) =	sbr.rel @p0 .LBB2_1-.Ltmp2, $3  }
0x171: {  	_ =	sdelay $0x1  }
0x172: {  	[sflag:s30] =	ssyncset.done $0x0  }
0x173: {  	[sflag:s30] =	ssyncadd.s32 $0xFFFFD800  }
0x174: {  	_ =	sfence.sel $0x180000  }
0x175: {  	[bflag:$0x0] =	sbarrier.arrive $0xFFFF  }
0x176: {  	_ =	strace $0x90000053  }
0x177: {  	s0 =	stileid.u32;
	[bflag:$0x2] =	sbarrier.arrive $0xFFFF  }
0x178: {  	p0 =	sne.s32 s0, $0x0;
	s0 =	rddreg [dreg:$0x2]  }
0x179: {  	s0 =	sadd.s32 @!p0 $0x100000, s0  }
0x17a: {  	[sflag:s0] =	ssyncadd.tile.s32 @!p0 $0x1;
	_ =	shalt  }
.Lfunc_end2:
_tile_overlayer_lowered:
.L_overlay_start_2:
0x17b: {  	(tag) =	ssettag $0x2  }
0x17c: {  	s0 =	rddreg [dreg:$0x0];
	s2 =	stileid.u32  }
0x17d: {  	s1 =	rddreg [dreg:$0x1];
	p0 =	sne.s32 s2, $0x0  }
0x17e: {  	s3 =	rddreg [dreg:$0x2];
	[bflag:$0x3] =	sbarrier.arrive $0xFFFF;
	s2 =	simm.s32 @!p0 $0x1C09  }
0x17f: {  	[timem:s3], [sflag:s2] =	dma.local @!p0 [hbm:s0], s1  }
0x180: {  	s0 =	simm.s32 @!p0 $0x9  }
0x181: {  	_ =	swait.ge @!p0 [sflag:s0], s1  }
0x182: {  	s1 =	ssub.s32 @!p0 $0x0, s1;
	[sflag:s0] =	ssyncset.done @!p0 $0x0  }
0x183: {  	[sflag:s0] =	ssyncadd.s32 @!p0 s1  }
0x184: {  	[bflag:$0x3] =	sbarrier.arrive $0xFFFF  }
0x185: {  	_ =	shalt  }

</sc_bundles>
